<compile_context>
chip_gen: v7x
topology: tpu7x:2x2x1
jax: 0.10.2.dev20260603
libtpu: 0.0.44.dev20260713+nightly
codegen_flags: <defaults>
</compile_context>

<pallas_src>
import functools

import jax
import jax.numpy as jnp
from jax import lax
from jax.experimental import pallas as pl
from jax.experimental.pallas import tpu as pltpu
from jax.experimental.pallas import tpu_sc as plsc

N = 10000
E = 320000
D = 128
H = 128
OUT = 128
STEPS = 3

NC = 2
NS = 16
NW = NC * NS
CHUNK = 80
NBUF = 3
NCHP = 126
NGRP = NCHP // NBUF
EP = NW * NCHP * CHUNK
N_PAD = 10240
ROWS_PER_TILE = N_PAD // NS

@functools.cache
def _get_sc_segment_sum():
    mesh = plsc.VectorSubcoreMesh(core_axis_name="c", subcore_axis_name="s",
                                  num_cores=NC, num_subcores=NS)

    @functools.partial(
        pl.kernel,
        out_type=jax.ShapeDtypeStruct((NC, N_PAD, H), jnp.float32),
        mesh=mesh,
        scratch_types=[
            [pltpu.VMEM((2, CHUNK), jnp.int32)] * (2 * NBUF),
            [pltpu.VMEM((CHUNK, H), jnp.float32)] * NBUF,
            pltpu.VMEM_SHARED((N_PAD, H), jnp.float32),
            [pltpu.SemaphoreType.DMA] * (2 * NBUF),
            [pltpu.SemaphoreType.DMA] * NBUF,
            [pltpu.SemaphoreType.DMA] * NBUF,
        ],
    )
    def _sc_segment_sum(m_hbm, edges_hbm, out_hbm,
                        edges_v, rows, acc_sh, isem, gsem, ssem):
        cid = lax.axis_index("c")
        sid = lax.axis_index("s")
        wid = sid * NC + cid

        zvec = jnp.zeros((16,), jnp.float32)

        def zbody(r, carry):
            for c8 in range(H // 16):
                rows[0][r, pl.ds(c8 * 16, 16)] = zvec
            return carry

        lax.fori_loop(0, CHUNK, zbody, 0)
        base_row = sid * ROWS_PER_TILE
        for k in range(ROWS_PER_TILE // CHUNK):
            pltpu.sync_copy(rows[0],
                            acc_sh.at[pl.ds(base_row + k * CHUNK, CHUNK)])
        plsc.subcore_barrier()

        def fetch_idx(j, islot):
            pltpu.async_copy(edges_hbm.at[wid, j], edges_v[islot],
                             isem[islot])

        def wait_idx(j, islot):
            pltpu.make_async_copy(edges_hbm.at[wid, j], edges_v[islot],
                                  isem[islot]).wait()

        def fire_gather(islot, b):
            pltpu.async_copy(m_hbm.at[edges_v[islot].at[0]], rows[b],
                             gsem[b])

        def wait_gather(islot, b):
            pltpu.make_async_copy(m_hbm.at[edges_v[islot].at[0]], rows[b],
                                  gsem[b]).wait()

        def fire_scatter(islot, b):
            pltpu.async_copy(rows[b], acc_sh.at[edges_v[islot].at[1]],
                             ssem[b], add=True)

        def wait_scatter(islot, b):
            pltpu.make_async_copy(rows[b], acc_sh.at[edges_v[islot].at[1]],
                                  ssem[b]).wait()

        for s in range(2 * NBUF):
            fetch_idx(s, s)
        for b in range(NBUF):
            wait_idx(b, b)
            fire_gather(b, b)

        def body(ii, carry):
            for p in range(2):
                g = 2 * ii + p
                for b in range(NBUF):
                    islot = p * NBUF + b
                    wait_gather(islot, b)
                    fire_scatter(islot, b)
                for b in range(NBUF):
                    islot = p * NBUF + b
                    inext = (1 - p) * NBUF + b
                    wait_scatter(islot, b)
                    fetch_idx((g + 2) * NBUF + b, islot)
                    wait_idx((g + 1) * NBUF + b, inext)
                    fire_gather(inext, b)
            return carry

        lax.fori_loop(0, (NGRP - 2) // 2, body, 0)

        for b in range(NBUF):
            wait_gather(b, b)
            fire_scatter(b, b)
        for b in range(NBUF):
            wait_scatter(b, b)
            wait_idx((NGRP - 1) * NBUF + b, NBUF + b)
            fire_gather(NBUF + b, b)
        for b in range(NBUF):
            wait_gather(NBUF + b, b)
            fire_scatter(NBUF + b, b)
        for b in range(NBUF):
            wait_scatter(NBUF + b, b)

        plsc.subcore_barrier()
        band = pl.ds(sid * ROWS_PER_TILE, ROWS_PER_TILE)
        pltpu.sync_copy(acc_sh.at[band], out_hbm.at[cid, band])

    return _sc_segment_sum


R = 2000
GRID = N // R


def _init_body(x_ref, wpT, bp, wmT, bm, h_ref, m_ref):
    h = jnp.maximum(
        jnp.dot(x_ref[:], wpT[:], preferred_element_type=jnp.float32) + bp[:],
        0.0)
    h_ref[:] = h
    m_ref[:] = jnp.dot(h, wmT[:], preferred_element_type=jnp.float32) + bm[:]


_init_call = pl.pallas_call(
    _init_body,
    grid=(GRID,),
    in_specs=[
        pl.BlockSpec((R, D), lambda i: (i, 0)),
        pl.BlockSpec((D, H), lambda i: (0, 0)),
        pl.BlockSpec((1, H), lambda i: (0, 0)),
        pl.BlockSpec((H, H), lambda i: (0, 0)),
        pl.BlockSpec((1, H), lambda i: (0, 0)),
    ],
    out_specs=[
        pl.BlockSpec((R, H), lambda i: (i, 0)),
        pl.BlockSpec((R, H), lambda i: (i, 0)),
    ],
    out_shape=[
        jax.ShapeDtypeStruct((N, H), jnp.float32),
        jax.ShapeDtypeStruct((N, H), jnp.float32),
    ],
)


def _gru(parts, h, gi_w, gh_w, bih, bhh):
    a = parts[0] + parts[1]
    gi = jnp.dot(a, gi_w, preferred_element_type=jnp.float32) + bih
    gh = jnp.dot(h, gh_w, preferred_element_type=jnp.float32) + bhh
    r = jax.nn.sigmoid(gi[:, :H] + gh[:, :H])
    z = jax.nn.sigmoid(gi[:, H:2 * H] + gh[:, H:2 * H])
    n = jnp.tanh(gi[:, 2 * H:] + r * gh[:, 2 * H:])
    return (1.0 - z) * n + z * h


def _step_body(parts_ref, h_ref, wihT, whhT, bih, bhh, wmT, bm, hout, mout):
    hn = _gru(parts_ref[:], h_ref[:], wihT[:], whhT[:], bih[:], bhh[:])
    hout[:] = hn
    mout[:] = jnp.dot(hn, wmT[:], preferred_element_type=jnp.float32) + bm[:]


def _last_body(parts_ref, h_ref, wihT, whhT, bih, bhh, woT, bo, out_ref):
    hn = _gru(parts_ref[:], h_ref[:], wihT[:], whhT[:], bih[:], bhh[:])
    out_ref[:] = jnp.dot(hn, woT[:], preferred_element_type=jnp.float32) + bo[:]


_common_in_specs = [
    pl.BlockSpec((NC, R, H), lambda i: (0, i, 0)),
    pl.BlockSpec((R, H), lambda i: (i, 0)),
    pl.BlockSpec((H, 3 * H), lambda i: (0, 0)),
    pl.BlockSpec((H, 3 * H), lambda i: (0, 0)),
    pl.BlockSpec((1, 3 * H), lambda i: (0, 0)),
    pl.BlockSpec((1, 3 * H), lambda i: (0, 0)),
    pl.BlockSpec((H, H), lambda i: (0, 0)),
    pl.BlockSpec((1, H), lambda i: (0, 0)),
]

_step_call = pl.pallas_call(
    _step_body,
    grid=(GRID,),
    in_specs=_common_in_specs,
    out_specs=[
        pl.BlockSpec((R, H), lambda i: (i, 0)),
        pl.BlockSpec((R, H), lambda i: (i, 0)),
    ],
    out_shape=[
        jax.ShapeDtypeStruct((N, H), jnp.float32),
        jax.ShapeDtypeStruct((N, H), jnp.float32),
    ],
)

_last_call = pl.pallas_call(
    _last_body,
    grid=(GRID,),
    in_specs=_common_in_specs[:-2] + [
        pl.BlockSpec((H, OUT), lambda i: (0, 0)),
        pl.BlockSpec((1, OUT), lambda i: (0, 0)),
    ],
    out_specs=pl.BlockSpec((R, OUT), lambda i: (i, 0)),
    out_shape=jax.ShapeDtypeStruct((N, OUT), jnp.float32),
)


def kernel(x, edge_index, W_proj, b_proj, W_msg, b_msg, w_ih, w_hh,
           b_ih, b_hh, W_out, b_out):
    pad = EP - E
    src = jnp.concatenate(
        [edge_index[0].astype(jnp.int32), jnp.zeros((pad,), jnp.int32)])
    dst = jnp.concatenate(
        [edge_index[1].astype(jnp.int32), jnp.full((pad,), N, jnp.int32)])
    edges = jnp.stack([src.reshape(NW, NCHP, CHUNK),
                       dst.reshape(NW, NCHP, CHUNK)], axis=2)
    wpT = W_proj.T
    wmT = W_msg.T
    wihT = w_ih.T
    whhT = w_hh.T
    woT = W_out.T
    bp = b_proj.reshape(1, H)
    bm = b_msg.reshape(1, H)
    bih = b_ih.reshape(1, 3 * H)
    bhh = b_hh.reshape(1, 3 * H)
    bo = b_out.reshape(1, OUT)

    sc_segment_sum = _get_sc_segment_sum()
    h, m = _init_call(x, wpT, bp, wmT, bm)
    out = None
    for step in range(STEPS):
        parts = sc_segment_sum(m, edges)
        if step < STEPS - 1:
            h, m = _step_call(parts, h, wihT, whhT, bih, bhh, wmT, bm)
        else:
            out = _last_call(parts, h, wihT, whhT, bih, bhh, woT, bo)
    return out

# --- scband reference (transcript-rebuilt; emitter-appended) ---
"""Pipeline reference for scband-gated-gcn-37675453120558 (READ-ONLY COPY).

The authoritative reference and input builder live on the scoring server;
editing this copy changes nothing except your own understanding.
"""

import jax, jax.numpy as jnp
import numpy as np

N = 10000
E = 320000
D = 128
H = 128
OUT = 128
STEPS = 3


def _uniform(k, shape, scale):
    return jax.random.uniform(k, shape, minval=-scale, maxval=scale, dtype=jnp.float32)


def setup_inputs(seed: int = 0) -> dict:
    key = jax.random.key(seed)
    ks = jax.random.split(key, 14)
    x = jax.random.normal(ks[0], (N, D), dtype=jnp.float32)
    edge_index = jax.random.randint(ks[1], (2, E), 0, N)
    s_proj = 1.0 / np.sqrt(D)
    s_h = 1.0 / np.sqrt(H)
    W_proj = _uniform(ks[2], (H, D), s_proj)
    b_proj = _uniform(ks[3], (H,), s_proj)
    W_msg = _uniform(ks[4], (H, H), s_h)
    b_msg = _uniform(ks[5], (H,), s_h)
    w_ih = _uniform(ks[6], (3 * H, H), s_h)
    w_hh = _uniform(ks[7], (3 * H, H), s_h)
    b_ih = _uniform(ks[8], (3 * H,), s_h)
    b_hh = _uniform(ks[9], (3 * H,), s_h)
    W_out = _uniform(ks[10], (OUT, H), s_h)
    b_out = _uniform(ks[11], (OUT,), s_h)
    return {"x": x, "edge_index": edge_index, "W_proj": W_proj, "b_proj": b_proj,
            "W_msg": W_msg, "b_msg": b_msg, "w_ih": w_ih, "w_hh": w_hh,
            "b_ih": b_ih, "b_hh": b_hh, "W_out": W_out, "b_out": b_out}


def reference(x, edge_index, W_proj, b_proj, W_msg, b_msg, w_ih, w_hh, b_ih, b_hh, W_out, b_out):
    # linear projection + relu (dropout inactive in eval mode)
    h = jax.nn.relu(x @ W_proj.T + b_proj)
    src = edge_index[0]
    dst = edge_index[1]
    # GatedGraphConv with n_etypes=1: per-step edge linear + sum aggregation + GRUCell
    for _ in range(STEPS):
        m = h @ W_msg.T + b_msg          # per-node message transform (single etype)
        msgs = jnp.take(m, src, axis=0)  # gather source messages per edge
        a = jax.ops.segment_sum(msgs, dst, num_segments=N)  # scatter-add to dst
        gi = a @ w_ih.T + b_ih
        gh = h @ w_hh.T + b_hh
        r = jax.nn.sigmoid(gi[:, :H] + gh[:, :H])
        z = jax.nn.sigmoid(gi[:, H:2 * H] + gh[:, H:2 * H])
        n = jnp.tanh(gi[:, 2 * H:] + r * gh[:, 2 * H:])
        h = (1.0 - z) * n + z * h
    out = h @ W_out.T + b_out
    return out

if __name__ == "__main__":
    import jax
    _d = setup_inputs()
    print(jax.jit(kernel)(*tuple(_d.values())))

</pallas_src>

<mosaic_0001>
#map = affine_map<(d0, d1) -> (0, 0)>
#map1 = affine_map<(d0, d1) -> (0, 0, 0, 0)>
#map2 = affine_map<(d0, d1) -> (0, 0, 0)>
module attributes {stable_mosaic.version = 14 : i64} {
  func.func @_sc_segment_sum(%arg0: i32, %arg1: i32, %arg2: memref<10000x128xf32, #tpu.memory_space<hbm>>, %arg3: memref<32x126x2x80xi32, #tpu.memory_space<hbm>>, %arg4: memref<2x10240x128xf32, #tpu.memory_space<hbm>>, %arg5: memref<2x80xi32, #tpu.memory_space<vmem>>, %arg6: memref<2x80xi32, #tpu.memory_space<vmem>>, %arg7: memref<2x80xi32, #tpu.memory_space<vmem>>, %arg8: memref<2x80xi32, #tpu.memory_space<vmem>>, %arg9: memref<2x80xi32, #tpu.memory_space<vmem>>, %arg10: memref<2x80xi32, #tpu.memory_space<vmem>>, %arg11: memref<80x128xf32, #tpu.memory_space<vmem>>, %arg12: memref<80x128xf32, #tpu.memory_space<vmem>>, %arg13: memref<80x128xf32, #tpu.memory_space<vmem>>, %arg14: memref<10240x128xf32, #tpu.memory_space<vmem_shared>>, %arg15: memref<!tpu.dma_semaphore, #tpu.memory_space<semaphore_mem>>, %arg16: memref<!tpu.dma_semaphore, #tpu.memory_space<semaphore_mem>>, %arg17: memref<!tpu.dma_semaphore, #tpu.memory_space<semaphore_mem>>, %arg18: memref<!tpu.dma_semaphore, #tpu.memory_space<semaphore_mem>>, %arg19: memref<!tpu.dma_semaphore, #tpu.memory_space<semaphore_mem>>, %arg20: memref<!tpu.dma_semaphore, #tpu.memory_space<semaphore_mem>>, %arg21: memref<!tpu.dma_semaphore, #tpu.memory_space<semaphore_mem>>, %arg22: memref<!tpu.dma_semaphore, #tpu.memory_space<semaphore_mem>>, %arg23: memref<!tpu.dma_semaphore, #tpu.memory_space<semaphore_mem>>, %arg24: memref<!tpu.dma_semaphore, #tpu.memory_space<semaphore_mem>>, %arg25: memref<!tpu.dma_semaphore, #tpu.memory_space<semaphore_mem>>, %arg26: memref<!tpu.dma_semaphore, #tpu.memory_space<semaphore_mem>>) attributes {dimension_semantics = [#tpu.dimension_semantics<core_parallel>, #tpu.dimension_semantics<subcore_parallel>], iteration_bounds = array<i64: 2, 16>, scalar_prefetch = 0 : i64, scratch_operands = 22 : i64, tpu.core_type = #tpu.core_type<sc_vector_subcore>, window_params = [{transform_indices = #map}, {transform_indices = #map1}, {transform_indices = #map2}]} {
    %mul3A = arith.constant 2 : i32
    %mul3A_0 = arith.muli %arg1, %mul3A : i32
    %add3A = arith.addi %mul3A_0, %arg0 : i32
    %broadcast_in_dim3A = arith.constant 0.000000e+00 : f32
    %broadcast_in_dim3A_1 = vector.broadcast %broadcast_in_dim3A : f32 to vector<16xf32>
    %scan3A = arith.constant 0 : i32
    %scan3A_2 = arith.constant 0 : i32
    %scan3A_3 = arith.constant 80 : i32
    %scan3A_4 = arith.addi %scan3A_2, %scan3A_3 : i32
    %scan3A_5 = arith.constant 1 : i32
    scf.for %scan3A_308 = %scan3A_2 to %scan3A_4 step %scan3A_5  : i32 {
      %swap3A = arith.index_cast %scan3A_308 : i32 to index
      %swap3A_309 = arith.constant 0 : index
      %swap3A_310 = tpu.vector_load %arg11[%swap3A, %swap3A_309] {strides = array<i32>} : memref<80x128xf32, #tpu.memory_space<vmem>>, vector<1x16xf32>,
      %swap3A_311 = vector.shape_cast %swap3A_310 : vector<1x16xf32> to vector<16xf32>
      %swap3A_312 = vector.shape_cast %broadcast_in_dim3A_1 : vector<16xf32> to vector<1x16xf32>
      tpu.vector_store %arg11[%swap3A, %swap3A_309], %swap3A_312 {strides = array<i32>} : memref<80x128xf32, #tpu.memory_space<vmem>>, vector<1x16xf32>,
      %swap3A_313 = arith.index_cast %scan3A_308 : i32 to index
      %swap3A_314 = arith.constant 16 : index
      %swap3A_315 = tpu.vector_load %arg11[%swap3A_313, %swap3A_314] {strides = array<i32>} : memref<80x128xf32, #tpu.memory_space<vmem>>, vector<1x16xf32>,
      %swap3A_316 = vector.shape_cast %swap3A_315 : vector<1x16xf32> to vector<16xf32>
      %swap3A_317 = vector.shape_cast %broadcast_in_dim3A_1 : vector<16xf32> to vector<1x16xf32>
      tpu.vector_store %arg11[%swap3A_313, %swap3A_314], %swap3A_317 {strides = array<i32>} : memref<80x128xf32, #tpu.memory_space<vmem>>, vector<1x16xf32>,
      %swap3A_318 = arith.index_cast %scan3A_308 : i32 to index
      %swap3A_319 = arith.constant 32 : index
      %swap3A_320 = tpu.vector_load %arg11[%swap3A_318, %swap3A_319] {strides = array<i32>} : memref<80x128xf32, #tpu.memory_space<vmem>>, vector<1x16xf32>,
      %swap3A_321 = vector.shape_cast %swap3A_320 : vector<1x16xf32> to vector<16xf32>
      %swap3A_322 = vector.shape_cast %broadcast_in_dim3A_1 : vector<16xf32> to vector<1x16xf32>
      tpu.vector_store %arg11[%swap3A_318, %swap3A_319], %swap3A_322 {strides = array<i32>} : memref<80x128xf32, #tpu.memory_space<vmem>>, vector<1x16xf32>,
      %swap3A_323 = arith.index_cast %scan3A_308 : i32 to index
      %swap3A_324 = arith.constant 48 : index
      %swap3A_325 = tpu.vector_load %arg11[%swap3A_323, %swap3A_324] {strides = array<i32>} : memref<80x128xf32, #tpu.memory_space<vmem>>, vector<1x16xf32>,
      %swap3A_326 = vector.shape_cast %swap3A_325 : vector<1x16xf32> to vector<16xf32>
      %swap3A_327 = vector.shape_cast %broadcast_in_dim3A_1 : vector<16xf32> to vector<1x16xf32>
      tpu.vector_store %arg11[%swap3A_323, %swap3A_324], %swap3A_327 {strides = array<i32>} : memref<80x128xf32, #tpu.memory_space<vmem>>, vector<1x16xf32>,
      %swap3A_328 = arith.index_cast %scan3A_308 : i32 to index
      %swap3A_329 = arith.constant 64 : index
      %swap3A_330 = tpu.vector_load %arg11[%swap3A_328, %swap3A_329] {strides = array<i32>} : memref<80x128xf32, #tpu.memory_space<vmem>>, vector<1x16xf32>,
      %swap3A_331 = vector.shape_cast %swap3A_330 : vector<1x16xf32> to vector<16xf32>
      %swap3A_332 = vector.shape_cast %broadcast_in_dim3A_1 : vector<16xf32> to vector<1x16xf32>
      tpu.vector_store %arg11[%swap3A_328, %swap3A_329], %swap3A_332 {strides = array<i32>} : memref<80x128xf32, #tpu.memory_space<vmem>>, vector<1x16xf32>,
      %swap3A_333 = arith.index_cast %scan3A_308 : i32 to index
      %swap3A_334 = arith.constant 80 : index
      %swap3A_335 = tpu.vector_load %arg11[%swap3A_333, %swap3A_334] {strides = array<i32>} : memref<80x128xf32, #tpu.memory_space<vmem>>, vector<1x16xf32>,
      %swap3A_336 = vector.shape_cast %swap3A_335 : vector<1x16xf32> to vector<16xf32>
      %swap3A_337 = vector.shape_cast %broadcast_in_dim3A_1 : vector<16xf32> to vector<1x16xf32>
      tpu.vector_store %arg11[%swap3A_333, %swap3A_334], %swap3A_337 {strides = array<i32>} : memref<80x128xf32, #tpu.memory_space<vmem>>, vector<1x16xf32>,
      %swap3A_338 = arith.index_cast %scan3A_308 : i32 to index
      %swap3A_339 = arith.constant 96 : index
      %swap3A_340 = tpu.vector_load %arg11[%swap3A_338, %swap3A_339] {strides = array<i32>} : memref<80x128xf32, #tpu.memory_space<vmem>>, vector<1x16xf32>,
      %swap3A_341 = vector.shape_cast %swap3A_340 : vector<1x16xf32> to vector<16xf32>
      %swap3A_342 = vector.shape_cast %broadcast_in_dim3A_1 : vector<16xf32> to vector<1x16xf32>
      tpu.vector_store %arg11[%swap3A_338, %swap3A_339], %swap3A_342 {strides = array<i32>} : memref<80x128xf32, #tpu.memory_space<vmem>>, vector<1x16xf32>,
      %swap3A_343 = arith.index_cast %scan3A_308 : i32 to index
      %swap3A_344 = arith.constant 112 : index
      %swap3A_345 = tpu.vector_load %arg11[%swap3A_343, %swap3A_344] {strides = array<i32>} : memref<80x128xf32, #tpu.memory_space<vmem>>, vector<1x16xf32>,
      %swap3A_346 = vector.shape_cast %swap3A_345 : vector<1x16xf32> to vector<16xf32>
      %swap3A_347 = vector.shape_cast %broadcast_in_dim3A_1 : vector<16xf32> to vector<1x16xf32>
      tpu.vector_store %arg11[%swap3A_343, %swap3A_344], %swap3A_347 {strides = array<i32>} : memref<80x128xf32, #tpu.memory_space<vmem>>, vector<1x16xf32>,
    }
    %scan3A_6 = arith.constant 80 : i32
    %mul3A_7 = arith.constant 640 : i32
    %mul3A_8 = arith.muli %arg1, %mul3A_7 : i32
    %add3A_9 = arith.constant 0 : i32
    %add3A_10 = arith.addi %mul3A_8, %add3A_9 : i32
    "tpu.region"() ({
      %run_scoped3A = tpu.sem_alloc : memref<!tpu.dma_semaphore, #tpu.memory_space<semaphore_mem>>
      %dma_start3A_308 = arith.constant 0 : i32
      %dma_start3A_309 = tpu.memref_slice %arg14[%add3A_10, %dma_start3A_308] : memref<10240x128xf32, #tpu.memory_space<vmem_shared>> -> memref<80x128xf32, #tpu.memory_space<vmem_shared>>
      %dma_start3A_310 = arith.constant 0 : i32
      %dma_start3A_311 = tpu.memref_slice %arg14[%add3A_10, %dma_start3A_310] : memref<10240x128xf32, #tpu.memory_space<vmem_shared>> -> memref<80x128xf32, #tpu.memory_space<vmem_shared>>
      tpu.enqueue_dma source(%arg11 : memref<80x128xf32, #tpu.memory_space<vmem>>) target(%dma_start3A_311 : memref<80x128xf32, #tpu.memory_space<vmem_shared>>) target_semaphore(%run_scoped3A : memref<!tpu.dma_semaphore, #tpu.memory_space<semaphore_mem>>)
      %dma_wait3A_312 = arith.constant 0 : i32
      %dma_wait3A_313 = tpu.memref_slice %arg14[%add3A_10, %dma_wait3A_312] : memref<10240x128xf32, #tpu.memory_space<vmem_shared>> -> memref<80x128xf32, #tpu.memory_space<vmem_shared>>
      %dma_wait3A_314 = arith.constant 0 : i32
      %dma_wait3A_315 = tpu.memref_slice %arg14[%add3A_10, %dma_wait3A_314] : memref<10240x128xf32, #tpu.memory_space<vmem_shared>> -> memref<80x128xf32, #tpu.memory_space<vmem_shared>>
      tpu.wait_dma2 semaphore(%run_scoped3A : memref<!tpu.dma_semaphore, #tpu.memory_space<semaphore_mem>>) src(%arg11 : memref<80x128xf32, #tpu.memory_space<vmem>>) dst(%dma_wait3A_315 : memref<80x128xf32, #tpu.memory_space<vmem_shared>>)
      tpu.yield
    }) : () -> ()
    %add3A_11 = arith.constant 80 : i32
    %add3A_12 = arith.addi %mul3A_8, %add3A_11 : i32
    "tpu.region"() ({
      %run_scoped3A = tpu.sem_alloc : memref<!tpu.dma_semaphore, #tpu.memory_space<semaphore_mem>>
      %dma_start3A_308 = arith.constant 0 : i32
      %dma_start3A_309 = tpu.memref_slice %arg14[%add3A_12, %dma_start3A_308] : memref<10240x128xf32, #tpu.memory_space<vmem_shared>> -> memref<80x128xf32, #tpu.memory_space<vmem_shared>>
      %dma_start3A_310 = arith.constant 0 : i32
      %dma_start3A_311 = tpu.memref_slice %arg14[%add3A_12, %dma_start3A_310] : memref<10240x128xf32, #tpu.memory_space<vmem_shared>> -> memref<80x128xf32, #tpu.memory_space<vmem_shared>>
      tpu.enqueue_dma source(%arg11 : memref<80x128xf32, #tpu.memory_space<vmem>>) target(%dma_start3A_311 : memref<80x128xf32, #tpu.memory_space<vmem_shared>>) target_semaphore(%run_scoped3A : memref<!tpu.dma_semaphore, #tpu.memory_space<semaphore_mem>>)
      %dma_wait3A_312 = arith.constant 0 : i32
      %dma_wait3A_313 = tpu.memref_slice %arg14[%add3A_12, %dma_wait3A_312] : memref<10240x128xf32, #tpu.memory_space<vmem_shared>> -> memref<80x128xf32, #tpu.memory_space<vmem_shared>>
      %dma_wait3A_314 = arith.constant 0 : i32
      %dma_wait3A_315 = tpu.memref_slice %arg14[%add3A_12, %dma_wait3A_314] : memref<10240x128xf32, #tpu.memory_space<vmem_shared>> -> memref<80x128xf32, #tpu.memory_space<vmem_shared>>
      tpu.wait_dma2 semaphore(%run_scoped3A : memref<!tpu.dma_semaphore, #tpu.memory_space<semaphore_mem>>) src(%arg11 : memref<80x128xf32, #tpu.memory_space<vmem>>) dst(%dma_wait3A_315 : memref<80x128xf32, #tpu.memory_space<vmem_shared>>)
      tpu.yield
    }) : () -> ()
    %add3A_13 = arith.constant 160 : i32
    %add3A_14 = arith.addi %mul3A_8, %add3A_13 : i32
    "tpu.region"() ({
      %run_scoped3A = tpu.sem_alloc : memref<!tpu.dma_semaphore, #tpu.memory_space<semaphore_mem>>
      %dma_start3A_308 = arith.constant 0 : i32
      %dma_start3A_309 = tpu.memref_slice %arg14[%add3A_14, %dma_start3A_308] : memref<10240x128xf32, #tpu.memory_space<vmem_shared>> -> memref<80x128xf32, #tpu.memory_space<vmem_shared>>
      %dma_start3A_310 = arith.constant 0 : i32
      %dma_start3A_311 = tpu.memref_slice %arg14[%add3A_14, %dma_start3A_310] : memref<10240x128xf32, #tpu.memory_space<vmem_shared>> -> memref<80x128xf32, #tpu.memory_space<vmem_shared>>
      tpu.enqueue_dma source(%arg11 : memref<80x128xf32, #tpu.memory_space<vmem>>) target(%dma_start3A_311 : memref<80x128xf32, #tpu.memory_space<vmem_shared>>) target_semaphore(%run_scoped3A : memref<!tpu.dma_semaphore, #tpu.memory_space<semaphore_mem>>)
      %dma_wait3A_312 = arith.constant 0 : i32
      %dma_wait3A_313 = tpu.memref_slice %arg14[%add3A_14, %dma_wait3A_312] : memref<10240x128xf32, #tpu.memory_space<vmem_shared>> -> memref<80x128xf32, #tpu.memory_space<vmem_shared>>
      %dma_wait3A_314 = arith.constant 0 : i32
      %dma_wait3A_315 = tpu.memref_slice %arg14[%add3A_14, %dma_wait3A_314] : memref<10240x128xf32, #tpu.memory_space<vmem_shared>> -> memref<80x128xf32, #tpu.memory_space<vmem_shared>>
      tpu.wait_dma2 semaphore(%run_scoped3A : memref<!tpu.dma_semaphore, #tpu.memory_space<semaphore_mem>>) src(%arg11 : memref<80x128xf32, #tpu.memory_space<vmem>>) dst(%dma_wait3A_315 : memref<80x128xf32, #tpu.memory_space<vmem_shared>>)
      tpu.yield
    }) : () -> ()
    %add3A_15 = arith.constant 240 : i32
    %add3A_16 = arith.addi %mul3A_8, %add3A_15 : i32
    "tpu.region"() ({
      %run_scoped3A = tpu.sem_alloc : memref<!tpu.dma_semaphore, #tpu.memory_space<semaphore_mem>>
      %dma_start3A_308 = arith.constant 0 : i32
      %dma_start3A_309 = tpu.memref_slice %arg14[%add3A_16, %dma_start3A_308] : memref<10240x128xf32, #tpu.memory_space<vmem_shared>> -> memref<80x128xf32, #tpu.memory_space<vmem_shared>>
      %dma_start3A_310 = arith.constant 0 : i32
      %dma_start3A_311 = tpu.memref_slice %arg14[%add3A_16, %dma_start3A_310] : memref<10240x128xf32, #tpu.memory_space<vmem_shared>> -> memref<80x128xf32, #tpu.memory_space<vmem_shared>>
      tpu.enqueue_dma source(%arg11 : memref<80x128xf32, #tpu.memory_space<vmem>>) target(%dma_start3A_311 : memref<80x128xf32, #tpu.memory_space<vmem_shared>>) target_semaphore(%run_scoped3A : memref<!tpu.dma_semaphore, #tpu.memory_space<semaphore_mem>>)
      %dma_wait3A_312 = arith.constant 0 : i32
      %dma_wait3A_313 = tpu.memref_slice %arg14[%add3A_16, %dma_wait3A_312] : memref<10240x128xf32, #tpu.memory_space<vmem_shared>> -> memref<80x128xf32, #tpu.memory_space<vmem_shared>>
      %dma_wait3A_314 = arith.constant 0 : i32
      %dma_wait3A_315 = tpu.memref_slice %arg14[%add3A_16, %dma_wait3A_314] : memref<10240x128xf32, #tpu.memory_space<vmem_shared>> -> memref<80x128xf32, #tpu.memory_space<vmem_shared>>
      tpu.wait_dma2 semaphore(%run_scoped3A : memref<!tpu.dma_semaphore, #tpu.memory_space<semaphore_mem>>) src(%arg11 : memref<80x128xf32, #tpu.memory_space<vmem>>) dst(%dma_wait3A_315 : memref<80x128xf32, #tpu.memory_space<vmem_shared>>)
      tpu.yield
    }) : () -> ()
    %add3A_17 = arith.constant 320 : i32
    %add3A_18 = arith.addi %mul3A_8, %add3A_17 : i32
    "tpu.region"() ({
      %run_scoped3A = tpu.sem_alloc : memref<!tpu.dma_semaphore, #tpu.memory_space<semaphore_mem>>
      %dma_start3A_308 = arith.constant 0 : i32
      %dma_start3A_309 = tpu.memref_slice %arg14[%add3A_18, %dma_start3A_308] : memref<10240x128xf32, #tpu.memory_space<vmem_shared>> -> memref<80x128xf32, #tpu.memory_space<vmem_shared>>
      %dma_start3A_310 = arith.constant 0 : i32
      %dma_start3A_311 = tpu.memref_slice %arg14[%add3A_18, %dma_start3A_310] : memref<10240x128xf32, #tpu.memory_space<vmem_shared>> -> memref<80x128xf32, #tpu.memory_space<vmem_shared>>
      tpu.enqueue_dma source(%arg11 : memref<80x128xf32, #tpu.memory_space<vmem>>) target(%dma_start3A_311 : memref<80x128xf32, #tpu.memory_space<vmem_shared>>) target_semaphore(%run_scoped3A : memref<!tpu.dma_semaphore, #tpu.memory_space<semaphore_mem>>)
      %dma_wait3A_312 = arith.constant 0 : i32
      %dma_wait3A_313 = tpu.memref_slice %arg14[%add3A_18, %dma_wait3A_312] : memref<10240x128xf32, #tpu.memory_space<vmem_shared>> -> memref<80x128xf32, #tpu.memory_space<vmem_shared>>
      %dma_wait3A_314 = arith.constant 0 : i32
      %dma_wait3A_315 = tpu.memref_slice %arg14[%add3A_18, %dma_wait3A_314] : memref<10240x128xf32, #tpu.memory_space<vmem_shared>> -> memref<80x128xf32, #tpu.memory_space<vmem_shared>>
      tpu.wait_dma2 semaphore(%run_scoped3A : memref<!tpu.dma_semaphore, #tpu.memory_space<semaphore_mem>>) src(%arg11 : memref<80x128xf32, #tpu.memory_space<vmem>>) dst(%dma_wait3A_315 : memref<80x128xf32, #tpu.memory_space<vmem_shared>>)
      tpu.yield
    }) : () -> ()
    %add3A_19 = arith.constant 400 : i32
    %add3A_20 = arith.addi %mul3A_8, %add3A_19 : i32
    "tpu.region"() ({
      %run_scoped3A = tpu.sem_alloc : memref<!tpu.dma_semaphore, #tpu.memory_space<semaphore_mem>>
      %dma_start3A_308 = arith.constant 0 : i32
      %dma_start3A_309 = tpu.memref_slice %arg14[%add3A_20, %dma_start3A_308] : memref<10240x128xf32, #tpu.memory_space<vmem_shared>> -> memref<80x128xf32, #tpu.memory_space<vmem_shared>>
      %dma_start3A_310 = arith.constant 0 : i32
      %dma_start3A_311 = tpu.memref_slice %arg14[%add3A_20, %dma_start3A_310] : memref<10240x128xf32, #tpu.memory_space<vmem_shared>> -> memref<80x128xf32, #tpu.memory_space<vmem_shared>>
      tpu.enqueue_dma source(%arg11 : memref<80x128xf32, #tpu.memory_space<vmem>>) target(%dma_start3A_311 : memref<80x128xf32, #tpu.memory_space<vmem_shared>>) target_semaphore(%run_scoped3A : memref<!tpu.dma_semaphore, #tpu.memory_space<semaphore_mem>>)
      %dma_wait3A_312 = arith.constant 0 : i32
      %dma_wait3A_313 = tpu.memref_slice %arg14[%add3A_20, %dma_wait3A_312] : memref<10240x128xf32, #tpu.memory_space<vmem_shared>> -> memref<80x128xf32, #tpu.memory_space<vmem_shared>>
      %dma_wait3A_314 = arith.constant 0 : i32
      %dma_wait3A_315 = tpu.memref_slice %arg14[%add3A_20, %dma_wait3A_314] : memref<10240x128xf32, #tpu.memory_space<vmem_shared>> -> memref<80x128xf32, #tpu.memory_space<vmem_shared>>
      tpu.wait_dma2 semaphore(%run_scoped3A : memref<!tpu.dma_semaphore, #tpu.memory_space<semaphore_mem>>) src(%arg11 : memref<80x128xf32, #tpu.memory_space<vmem>>) dst(%dma_wait3A_315 : memref<80x128xf32, #tpu.memory_space<vmem_shared>>)
      tpu.yield
    }) : () -> ()
    %add3A_21 = arith.constant 480 : i32
    %add3A_22 = arith.addi %mul3A_8, %add3A_21 : i32
    "tpu.region"() ({
      %run_scoped3A = tpu.sem_alloc : memref<!tpu.dma_semaphore, #tpu.memory_space<semaphore_mem>>
      %dma_start3A_308 = arith.constant 0 : i32
      %dma_start3A_309 = tpu.memref_slice %arg14[%add3A_22, %dma_start3A_308] : memref<10240x128xf32, #tpu.memory_space<vmem_shared>> -> memref<80x128xf32, #tpu.memory_space<vmem_shared>>
      %dma_start3A_310 = arith.constant 0 : i32
      %dma_start3A_311 = tpu.memref_slice %arg14[%add3A_22, %dma_start3A_310] : memref<10240x128xf32, #tpu.memory_space<vmem_shared>> -> memref<80x128xf32, #tpu.memory_space<vmem_shared>>
      tpu.enqueue_dma source(%arg11 : memref<80x128xf32, #tpu.memory_space<vmem>>) target(%dma_start3A_311 : memref<80x128xf32, #tpu.memory_space<vmem_shared>>) target_semaphore(%run_scoped3A : memref<!tpu.dma_semaphore, #tpu.memory_space<semaphore_mem>>)
      %dma_wait3A_312 = arith.constant 0 : i32
      %dma_wait3A_313 = tpu.memref_slice %arg14[%add3A_22, %dma_wait3A_312] : memref<10240x128xf32, #tpu.memory_space<vmem_shared>> -> memref<80x128xf32, #tpu.memory_space<vmem_shared>>
      %dma_wait3A_314 = arith.constant 0 : i32
      %dma_wait3A_315 = tpu.memref_slice %arg14[%add3A_22, %dma_wait3A_314] : memref<10240x128xf32, #tpu.memory_space<vmem_shared>> -> memref<80x128xf32, #tpu.memory_space<vmem_shared>>
      tpu.wait_dma2 semaphore(%run_scoped3A : memref<!tpu.dma_semaphore, #tpu.memory_space<semaphore_mem>>) src(%arg11 : memref<80x128xf32, #tpu.memory_space<vmem>>) dst(%dma_wait3A_315 : memref<80x128xf32, #tpu.memory_space<vmem_shared>>)
      tpu.yield
    }) : () -> ()
    %add3A_23 = arith.constant 560 : i32
    %add3A_24 = arith.addi %mul3A_8, %add3A_23 : i32
    "tpu.region"() ({
      %run_scoped3A = tpu.sem_alloc : memref<!tpu.dma_semaphore, #tpu.memory_space<semaphore_mem>>
      %dma_start3A_308 = arith.constant 0 : i32
      %dma_start3A_309 = tpu.memref_slice %arg14[%add3A_24, %dma_start3A_308] : memref<10240x128xf32, #tpu.memory_space<vmem_shared>> -> memref<80x128xf32, #tpu.memory_space<vmem_shared>>
      %dma_start3A_310 = arith.constant 0 : i32
      %dma_start3A_311 = tpu.memref_slice %arg14[%add3A_24, %dma_start3A_310] : memref<10240x128xf32, #tpu.memory_space<vmem_shared>> -> memref<80x128xf32, #tpu.memory_space<vmem_shared>>
      tpu.enqueue_dma source(%arg11 : memref<80x128xf32, #tpu.memory_space<vmem>>) target(%dma_start3A_311 : memref<80x128xf32, #tpu.memory_space<vmem_shared>>) target_semaphore(%run_scoped3A : memref<!tpu.dma_semaphore, #tpu.memory_space<semaphore_mem>>)
      %dma_wait3A_312 = arith.constant 0 : i32
      %dma_wait3A_313 = tpu.memref_slice %arg14[%add3A_24, %dma_wait3A_312] : memref<10240x128xf32, #tpu.memory_space<vmem_shared>> -> memref<80x128xf32, #tpu.memory_space<vmem_shared>>
      %dma_wait3A_314 = arith.constant 0 : i32
      %dma_wait3A_315 = tpu.memref_slice %arg14[%add3A_24, %dma_wait3A_314] : memref<10240x128xf32, #tpu.memory_space<vmem_shared>> -> memref<80x128xf32, #tpu.memory_space<vmem_shared>>
      tpu.wait_dma2 semaphore(%run_scoped3A : memref<!tpu.dma_semaphore, #tpu.memory_space<semaphore_mem>>) src(%arg11 : memref<80x128xf32, #tpu.memory_space<vmem>>) dst(%dma_wait3A_315 : memref<80x128xf32, #tpu.memory_space<vmem_shared>>)
      tpu.yield
    }) : () -> ()
    %barrier3A = arith.constant 0 : index
    tpu.barrier barrier_id(%barrier3A)
    %dma_start3A = arith.constant 0 : i32
    %dma_start3A_25 = arith.constant 0 : i32
    %dma_start3A_26 = arith.constant 0 : i32
    %dma_start3A_27 = tpu.memref_slice %arg3[%add3A, %dma_start3A, %dma_start3A_25, %dma_start3A_26] : memref<32x126x2x80xi32, #tpu.memory_space<hbm>> -> memref<1x1x2x80xi32, #tpu.memory_space<hbm>>
    %dma_start3A_28 = tpu.memref_squeeze %dma_start3A_27 : memref<1x1x2x80xi32, #tpu.memory_space<hbm>> -> memref<2x80xi32, #tpu.memory_space<hbm>>
    %dma_start3A_29 = arith.constant 0 : i32
    %dma_start3A_30 = arith.constant 0 : i32
    %dma_start3A_31 = tpu.memref_slice %arg3[%add3A, %dma_start3A, %dma_start3A_29, %dma_start3A_30] : memref<32x126x2x80xi32, #tpu.memory_space<hbm>> -> memref<1x1x2x80xi32, #tpu.memory_space<hbm>>
    %dma_start3A_32 = tpu.memref_squeeze %dma_start3A_31 : memref<1x1x2x80xi32, #tpu.memory_space<hbm>> -> memref<2x80xi32, #tpu.memory_space<hbm>>
    tpu.enqueue_dma source(%dma_start3A_32 : memref<2x80xi32, #tpu.memory_space<hbm>>) target(%arg5 : memref<2x80xi32, #tpu.memory_space<vmem>>) target_semaphore(%arg15 : memref<!tpu.dma_semaphore, #tpu.memory_space<semaphore_mem>>)
    %dma_start3A_33 = arith.constant 1 : i32
    %dma_start3A_34 = arith.constant 0 : i32
    %dma_start3A_35 = arith.constant 0 : i32
    %dma_start3A_36 = tpu.memref_slice %arg3[%add3A, %dma_start3A_33, %dma_start3A_34, %dma_start3A_35] : memref<32x126x2x80xi32, #tpu.memory_space<hbm>> -> memref<1x1x2x80xi32, #tpu.memory_space<hbm>>
    %dma_start3A_37 = tpu.memref_squeeze %dma_start3A_36 : memref<1x1x2x80xi32, #tpu.memory_space<hbm>> -> memref<2x80xi32, #tpu.memory_space<hbm>>
    %dma_start3A_38 = arith.constant 0 : i32
    %dma_start3A_39 = arith.constant 0 : i32
    %dma_start3A_40 = tpu.memref_slice %arg3[%add3A, %dma_start3A_33, %dma_start3A_38, %dma_start3A_39] : memref<32x126x2x80xi32, #tpu.memory_space<hbm>> -> memref<1x1x2x80xi32, #tpu.memory_space<hbm>>
    %dma_start3A_41 = tpu.memref_squeeze %dma_start3A_40 : memref<1x1x2x80xi32, #tpu.memory_space<hbm>> -> memref<2x80xi32, #tpu.memory_space<hbm>>
    tpu.enqueue_dma source(%dma_start3A_41 : memref<2x80xi32, #tpu.memory_space<hbm>>) target(%arg6 : memref<2x80xi32, #tpu.memory_space<vmem>>) target_semaphore(%arg16 : memref<!tpu.dma_semaphore, #tpu.memory_space<semaphore_mem>>)
    %dma_start3A_42 = arith.constant 2 : i32
    %dma_start3A_43 = arith.constant 0 : i32
    %dma_start3A_44 = arith.constant 0 : i32
    %dma_start3A_45 = tpu.memref_slice %arg3[%add3A, %dma_start3A_42, %dma_start3A_43, %dma_start3A_44] : memref<32x126x2x80xi32, #tpu.memory_space<hbm>> -> memref<1x1x2x80xi32, #tpu.memory_space<hbm>>
    %dma_start3A_46 = tpu.memref_squeeze %dma_start3A_45 : memref<1x1x2x80xi32, #tpu.memory_space<hbm>> -> memref<2x80xi32, #tpu.memory_space<hbm>>
    %dma_start3A_47 = arith.constant 0 : i32
    %dma_start3A_48 = arith.constant 0 : i32
    %dma_start3A_49 = tpu.memref_slice %arg3[%add3A, %dma_start3A_42, %dma_start3A_47, %dma_start3A_48] : memref<32x126x2x80xi32, #tpu.memory_space<hbm>> -> memref<1x1x2x80xi32, #tpu.memory_space<hbm>>
    %dma_start3A_50 = tpu.memref_squeeze %dma_start3A_49 : memref<1x1x2x80xi32, #tpu.memory_space<hbm>> -> memref<2x80xi32, #tpu.memory_space<hbm>>
    tpu.enqueue_dma source(%dma_start3A_50 : memref<2x80xi32, #tpu.memory_space<hbm>>) target(%arg7 : memref<2x80xi32, #tpu.memory_space<vmem>>) target_semaphore(%arg17 : memref<!tpu.dma_semaphore, #tpu.memory_space<semaphore_mem>>)
    %dma_start3A_51 = arith.constant 3 : i32
    %dma_start3A_52 = arith.constant 0 : i32
    %dma_start3A_53 = arith.constant 0 : i32
    %dma_start3A_54 = tpu.memref_slice %arg3[%add3A, %dma_start3A_51, %dma_start3A_52, %dma_start3A_53] : memref<32x126x2x80xi32, #tpu.memory_space<hbm>> -> memref<1x1x2x80xi32, #tpu.memory_space<hbm>>
    %dma_start3A_55 = tpu.memref_squeeze %dma_start3A_54 : memref<1x1x2x80xi32, #tpu.memory_space<hbm>> -> memref<2x80xi32, #tpu.memory_space<hbm>>
    %dma_start3A_56 = arith.constant 0 : i32
    %dma_start3A_57 = arith.constant 0 : i32
    %dma_start3A_58 = tpu.memref_slice %arg3[%add3A, %dma_start3A_51, %dma_start3A_56, %dma_start3A_57] : memref<32x126x2x80xi32, #tpu.memory_space<hbm>> -> memref<1x1x2x80xi32, #tpu.memory_space<hbm>>
    %dma_start3A_59 = tpu.memref_squeeze %dma_start3A_58 : memref<1x1x2x80xi32, #tpu.memory_space<hbm>> -> memref<2x80xi32, #tpu.memory_space<hbm>>
    tpu.enqueue_dma source(%dma_start3A_59 : memref<2x80xi32, #tpu.memory_space<hbm>>) target(%arg8 : memref<2x80xi32, #tpu.memory_space<vmem>>) target_semaphore(%arg18 : memref<!tpu.dma_semaphore, #tpu.memory_space<semaphore_mem>>)
    %dma_start3A_60 = arith.constant 4 : i32
    %dma_start3A_61 = arith.constant 0 : i32
    %dma_start3A_62 = arith.constant 0 : i32
    %dma_start3A_63 = tpu.memref_slice %arg3[%add3A, %dma_start3A_60, %dma_start3A_61, %dma_start3A_62] : memref<32x126x2x80xi32, #tpu.memory_space<hbm>> -> memref<1x1x2x80xi32, #tpu.memory_space<hbm>>
    %dma_start3A_64 = tpu.memref_squeeze %dma_start3A_63 : memref<1x1x2x80xi32, #tpu.memory_space<hbm>> -> memref<2x80xi32, #tpu.memory_space<hbm>>
    %dma_start3A_65 = arith.constant 0 : i32
    %dma_start3A_66 = arith.constant 0 : i32
    %dma_start3A_67 = tpu.memref_slice %arg3[%add3A, %dma_start3A_60, %dma_start3A_65, %dma_start3A_66] : memref<32x126x2x80xi32, #tpu.memory_space<hbm>> -> memref<1x1x2x80xi32, #tpu.memory_space<hbm>>
    %dma_start3A_68 = tpu.memref_squeeze %dma_start3A_67 : memref<1x1x2x80xi32, #tpu.memory_space<hbm>> -> memref<2x80xi32, #tpu.memory_space<hbm>>
    tpu.enqueue_dma source(%dma_start3A_68 : memref<2x80xi32, #tpu.memory_space<hbm>>) target(%arg9 : memref<2x80xi32, #tpu.memory_space<vmem>>) target_semaphore(%arg19 : memref<!tpu.dma_semaphore, #tpu.memory_space<semaphore_mem>>)
    %dma_start3A_69 = arith.constant 5 : i32
    %dma_start3A_70 = arith.constant 0 : i32
    %dma_start3A_71 = arith.constant 0 : i32
    %dma_start3A_72 = tpu.memref_slice %arg3[%add3A, %dma_start3A_69, %dma_start3A_70, %dma_start3A_71] : memref<32x126x2x80xi32, #tpu.memory_space<hbm>> -> memref<1x1x2x80xi32, #tpu.memory_space<hbm>>
    %dma_start3A_73 = tpu.memref_squeeze %dma_start3A_72 : memref<1x1x2x80xi32, #tpu.memory_space<hbm>> -> memref<2x80xi32, #tpu.memory_space<hbm>>
    %dma_start3A_74 = arith.constant 0 : i32
    %dma_start3A_75 = arith.constant 0 : i32
    %dma_start3A_76 = tpu.memref_slice %arg3[%add3A, %dma_start3A_69, %dma_start3A_74, %dma_start3A_75] : memref<32x126x2x80xi32, #tpu.memory_space<hbm>> -> memref<1x1x2x80xi32, #tpu.memory_space<hbm>>
    %dma_start3A_77 = tpu.memref_squeeze %dma_start3A_76 : memref<1x1x2x80xi32, #tpu.memory_space<hbm>> -> memref<2x80xi32, #tpu.memory_space<hbm>>
    tpu.enqueue_dma source(%dma_start3A_77 : memref<2x80xi32, #tpu.memory_space<hbm>>) target(%arg10 : memref<2x80xi32, #tpu.memory_space<vmem>>) target_semaphore(%arg20 : memref<!tpu.dma_semaphore, #tpu.memory_space<semaphore_mem>>)
    %dma_wait3A = arith.constant 0 : i32
    %dma_wait3A_78 = arith.constant 0 : i32
    %dma_wait3A_79 = arith.constant 0 : i32
    %dma_wait3A_80 = tpu.memref_slice %arg3[%add3A, %dma_wait3A, %dma_wait3A_78, %dma_wait3A_79] : memref<32x126x2x80xi32, #tpu.memory_space<hbm>> -> memref<1x1x2x80xi32, #tpu.memory_space<hbm>>
    %dma_wait3A_81 = tpu.memref_squeeze %dma_wait3A_80 : memref<1x1x2x80xi32, #tpu.memory_space<hbm>> -> memref<2x80xi32, #tpu.memory_space<hbm>>
    %dma_wait3A_82 = arith.constant 0 : i32
    %dma_wait3A_83 = arith.constant 0 : i32
    %dma_wait3A_84 = tpu.memref_slice %arg3[%add3A, %dma_wait3A, %dma_wait3A_82, %dma_wait3A_83] : memref<32x126x2x80xi32, #tpu.memory_space<hbm>> -> memref<1x1x2x80xi32, #tpu.memory_space<hbm>>
    %dma_wait3A_85 = tpu.memref_squeeze %dma_wait3A_84 : memref<1x1x2x80xi32, #tpu.memory_space<hbm>> -> memref<2x80xi32, #tpu.memory_space<hbm>>
    tpu.wait_dma2 semaphore(%arg15 : memref<!tpu.dma_semaphore, #tpu.memory_space<semaphore_mem>>) src(%dma_wait3A_85 : memref<2x80xi32, #tpu.memory_space<hbm>>) dst(%arg5 : memref<2x80xi32, #tpu.memory_space<vmem>>)
    %dma_start3A_86 = arith.constant 0 : i32
    %dma_start3A_87 = arith.constant 0 : i32
    %dma_start3A_88 = tpu.memref_slice %arg5[%dma_start3A_86, %dma_start3A_87] : memref<2x80xi32, #tpu.memory_space<vmem>> -> memref<1x80xi32, #tpu.memory_space<vmem>>
    %dma_start3A_89 = tpu.memref_squeeze %dma_start3A_88 : memref<1x80xi32, #tpu.memory_space<vmem>> -> memref<80xi32, #tpu.memory_space<vmem>>
    %dma_start3A_90 = arith.constant 0 : i32
    %dma_start3A_91 = arith.constant 0 : i32
    %dma_start3A_92 = tpu.memref_slice %arg2[%dma_start3A_90, %dma_start3A_91] : memref<10000x128xf32, #tpu.memory_space<hbm>> -> memref<10000x128xf32, #tpu.memory_space<hbm>>
    tpu.enqueue_indirect_dma source(%dma_start3A_92 : memref<10000x128xf32, #tpu.memory_space<hbm>>) target(%arg11 : memref<80x128xf32, #tpu.memory_space<vmem>>) offsets(%dma_start3A_89 : memref<80xi32, #tpu.memory_space<vmem>>) semaphore(%arg21 : memref<!tpu.dma_semaphore, #tpu.memory_space<semaphore_mem>>)
    %dma_wait3A_93 = arith.constant 1 : i32
    %dma_wait3A_94 = arith.constant 0 : i32
    %dma_wait3A_95 = arith.constant 0 : i32
    %dma_wait3A_96 = tpu.memref_slice %arg3[%add3A, %dma_wait3A_93, %dma_wait3A_94, %dma_wait3A_95] : memref<32x126x2x80xi32, #tpu.memory_space<hbm>> -> memref<1x1x2x80xi32, #tpu.memory_space<hbm>>
    %dma_wait3A_97 = tpu.memref_squeeze %dma_wait3A_96 : memref<1x1x2x80xi32, #tpu.memory_space<hbm>> -> memref<2x80xi32, #tpu.memory_space<hbm>>
    %dma_wait3A_98 = arith.constant 0 : i32
    %dma_wait3A_99 = arith.constant 0 : i32
    %dma_wait3A_100 = tpu.memref_slice %arg3[%add3A, %dma_wait3A_93, %dma_wait3A_98, %dma_wait3A_99] : memref<32x126x2x80xi32, #tpu.memory_space<hbm>> -> memref<1x1x2x80xi32, #tpu.memory_space<hbm>>
    %dma_wait3A_101 = tpu.memref_squeeze %dma_wait3A_100 : memref<1x1x2x80xi32, #tpu.memory_space<hbm>> -> memref<2x80xi32, #tpu.memory_space<hbm>>
    tpu.wait_dma2 semaphore(%arg16 : memref<!tpu.dma_semaphore, #tpu.memory_space<semaphore_mem>>) src(%dma_wait3A_101 : memref<2x80xi32, #tpu.memory_space<hbm>>) dst(%arg6 : memref<2x80xi32, #tpu.memory_space<vmem>>)
    %dma_start3A_102 = arith.constant 0 : i32
    %dma_start3A_103 = arith.constant 0 : i32
    %dma_start3A_104 = tpu.memref_slice %arg6[%dma_start3A_102, %dma_start3A_103] : memref<2x80xi32, #tpu.memory_space<vmem>> -> memref<1x80xi32, #tpu.memory_space<vmem>>
    %dma_start3A_105 = tpu.memref_squeeze %dma_start3A_104 : memref<1x80xi32, #tpu.memory_space<vmem>> -> memref<80xi32, #tpu.memory_space<vmem>>
    %dma_start3A_106 = arith.constant 0 : i32
    %dma_start3A_107 = arith.constant 0 : i32
    %dma_start3A_108 = tpu.memref_slice %arg2[%dma_start3A_106, %dma_start3A_107] : memref<10000x128xf32, #tpu.memory_space<hbm>> -> memref<10000x128xf32, #tpu.memory_space<hbm>>
    tpu.enqueue_indirect_dma source(%dma_start3A_108 : memref<10000x128xf32, #tpu.memory_space<hbm>>) target(%arg12 : memref<80x128xf32, #tpu.memory_space<vmem>>) offsets(%dma_start3A_105 : memref<80xi32, #tpu.memory_space<vmem>>) semaphore(%arg22 : memref<!tpu.dma_semaphore, #tpu.memory_space<semaphore_mem>>)
    %dma_wait3A_109 = arith.constant 2 : i32
    %dma_wait3A_110 = arith.constant 0 : i32
    %dma_wait3A_111 = arith.constant 0 : i32
    %dma_wait3A_112 = tpu.memref_slice %arg3[%add3A, %dma_wait3A_109, %dma_wait3A_110, %dma_wait3A_111] : memref<32x126x2x80xi32, #tpu.memory_space<hbm>> -> memref<1x1x2x80xi32, #tpu.memory_space<hbm>>
    %dma_wait3A_113 = tpu.memref_squeeze %dma_wait3A_112 : memref<1x1x2x80xi32, #tpu.memory_space<hbm>> -> memref<2x80xi32, #tpu.memory_space<hbm>>
    %dma_wait3A_114 = arith.constant 0 : i32
    %dma_wait3A_115 = arith.constant 0 : i32
    %dma_wait3A_116 = tpu.memref_slice %arg3[%add3A, %dma_wait3A_109, %dma_wait3A_114, %dma_wait3A_115] : memref<32x126x2x80xi32, #tpu.memory_space<hbm>> -> memref<1x1x2x80xi32, #tpu.memory_space<hbm>>
    %dma_wait3A_117 = tpu.memref_squeeze %dma_wait3A_116 : memref<1x1x2x80xi32, #tpu.memory_space<hbm>> -> memref<2x80xi32, #tpu.memory_space<hbm>>
    tpu.wait_dma2 semaphore(%arg17 : memref<!tpu.dma_semaphore, #tpu.memory_space<semaphore_mem>>) src(%dma_wait3A_117 : memref<2x80xi32, #tpu.memory_space<hbm>>) dst(%arg7 : memref<2x80xi32, #tpu.memory_space<vmem>>)
    %dma_start3A_118 = arith.constant 0 : i32
    %dma_start3A_119 = arith.constant 0 : i32
    %dma_start3A_120 = tpu.memref_slice %arg7[%dma_start3A_118, %dma_start3A_119] : memref<2x80xi32, #tpu.memory_space<vmem>> -> memref<1x80xi32, #tpu.memory_space<vmem>>
    %dma_start3A_121 = tpu.memref_squeeze %dma_start3A_120 : memref<1x80xi32, #tpu.memory_space<vmem>> -> memref<80xi32, #tpu.memory_space<vmem>>
    %dma_start3A_122 = arith.constant 0 : i32
    %dma_start3A_123 = arith.constant 0 : i32
    %dma_start3A_124 = tpu.memref_slice %arg2[%dma_start3A_122, %dma_start3A_123] : memref<10000x128xf32, #tpu.memory_space<hbm>> -> memref<10000x128xf32, #tpu.memory_space<hbm>>
    tpu.enqueue_indirect_dma source(%dma_start3A_124 : memref<10000x128xf32, #tpu.memory_space<hbm>>) target(%arg13 : memref<80x128xf32, #tpu.memory_space<vmem>>) offsets(%dma_start3A_121 : memref<80xi32, #tpu.memory_space<vmem>>) semaphore(%arg23 : memref<!tpu.dma_semaphore, #tpu.memory_space<semaphore_mem>>)
    %scan3A_125 = arith.constant 0 : i32
    %scan3A_126 = arith.constant 0 : i32
    %scan3A_127 = arith.constant 20 : i32
    %scan3A_128 = arith.addi %scan3A_126, %scan3A_127 : i32
    %scan3A_129 = arith.constant 1 : i32
    scf.for %scan3A_308 = %scan3A_126 to %scan3A_128 step %scan3A_129  : i32 {
      %mul3A_309 = arith.constant 2 : i32
      %mul3A_310 = arith.muli %mul3A_309, %scan3A_308 : i32
      %add3A_311 = arith.constant 0 : i32
      %add3A_312 = arith.addi %mul3A_310, %add3A_311 : i32
      %dma_wait3A_313 = arith.constant 0 : i32
      %dma_wait3A_314 = arith.constant 0 : i32
      %dma_wait3A_315 = tpu.memref_slice %arg5[%dma_wait3A_313, %dma_wait3A_314] : memref<2x80xi32, #tpu.memory_space<vmem>> -> memref<1x80xi32, #tpu.memory_space<vmem>>
      %dma_wait3A_316 = tpu.memref_squeeze %dma_wait3A_315 : memref<1x80xi32, #tpu.memory_space<vmem>> -> memref<80xi32, #tpu.memory_space<vmem>>
      %dma_wait3A_317 = arith.constant 0 : i32
      %dma_wait3A_318 = arith.constant 0 : i32
      %dma_wait3A_319 = tpu.memref_slice %arg2[%dma_wait3A_317, %dma_wait3A_318] : memref<10000x128xf32, #tpu.memory_space<hbm>> -> memref<10000x128xf32, #tpu.memory_space<hbm>>
      tpu.wait_indirect_dma semaphore(%arg21 : memref<!tpu.dma_semaphore, #tpu.memory_space<semaphore_mem>>) src(%dma_wait3A_319 : memref<10000x128xf32, #tpu.memory_space<hbm>>) dst(%arg11 : memref<80x128xf32, #tpu.memory_space<vmem>>)
      %dma_start3A_320 = arith.constant 1 : i32
      %dma_start3A_321 = arith.constant 0 : i32
      %dma_start3A_322 = tpu.memref_slice %arg5[%dma_start3A_320, %dma_start3A_321] : memref<2x80xi32, #tpu.memory_space<vmem>> -> memref<1x80xi32, #tpu.memory_space<vmem>>
      %dma_start3A_323 = tpu.memref_squeeze %dma_start3A_322 : memref<1x80xi32, #tpu.memory_space<vmem>> -> memref<80xi32, #tpu.memory_space<vmem>>
      %dma_start3A_324 = arith.constant 0 : i32
      %dma_start3A_325 = arith.constant 0 : i32
      %dma_start3A_326 = tpu.memref_slice %arg14[%dma_start3A_324, %dma_start3A_325] : memref<10240x128xf32, #tpu.memory_space<vmem_shared>> -> memref<10240x128xf32, #tpu.memory_space<vmem_shared>>
      tpu.enqueue_indirect_dma source(%arg11 : memref<80x128xf32, #tpu.memory_space<vmem>>) target(%dma_start3A_326 : memref<10240x128xf32, #tpu.memory_space<vmem_shared>>) offsets(%dma_start3A_323 : memref<80xi32, #tpu.memory_space<vmem>>) semaphore(%arg24 : memref<!tpu.dma_semaphore, #tpu.memory_space<semaphore_mem>>) {add = true}
      %dma_wait3A_327 = arith.constant 0 : i32
      %dma_wait3A_328 = arith.constant 0 : i32
      %dma_wait3A_329 = tpu.memref_slice %arg6[%dma_wait3A_327, %dma_wait3A_328] : memref<2x80xi32, #tpu.memory_space<vmem>> -> memref<1x80xi32, #tpu.memory_space<vmem>>
      %dma_wait3A_330 = tpu.memref_squeeze %dma_wait3A_329 : memref<1x80xi32, #tpu.memory_space<vmem>> -> memref<80xi32, #tpu.memory_space<vmem>>
      %dma_wait3A_331 = arith.constant 0 : i32
      %dma_wait3A_332 = arith.constant 0 : i32
      %dma_wait3A_333 = tpu.memref_slice %arg2[%dma_wait3A_331, %dma_wait3A_332] : memref<10000x128xf32, #tpu.memory_space<hbm>> -> memref<10000x128xf32, #tpu.memory_space<hbm>>
      tpu.wait_indirect_dma semaphore(%arg22 : memref<!tpu.dma_semaphore, #tpu.memory_space<semaphore_mem>>) src(%dma_wait3A_333 : memref<10000x128xf32, #tpu.memory_space<hbm>>) dst(%arg12 : memref<80x128xf32, #tpu.memory_space<vmem>>)
      %dma_start3A_334 = arith.constant 1 : i32
      %dma_start3A_335 = arith.constant 0 : i32
      %dma_start3A_336 = tpu.memref_slice %arg6[%dma_start3A_334, %dma_start3A_335] : memref<2x80xi32, #tpu.memory_space<vmem>> -> memref<1x80xi32, #tpu.memory_space<vmem>>
      %dma_start3A_337 = tpu.memref_squeeze %dma_start3A_336 : memref<1x80xi32, #tpu.memory_space<vmem>> -> memref<80xi32, #tpu.memory_space<vmem>>
      %dma_start3A_338 = arith.constant 0 : i32
      %dma_start3A_339 = arith.constant 0 : i32
      %dma_start3A_340 = tpu.memref_slice %arg14[%dma_start3A_338, %dma_start3A_339] : memref<10240x128xf32, #tpu.memory_space<vmem_shared>> -> memref<10240x128xf32, #tpu.memory_space<vmem_shared>>
      tpu.enqueue_indirect_dma source(%arg12 : memref<80x128xf32, #tpu.memory_space<vmem>>) target(%dma_start3A_340 : memref<10240x128xf32, #tpu.memory_space<vmem_shared>>) offsets(%dma_start3A_337 : memref<80xi32, #tpu.memory_space<vmem>>) semaphore(%arg25 : memref<!tpu.dma_semaphore, #tpu.memory_space<semaphore_mem>>) {add = true}
      %dma_wait3A_341 = arith.constant 0 : i32
      %dma_wait3A_342 = arith.constant 0 : i32
      %dma_wait3A_343 = tpu.memref_slice %arg7[%dma_wait3A_341, %dma_wait3A_342] : memref<2x80xi32, #tpu.memory_space<vmem>> -> memref<1x80xi32, #tpu.memory_space<vmem>>
      %dma_wait3A_344 = tpu.memref_squeeze %dma_wait3A_343 : memref<1x80xi32, #tpu.memory_space<vmem>> -> memref<80xi32, #tpu.memory_space<vmem>>
      %dma_wait3A_345 = arith.constant 0 : i32
      %dma_wait3A_346 = arith.constant 0 : i32
      %dma_wait3A_347 = tpu.memref_slice %arg2[%dma_wait3A_345, %dma_wait3A_346] : memref<10000x128xf32, #tpu.memory_space<hbm>> -> memref<10000x128xf32, #tpu.memory_space<hbm>>
      tpu.wait_indirect_dma semaphore(%arg23 : memref<!tpu.dma_semaphore, #tpu.memory_space<semaphore_mem>>) src(%dma_wait3A_347 : memref<10000x128xf32, #tpu.memory_space<hbm>>) dst(%arg13 : memref<80x128xf32, #tpu.memory_space<vmem>>)
      %dma_start3A_348 = arith.constant 1 : i32
      %dma_start3A_349 = arith.constant 0 : i32
      %dma_start3A_350 = tpu.memref_slice %arg7[%dma_start3A_348, %dma_start3A_349] : memref<2x80xi32, #tpu.memory_space<vmem>> -> memref<1x80xi32, #tpu.memory_space<vmem>>
      %dma_start3A_351 = tpu.memref_squeeze %dma_start3A_350 : memref<1x80xi32, #tpu.memory_space<vmem>> -> memref<80xi32, #tpu.memory_space<vmem>>
      %dma_start3A_352 = arith.constant 0 : i32
      %dma_start3A_353 = arith.constant 0 : i32
      %dma_start3A_354 = tpu.memref_slice %arg14[%dma_start3A_352, %dma_start3A_353] : memref<10240x128xf32, #tpu.memory_space<vmem_shared>> -> memref<10240x128xf32, #tpu.memory_space<vmem_shared>>
      tpu.enqueue_indirect_dma source(%arg13 : memref<80x128xf32, #tpu.memory_space<vmem>>) target(%dma_start3A_354 : memref<10240x128xf32, #tpu.memory_space<vmem_shared>>) offsets(%dma_start3A_351 : memref<80xi32, #tpu.memory_space<vmem>>) semaphore(%arg26 : memref<!tpu.dma_semaphore, #tpu.memory_space<semaphore_mem>>) {add = true}
      %dma_wait3A_355 = arith.constant 1 : i32
      %dma_wait3A_356 = arith.constant 0 : i32
      %dma_wait3A_357 = tpu.memref_slice %arg5[%dma_wait3A_355, %dma_wait3A_356] : memref<2x80xi32, #tpu.memory_space<vmem>> -> memref<1x80xi32, #tpu.memory_space<vmem>>
      %dma_wait3A_358 = tpu.memref_squeeze %dma_wait3A_357 : memref<1x80xi32, #tpu.memory_space<vmem>> -> memref<80xi32, #tpu.memory_space<vmem>>
      %dma_wait3A_359 = arith.constant 0 : i32
      %dma_wait3A_360 = arith.constant 0 : i32
      %dma_wait3A_361 = tpu.memref_slice %arg14[%dma_wait3A_359, %dma_wait3A_360] : memref<10240x128xf32, #tpu.memory_space<vmem_shared>> -> memref<10240x128xf32, #tpu.memory_space<vmem_shared>>
      tpu.wait_indirect_dma semaphore(%arg24 : memref<!tpu.dma_semaphore, #tpu.memory_space<semaphore_mem>>) src(%arg11 : memref<80x128xf32, #tpu.memory_space<vmem>>) dst(%dma_wait3A_361 : memref<10240x128xf32, #tpu.memory_space<vmem_shared>>)
      %add3A_362 = arith.constant 2 : i32
      %add3A_363 = arith.addi %add3A_312, %add3A_362 : i32
      %mul3A_364 = arith.constant 3 : i32
      %mul3A_365 = arith.muli %add3A_363, %mul3A_364 : i32
      %add3A_366 = arith.constant 0 : i32
      %add3A_367 = arith.addi %mul3A_365, %add3A_366 : i32
      %dma_start3A_368 = arith.constant 0 : i32
      %dma_start3A_369 = arith.constant 0 : i32
      %dma_start3A_370 = tpu.memref_slice %arg3[%add3A, %add3A_367, %dma_start3A_368, %dma_start3A_369] : memref<32x126x2x80xi32, #tpu.memory_space<hbm>> -> memref<1x1x2x80xi32, #tpu.memory_space<hbm>>
      %dma_start3A_371 = tpu.memref_squeeze %dma_start3A_370 : memref<1x1x2x80xi32, #tpu.memory_space<hbm>> -> memref<2x80xi32, #tpu.memory_space<hbm>>
      %dma_start3A_372 = arith.constant 0 : i32
      %dma_start3A_373 = arith.constant 0 : i32
      %dma_start3A_374 = tpu.memref_slice %arg3[%add3A, %add3A_367, %dma_start3A_372, %dma_start3A_373] : memref<32x126x2x80xi32, #tpu.memory_space<hbm>> -> memref<1x1x2x80xi32, #tpu.memory_space<hbm>>
      %dma_start3A_375 = tpu.memref_squeeze %dma_start3A_374 : memref<1x1x2x80xi32, #tpu.memory_space<hbm>> -> memref<2x80xi32, #tpu.memory_space<hbm>>
      tpu.enqueue_dma source(%dma_start3A_375 : memref<2x80xi32, #tpu.memory_space<hbm>>) target(%arg5 : memref<2x80xi32, #tpu.memory_space<vmem>>) target_semaphore(%arg15 : memref<!tpu.dma_semaphore, #tpu.memory_space<semaphore_mem>>)
      %add3A_376 = arith.constant 1 : i32
      %add3A_377 = arith.addi %add3A_312, %add3A_376 : i32
      %mul3A_378 = arith.constant 3 : i32
      %mul3A_379 = arith.muli %add3A_377, %mul3A_378 : i32
      %add3A_380 = arith.constant 0 : i32
      %add3A_381 = arith.addi %mul3A_379, %add3A_380 : i32
      %dma_wait3A_382 = arith.constant 0 : i32
      %dma_wait3A_383 = arith.constant 0 : i32
      %dma_wait3A_384 = tpu.memref_slice %arg3[%add3A, %add3A_381, %dma_wait3A_382, %dma_wait3A_383] : memref<32x126x2x80xi32, #tpu.memory_space<hbm>> -> memref<1x1x2x80xi32, #tpu.memory_space<hbm>>
      %dma_wait3A_385 = tpu.memref_squeeze %dma_wait3A_384 : memref<1x1x2x80xi32, #tpu.memory_space<hbm>> -> memref<2x80xi32, #tpu.memory_space<hbm>>
      %dma_wait3A_386 = arith.constant 0 : i32
      %dma_wait3A_387 = arith.constant 0 : i32
      %dma_wait3A_388 = tpu.memref_slice %arg3[%add3A, %add3A_381, %dma_wait3A_386, %dma_wait3A_387] : memref<32x126x2x80xi32, #tpu.memory_space<hbm>> -> memref<1x1x2x80xi32, #tpu.memory_space<hbm>>
      %dma_wait3A_389 = tpu.memref_squeeze %dma_wait3A_388 : memref<1x1x2x80xi32, #tpu.memory_space<hbm>> -> memref<2x80xi32, #tpu.memory_space<hbm>>
      tpu.wait_dma2 semaphore(%arg18 : memref<!tpu.dma_semaphore, #tpu.memory_space<semaphore_mem>>) src(%dma_wait3A_389 : memref<2x80xi32, #tpu.memory_space<hbm>>) dst(%arg8 : memref<2x80xi32, #tpu.memory_space<vmem>>)
      %dma_start3A_390 = arith.constant 0 : i32
      %dma_start3A_391 = arith.constant 0 : i32
      %dma_start3A_392 = tpu.memref_slice %arg8[%dma_start3A_390, %dma_start3A_391] : memref<2x80xi32, #tpu.memory_space<vmem>> -> memref<1x80xi32, #tpu.memory_space<vmem>>
      %dma_start3A_393 = tpu.memref_squeeze %dma_start3A_392 : memref<1x80xi32, #tpu.memory_space<vmem>> -> memref<80xi32, #tpu.memory_space<vmem>>
      %dma_start3A_394 = arith.constant 0 : i32
      %dma_start3A_395 = arith.constant 0 : i32
      %dma_start3A_396 = tpu.memref_slice %arg2[%dma_start3A_394, %dma_start3A_395] : memref<10000x128xf32, #tpu.memory_space<hbm>> -> memref<10000x128xf32, #tpu.memory_space<hbm>>
      tpu.enqueue_indirect_dma source(%dma_start3A_396 : memref<10000x128xf32, #tpu.memory_space<hbm>>) target(%arg11 : memref<80x128xf32, #tpu.memory_space<vmem>>) offsets(%dma_start3A_393 : memref<80xi32, #tpu.memory_space<vmem>>) semaphore(%arg21 : memref<!tpu.dma_semaphore, #tpu.memory_space<semaphore_mem>>)
      %dma_wait3A_397 = arith.constant 1 : i32
      %dma_wait3A_398 = arith.constant 0 : i32
      %dma_wait3A_399 = tpu.memref_slice %arg6[%dma_wait3A_397, %dma_wait3A_398] : memref<2x80xi32, #tpu.memory_space<vmem>> -> memref<1x80xi32, #tpu.memory_space<vmem>>
      %dma_wait3A_400 = tpu.memref_squeeze %dma_wait3A_399 : memref<1x80xi32, #tpu.memory_space<vmem>> -> memref<80xi32, #tpu.memory_space<vmem>>
      %dma_wait3A_401 = arith.constant 0 : i32
      %dma_wait3A_402 = arith.constant 0 : i32
      %dma_wait3A_403 = tpu.memref_slice %arg14[%dma_wait3A_401, %dma_wait3A_402] : memref<10240x128xf32, #tpu.memory_space<vmem_shared>> -> memref<10240x128xf32, #tpu.memory_space<vmem_shared>>
      tpu.wait_indirect_dma semaphore(%arg25 : memref<!tpu.dma_semaphore, #tpu.memory_space<semaphore_mem>>) src(%arg12 : memref<80x128xf32, #tpu.memory_space<vmem>>) dst(%dma_wait3A_403 : memref<10240x128xf32, #tpu.memory_space<vmem_shared>>)
      %add3A_404 = arith.constant 2 : i32
      %add3A_405 = arith.addi %add3A_312, %add3A_404 : i32
      %mul3A_406 = arith.constant 3 : i32
      %mul3A_407 = arith.muli %add3A_405, %mul3A_406 : i32
      %add3A_408 = arith.constant 1 : i32
      %add3A_409 = arith.addi %mul3A_407, %add3A_408 : i32
      %dma_start3A_410 = arith.constant 0 : i32
      %dma_start3A_411 = arith.constant 0 : i32
      %dma_start3A_412 = tpu.memref_slice %arg3[%add3A, %add3A_409, %dma_start3A_410, %dma_start3A_411] : memref<32x126x2x80xi32, #tpu.memory_space<hbm>> -> memref<1x1x2x80xi32, #tpu.memory_space<hbm>>
      %dma_start3A_413 = tpu.memref_squeeze %dma_start3A_412 : memref<1x1x2x80xi32, #tpu.memory_space<hbm>> -> memref<2x80xi32, #tpu.memory_space<hbm>>
      %dma_start3A_414 = arith.constant 0 : i32
      %dma_start3A_415 = arith.constant 0 : i32
      %dma_start3A_416 = tpu.memref_slice %arg3[%add3A, %add3A_409, %dma_start3A_414, %dma_start3A_415] : memref<32x126x2x80xi32, #tpu.memory_space<hbm>> -> memref<1x1x2x80xi32, #tpu.memory_space<hbm>>
      %dma_start3A_417 = tpu.memref_squeeze %dma_start3A_416 : memref<1x1x2x80xi32, #tpu.memory_space<hbm>> -> memref<2x80xi32, #tpu.memory_space<hbm>>
      tpu.enqueue_dma source(%dma_start3A_417 : memref<2x80xi32, #tpu.memory_space<hbm>>) target(%arg6 : memref<2x80xi32, #tpu.memory_space<vmem>>) target_semaphore(%arg16 : memref<!tpu.dma_semaphore, #tpu.memory_space<semaphore_mem>>)
      %add3A_418 = arith.constant 1 : i32
      %add3A_419 = arith.addi %add3A_312, %add3A_418 : i32
      %mul3A_420 = arith.constant 3 : i32
      %mul3A_421 = arith.muli %add3A_419, %mul3A_420 : i32
      %add3A_422 = arith.constant 1 : i32
      %add3A_423 = arith.addi %mul3A_421, %add3A_422 : i32
      %dma_wait3A_424 = arith.constant 0 : i32
      %dma_wait3A_425 = arith.constant 0 : i32
      %dma_wait3A_426 = tpu.memref_slice %arg3[%add3A, %add3A_423, %dma_wait3A_424, %dma_wait3A_425] : memref<32x126x2x80xi32, #tpu.memory_space<hbm>> -> memref<1x1x2x80xi32, #tpu.memory_space<hbm>>
      %dma_wait3A_427 = tpu.memref_squeeze %dma_wait3A_426 : memref<1x1x2x80xi32, #tpu.memory_space<hbm>> -> memref<2x80xi32, #tpu.memory_space<hbm>>
      %dma_wait3A_428 = arith.constant 0 : i32
      %dma_wait3A_429 = arith.constant 0 : i32
      %dma_wait3A_430 = tpu.memref_slice %arg3[%add3A, %add3A_423, %dma_wait3A_428, %dma_wait3A_429] : memref<32x126x2x80xi32, #tpu.memory_space<hbm>> -> memref<1x1x2x80xi32, #tpu.memory_space<hbm>>
      %dma_wait3A_431 = tpu.memref_squeeze %dma_wait3A_430 : memref<1x1x2x80xi32, #tpu.memory_space<hbm>> -> memref<2x80xi32, #tpu.memory_space<hbm>>
      tpu.wait_dma2 semaphore(%arg19 : memref<!tpu.dma_semaphore, #tpu.memory_space<semaphore_mem>>) src(%dma_wait3A_431 : memref<2x80xi32, #tpu.memory_space<hbm>>) dst(%arg9 : memref<2x80xi32, #tpu.memory_space<vmem>>)
      %dma_start3A_432 = arith.constant 0 : i32
      %dma_start3A_433 = arith.constant 0 : i32
      %dma_start3A_434 = tpu.memref_slice %arg9[%dma_start3A_432, %dma_start3A_433] : memref<2x80xi32, #tpu.memory_space<vmem>> -> memref<1x80xi32, #tpu.memory_space<vmem>>
      %dma_start3A_435 = tpu.memref_squeeze %dma_start3A_434 : memref<1x80xi32, #tpu.memory_space<vmem>> -> memref<80xi32, #tpu.memory_space<vmem>>
      %dma_start3A_436 = arith.constant 0 : i32
      %dma_start3A_437 = arith.constant 0 : i32
      %dma_start3A_438 = tpu.memref_slice %arg2[%dma_start3A_436, %dma_start3A_437] : memref<10000x128xf32, #tpu.memory_space<hbm>> -> memref<10000x128xf32, #tpu.memory_space<hbm>>
      tpu.enqueue_indirect_dma source(%dma_start3A_438 : memref<10000x128xf32, #tpu.memory_space<hbm>>) target(%arg12 : memref<80x128xf32, #tpu.memory_space<vmem>>) offsets(%dma_start3A_435 : memref<80xi32, #tpu.memory_space<vmem>>) semaphore(%arg22 : memref<!tpu.dma_semaphore, #tpu.memory_space<semaphore_mem>>)
      %dma_wait3A_439 = arith.constant 1 : i32
      %dma_wait3A_440 = arith.constant 0 : i32
      %dma_wait3A_441 = tpu.memref_slice %arg7[%dma_wait3A_439, %dma_wait3A_440] : memref<2x80xi32, #tpu.memory_space<vmem>> -> memref<1x80xi32, #tpu.memory_space<vmem>>
      %dma_wait3A_442 = tpu.memref_squeeze %dma_wait3A_441 : memref<1x80xi32, #tpu.memory_space<vmem>> -> memref<80xi32, #tpu.memory_space<vmem>>
      %dma_wait3A_443 = arith.constant 0 : i32
      %dma_wait3A_444 = arith.constant 0 : i32
      %dma_wait3A_445 = tpu.memref_slice %arg14[%dma_wait3A_443, %dma_wait3A_444] : memref<10240x128xf32, #tpu.memory_space<vmem_shared>> -> memref<10240x128xf32, #tpu.memory_space<vmem_shared>>
      tpu.wait_indirect_dma semaphore(%arg26 : memref<!tpu.dma_semaphore, #tpu.memory_space<semaphore_mem>>) src(%arg13 : memref<80x128xf32, #tpu.memory_space<vmem>>) dst(%dma_wait3A_445 : memref<10240x128xf32, #tpu.memory_space<vmem_shared>>)
      %add3A_446 = arith.constant 2 : i32
      %add3A_447 = arith.addi %add3A_312, %add3A_446 : i32
      %mul3A_448 = arith.constant 3 : i32
      %mul3A_449 = arith.muli %add3A_447, %mul3A_448 : i32
      %add3A_450 = arith.constant 2 : i32
      %add3A_451 = arith.addi %mul3A_449, %add3A_450 : i32
      %dma_start3A_452 = arith.constant 0 : i32
      %dma_start3A_453 = arith.constant 0 : i32
      %dma_start3A_454 = tpu.memref_slice %arg3[%add3A, %add3A_451, %dma_start3A_452, %dma_start3A_453] : memref<32x126x2x80xi32, #tpu.memory_space<hbm>> -> memref<1x1x2x80xi32, #tpu.memory_space<hbm>>
      %dma_start3A_455 = tpu.memref_squeeze %dma_start3A_454 : memref<1x1x2x80xi32, #tpu.memory_space<hbm>> -> memref<2x80xi32, #tpu.memory_space<hbm>>
      %dma_start3A_456 = arith.constant 0 : i32
      %dma_start3A_457 = arith.constant 0 : i32
      %dma_start3A_458 = tpu.memref_slice %arg3[%add3A, %add3A_451, %dma_start3A_456, %dma_start3A_457] : memref<32x126x2x80xi32, #tpu.memory_space<hbm>> -> memref<1x1x2x80xi32, #tpu.memory_space<hbm>>
      %dma_start3A_459 = tpu.memref_squeeze %dma_start3A_458 : memref<1x1x2x80xi32, #tpu.memory_space<hbm>> -> memref<2x80xi32, #tpu.memory_space<hbm>>
      tpu.enqueue_dma source(%dma_start3A_459 : memref<2x80xi32, #tpu.memory_space<hbm>>) target(%arg7 : memref<2x80xi32, #tpu.memory_space<vmem>>) target_semaphore(%arg17 : memref<!tpu.dma_semaphore, #tpu.memory_space<semaphore_mem>>)
      %add3A_460 = arith.constant 1 : i32
      %add3A_461 = arith.addi %add3A_312, %add3A_460 : i32
      %mul3A_462 = arith.constant 3 : i32
      %mul3A_463 = arith.muli %add3A_461, %mul3A_462 : i32
      %add3A_464 = arith.constant 2 : i32
      %add3A_465 = arith.addi %mul3A_463, %add3A_464 : i32
      %dma_wait3A_466 = arith.constant 0 : i32
      %dma_wait3A_467 = arith.constant 0 : i32
      %dma_wait3A_468 = tpu.memref_slice %arg3[%add3A, %add3A_465, %dma_wait3A_466, %dma_wait3A_467] : memref<32x126x2x80xi32, #tpu.memory_space<hbm>> -> memref<1x1x2x80xi32, #tpu.memory_space<hbm>>
      %dma_wait3A_469 = tpu.memref_squeeze %dma_wait3A_468 : memref<1x1x2x80xi32, #tpu.memory_space<hbm>> -> memref<2x80xi32, #tpu.memory_space<hbm>>
      %dma_wait3A_470 = arith.constant 0 : i32
      %dma_wait3A_471 = arith.constant 0 : i32
      %dma_wait3A_472 = tpu.memref_slice %arg3[%add3A, %add3A_465, %dma_wait3A_470, %dma_wait3A_471] : memref<32x126x2x80xi32, #tpu.memory_space<hbm>> -> memref<1x1x2x80xi32, #tpu.memory_space<hbm>>
      %dma_wait3A_473 = tpu.memref_squeeze %dma_wait3A_472 : memref<1x1x2x80xi32, #tpu.memory_space<hbm>> -> memref<2x80xi32, #tpu.memory_space<hbm>>
      tpu.wait_dma2 semaphore(%arg20 : memref<!tpu.dma_semaphore, #tpu.memory_space<semaphore_mem>>) src(%dma_wait3A_473 : memref<2x80xi32, #tpu.memory_space<hbm>>) dst(%arg10 : memref<2x80xi32, #tpu.memory_space<vmem>>)
      %dma_start3A_474 = arith.constant 0 : i32
      %dma_start3A_475 = arith.constant 0 : i32
      %dma_start3A_476 = tpu.memref_slice %arg10[%dma_start3A_474, %dma_start3A_475] : memref<2x80xi32, #tpu.memory_space<vmem>> -> memref<1x80xi32, #tpu.memory_space<vmem>>
      %dma_start3A_477 = tpu.memref_squeeze %dma_start3A_476 : memref<1x80xi32, #tpu.memory_space<vmem>> -> memref<80xi32, #tpu.memory_space<vmem>>
      %dma_start3A_478 = arith.constant 0 : i32
      %dma_start3A_479 = arith.constant 0 : i32
      %dma_start3A_480 = tpu.memref_slice %arg2[%dma_start3A_478, %dma_start3A_479] : memref<10000x128xf32, #tpu.memory_space<hbm>> -> memref<10000x128xf32, #tpu.memory_space<hbm>>
      tpu.enqueue_indirect_dma source(%dma_start3A_480 : memref<10000x128xf32, #tpu.memory_space<hbm>>) target(%arg13 : memref<80x128xf32, #tpu.memory_space<vmem>>) offsets(%dma_start3A_477 : memref<80xi32, #tpu.memory_space<vmem>>) semaphore(%arg23 : memref<!tpu.dma_semaphore, #tpu.memory_space<semaphore_mem>>)
      %mul3A_481 = arith.constant 2 : i32
      %mul3A_482 = arith.muli %mul3A_481, %scan3A_308 : i32
      %add3A_483 = arith.constant 1 : i32
      %add3A_484 = arith.addi %mul3A_482, %add3A_483 : i32
      %dma_wait3A_485 = arith.constant 0 : i32
      %dma_wait3A_486 = arith.constant 0 : i32
      %dma_wait3A_487 = tpu.memref_slice %arg8[%dma_wait3A_485, %dma_wait3A_486] : memref<2x80xi32, #tpu.memory_space<vmem>> -> memref<1x80xi32, #tpu.memory_space<vmem>>
      %dma_wait3A_488 = tpu.memref_squeeze %dma_wait3A_487 : memref<1x80xi32, #tpu.memory_space<vmem>> -> memref<80xi32, #tpu.memory_space<vmem>>
      %dma_wait3A_489 = arith.constant 0 : i32
      %dma_wait3A_490 = arith.constant 0 : i32
      %dma_wait3A_491 = tpu.memref_slice %arg2[%dma_wait3A_489, %dma_wait3A_490] : memref<10000x128xf32, #tpu.memory_space<hbm>> -> memref<10000x128xf32, #tpu.memory_space<hbm>>
      tpu.wait_indirect_dma semaphore(%arg21 : memref<!tpu.dma_semaphore, #tpu.memory_space<semaphore_mem>>) src(%dma_wait3A_491 : memref<10000x128xf32, #tpu.memory_space<hbm>>) dst(%arg11 : memref<80x128xf32, #tpu.memory_space<vmem>>)
      %dma_start3A_492 = arith.constant 1 : i32
      %dma_start3A_493 = arith.constant 0 : i32
      %dma_start3A_494 = tpu.memref_slice %arg8[%dma_start3A_492, %dma_start3A_493] : memref<2x80xi32, #tpu.memory_space<vmem>> -> memref<1x80xi32, #tpu.memory_space<vmem>>
      %dma_start3A_495 = tpu.memref_squeeze %dma_start3A_494 : memref<1x80xi32, #tpu.memory_space<vmem>> -> memref<80xi32, #tpu.memory_space<vmem>>
      %dma_start3A_496 = arith.constant 0 : i32
      %dma_start3A_497 = arith.constant 0 : i32
      %dma_start3A_498 = tpu.memref_slice %arg14[%dma_start3A_496, %dma_start3A_497] : memref<10240x128xf32, #tpu.memory_space<vmem_shared>> -> memref<10240x128xf32, #tpu.memory_space<vmem_shared>>
      tpu.enqueue_indirect_dma source(%arg11 : memref<80x128xf32, #tpu.memory_space<vmem>>) target(%dma_start3A_498 : memref<10240x128xf32, #tpu.memory_space<vmem_shared>>) offsets(%dma_start3A_495 : memref<80xi32, #tpu.memory_space<vmem>>) semaphore(%arg24 : memref<!tpu.dma_semaphore, #tpu.memory_space<semaphore_mem>>) {add = true}
      %dma_wait3A_499 = arith.constant 0 : i32
      %dma_wait3A_500 = arith.constant 0 : i32
      %dma_wait3A_501 = tpu.memref_slice %arg9[%dma_wait3A_499, %dma_wait3A_500] : memref<2x80xi32, #tpu.memory_space<vmem>> -> memref<1x80xi32, #tpu.memory_space<vmem>>
      %dma_wait3A_502 = tpu.memref_squeeze %dma_wait3A_501 : memref<1x80xi32, #tpu.memory_space<vmem>> -> memref<80xi32, #tpu.memory_space<vmem>>
      %dma_wait3A_503 = arith.constant 0 : i32
      %dma_wait3A_504 = arith.constant 0 : i32
      %dma_wait3A_505 = tpu.memref_slice %arg2[%dma_wait3A_503, %dma_wait3A_504] : memref<10000x128xf32, #tpu.memory_space<hbm>> -> memref<10000x128xf32, #tpu.memory_space<hbm>>
      tpu.wait_indirect_dma semaphore(%arg22 : memref<!tpu.dma_semaphore, #tpu.memory_space<semaphore_mem>>) src(%dma_wait3A_505 : memref<10000x128xf32, #tpu.memory_space<hbm>>) dst(%arg12 : memref<80x128xf32, #tpu.memory_space<vmem>>)
      %dma_start3A_506 = arith.constant 1 : i32
      %dma_start3A_507 = arith.constant 0 : i32
      %dma_start3A_508 = tpu.memref_slice %arg9[%dma_start3A_506, %dma_start3A_507] : memref<2x80xi32, #tpu.memory_space<vmem>> -> memref<1x80xi32, #tpu.memory_space<vmem>>
      %dma_start3A_509 = tpu.memref_squeeze %dma_start3A_508 : memref<1x80xi32, #tpu.memory_space<vmem>> -> memref<80xi32, #tpu.memory_space<vmem>>
      %dma_start3A_510 = arith.constant 0 : i32
      %dma_start3A_511 = arith.constant 0 : i32
      %dma_start3A_512 = tpu.memref_slice %arg14[%dma_start3A_510, %dma_start3A_511] : memref<10240x128xf32, #tpu.memory_space<vmem_shared>> -> memref<10240x128xf32, #tpu.memory_space<vmem_shared>>
      tpu.enqueue_indirect_dma source(%arg12 : memref<80x128xf32, #tpu.memory_space<vmem>>) target(%dma_start3A_512 : memref<10240x128xf32, #tpu.memory_space<vmem_shared>>) offsets(%dma_start3A_509 : memref<80xi32, #tpu.memory_space<vmem>>) semaphore(%arg25 : memref<!tpu.dma_semaphore, #tpu.memory_space<semaphore_mem>>) {add = true}
      %dma_wait3A_513 = arith.constant 0 : i32
      %dma_wait3A_514 = arith.constant 0 : i32
      %dma_wait3A_515 = tpu.memref_slice %arg10[%dma_wait3A_513, %dma_wait3A_514] : memref<2x80xi32, #tpu.memory_space<vmem>> -> memref<1x80xi32, #tpu.memory_space<vmem>>
      %dma_wait3A_516 = tpu.memref_squeeze %dma_wait3A_515 : memref<1x80xi32, #tpu.memory_space<vmem>> -> memref<80xi32, #tpu.memory_space<vmem>>
      %dma_wait3A_517 = arith.constant 0 : i32
      %dma_wait3A_518 = arith.constant 0 : i32
      %dma_wait3A_519 = tpu.memref_slice %arg2[%dma_wait3A_517, %dma_wait3A_518] : memref<10000x128xf32, #tpu.memory_space<hbm>> -> memref<10000x128xf32, #tpu.memory_space<hbm>>
      tpu.wait_indirect_dma semaphore(%arg23 : memref<!tpu.dma_semaphore, #tpu.memory_space<semaphore_mem>>) src(%dma_wait3A_519 : memref<10000x128xf32, #tpu.memory_space<hbm>>) dst(%arg13 : memref<80x128xf32, #tpu.memory_space<vmem>>)
      %dma_start3A_520 = arith.constant 1 : i32
      %dma_start3A_521 = arith.constant 0 : i32
      %dma_start3A_522 = tpu.memref_slice %arg10[%dma_start3A_520, %dma_start3A_521] : memref<2x80xi32, #tpu.memory_space<vmem>> -> memref<1x80xi32, #tpu.memory_space<vmem>>
      %dma_start3A_523 = tpu.memref_squeeze %dma_start3A_522 : memref<1x80xi32, #tpu.memory_space<vmem>> -> memref<80xi32, #tpu.memory_space<vmem>>
      %dma_start3A_524 = arith.constant 0 : i32
      %dma_start3A_525 = arith.constant 0 : i32
      %dma_start3A_526 = tpu.memref_slice %arg14[%dma_start3A_524, %dma_start3A_525] : memref<10240x128xf32, #tpu.memory_space<vmem_shared>> -> memref<10240x128xf32, #tpu.memory_space<vmem_shared>>
      tpu.enqueue_indirect_dma source(%arg13 : memref<80x128xf32, #tpu.memory_space<vmem>>) target(%dma_start3A_526 : memref<10240x128xf32, #tpu.memory_space<vmem_shared>>) offsets(%dma_start3A_523 : memref<80xi32, #tpu.memory_space<vmem>>) semaphore(%arg26 : memref<!tpu.dma_semaphore, #tpu.memory_space<semaphore_mem>>) {add = true}
      %dma_wait3A_527 = arith.constant 1 : i32
      %dma_wait3A_528 = arith.constant 0 : i32
      %dma_wait3A_529 = tpu.memref_slice %arg8[%dma_wait3A_527, %dma_wait3A_528] : memref<2x80xi32, #tpu.memory_space<vmem>> -> memref<1x80xi32, #tpu.memory_space<vmem>>
      %dma_wait3A_530 = tpu.memref_squeeze %dma_wait3A_529 : memref<1x80xi32, #tpu.memory_space<vmem>> -> memref<80xi32, #tpu.memory_space<vmem>>
      %dma_wait3A_531 = arith.constant 0 : i32
      %dma_wait3A_532 = arith.constant 0 : i32
      %dma_wait3A_533 = tpu.memref_slice %arg14[%dma_wait3A_531, %dma_wait3A_532] : memref<10240x128xf32, #tpu.memory_space<vmem_shared>> -> memref<10240x128xf32, #tpu.memory_space<vmem_shared>>
      tpu.wait_indirect_dma semaphore(%arg24 : memref<!tpu.dma_semaphore, #tpu.memory_space<semaphore_mem>>) src(%arg11 : memref<80x128xf32, #tpu.memory_space<vmem>>) dst(%dma_wait3A_533 : memref<10240x128xf32, #tpu.memory_space<vmem_shared>>)
      %add3A_534 = arith.constant 2 : i32
      %add3A_535 = arith.addi %add3A_484, %add3A_534 : i32
      %mul3A_536 = arith.constant 3 : i32
      %mul3A_537 = arith.muli %add3A_535, %mul3A_536 : i32
      %add3A_538 = arith.constant 0 : i32
      %add3A_539 = arith.addi %mul3A_537, %add3A_538 : i32
      %dma_start3A_540 = arith.constant 0 : i32
      %dma_start3A_541 = arith.constant 0 : i32
      %dma_start3A_542 = tpu.memref_slice %arg3[%add3A, %add3A_539, %dma_start3A_540, %dma_start3A_541] : memref<32x126x2x80xi32, #tpu.memory_space<hbm>> -> memref<1x1x2x80xi32, #tpu.memory_space<hbm>>
      %dma_start3A_543 = tpu.memref_squeeze %dma_start3A_542 : memref<1x1x2x80xi32, #tpu.memory_space<hbm>> -> memref<2x80xi32, #tpu.memory_space<hbm>>
      %dma_start3A_544 = arith.constant 0 : i32
      %dma_start3A_545 = arith.constant 0 : i32
      %dma_start3A_546 = tpu.memref_slice %arg3[%add3A, %add3A_539, %dma_start3A_544, %dma_start3A_545] : memref<32x126x2x80xi32, #tpu.memory_space<hbm>> -> memref<1x1x2x80xi32, #tpu.memory_space<hbm>>
      %dma_start3A_547 = tpu.memref_squeeze %dma_start3A_546 : memref<1x1x2x80xi32, #tpu.memory_space<hbm>> -> memref<2x80xi32, #tpu.memory_space<hbm>>
      tpu.enqueue_dma source(%dma_start3A_547 : memref<2x80xi32, #tpu.memory_space<hbm>>) target(%arg8 : memref<2x80xi32, #tpu.memory_space<vmem>>) target_semaphore(%arg18 : memref<!tpu.dma_semaphore, #tpu.memory_space<semaphore_mem>>)
      %add3A_548 = arith.constant 1 : i32
      %add3A_549 = arith.addi %add3A_484, %add3A_548 : i32
      %mul3A_550 = arith.constant 3 : i32
      %mul3A_551 = arith.muli %add3A_549, %mul3A_550 : i32
      %add3A_552 = arith.constant 0 : i32
      %add3A_553 = arith.addi %mul3A_551, %add3A_552 : i32
      %dma_wait3A_554 = arith.constant 0 : i32
      %dma_wait3A_555 = arith.constant 0 : i32
      %dma_wait3A_556 = tpu.memref_slice %arg3[%add3A, %add3A_553, %dma_wait3A_554, %dma_wait3A_555] : memref<32x126x2x80xi32, #tpu.memory_space<hbm>> -> memref<1x1x2x80xi32, #tpu.memory_space<hbm>>
      %dma_wait3A_557 = tpu.memref_squeeze %dma_wait3A_556 : memref<1x1x2x80xi32, #tpu.memory_space<hbm>> -> memref<2x80xi32, #tpu.memory_space<hbm>>
      %dma_wait3A_558 = arith.constant 0 : i32
      %dma_wait3A_559 = arith.constant 0 : i32
      %dma_wait3A_560 = tpu.memref_slice %arg3[%add3A, %add3A_553, %dma_wait3A_558, %dma_wait3A_559] : memref<32x126x2x80xi32, #tpu.memory_space<hbm>> -> memref<1x1x2x80xi32, #tpu.memory_space<hbm>>
      %dma_wait3A_561 = tpu.memref_squeeze %dma_wait3A_560 : memref<1x1x2x80xi32, #tpu.memory_space<hbm>> -> memref<2x80xi32, #tpu.memory_space<hbm>>
      tpu.wait_dma2 semaphore(%arg15 : memref<!tpu.dma_semaphore, #tpu.memory_space<semaphore_mem>>) src(%dma_wait3A_561 : memref<2x80xi32, #tpu.memory_space<hbm>>) dst(%arg5 : memref<2x80xi32, #tpu.memory_space<vmem>>)
      %dma_start3A_562 = arith.constant 0 : i32
      %dma_start3A_563 = arith.constant 0 : i32
      %dma_start3A_564 = tpu.memref_slice %arg5[%dma_start3A_562, %dma_start3A_563] : memref<2x80xi32, #tpu.memory_space<vmem>> -> memref<1x80xi32, #tpu.memory_space<vmem>>
      %dma_start3A_565 = tpu.memref_squeeze %dma_start3A_564 : memref<1x80xi32, #tpu.memory_space<vmem>> -> memref<80xi32, #tpu.memory_space<vmem>>
      %dma_start3A_566 = arith.constant 0 : i32
      %dma_start3A_567 = arith.constant 0 : i32
      %dma_start3A_568 = tpu.memref_slice %arg2[%dma_start3A_566, %dma_start3A_567] : memref<10000x128xf32, #tpu.memory_space<hbm>> -> memref<10000x128xf32, #tpu.memory_space<hbm>>
      tpu.enqueue_indirect_dma source(%dma_start3A_568 : memref<10000x128xf32, #tpu.memory_space<hbm>>) target(%arg11 : memref<80x128xf32, #tpu.memory_space<vmem>>) offsets(%dma_start3A_565 : memref<80xi32, #tpu.memory_space<vmem>>) semaphore(%arg21 : memref<!tpu.dma_semaphore, #tpu.memory_space<semaphore_mem>>)
      %dma_wait3A_569 = arith.constant 1 : i32
      %dma_wait3A_570 = arith.constant 0 : i32
      %dma_wait3A_571 = tpu.memref_slice %arg9[%dma_wait3A_569, %dma_wait3A_570] : memref<2x80xi32, #tpu.memory_space<vmem>> -> memref<1x80xi32, #tpu.memory_space<vmem>>
      %dma_wait3A_572 = tpu.memref_squeeze %dma_wait3A_571 : memref<1x80xi32, #tpu.memory_space<vmem>> -> memref<80xi32, #tpu.memory_space<vmem>>
      %dma_wait3A_573 = arith.constant 0 : i32
      %dma_wait3A_574 = arith.constant 0 : i32
      %dma_wait3A_575 = tpu.memref_slice %arg14[%dma_wait3A_573, %dma_wait3A_574] : memref<10240x128xf32, #tpu.memory_space<vmem_shared>> -> memref<10240x128xf32, #tpu.memory_space<vmem_shared>>
      tpu.wait_indirect_dma semaphore(%arg25 : memref<!tpu.dma_semaphore, #tpu.memory_space<semaphore_mem>>) src(%arg12 : memref<80x128xf32, #tpu.memory_space<vmem>>) dst(%dma_wait3A_575 : memref<10240x128xf32, #tpu.memory_space<vmem_shared>>)
      %add3A_576 = arith.constant 2 : i32
      %add3A_577 = arith.addi %add3A_484, %add3A_576 : i32
      %mul3A_578 = arith.constant 3 : i32
      %mul3A_579 = arith.muli %add3A_577, %mul3A_578 : i32
      %add3A_580 = arith.constant 1 : i32
      %add3A_581 = arith.addi %mul3A_579, %add3A_580 : i32
      %dma_start3A_582 = arith.constant 0 : i32
      %dma_start3A_583 = arith.constant 0 : i32
      %dma_start3A_584 = tpu.memref_slice %arg3[%add3A, %add3A_581, %dma_start3A_582, %dma_start3A_583] : memref<32x126x2x80xi32, #tpu.memory_space<hbm>> -> memref<1x1x2x80xi32, #tpu.memory_space<hbm>>
      %dma_start3A_585 = tpu.memref_squeeze %dma_start3A_584 : memref<1x1x2x80xi32, #tpu.memory_space<hbm>> -> memref<2x80xi32, #tpu.memory_space<hbm>>
      %dma_start3A_586 = arith.constant 0 : i32
      %dma_start3A_587 = arith.constant 0 : i32
      %dma_start3A_588 = tpu.memref_slice %arg3[%add3A, %add3A_581, %dma_start3A_586, %dma_start3A_587] : memref<32x126x2x80xi32, #tpu.memory_space<hbm>> -> memref<1x1x2x80xi32, #tpu.memory_space<hbm>>
      %dma_start3A_589 = tpu.memref_squeeze %dma_start3A_588 : memref<1x1x2x80xi32, #tpu.memory_space<hbm>> -> memref<2x80xi32, #tpu.memory_space<hbm>>
      tpu.enqueue_dma source(%dma_start3A_589 : memref<2x80xi32, #tpu.memory_space<hbm>>) target(%arg9 : memref<2x80xi32, #tpu.memory_space<vmem>>) target_semaphore(%arg19 : memref<!tpu.dma_semaphore, #tpu.memory_space<semaphore_mem>>)
      %add3A_590 = arith.constant 1 : i32
      %add3A_591 = arith.addi %add3A_484, %add3A_590 : i32
      %mul3A_592 = arith.constant 3 : i32
      %mul3A_593 = arith.muli %add3A_591, %mul3A_592 : i32
      %add3A_594 = arith.constant 1 : i32
      %add3A_595 = arith.addi %mul3A_593, %add3A_594 : i32
      %dma_wait3A_596 = arith.constant 0 : i32
      %dma_wait3A_597 = arith.constant 0 : i32
      %dma_wait3A_598 = tpu.memref_slice %arg3[%add3A, %add3A_595, %dma_wait3A_596, %dma_wait3A_597] : memref<32x126x2x80xi32, #tpu.memory_space<hbm>> -> memref<1x1x2x80xi32, #tpu.memory_space<hbm>>
      %dma_wait3A_599 = tpu.memref_squeeze %dma_wait3A_598 : memref<1x1x2x80xi32, #tpu.memory_space<hbm>> -> memref<2x80xi32, #tpu.memory_space<hbm>>
      %dma_wait3A_600 = arith.constant 0 : i32
      %dma_wait3A_601 = arith.constant 0 : i32
      %dma_wait3A_602 = tpu.memref_slice %arg3[%add3A, %add3A_595, %dma_wait3A_600, %dma_wait3A_601] : memref<32x126x2x80xi32, #tpu.memory_space<hbm>> -> memref<1x1x2x80xi32, #tpu.memory_space<hbm>>
      %dma_wait3A_603 = tpu.memref_squeeze %dma_wait3A_602 : memref<1x1x2x80xi32, #tpu.memory_space<hbm>> -> memref<2x80xi32, #tpu.memory_space<hbm>>
      tpu.wait_dma2 semaphore(%arg16 : memref<!tpu.dma_semaphore, #tpu.memory_space<semaphore_mem>>) src(%dma_wait3A_603 : memref<2x80xi32, #tpu.memory_space<hbm>>) dst(%arg6 : memref<2x80xi32, #tpu.memory_space<vmem>>)
      %dma_start3A_604 = arith.constant 0 : i32
      %dma_start3A_605 = arith.constant 0 : i32
      %dma_start3A_606 = tpu.memref_slice %arg6[%dma_start3A_604, %dma_start3A_605] : memref<2x80xi32, #tpu.memory_space<vmem>> -> memref<1x80xi32, #tpu.memory_space<vmem>>
      %dma_start3A_607 = tpu.memref_squeeze %dma_start3A_606 : memref<1x80xi32, #tpu.memory_space<vmem>> -> memref<80xi32, #tpu.memory_space<vmem>>
      %dma_start3A_608 = arith.constant 0 : i32
      %dma_start3A_609 = arith.constant 0 : i32
      %dma_start3A_610 = tpu.memref_slice %arg2[%dma_start3A_608, %dma_start3A_609] : memref<10000x128xf32, #tpu.memory_space<hbm>> -> memref<10000x128xf32, #tpu.memory_space<hbm>>
      tpu.enqueue_indirect_dma source(%dma_start3A_610 : memref<10000x128xf32, #tpu.memory_space<hbm>>) target(%arg12 : memref<80x128xf32, #tpu.memory_space<vmem>>) offsets(%dma_start3A_607 : memref<80xi32, #tpu.memory_space<vmem>>) semaphore(%arg22 : memref<!tpu.dma_semaphore, #tpu.memory_space<semaphore_mem>>)
      %dma_wait3A_611 = arith.constant 1 : i32
      %dma_wait3A_612 = arith.constant 0 : i32
      %dma_wait3A_613 = tpu.memref_slice %arg10[%dma_wait3A_611, %dma_wait3A_612] : memref<2x80xi32, #tpu.memory_space<vmem>> -> memref<1x80xi32, #tpu.memory_space<vmem>>
      %dma_wait3A_614 = tpu.memref_squeeze %dma_wait3A_613 : memref<1x80xi32, #tpu.memory_space<vmem>> -> memref<80xi32, #tpu.memory_space<vmem>>
      %dma_wait3A_615 = arith.constant 0 : i32
      %dma_wait3A_616 = arith.constant 0 : i32
      %dma_wait3A_617 = tpu.memref_slice %arg14[%dma_wait3A_615, %dma_wait3A_616] : memref<10240x128xf32, #tpu.memory_space<vmem_shared>> -> memref<10240x128xf32, #tpu.memory_space<vmem_shared>>
      tpu.wait_indirect_dma semaphore(%arg26 : memref<!tpu.dma_semaphore, #tpu.memory_space<semaphore_mem>>) src(%arg13 : memref<80x128xf32, #tpu.memory_space<vmem>>) dst(%dma_wait3A_617 : memref<10240x128xf32, #tpu.memory_space<vmem_shared>>)
      %add3A_618 = arith.constant 2 : i32
      %add3A_619 = arith.addi %add3A_484, %add3A_618 : i32
      %mul3A_620 = arith.constant 3 : i32
      %mul3A_621 = arith.muli %add3A_619, %mul3A_620 : i32
      %add3A_622 = arith.constant 2 : i32
      %add3A_623 = arith.addi %mul3A_621, %add3A_622 : i32
      %dma_start3A_624 = arith.constant 0 : i32
      %dma_start3A_625 = arith.constant 0 : i32
      %dma_start3A_626 = tpu.memref_slice %arg3[%add3A, %add3A_623, %dma_start3A_624, %dma_start3A_625] : memref<32x126x2x80xi32, #tpu.memory_space<hbm>> -> memref<1x1x2x80xi32, #tpu.memory_space<hbm>>
      %dma_start3A_627 = tpu.memref_squeeze %dma_start3A_626 : memref<1x1x2x80xi32, #tpu.memory_space<hbm>> -> memref<2x80xi32, #tpu.memory_space<hbm>>
      %dma_start3A_628 = arith.constant 0 : i32
      %dma_start3A_629 = arith.constant 0 : i32
      %dma_start3A_630 = tpu.memref_slice %arg3[%add3A, %add3A_623, %dma_start3A_628, %dma_start3A_629] : memref<32x126x2x80xi32, #tpu.memory_space<hbm>> -> memref<1x1x2x80xi32, #tpu.memory_space<hbm>>
      %dma_start3A_631 = tpu.memref_squeeze %dma_start3A_630 : memref<1x1x2x80xi32, #tpu.memory_space<hbm>> -> memref<2x80xi32, #tpu.memory_space<hbm>>
      tpu.enqueue_dma source(%dma_start3A_631 : memref<2x80xi32, #tpu.memory_space<hbm>>) target(%arg10 : memref<2x80xi32, #tpu.memory_space<vmem>>) target_semaphore(%arg20 : memref<!tpu.dma_semaphore, #tpu.memory_space<semaphore_mem>>)
      %add3A_632 = arith.constant 1 : i32
      %add3A_633 = arith.addi %add3A_484, %add3A_632 : i32
      %mul3A_634 = arith.constant 3 : i32
      %mul3A_635 = arith.muli %add3A_633, %mul3A_634 : i32
      %add3A_636 = arith.constant 2 : i32
      %add3A_637 = arith.addi %mul3A_635, %add3A_636 : i32
      %dma_wait3A_638 = arith.constant 0 : i32
      %dma_wait3A_639 = arith.constant 0 : i32
      %dma_wait3A_640 = tpu.memref_slice %arg3[%add3A, %add3A_637, %dma_wait3A_638, %dma_wait3A_639] : memref<32x126x2x80xi32, #tpu.memory_space<hbm>> -> memref<1x1x2x80xi32, #tpu.memory_space<hbm>>
      %dma_wait3A_641 = tpu.memref_squeeze %dma_wait3A_640 : memref<1x1x2x80xi32, #tpu.memory_space<hbm>> -> memref<2x80xi32, #tpu.memory_space<hbm>>
      %dma_wait3A_642 = arith.constant 0 : i32
      %dma_wait3A_643 = arith.constant 0 : i32
      %dma_wait3A_644 = tpu.memref_slice %arg3[%add3A, %add3A_637, %dma_wait3A_642, %dma_wait3A_643] : memref<32x126x2x80xi32, #tpu.memory_space<hbm>> -> memref<1x1x2x80xi32, #tpu.memory_space<hbm>>
      %dma_wait3A_645 = tpu.memref_squeeze %dma_wait3A_644 : memref<1x1x2x80xi32, #tpu.memory_space<hbm>> -> memref<2x80xi32, #tpu.memory_space<hbm>>
      tpu.wait_dma2 semaphore(%arg17 : memref<!tpu.dma_semaphore, #tpu.memory_space<semaphore_mem>>) src(%dma_wait3A_645 : memref<2x80xi32, #tpu.memory_space<hbm>>) dst(%arg7 : memref<2x80xi32, #tpu.memory_space<vmem>>)
      %dma_start3A_646 = arith.constant 0 : i32
      %dma_start3A_647 = arith.constant 0 : i32
      %dma_start3A_648 = tpu.memref_slice %arg7[%dma_start3A_646, %dma_start3A_647] : memref<2x80xi32, #tpu.memory_space<vmem>> -> memref<1x80xi32, #tpu.memory_space<vmem>>
      %dma_start3A_649 = tpu.memref_squeeze %dma_start3A_648 : memref<1x80xi32, #tpu.memory_space<vmem>> -> memref<80xi32, #tpu.memory_space<vmem>>
      %dma_start3A_650 = arith.constant 0 : i32
      %dma_start3A_651 = arith.constant 0 : i32
      %dma_start3A_652 = tpu.memref_slice %arg2[%dma_start3A_650, %dma_start3A_651] : memref<10000x128xf32, #tpu.memory_space<hbm>> -> memref<10000x128xf32, #tpu.memory_space<hbm>>
      tpu.enqueue_indirect_dma source(%dma_start3A_652 : memref<10000x128xf32, #tpu.memory_space<hbm>>) target(%arg13 : memref<80x128xf32, #tpu.memory_space<vmem>>) offsets(%dma_start3A_649 : memref<80xi32, #tpu.memory_space<vmem>>) semaphore(%arg23 : memref<!tpu.dma_semaphore, #tpu.memory_space<semaphore_mem>>)
    }
    %scan3A_130 = arith.constant 20 : i32
    %dma_wait3A_131 = arith.constant 0 : i32
    %dma_wait3A_132 = arith.constant 0 : i32
    %dma_wait3A_133 = tpu.memref_slice %arg5[%dma_wait3A_131, %dma_wait3A_132] : memref<2x80xi32, #tpu.memory_space<vmem>> -> memref<1x80xi32, #tpu.memory_space<vmem>>
    %dma_wait3A_134 = tpu.memref_squeeze %dma_wait3A_133 : memref<1x80xi32, #tpu.memory_space<vmem>> -> memref<80xi32, #tpu.memory_space<vmem>>
    %dma_wait3A_135 = arith.constant 0 : i32
    %dma_wait3A_136 = arith.constant 0 : i32
    %dma_wait3A_137 = tpu.memref_slice %arg2[%dma_wait3A_135, %dma_wait3A_136] : memref<10000x128xf32, #tpu.memory_space<hbm>> -> memref<10000x128xf32, #tpu.memory_space<hbm>>
    tpu.wait_indirect_dma semaphore(%arg21 : memref<!tpu.dma_semaphore, #tpu.memory_space<semaphore_mem>>) src(%dma_wait3A_137 : memref<10000x128xf32, #tpu.memory_space<hbm>>) dst(%arg11 : memref<80x128xf32, #tpu.memory_space<vmem>>)
    %dma_start3A_138 = arith.constant 1 : i32
    %dma_start3A_139 = arith.constant 0 : i32
    %dma_start3A_140 = tpu.memref_slice %arg5[%dma_start3A_138, %dma_start3A_139] : memref<2x80xi32, #tpu.memory_space<vmem>> -> memref<1x80xi32, #tpu.memory_space<vmem>>
    %dma_start3A_141 = tpu.memref_squeeze %dma_start3A_140 : memref<1x80xi32, #tpu.memory_space<vmem>> -> memref<80xi32, #tpu.memory_space<vmem>>
    %dma_start3A_142 = arith.constant 0 : i32
    %dma_start3A_143 = arith.constant 0 : i32
    %dma_start3A_144 = tpu.memref_slice %arg14[%dma_start3A_142, %dma_start3A_143] : memref<10240x128xf32, #tpu.memory_space<vmem_shared>> -> memref<10240x128xf32, #tpu.memory_space<vmem_shared>>
    tpu.enqueue_indirect_dma source(%arg11 : memref<80x128xf32, #tpu.memory_space<vmem>>) target(%dma_start3A_144 : memref<10240x128xf32, #tpu.memory_space<vmem_shared>>) offsets(%dma_start3A_141 : memref<80xi32, #tpu.memory_space<vmem>>) semaphore(%arg24 : memref<!tpu.dma_semaphore, #tpu.memory_space<semaphore_mem>>) {add = true}
    %dma_wait3A_145 = arith.constant 0 : i32
    %dma_wait3A_146 = arith.constant 0 : i32
    %dma_wait3A_147 = tpu.memref_slice %arg6[%dma_wait3A_145, %dma_wait3A_146] : memref<2x80xi32, #tpu.memory_space<vmem>> -> memref<1x80xi32, #tpu.memory_space<vmem>>
    %dma_wait3A_148 = tpu.memref_squeeze %dma_wait3A_147 : memref<1x80xi32, #tpu.memory_space<vmem>> -> memref<80xi32, #tpu.memory_space<vmem>>
    %dma_wait3A_149 = arith.constant 0 : i32
    %dma_wait3A_150 = arith.constant 0 : i32
    %dma_wait3A_151 = tpu.memref_slice %arg2[%dma_wait3A_149, %dma_wait3A_150] : memref<10000x128xf32, #tpu.memory_space<hbm>> -> memref<10000x128xf32, #tpu.memory_space<hbm>>
    tpu.wait_indirect_dma semaphore(%arg22 : memref<!tpu.dma_semaphore, #tpu.memory_space<semaphore_mem>>) src(%dma_wait3A_151 : memref<10000x128xf32, #tpu.memory_space<hbm>>) dst(%arg12 : memref<80x128xf32, #tpu.memory_space<vmem>>)
    %dma_start3A_152 = arith.constant 1 : i32
    %dma_start3A_153 = arith.constant 0 : i32
    %dma_start3A_154 = tpu.memref_slice %arg6[%dma_start3A_152, %dma_start3A_153] : memref<2x80xi32, #tpu.memory_space<vmem>> -> memref<1x80xi32, #tpu.memory_space<vmem>>
    %dma_start3A_155 = tpu.memref_squeeze %dma_start3A_154 : memref<1x80xi32, #tpu.memory_space<vmem>> -> memref<80xi32, #tpu.memory_space<vmem>>
    %dma_start3A_156 = arith.constant 0 : i32
    %dma_start3A_157 = arith.constant 0 : i32
    %dma_start3A_158 = tpu.memref_slice %arg14[%dma_start3A_156, %dma_start3A_157] : memref<10240x128xf32, #tpu.memory_space<vmem_shared>> -> memref<10240x128xf32, #tpu.memory_space<vmem_shared>>
    tpu.enqueue_indirect_dma source(%arg12 : memref<80x128xf32, #tpu.memory_space<vmem>>) target(%dma_start3A_158 : memref<10240x128xf32, #tpu.memory_space<vmem_shared>>) offsets(%dma_start3A_155 : memref<80xi32, #tpu.memory_space<vmem>>) semaphore(%arg25 : memref<!tpu.dma_semaphore, #tpu.memory_space<semaphore_mem>>) {add = true}
    %dma_wait3A_159 = arith.constant 0 : i32
    %dma_wait3A_160 = arith.constant 0 : i32
    %dma_wait3A_161 = tpu.memref_slice %arg7[%dma_wait3A_159, %dma_wait3A_160] : memref<2x80xi32, #tpu.memory_space<vmem>> -> memref<1x80xi32, #tpu.memory_space<vmem>>
    %dma_wait3A_162 = tpu.memref_squeeze %dma_wait3A_161 : memref<1x80xi32, #tpu.memory_space<vmem>> -> memref<80xi32, #tpu.memory_space<vmem>>
    %dma_wait3A_163 = arith.constant 0 : i32
    %dma_wait3A_164 = arith.constant 0 : i32
    %dma_wait3A_165 = tpu.memref_slice %arg2[%dma_wait3A_163, %dma_wait3A_164] : memref<10000x128xf32, #tpu.memory_space<hbm>> -> memref<10000x128xf32, #tpu.memory_space<hbm>>
    tpu.wait_indirect_dma semaphore(%arg23 : memref<!tpu.dma_semaphore, #tpu.memory_space<semaphore_mem>>) src(%dma_wait3A_165 : memref<10000x128xf32, #tpu.memory_space<hbm>>) dst(%arg13 : memref<80x128xf32, #tpu.memory_space<vmem>>)
    %dma_start3A_166 = arith.constant 1 : i32
    %dma_start3A_167 = arith.constant 0 : i32
    %dma_start3A_168 = tpu.memref_slice %arg7[%dma_start3A_166, %dma_start3A_167] : memref<2x80xi32, #tpu.memory_space<vmem>> -> memref<1x80xi32, #tpu.memory_space<vmem>>
    %dma_start3A_169 = tpu.memref_squeeze %dma_start3A_168 : memref<1x80xi32, #tpu.memory_space<vmem>> -> memref<80xi32, #tpu.memory_space<vmem>>
    %dma_start3A_170 = arith.constant 0 : i32
    %dma_start3A_171 = arith.constant 0 : i32
    %dma_start3A_172 = tpu.memref_slice %arg14[%dma_start3A_170, %dma_start3A_171] : memref<10240x128xf32, #tpu.memory_space<vmem_shared>> -> memref<10240x128xf32, #tpu.memory_space<vmem_shared>>
    tpu.enqueue_indirect_dma source(%arg13 : memref<80x128xf32, #tpu.memory_space<vmem>>) target(%dma_start3A_172 : memref<10240x128xf32, #tpu.memory_space<vmem_shared>>) offsets(%dma_start3A_169 : memref<80xi32, #tpu.memory_space<vmem>>) semaphore(%arg26 : memref<!tpu.dma_semaphore, #tpu.memory_space<semaphore_mem>>) {add = true}
    %dma_wait3A_173 = arith.constant 1 : i32
    %dma_wait3A_174 = arith.constant 0 : i32
    %dma_wait3A_175 = tpu.memref_slice %arg5[%dma_wait3A_173, %dma_wait3A_174] : memref<2x80xi32, #tpu.memory_space<vmem>> -> memref<1x80xi32, #tpu.memory_space<vmem>>
    %dma_wait3A_176 = tpu.memref_squeeze %dma_wait3A_175 : memref<1x80xi32, #tpu.memory_space<vmem>> -> memref<80xi32, #tpu.memory_space<vmem>>
    %dma_wait3A_177 = arith.constant 0 : i32
    %dma_wait3A_178 = arith.constant 0 : i32
    %dma_wait3A_179 = tpu.memref_slice %arg14[%dma_wait3A_177, %dma_wait3A_178] : memref<10240x128xf32, #tpu.memory_space<vmem_shared>> -> memref<10240x128xf32, #tpu.memory_space<vmem_shared>>
    tpu.wait_indirect_dma semaphore(%arg24 : memref<!tpu.dma_semaphore, #tpu.memory_space<semaphore_mem>>) src(%arg11 : memref<80x128xf32, #tpu.memory_space<vmem>>) dst(%dma_wait3A_179 : memref<10240x128xf32, #tpu.memory_space<vmem_shared>>)
    %dma_wait3A_180 = arith.constant 123 : i32
    %dma_wait3A_181 = arith.constant 0 : i32
    %dma_wait3A_182 = arith.constant 0 : i32
    %dma_wait3A_183 = tpu.memref_slice %arg3[%add3A, %dma_wait3A_180, %dma_wait3A_181, %dma_wait3A_182] : memref<32x126x2x80xi32, #tpu.memory_space<hbm>> -> memref<1x1x2x80xi32, #tpu.memory_space<hbm>>
    %dma_wait3A_184 = tpu.memref_squeeze %dma_wait3A_183 : memref<1x1x2x80xi32, #tpu.memory_space<hbm>> -> memref<2x80xi32, #tpu.memory_space<hbm>>
    %dma_wait3A_185 = arith.constant 0 : i32
    %dma_wait3A_186 = arith.constant 0 : i32
    %dma_wait3A_187 = tpu.memref_slice %arg3[%add3A, %dma_wait3A_180, %dma_wait3A_185, %dma_wait3A_186] : memref<32x126x2x80xi32, #tpu.memory_space<hbm>> -> memref<1x1x2x80xi32, #tpu.memory_space<hbm>>
    %dma_wait3A_188 = tpu.memref_squeeze %dma_wait3A_187 : memref<1x1x2x80xi32, #tpu.memory_space<hbm>> -> memref<2x80xi32, #tpu.memory_space<hbm>>
    tpu.wait_dma2 semaphore(%arg18 : memref<!tpu.dma_semaphore, #tpu.memory_space<semaphore_mem>>) src(%dma_wait3A_188 : memref<2x80xi32, #tpu.memory_space<hbm>>) dst(%arg8 : memref<2x80xi32, #tpu.memory_space<vmem>>)
    %dma_start3A_189 = arith.constant 0 : i32
    %dma_start3A_190 = arith.constant 0 : i32
    %dma_start3A_191 = tpu.memref_slice %arg8[%dma_start3A_189, %dma_start3A_190] : memref<2x80xi32, #tpu.memory_space<vmem>> -> memref<1x80xi32, #tpu.memory_space<vmem>>
    %dma_start3A_192 = tpu.memref_squeeze %dma_start3A_191 : memref<1x80xi32, #tpu.memory_space<vmem>> -> memref<80xi32, #tpu.memory_space<vmem>>
    %dma_start3A_193 = arith.constant 0 : i32
    %dma_start3A_194 = arith.constant 0 : i32
    %dma_start3A_195 = tpu.memref_slice %arg2[%dma_start3A_193, %dma_start3A_194] : memref<10000x128xf32, #tpu.memory_space<hbm>> -> memref<10000x128xf32, #tpu.memory_space<hbm>>
    tpu.enqueue_indirect_dma source(%dma_start3A_195 : memref<10000x128xf32, #tpu.memory_space<hbm>>) target(%arg11 : memref<80x128xf32, #tpu.memory_space<vmem>>) offsets(%dma_start3A_192 : memref<80xi32, #tpu.memory_space<vmem>>) semaphore(%arg21 : memref<!tpu.dma_semaphore, #tpu.memory_space<semaphore_mem>>)
    %dma_wait3A_196 = arith.constant 1 : i32
    %dma_wait3A_197 = arith.constant 0 : i32
    %dma_wait3A_198 = tpu.memref_slice %arg6[%dma_wait3A_196, %dma_wait3A_197] : memref<2x80xi32, #tpu.memory_space<vmem>> -> memref<1x80xi32, #tpu.memory_space<vmem>>
    %dma_wait3A_199 = tpu.memref_squeeze %dma_wait3A_198 : memref<1x80xi32, #tpu.memory_space<vmem>> -> memref<80xi32, #tpu.memory_space<vmem>>
    %dma_wait3A_200 = arith.constant 0 : i32
    %dma_wait3A_201 = arith.constant 0 : i32
    %dma_wait3A_202 = tpu.memref_slice %arg14[%dma_wait3A_200, %dma_wait3A_201] : memref<10240x128xf32, #tpu.memory_space<vmem_shared>> -> memref<10240x128xf32, #tpu.memory_space<vmem_shared>>
    tpu.wait_indirect_dma semaphore(%arg25 : memref<!tpu.dma_semaphore, #tpu.memory_space<semaphore_mem>>) src(%arg12 : memref<80x128xf32, #tpu.memory_space<vmem>>) dst(%dma_wait3A_202 : memref<10240x128xf32, #tpu.memory_space<vmem_shared>>)
    %dma_wait3A_203 = arith.constant 124 : i32
    %dma_wait3A_204 = arith.constant 0 : i32
    %dma_wait3A_205 = arith.constant 0 : i32
    %dma_wait3A_206 = tpu.memref_slice %arg3[%add3A, %dma_wait3A_203, %dma_wait3A_204, %dma_wait3A_205] : memref<32x126x2x80xi32, #tpu.memory_space<hbm>> -> memref<1x1x2x80xi32, #tpu.memory_space<hbm>>
    %dma_wait3A_207 = tpu.memref_squeeze %dma_wait3A_206 : memref<1x1x2x80xi32, #tpu.memory_space<hbm>> -> memref<2x80xi32, #tpu.memory_space<hbm>>
    %dma_wait3A_208 = arith.constant 0 : i32
    %dma_wait3A_209 = arith.constant 0 : i32
    %dma_wait3A_210 = tpu.memref_slice %arg3[%add3A, %dma_wait3A_203, %dma_wait3A_208, %dma_wait3A_209] : memref<32x126x2x80xi32, #tpu.memory_space<hbm>> -> memref<1x1x2x80xi32, #tpu.memory_space<hbm>>
    %dma_wait3A_211 = tpu.memref_squeeze %dma_wait3A_210 : memref<1x1x2x80xi32, #tpu.memory_space<hbm>> -> memref<2x80xi32, #tpu.memory_space<hbm>>
    tpu.wait_dma2 semaphore(%arg19 : memref<!tpu.dma_semaphore, #tpu.memory_space<semaphore_mem>>) src(%dma_wait3A_211 : memref<2x80xi32, #tpu.memory_space<hbm>>) dst(%arg9 : memref<2x80xi32, #tpu.memory_space<vmem>>)
    %dma_start3A_212 = arith.constant 0 : i32
    %dma_start3A_213 = arith.constant 0 : i32
    %dma_start3A_214 = tpu.memref_slice %arg9[%dma_start3A_212, %dma_start3A_213] : memref<2x80xi32, #tpu.memory_space<vmem>> -> memref<1x80xi32, #tpu.memory_space<vmem>>
    %dma_start3A_215 = tpu.memref_squeeze %dma_start3A_214 : memref<1x80xi32, #tpu.memory_space<vmem>> -> memref<80xi32, #tpu.memory_space<vmem>>
    %dma_start3A_216 = arith.constant 0 : i32
    %dma_start3A_217 = arith.constant 0 : i32
    %dma_start3A_218 = tpu.memref_slice %arg2[%dma_start3A_216, %dma_start3A_217] : memref<10000x128xf32, #tpu.memory_space<hbm>> -> memref<10000x128xf32, #tpu.memory_space<hbm>>
    tpu.enqueue_indirect_dma source(%dma_start3A_218 : memref<10000x128xf32, #tpu.memory_space<hbm>>) target(%arg12 : memref<80x128xf32, #tpu.memory_space<vmem>>) offsets(%dma_start3A_215 : memref<80xi32, #tpu.memory_space<vmem>>) semaphore(%arg22 : memref<!tpu.dma_semaphore, #tpu.memory_space<semaphore_mem>>)
    %dma_wait3A_219 = arith.constant 1 : i32
    %dma_wait3A_220 = arith.constant 0 : i32
    %dma_wait3A_221 = tpu.memref_slice %arg7[%dma_wait3A_219, %dma_wait3A_220] : memref<2x80xi32, #tpu.memory_space<vmem>> -> memref<1x80xi32, #tpu.memory_space<vmem>>
    %dma_wait3A_222 = tpu.memref_squeeze %dma_wait3A_221 : memref<1x80xi32, #tpu.memory_space<vmem>> -> memref<80xi32, #tpu.memory_space<vmem>>
    %dma_wait3A_223 = arith.constant 0 : i32
    %dma_wait3A_224 = arith.constant 0 : i32
    %dma_wait3A_225 = tpu.memref_slice %arg14[%dma_wait3A_223, %dma_wait3A_224] : memref<10240x128xf32, #tpu.memory_space<vmem_shared>> -> memref<10240x128xf32, #tpu.memory_space<vmem_shared>>
    tpu.wait_indirect_dma semaphore(%arg26 : memref<!tpu.dma_semaphore, #tpu.memory_space<semaphore_mem>>) src(%arg13 : memref<80x128xf32, #tpu.memory_space<vmem>>) dst(%dma_wait3A_225 : memref<10240x128xf32, #tpu.memory_space<vmem_shared>>)
    %dma_wait3A_226 = arith.constant 125 : i32
    %dma_wait3A_227 = arith.constant 0 : i32
    %dma_wait3A_228 = arith.constant 0 : i32
    %dma_wait3A_229 = tpu.memref_slice %arg3[%add3A, %dma_wait3A_226, %dma_wait3A_227, %dma_wait3A_228] : memref<32x126x2x80xi32, #tpu.memory_space<hbm>> -> memref<1x1x2x80xi32, #tpu.memory_space<hbm>>
    %dma_wait3A_230 = tpu.memref_squeeze %dma_wait3A_229 : memref<1x1x2x80xi32, #tpu.memory_space<hbm>> -> memref<2x80xi32, #tpu.memory_space<hbm>>
    %dma_wait3A_231 = arith.constant 0 : i32
    %dma_wait3A_232 = arith.constant 0 : i32
    %dma_wait3A_233 = tpu.memref_slice %arg3[%add3A, %dma_wait3A_226, %dma_wait3A_231, %dma_wait3A_232] : memref<32x126x2x80xi32, #tpu.memory_space<hbm>> -> memref<1x1x2x80xi32, #tpu.memory_space<hbm>>
    %dma_wait3A_234 = tpu.memref_squeeze %dma_wait3A_233 : memref<1x1x2x80xi32, #tpu.memory_space<hbm>> -> memref<2x80xi32, #tpu.memory_space<hbm>>
    tpu.wait_dma2 semaphore(%arg20 : memref<!tpu.dma_semaphore, #tpu.memory_space<semaphore_mem>>) src(%dma_wait3A_234 : memref<2x80xi32, #tpu.memory_space<hbm>>) dst(%arg10 : memref<2x80xi32, #tpu.memory_space<vmem>>)
    %dma_start3A_235 = arith.constant 0 : i32
    %dma_start3A_236 = arith.constant 0 : i32
    %dma_start3A_237 = tpu.memref_slice %arg10[%dma_start3A_235, %dma_start3A_236] : memref<2x80xi32, #tpu.memory_space<vmem>> -> memref<1x80xi32, #tpu.memory_space<vmem>>
    %dma_start3A_238 = tpu.memref_squeeze %dma_start3A_237 : memref<1x80xi32, #tpu.memory_space<vmem>> -> memref<80xi32, #tpu.memory_space<vmem>>
    %dma_start3A_239 = arith.constant 0 : i32
    %dma_start3A_240 = arith.constant 0 : i32
    %dma_start3A_241 = tpu.memref_slice %arg2[%dma_start3A_239, %dma_start3A_240] : memref<10000x128xf32, #tpu.memory_space<hbm>> -> memref<10000x128xf32, #tpu.memory_space<hbm>>
    tpu.enqueue_indirect_dma source(%dma_start3A_241 : memref<10000x128xf32, #tpu.memory_space<hbm>>) target(%arg13 : memref<80x128xf32, #tpu.memory_space<vmem>>) offsets(%dma_start3A_238 : memref<80xi32, #tpu.memory_space<vmem>>) semaphore(%arg23 : memref<!tpu.dma_semaphore, #tpu.memory_space<semaphore_mem>>)
    %dma_wait3A_242 = arith.constant 0 : i32
    %dma_wait3A_243 = arith.constant 0 : i32
    %dma_wait3A_244 = tpu.memref_slice %arg8[%dma_wait3A_242, %dma_wait3A_243] : memref<2x80xi32, #tpu.memory_space<vmem>> -> memref<1x80xi32, #tpu.memory_space<vmem>>
    %dma_wait3A_245 = tpu.memref_squeeze %dma_wait3A_244 : memref<1x80xi32, #tpu.memory_space<vmem>> -> memref<80xi32, #tpu.memory_space<vmem>>
    %dma_wait3A_246 = arith.constant 0 : i32
    %dma_wait3A_247 = arith.constant 0 : i32
    %dma_wait3A_248 = tpu.memref_slice %arg2[%dma_wait3A_246, %dma_wait3A_247] : memref<10000x128xf32, #tpu.memory_space<hbm>> -> memref<10000x128xf32, #tpu.memory_space<hbm>>
    tpu.wait_indirect_dma semaphore(%arg21 : memref<!tpu.dma_semaphore, #tpu.memory_space<semaphore_mem>>) src(%dma_wait3A_248 : memref<10000x128xf32, #tpu.memory_space<hbm>>) dst(%arg11 : memref<80x128xf32, #tpu.memory_space<vmem>>)
    %dma_start3A_249 = arith.constant 1 : i32
    %dma_start3A_250 = arith.constant 0 : i32
    %dma_start3A_251 = tpu.memref_slice %arg8[%dma_start3A_249, %dma_start3A_250] : memref<2x80xi32, #tpu.memory_space<vmem>> -> memref<1x80xi32, #tpu.memory_space<vmem>>
    %dma_start3A_252 = tpu.memref_squeeze %dma_start3A_251 : memref<1x80xi32, #tpu.memory_space<vmem>> -> memref<80xi32, #tpu.memory_space<vmem>>
    %dma_start3A_253 = arith.constant 0 : i32
    %dma_start3A_254 = arith.constant 0 : i32
    %dma_start3A_255 = tpu.memref_slice %arg14[%dma_start3A_253, %dma_start3A_254] : memref<10240x128xf32, #tpu.memory_space<vmem_shared>> -> memref<10240x128xf32, #tpu.memory_space<vmem_shared>>
    tpu.enqueue_indirect_dma source(%arg11 : memref<80x128xf32, #tpu.memory_space<vmem>>) target(%dma_start3A_255 : memref<10240x128xf32, #tpu.memory_space<vmem_shared>>) offsets(%dma_start3A_252 : memref<80xi32, #tpu.memory_space<vmem>>) semaphore(%arg24 : memref<!tpu.dma_semaphore, #tpu.memory_space<semaphore_mem>>) {add = true}
    %dma_wait3A_256 = arith.constant 0 : i32
    %dma_wait3A_257 = arith.constant 0 : i32
    %dma_wait3A_258 = tpu.memref_slice %arg9[%dma_wait3A_256, %dma_wait3A_257] : memref<2x80xi32, #tpu.memory_space<vmem>> -> memref<1x80xi32, #tpu.memory_space<vmem>>
    %dma_wait3A_259 = tpu.memref_squeeze %dma_wait3A_258 : memref<1x80xi32, #tpu.memory_space<vmem>> -> memref<80xi32, #tpu.memory_space<vmem>>
    %dma_wait3A_260 = arith.constant 0 : i32
    %dma_wait3A_261 = arith.constant 0 : i32
    %dma_wait3A_262 = tpu.memref_slice %arg2[%dma_wait3A_260, %dma_wait3A_261] : memref<10000x128xf32, #tpu.memory_space<hbm>> -> memref<10000x128xf32, #tpu.memory_space<hbm>>
    tpu.wait_indirect_dma semaphore(%arg22 : memref<!tpu.dma_semaphore, #tpu.memory_space<semaphore_mem>>) src(%dma_wait3A_262 : memref<10000x128xf32, #tpu.memory_space<hbm>>) dst(%arg12 : memref<80x128xf32, #tpu.memory_space<vmem>>)
    %dma_start3A_263 = arith.constant 1 : i32
    %dma_start3A_264 = arith.constant 0 : i32
    %dma_start3A_265 = tpu.memref_slice %arg9[%dma_start3A_263, %dma_start3A_264] : memref<2x80xi32, #tpu.memory_space<vmem>> -> memref<1x80xi32, #tpu.memory_space<vmem>>
    %dma_start3A_266 = tpu.memref_squeeze %dma_start3A_265 : memref<1x80xi32, #tpu.memory_space<vmem>> -> memref<80xi32, #tpu.memory_space<vmem>>
    %dma_start3A_267 = arith.constant 0 : i32
    %dma_start3A_268 = arith.constant 0 : i32
    %dma_start3A_269 = tpu.memref_slice %arg14[%dma_start3A_267, %dma_start3A_268] : memref<10240x128xf32, #tpu.memory_space<vmem_shared>> -> memref<10240x128xf32, #tpu.memory_space<vmem_shared>>
    tpu.enqueue_indirect_dma source(%arg12 : memref<80x128xf32, #tpu.memory_space<vmem>>) target(%dma_start3A_269 : memref<10240x128xf32, #tpu.memory_space<vmem_shared>>) offsets(%dma_start3A_266 : memref<80xi32, #tpu.memory_space<vmem>>) semaphore(%arg25 : memref<!tpu.dma_semaphore, #tpu.memory_space<semaphore_mem>>) {add = true}
    %dma_wait3A_270 = arith.constant 0 : i32
    %dma_wait3A_271 = arith.constant 0 : i32
    %dma_wait3A_272 = tpu.memref_slice %arg10[%dma_wait3A_270, %dma_wait3A_271] : memref<2x80xi32, #tpu.memory_space<vmem>> -> memref<1x80xi32, #tpu.memory_space<vmem>>
    %dma_wait3A_273 = tpu.memref_squeeze %dma_wait3A_272 : memref<1x80xi32, #tpu.memory_space<vmem>> -> memref<80xi32, #tpu.memory_space<vmem>>
    %dma_wait3A_274 = arith.constant 0 : i32
    %dma_wait3A_275 = arith.constant 0 : i32
    %dma_wait3A_276 = tpu.memref_slice %arg2[%dma_wait3A_274, %dma_wait3A_275] : memref<10000x128xf32, #tpu.memory_space<hbm>> -> memref<10000x128xf32, #tpu.memory_space<hbm>>
    tpu.wait_indirect_dma semaphore(%arg23 : memref<!tpu.dma_semaphore, #tpu.memory_space<semaphore_mem>>) src(%dma_wait3A_276 : memref<10000x128xf32, #tpu.memory_space<hbm>>) dst(%arg13 : memref<80x128xf32, #tpu.memory_space<vmem>>)
    %dma_start3A_277 = arith.constant 1 : i32
    %dma_start3A_278 = arith.constant 0 : i32
    %dma_start3A_279 = tpu.memref_slice %arg10[%dma_start3A_277, %dma_start3A_278] : memref<2x80xi32, #tpu.memory_space<vmem>> -> memref<1x80xi32, #tpu.memory_space<vmem>>
    %dma_start3A_280 = tpu.memref_squeeze %dma_start3A_279 : memref<1x80xi32, #tpu.memory_space<vmem>> -> memref<80xi32, #tpu.memory_space<vmem>>
    %dma_start3A_281 = arith.constant 0 : i32
    %dma_start3A_282 = arith.constant 0 : i32
    %dma_start3A_283 = tpu.memref_slice %arg14[%dma_start3A_281, %dma_start3A_282] : memref<10240x128xf32, #tpu.memory_space<vmem_shared>> -> memref<10240x128xf32, #tpu.memory_space<vmem_shared>>
    tpu.enqueue_indirect_dma source(%arg13 : memref<80x128xf32, #tpu.memory_space<vmem>>) target(%dma_start3A_283 : memref<10240x128xf32, #tpu.memory_space<vmem_shared>>) offsets(%dma_start3A_280 : memref<80xi32, #tpu.memory_space<vmem>>) semaphore(%arg26 : memref<!tpu.dma_semaphore, #tpu.memory_space<semaphore_mem>>) {add = true}
    %dma_wait3A_284 = arith.constant 1 : i32
    %dma_wait3A_285 = arith.constant 0 : i32
    %dma_wait3A_286 = tpu.memref_slice %arg8[%dma_wait3A_284, %dma_wait3A_285] : memref<2x80xi32, #tpu.memory_space<vmem>> -> memref<1x80xi32, #tpu.memory_space<vmem>>
    %dma_wait3A_287 = tpu.memref_squeeze %dma_wait3A_286 : memref<1x80xi32, #tpu.memory_space<vmem>> -> memref<80xi32, #tpu.memory_space<vmem>>
    %dma_wait3A_288 = arith.constant 0 : i32
    %dma_wait3A_289 = arith.constant 0 : i32
    %dma_wait3A_290 = tpu.memref_slice %arg14[%dma_wait3A_288, %dma_wait3A_289] : memref<10240x128xf32, #tpu.memory_space<vmem_shared>> -> memref<10240x128xf32, #tpu.memory_space<vmem_shared>>
    tpu.wait_indirect_dma semaphore(%arg24 : memref<!tpu.dma_semaphore, #tpu.memory_space<semaphore_mem>>) src(%arg11 : memref<80x128xf32, #tpu.memory_space<vmem>>) dst(%dma_wait3A_290 : memref<10240x128xf32, #tpu.memory_space<vmem_shared>>)
    %dma_wait3A_291 = arith.constant 1 : i32
    %dma_wait3A_292 = arith.constant 0 : i32
    %dma_wait3A_293 = tpu.memref_slice %arg9[%dma_wait3A_291, %dma_wait3A_292] : memref<2x80xi32, #tpu.memory_space<vmem>> -> memref<1x80xi32, #tpu.memory_space<vmem>>
    %dma_wait3A_294 = tpu.memref_squeeze %dma_wait3A_293 : memref<1x80xi32, #tpu.memory_space<vmem>> -> memref<80xi32, #tpu.memory_space<vmem>>
    %dma_wait3A_295 = arith.constant 0 : i32
    %dma_wait3A_296 = arith.constant 0 : i32
    %dma_wait3A_297 = tpu.memref_slice %arg14[%dma_wait3A_295, %dma_wait3A_296] : memref<10240x128xf32, #tpu.memory_space<vmem_shared>> -> memref<10240x128xf32, #tpu.memory_space<vmem_shared>>
    tpu.wait_indirect_dma semaphore(%arg25 : memref<!tpu.dma_semaphore, #tpu.memory_space<semaphore_mem>>) src(%arg12 : memref<80x128xf32, #tpu.memory_space<vmem>>) dst(%dma_wait3A_297 : memref<10240x128xf32, #tpu.memory_space<vmem_shared>>)
    %dma_wait3A_298 = arith.constant 1 : i32
    %dma_wait3A_299 = arith.constant 0 : i32
    %dma_wait3A_300 = tpu.memref_slice %arg10[%dma_wait3A_298, %dma_wait3A_299] : memref<2x80xi32, #tpu.memory_space<vmem>> -> memref<1x80xi32, #tpu.memory_space<vmem>>
    %dma_wait3A_301 = tpu.memref_squeeze %dma_wait3A_300 : memref<1x80xi32, #tpu.memory_space<vmem>> -> memref<80xi32, #tpu.memory_space<vmem>>
    %dma_wait3A_302 = arith.constant 0 : i32
    %dma_wait3A_303 = arith.constant 0 : i32
    %dma_wait3A_304 = tpu.memref_slice %arg14[%dma_wait3A_302, %dma_wait3A_303] : memref<10240x128xf32, #tpu.memory_space<vmem_shared>> -> memref<10240x128xf32, #tpu.memory_space<vmem_shared>>
    tpu.wait_indirect_dma semaphore(%arg26 : memref<!tpu.dma_semaphore, #tpu.memory_space<semaphore_mem>>) src(%arg13 : memref<80x128xf32, #tpu.memory_space<vmem>>) dst(%dma_wait3A_304 : memref<10240x128xf32, #tpu.memory_space<vmem_shared>>)
    %barrier3A_305 = arith.constant 0 : index
    tpu.barrier barrier_id(%barrier3A_305)
    %mul3A_306 = arith.constant 640 : i32
    %mul3A_307 = arith.muli %arg1, %mul3A_306 : i32
    "tpu.region"() ({
      %run_scoped3A = tpu.sem_alloc : memref<!tpu.dma_semaphore, #tpu.memory_space<semaphore_mem>>
      %dma_start3A_308 = arith.constant 0 : i32
      %dma_start3A_309 = tpu.memref_slice %arg4[%arg0, %mul3A_307, %dma_start3A_308] : memref<2x10240x128xf32, #tpu.memory_space<hbm>> -> memref<1x640x128xf32, #tpu.memory_space<hbm>>
      %dma_start3A_310 = tpu.memref_squeeze %dma_start3A_309 : memref<1x640x128xf32, #tpu.memory_space<hbm>> -> memref<640x128xf32, #tpu.memory_space<hbm>>
      %dma_start3A_311 = arith.constant 0 : i32
      %dma_start3A_312 = tpu.memref_slice %arg14[%mul3A_307, %dma_start3A_311] : memref<10240x128xf32, #tpu.memory_space<vmem_shared>> -> memref<640x128xf32, #tpu.memory_space<vmem_shared>>
      tpu.enqueue_dma source(%dma_start3A_312 : memref<640x128xf32, #tpu.memory_space<vmem_shared>>) target(%dma_start3A_310 : memref<640x128xf32, #tpu.memory_space<hbm>>) target_semaphore(%run_scoped3A : memref<!tpu.dma_semaphore, #tpu.memory_space<semaphore_mem>>)
      %dma_wait3A_313 = arith.constant 0 : i32
      %dma_wait3A_314 = tpu.memref_slice %arg4[%arg0, %mul3A_307, %dma_wait3A_313] : memref<2x10240x128xf32, #tpu.memory_space<hbm>> -> memref<1x640x128xf32, #tpu.memory_space<hbm>>
      %dma_wait3A_315 = tpu.memref_squeeze %dma_wait3A_314 : memref<1x640x128xf32, #tpu.memory_space<hbm>> -> memref<640x128xf32, #tpu.memory_space<hbm>>
      %dma_wait3A_316 = arith.constant 0 : i32
      %dma_wait3A_317 = tpu.memref_slice %arg14[%mul3A_307, %dma_wait3A_316] : memref<10240x128xf32, #tpu.memory_space<vmem_shared>> -> memref<640x128xf32, #tpu.memory_space<vmem_shared>>
      tpu.wait_dma2 semaphore(%run_scoped3A : memref<!tpu.dma_semaphore, #tpu.memory_space<semaphore_mem>>) src(%dma_wait3A_317 : memref<640x128xf32, #tpu.memory_space<vmem_shared>>) dst(%dma_wait3A_315 : memref<640x128xf32, #tpu.memory_space<hbm>>)
      tpu.yield
    }) : () -> ()
    return
  }
}

#map = affine_map<(d0, d1) -> (0, 0)>
#map1 = affine_map<(d0, d1) -> (0, 0, 0, 0)>
#map2 = affine_map<(d0, d1) -> (0, 0, 0)>
module attributes {stable_mosaic.version = 14 : i64} {
  func.func @_sc_segment_sum(%arg0: i32, %arg1: i32, %arg2: memref<10000x128xf32, #tpu.memory_space<hbm>>, %arg3: memref<32x126x2x80xi32, #tpu.memory_space<hbm>>, %arg4: memref<2x10240x128xf32, #tpu.memory_space<hbm>>, %arg5: memref<2x80xi32, #tpu.memory_space<vmem>>, %arg6: memref<2x80xi32, #tpu.memory_space<vmem>>, %arg7: memref<2x80xi32, #tpu.memory_space<vmem>>, %arg8: memref<2x80xi32, #tpu.memory_space<vmem>>, %arg9: memref<2x80xi32, #tpu.memory_space<vmem>>, %arg10: memref<2x80xi32, #tpu.memory_space<vmem>>, %arg11: memref<80x128xf32, #tpu.memory_space<vmem>>, %arg12: memref<80x128xf32, #tpu.memory_space<vmem>>, %arg13: memref<80x128xf32, #tpu.memory_space<vmem>>, %arg14: memref<10240x128xf32, #tpu.memory_space<vmem_shared>>, %arg15: memref<!tpu.dma_semaphore, #tpu.memory_space<semaphore_mem>>, %arg16: memref<!tpu.dma_semaphore, #tpu.memory_space<semaphore_mem>>, %arg17: memref<!tpu.dma_semaphore, #tpu.memory_space<semaphore_mem>>, %arg18: memref<!tpu.dma_semaphore, #tpu.memory_space<semaphore_mem>>, %arg19: memref<!tpu.dma_semaphore, #tpu.memory_space<semaphore_mem>>, %arg20: memref<!tpu.dma_semaphore, #tpu.memory_space<semaphore_mem>>, %arg21: memref<!tpu.dma_semaphore, #tpu.memory_space<semaphore_mem>>, %arg22: memref<!tpu.dma_semaphore, #tpu.memory_space<semaphore_mem>>, %arg23: memref<!tpu.dma_semaphore, #tpu.memory_space<semaphore_mem>>, %arg24: memref<!tpu.dma_semaphore, #tpu.memory_space<semaphore_mem>>, %arg25: memref<!tpu.dma_semaphore, #tpu.memory_space<semaphore_mem>>, %arg26: memref<!tpu.dma_semaphore, #tpu.memory_space<semaphore_mem>>) attributes {dimension_semantics = [#tpu.dimension_semantics<core_parallel>, #tpu.dimension_semantics<subcore_parallel>], iteration_bounds = array<i64: 2, 16>, scalar_prefetch = 0 : i64, scratch_operands = 22 : i64, tpu.core_type = #tpu.core_type<sc_vector_subcore>, window_params = [{transform_indices = #map}, {transform_indices = #map1}, {transform_indices = #map2}]} {
    %mul3A = arith.constant 2 : i32
    %mul3A_0 = arith.muli %arg1, %mul3A : i32
    %add3A = arith.addi %mul3A_0, %arg0 : i32
    %broadcast_in_dim3A = arith.constant 0.000000e+00 : f32
    %broadcast_in_dim3A_1 = vector.broadcast %broadcast_in_dim3A : f32 to vector<16xf32>
    %scan3A = arith.constant 0 : i32
    %scan3A_2 = arith.constant 0 : i32
    %scan3A_3 = arith.constant 80 : i32
    %scan3A_4 = arith.addi %scan3A_2, %scan3A_3 : i32
    %scan3A_5 = arith.constant 1 : i32
    scf.for %scan3A_308 = %scan3A_2 to %scan3A_4 step %scan3A_5  : i32 {
      %swap3A = arith.index_cast %scan3A_308 : i32 to index
      %swap3A_309 = arith.constant 0 : index
      %swap3A_310 = tpu.vector_load %arg11[%swap3A, %swap3A_309] {strides = array<i32>} : memref<80x128xf32, #tpu.memory_space<vmem>>, vector<1x16xf32>,
      %swap3A_311 = vector.shape_cast %swap3A_310 : vector<1x16xf32> to vector<16xf32>
      %swap3A_312 = vector.shape_cast %broadcast_in_dim3A_1 : vector<16xf32> to vector<1x16xf32>
      tpu.vector_store %arg11[%swap3A, %swap3A_309], %swap3A_312 {strides = array<i32>} : memref<80x128xf32, #tpu.memory_space<vmem>>, vector<1x16xf32>,
      %swap3A_313 = arith.index_cast %scan3A_308 : i32 to index
      %swap3A_314 = arith.constant 16 : index
      %swap3A_315 = tpu.vector_load %arg11[%swap3A_313, %swap3A_314] {strides = array<i32>} : memref<80x128xf32, #tpu.memory_space<vmem>>, vector<1x16xf32>,
      %swap3A_316 = vector.shape_cast %swap3A_315 : vector<1x16xf32> to vector<16xf32>
      %swap3A_317 = vector.shape_cast %broadcast_in_dim3A_1 : vector<16xf32> to vector<1x16xf32>
      tpu.vector_store %arg11[%swap3A_313, %swap3A_314], %swap3A_317 {strides = array<i32>} : memref<80x128xf32, #tpu.memory_space<vmem>>, vector<1x16xf32>,
      %swap3A_318 = arith.index_cast %scan3A_308 : i32 to index
      %swap3A_319 = arith.constant 32 : index
      %swap3A_320 = tpu.vector_load %arg11[%swap3A_318, %swap3A_319] {strides = array<i32>} : memref<80x128xf32, #tpu.memory_space<vmem>>, vector<1x16xf32>,
      %swap3A_321 = vector.shape_cast %swap3A_320 : vector<1x16xf32> to vector<16xf32>
      %swap3A_322 = vector.shape_cast %broadcast_in_dim3A_1 : vector<16xf32> to vector<1x16xf32>
      tpu.vector_store %arg11[%swap3A_318, %swap3A_319], %swap3A_322 {strides = array<i32>} : memref<80x128xf32, #tpu.memory_space<vmem>>, vector<1x16xf32>,
      %swap3A_323 = arith.index_cast %scan3A_308 : i32 to index
      %swap3A_324 = arith.constant 48 : index
      %swap3A_325 = tpu.vector_load %arg11[%swap3A_323, %swap3A_324] {strides = array<i32>} : memref<80x128xf32, #tpu.memory_space<vmem>>, vector<1x16xf32>,
      %swap3A_326 = vector.shape_cast %swap3A_325 : vector<1x16xf32> to vector<16xf32>
      %swap3A_327 = vector.shape_cast %broadcast_in_dim3A_1 : vector<16xf32> to vector<1x16xf32>
      tpu.vector_store %arg11[%swap3A_323, %swap3A_324], %swap3A_327 {strides = array<i32>} : memref<80x128xf32, #tpu.memory_space<vmem>>, vector<1x16xf32>,
      %swap3A_328 = arith.index_cast %scan3A_308 : i32 to index
      %swap3A_329 = arith.constant 64 : index
      %swap3A_330 = tpu.vector_load %arg11[%swap3A_328, %swap3A_329] {strides = array<i32>} : memref<80x128xf32, #tpu.memory_space<vmem>>, vector<1x16xf32>,
      %swap3A_331 = vector.shape_cast %swap3A_330 : vector<1x16xf32> to vector<16xf32>
      %swap3A_332 = vector.shape_cast %broadcast_in_dim3A_1 : vector<16xf32> to vector<1x16xf32>
      tpu.vector_store %arg11[%swap3A_328, %swap3A_329], %swap3A_332 {strides = array<i32>} : memref<80x128xf32, #tpu.memory_space<vmem>>, vector<1x16xf32>,
      %swap3A_333 = arith.index_cast %scan3A_308 : i32 to index
      %swap3A_334 = arith.constant 80 : index
      %swap3A_335 = tpu.vector_load %arg11[%swap3A_333, %swap3A_334] {strides = array<i32>} : memref<80x128xf32, #tpu.memory_space<vmem>>, vector<1x16xf32>,
      %swap3A_336 = vector.shape_cast %swap3A_335 : vector<1x16xf32> to vector<16xf32>
      %swap3A_337 = vector.shape_cast %broadcast_in_dim3A_1 : vector<16xf32> to vector<1x16xf32>
      tpu.vector_store %arg11[%swap3A_333, %swap3A_334], %swap3A_337 {strides = array<i32>} : memref<80x128xf32, #tpu.memory_space<vmem>>, vector<1x16xf32>,
      %swap3A_338 = arith.index_cast %scan3A_308 : i32 to index
      %swap3A_339 = arith.constant 96 : index
      %swap3A_340 = tpu.vector_load %arg11[%swap3A_338, %swap3A_339] {strides = array<i32>} : memref<80x128xf32, #tpu.memory_space<vmem>>, vector<1x16xf32>,
      %swap3A_341 = vector.shape_cast %swap3A_340 : vector<1x16xf32> to vector<16xf32>
      %swap3A_342 = vector.shape_cast %broadcast_in_dim3A_1 : vector<16xf32> to vector<1x16xf32>
      tpu.vector_store %arg11[%swap3A_338, %swap3A_339], %swap3A_342 {strides = array<i32>} : memref<80x128xf32, #tpu.memory_space<vmem>>, vector<1x16xf32>,
      %swap3A_343 = arith.index_cast %scan3A_308 : i32 to index
      %swap3A_344 = arith.constant 112 : index
      %swap3A_345 = tpu.vector_load %arg11[%swap3A_343, %swap3A_344] {strides = array<i32>} : memref<80x128xf32, #tpu.memory_space<vmem>>, vector<1x16xf32>,
      %swap3A_346 = vector.shape_cast %swap3A_345 : vector<1x16xf32> to vector<16xf32>
      %swap3A_347 = vector.shape_cast %broadcast_in_dim3A_1 : vector<16xf32> to vector<1x16xf32>
      tpu.vector_store %arg11[%swap3A_343, %swap3A_344], %swap3A_347 {strides = array<i32>} : memref<80x128xf32, #tpu.memory_space<vmem>>, vector<1x16xf32>,
    }
    %scan3A_6 = arith.constant 80 : i32
    %mul3A_7 = arith.constant 640 : i32
    %mul3A_8 = arith.muli %arg1, %mul3A_7 : i32
    %add3A_9 = arith.constant 0 : i32
    %add3A_10 = arith.addi %mul3A_8, %add3A_9 : i32
    "tpu.region"() ({
      %run_scoped3A = tpu.sem_alloc : memref<!tpu.dma_semaphore, #tpu.memory_space<semaphore_mem>>
      %dma_start3A_308 = arith.constant 0 : i32
      %dma_start3A_309 = tpu.memref_slice %arg14[%add3A_10, %dma_start3A_308] : memref<10240x128xf32, #tpu.memory_space<vmem_shared>> -> memref<80x128xf32, #tpu.memory_space<vmem_shared>>
      %dma_start3A_310 = arith.constant 0 : i32
      %dma_start3A_311 = tpu.memref_slice %arg14[%add3A_10, %dma_start3A_310] : memref<10240x128xf32, #tpu.memory_space<vmem_shared>> -> memref<80x128xf32, #tpu.memory_space<vmem_shared>>
      tpu.enqueue_dma source(%arg11 : memref<80x128xf32, #tpu.memory_space<vmem>>) target(%dma_start3A_311 : memref<80x128xf32, #tpu.memory_space<vmem_shared>>) target_semaphore(%run_scoped3A : memref<!tpu.dma_semaphore, #tpu.memory_space<semaphore_mem>>)
      %dma_wait3A_312 = arith.constant 0 : i32
      %dma_wait3A_313 = tpu.memref_slice %arg14[%add3A_10, %dma_wait3A_312] : memref<10240x128xf32, #tpu.memory_space<vmem_shared>> -> memref<80x128xf32, #tpu.memory_space<vmem_shared>>
      %dma_wait3A_314 = arith.constant 0 : i32
      %dma_wait3A_315 = tpu.memref_slice %arg14[%add3A_10, %dma_wait3A_314] : memref<10240x128xf32, #tpu.memory_space<vmem_shared>> -> memref<80x128xf32, #tpu.memory_space<vmem_shared>>
      tpu.wait_dma2 semaphore(%run_scoped3A : memref<!tpu.dma_semaphore, #tpu.memory_space<semaphore_mem>>) src(%arg11 : memref<80x128xf32, #tpu.memory_space<vmem>>) dst(%dma_wait3A_315 : memref<80x128xf32, #tpu.memory_space<vmem_shared>>)
      tpu.yield
    }) : () -> ()
    %add3A_11 = arith.constant 80 : i32
    %add3A_12 = arith.addi %mul3A_8, %add3A_11 : i32
    "tpu.region"() ({
      %run_scoped3A = tpu.sem_alloc : memref<!tpu.dma_semaphore, #tpu.memory_space<semaphore_mem>>
      %dma_start3A_308 = arith.constant 0 : i32
      %dma_start3A_309 = tpu.memref_slice %arg14[%add3A_12, %dma_start3A_308] : memref<10240x128xf32, #tpu.memory_space<vmem_shared>> -> memref<80x128xf32, #tpu.memory_space<vmem_shared>>
      %dma_start3A_310 = arith.constant 0 : i32
      %dma_start3A_311 = tpu.memref_slice %arg14[%add3A_12, %dma_start3A_310] : memref<10240x128xf32, #tpu.memory_space<vmem_shared>> -> memref<80x128xf32, #tpu.memory_space<vmem_shared>>
      tpu.enqueue_dma source(%arg11 : memref<80x128xf32, #tpu.memory_space<vmem>>) target(%dma_start3A_311 : memref<80x128xf32, #tpu.memory_space<vmem_shared>>) target_semaphore(%run_scoped3A : memref<!tpu.dma_semaphore, #tpu.memory_space<semaphore_mem>>)
      %dma_wait3A_312 = arith.constant 0 : i32
      %dma_wait3A_313 = tpu.memref_slice %arg14[%add3A_12, %dma_wait3A_312] : memref<10240x128xf32, #tpu.memory_space<vmem_shared>> -> memref<80x128xf32, #tpu.memory_space<vmem_shared>>
      %dma_wait3A_314 = arith.constant 0 : i32
      %dma_wait3A_315 = tpu.memref_slice %arg14[%add3A_12, %dma_wait3A_314] : memref<10240x128xf32, #tpu.memory_space<vmem_shared>> -> memref<80x128xf32, #tpu.memory_space<vmem_shared>>
      tpu.wait_dma2 semaphore(%run_scoped3A : memref<!tpu.dma_semaphore, #tpu.memory_space<semaphore_mem>>) src(%arg11 : memref<80x128xf32, #tpu.memory_space<vmem>>) dst(%dma_wait3A_315 : memref<80x128xf32, #tpu.memory_space<vmem_shared>>)
      tpu.yield
    }) : () -> ()
    %add3A_13 = arith.constant 160 : i32
    %add3A_14 = arith.addi %mul3A_8, %add3A_13 : i32
    "tpu.region"() ({
      %run_scoped3A = tpu.sem_alloc : memref<!tpu.dma_semaphore, #tpu.memory_space<semaphore_mem>>
      %dma_start3A_308 = arith.constant 0 : i32
      %dma_start3A_309 = tpu.memref_slice %arg14[%add3A_14, %dma_start3A_308] : memref<10240x128xf32, #tpu.memory_space<vmem_shared>> -> memref<80x128xf32, #tpu.memory_space<vmem_shared>>
      %dma_start3A_310 = arith.constant 0 : i32
      %dma_start3A_311 = tpu.memref_slice %arg14[%add3A_14, %dma_start3A_310] : memref<10240x128xf32, #tpu.memory_space<vmem_shared>> -> memref<80x128xf32, #tpu.memory_space<vmem_shared>>
      tpu.enqueue_dma source(%arg11 : memref<80x128xf32, #tpu.memory_space<vmem>>) target(%dma_start3A_311 : memref<80x128xf32, #tpu.memory_space<vmem_shared>>) target_semaphore(%run_scoped3A : memref<!tpu.dma_semaphore, #tpu.memory_space<semaphore_mem>>)
      %dma_wait3A_312 = arith.constant 0 : i32
      %dma_wait3A_313 = tpu.memref_slice %arg14[%add3A_14, %dma_wait3A_312] : memref<10240x128xf32, #tpu.memory_space<vmem_shared>> -> memref<80x128xf32, #tpu.memory_space<vmem_shared>>
      %dma_wait3A_314 = arith.constant 0 : i32
      %dma_wait3A_315 = tpu.memref_slice %arg14[%add3A_14, %dma_wait3A_314] : memref<10240x128xf32, #tpu.memory_space<vmem_shared>> -> memref<80x128xf32, #tpu.memory_space<vmem_shared>>
      tpu.wait_dma2 semaphore(%run_scoped3A : memref<!tpu.dma_semaphore, #tpu.memory_space<semaphore_mem>>) src(%arg11 : memref<80x128xf32, #tpu.memory_space<vmem>>) dst(%dma_wait3A_315 : memref<80x128xf32, #tpu.memory_space<vmem_shared>>)
      tpu.yield
    }) : () -> ()
    %add3A_15 = arith.constant 240 : i32
    %add3A_16 = arith.addi %mul3A_8, %add3A_15 : i32
    "tpu.region"() ({
      %run_scoped3A = tpu.sem_alloc : memref<!tpu.dma_semaphore, #tpu.memory_space<semaphore_mem>>
      %dma_start3A_308 = arith.constant 0 : i32
      %dma_start3A_309 = tpu.memref_slice %arg14[%add3A_16, %dma_start3A_308] : memref<10240x128xf32, #tpu.memory_space<vmem_shared>> -> memref<80x128xf32, #tpu.memory_space<vmem_shared>>
      %dma_start3A_310 = arith.constant 0 : i32
      %dma_start3A_311 = tpu.memref_slice %arg14[%add3A_16, %dma_start3A_310] : memref<10240x128xf32, #tpu.memory_space<vmem_shared>> -> memref<80x128xf32, #tpu.memory_space<vmem_shared>>
      tpu.enqueue_dma source(%arg11 : memref<80x128xf32, #tpu.memory_space<vmem>>) target(%dma_start3A_311 : memref<80x128xf32, #tpu.memory_space<vmem_shared>>) target_semaphore(%run_scoped3A : memref<!tpu.dma_semaphore, #tpu.memory_space<semaphore_mem>>)
      %dma_wait3A_312 = arith.constant 0 : i32
      %dma_wait3A_313 = tpu.memref_slice %arg14[%add3A_16, %dma_wait3A_312] : memref<10240x128xf32, #tpu.memory_space<vmem_shared>> -> memref<80x128xf32, #tpu.memory_space<vmem_shared>>
      %dma_wait3A_314 = arith.constant 0 : i32
      %dma_wait3A_315 = tpu.memref_slice %arg14[%add3A_16, %dma_wait3A_314] : memref<10240x128xf32, #tpu.memory_space<vmem_shared>> -> memref<80x128xf32, #tpu.memory_space<vmem_shared>>
      tpu.wait_dma2 semaphore(%run_scoped3A : memref<!tpu.dma_semaphore, #tpu.memory_space<semaphore_mem>>) src(%arg11 : memref<80x128xf32, #tpu.memory_space<vmem>>) dst(%dma_wait3A_315 : memref<80x128xf32, #tpu.memory_space<vmem_shared>>)
      tpu.yield
    }) : () -> ()
    %add3A_17 = arith.constant 320 : i32
    %add3A_18 = arith.addi %mul3A_8, %add3A_17 : i32
    "tpu.region"() ({
      %run_scoped3A = tpu.sem_alloc : memref<!tpu.dma_semaphore, #tpu.memory_space<semaphore_mem>>
      %dma_start3A_308 = arith.constant 0 : i32
      %dma_start3A_309 = tpu.memref_slice %arg14[%add3A_18, %dma_start3A_308] : memref<10240x128xf32, #tpu.memory_space<vmem_shared>> -> memref<80x128xf32, #tpu.memory_space<vmem_shared>>
      %dma_start3A_310 = arith.constant 0 : i32
      %dma_start3A_311 = tpu.memref_slice %arg14[%add3A_18, %dma_start3A_310] : memref<10240x128xf32, #tpu.memory_space<vmem_shared>> -> memref<80x128xf32, #tpu.memory_space<vmem_shared>>
      tpu.enqueue_dma source(%arg11 : memref<80x128xf32, #tpu.memory_space<vmem>>) target(%dma_start3A_311 : memref<80x128xf32, #tpu.memory_space<vmem_shared>>) target_semaphore(%run_scoped3A : memref<!tpu.dma_semaphore, #tpu.memory_space<semaphore_mem>>)
      %dma_wait3A_312 = arith.constant 0 : i32
      %dma_wait3A_313 = tpu.memref_slice %arg14[%add3A_18, %dma_wait3A_312] : memref<10240x128xf32, #tpu.memory_space<vmem_shared>> -> memref<80x128xf32, #tpu.memory_space<vmem_shared>>
      %dma_wait3A_314 = arith.constant 0 : i32
      %dma_wait3A_315 = tpu.memref_slice %arg14[%add3A_18, %dma_wait3A_314] : memref<10240x128xf32, #tpu.memory_space<vmem_shared>> -> memref<80x128xf32, #tpu.memory_space<vmem_shared>>
      tpu.wait_dma2 semaphore(%run_scoped3A : memref<!tpu.dma_semaphore, #tpu.memory_space<semaphore_mem>>) src(%arg11 : memref<80x128xf32, #tpu.memory_space<vmem>>) dst(%dma_wait3A_315 : memref<80x128xf32, #tpu.memory_space<vmem_shared>>)
      tpu.yield
    }) : () -> ()
    %add3A_19 = arith.constant 400 : i32
    %add3A_20 = arith.addi %mul3A_8, %add3A_19 : i32
    "tpu.region"() ({
      %run_scoped3A = tpu.sem_alloc : memref<!tpu.dma_semaphore, #tpu.memory_space<semaphore_mem>>
      %dma_start3A_308 = arith.constant 0 : i32
      %dma_start3A_309 = tpu.memref_slice %arg14[%add3A_20, %dma_start3A_308] : memref<10240x128xf32, #tpu.memory_space<vmem_shared>> -> memref<80x128xf32, #tpu.memory_space<vmem_shared>>
      %dma_start3A_310 = arith.constant 0 : i32
      %dma_start3A_311 = tpu.memref_slice %arg14[%add3A_20, %dma_start3A_310] : memref<10240x128xf32, #tpu.memory_space<vmem_shared>> -> memref<80x128xf32, #tpu.memory_space<vmem_shared>>
      tpu.enqueue_dma source(%arg11 : memref<80x128xf32, #tpu.memory_space<vmem>>) target(%dma_start3A_311 : memref<80x128xf32, #tpu.memory_space<vmem_shared>>) target_semaphore(%run_scoped3A : memref<!tpu.dma_semaphore, #tpu.memory_space<semaphore_mem>>)
      %dma_wait3A_312 = arith.constant 0 : i32
      %dma_wait3A_313 = tpu.memref_slice %arg14[%add3A_20, %dma_wait3A_312] : memref<10240x128xf32, #tpu.memory_space<vmem_shared>> -> memref<80x128xf32, #tpu.memory_space<vmem_shared>>
      %dma_wait3A_314 = arith.constant 0 : i32
      %dma_wait3A_315 = tpu.memref_slice %arg14[%add3A_20, %dma_wait3A_314] : memref<10240x128xf32, #tpu.memory_space<vmem_shared>> -> memref<80x128xf32, #tpu.memory_space<vmem_shared>>
      tpu.wait_dma2 semaphore(%run_scoped3A : memref<!tpu.dma_semaphore, #tpu.memory_space<semaphore_mem>>) src(%arg11 : memref<80x128xf32, #tpu.memory_space<vmem>>) dst(%dma_wait3A_315 : memref<80x128xf32, #tpu.memory_space<vmem_shared>>)
      tpu.yield
    }) : () -> ()
    %add3A_21 = arith.constant 480 : i32
    %add3A_22 = arith.addi %mul3A_8, %add3A_21 : i32
    "tpu.region"() ({
      %run_scoped3A = tpu.sem_alloc : memref<!tpu.dma_semaphore, #tpu.memory_space<semaphore_mem>>
      %dma_start3A_308 = arith.constant 0 : i32
      %dma_start3A_309 = tpu.memref_slice %arg14[%add3A_22, %dma_start3A_308] : memref<10240x128xf32, #tpu.memory_space<vmem_shared>> -> memref<80x128xf32, #tpu.memory_space<vmem_shared>>
      %dma_start3A_310 = arith.constant 0 : i32
      %dma_start3A_311 = tpu.memref_slice %arg14[%add3A_22, %dma_start3A_310] : memref<10240x128xf32, #tpu.memory_space<vmem_shared>> -> memref<80x128xf32, #tpu.memory_space<vmem_shared>>
      tpu.enqueue_dma source(%arg11 : memref<80x128xf32, #tpu.memory_space<vmem>>) target(%dma_start3A_311 : memref<80x128xf32, #tpu.memory_space<vmem_shared>>) target_semaphore(%run_scoped3A : memref<!tpu.dma_semaphore, #tpu.memory_space<semaphore_mem>>)
      %dma_wait3A_312 = arith.constant 0 : i32
      %dma_wait3A_313 = tpu.memref_slice %arg14[%add3A_22, %dma_wait3A_312] : memref<10240x128xf32, #tpu.memory_space<vmem_shared>> -> memref<80x128xf32, #tpu.memory_space<vmem_shared>>
      %dma_wait3A_314 = arith.constant 0 : i32
      %dma_wait3A_315 = tpu.memref_slice %arg14[%add3A_22, %dma_wait3A_314] : memref<10240x128xf32, #tpu.memory_space<vmem_shared>> -> memref<80x128xf32, #tpu.memory_space<vmem_shared>>
      tpu.wait_dma2 semaphore(%run_scoped3A : memref<!tpu.dma_semaphore, #tpu.memory_space<semaphore_mem>>) src(%arg11 : memref<80x128xf32, #tpu.memory_space<vmem>>) dst(%dma_wait3A_315 : memref<80x128xf32, #tpu.memory_space<vmem_shared>>)
      tpu.yield
    }) : () -> ()
    %add3A_23 = arith.constant 560 : i32
    %add3A_24 = arith.addi %mul3A_8, %add3A_23 : i32
    "tpu.region"() ({
      %run_scoped3A = tpu.sem_alloc : memref<!tpu.dma_semaphore, #tpu.memory_space<semaphore_mem>>
      %dma_start3A_308 = arith.constant 0 : i32
      %dma_start3A_309 = tpu.memref_slice %arg14[%add3A_24, %dma_start3A_308] : memref<10240x128xf32, #tpu.memory_space<vmem_shared>> -> memref<80x128xf32, #tpu.memory_space<vmem_shared>>
      %dma_start3A_310 = arith.constant 0 : i32
      %dma_start3A_311 = tpu.memref_slice %arg14[%add3A_24, %dma_start3A_310] : memref<10240x128xf32, #tpu.memory_space<vmem_shared>> -> memref<80x128xf32, #tpu.memory_space<vmem_shared>>
      tpu.enqueue_dma source(%arg11 : memref<80x128xf32, #tpu.memory_space<vmem>>) target(%dma_start3A_311 : memref<80x128xf32, #tpu.memory_space<vmem_shared>>) target_semaphore(%run_scoped3A : memref<!tpu.dma_semaphore, #tpu.memory_space<semaphore_mem>>)
      %dma_wait3A_312 = arith.constant 0 : i32
      %dma_wait3A_313 = tpu.memref_slice %arg14[%add3A_24, %dma_wait3A_312] : memref<10240x128xf32, #tpu.memory_space<vmem_shared>> -> memref<80x128xf32, #tpu.memory_space<vmem_shared>>
      %dma_wait3A_314 = arith.constant 0 : i32
      %dma_wait3A_315 = tpu.memref_slice %arg14[%add3A_24, %dma_wait3A_314] : memref<10240x128xf32, #tpu.memory_space<vmem_shared>> -> memref<80x128xf32, #tpu.memory_space<vmem_shared>>
      tpu.wait_dma2 semaphore(%run_scoped3A : memref<!tpu.dma_semaphore, #tpu.memory_space<semaphore_mem>>) src(%arg11 : memref<80x128xf32, #tpu.memory_space<vmem>>) dst(%dma_wait3A_315 : memref<80x128xf32, #tpu.memory_space<vmem_shared>>)
      tpu.yield
    }) : () -> ()
    %barrier3A = arith.constant 0 : index
    tpu.barrier barrier_id(%barrier3A)
    %dma_start3A = arith.constant 0 : i32
    %dma_start3A_25 = arith.constant 0 : i32
    %dma_start3A_26 = arith.constant 0 : i32
    %dma_start3A_27 = tpu.memref_slice %arg3[%add3A, %dma_start3A, %dma_start3A_25, %dma_start3A_26] : memref<32x126x2x80xi32, #tpu.memory_space<hbm>> -> memref<1x1x2x80xi32, #tpu.memory_space<hbm>>
    %dma_start3A_28 = tpu.memref_squeeze %dma_start3A_27 : memref<1x1x2x80xi32, #tpu.memory_space<hbm>> -> memref<2x80xi32, #tpu.memory_space<hbm>>
    %dma_start3A_29 = arith.constant 0 : i32
    %dma_start3A_30 = arith.constant 0 : i32
    %dma_start3A_31 = tpu.memref_slice %arg3[%add3A, %dma_start3A, %dma_start3A_29, %dma_start3A_30] : memref<32x126x2x80xi32, #tpu.memory_space<hbm>> -> memref<1x1x2x80xi32, #tpu.memory_space<hbm>>
    %dma_start3A_32 = tpu.memref_squeeze %dma_start3A_31 : memref<1x1x2x80xi32, #tpu.memory_space<hbm>> -> memref<2x80xi32, #tpu.memory_space<hbm>>
    tpu.enqueue_dma source(%dma_start3A_32 : memref<2x80xi32, #tpu.memory_space<hbm>>) target(%arg5 : memref<2x80xi32, #tpu.memory_space<vmem>>) target_semaphore(%arg15 : memref<!tpu.dma_semaphore, #tpu.memory_space<semaphore_mem>>)
    %dma_start3A_33 = arith.constant 1 : i32
    %dma_start3A_34 = arith.constant 0 : i32
    %dma_start3A_35 = arith.constant 0 : i32
    %dma_start3A_36 = tpu.memref_slice %arg3[%add3A, %dma_start3A_33, %dma_start3A_34, %dma_start3A_35] : memref<32x126x2x80xi32, #tpu.memory_space<hbm>> -> memref<1x1x2x80xi32, #tpu.memory_space<hbm>>
    %dma_start3A_37 = tpu.memref_squeeze %dma_start3A_36 : memref<1x1x2x80xi32, #tpu.memory_space<hbm>> -> memref<2x80xi32, #tpu.memory_space<hbm>>
    %dma_start3A_38 = arith.constant 0 : i32
    %dma_start3A_39 = arith.constant 0 : i32
    %dma_start3A_40 = tpu.memref_slice %arg3[%add3A, %dma_start3A_33, %dma_start3A_38, %dma_start3A_39] : memref<32x126x2x80xi32, #tpu.memory_space<hbm>> -> memref<1x1x2x80xi32, #tpu.memory_space<hbm>>
    %dma_start3A_41 = tpu.memref_squeeze %dma_start3A_40 : memref<1x1x2x80xi32, #tpu.memory_space<hbm>> -> memref<2x80xi32, #tpu.memory_space<hbm>>
    tpu.enqueue_dma source(%dma_start3A_41 : memref<2x80xi32, #tpu.memory_space<hbm>>) target(%arg6 : memref<2x80xi32, #tpu.memory_space<vmem>>) target_semaphore(%arg16 : memref<!tpu.dma_semaphore, #tpu.memory_space<semaphore_mem>>)
    %dma_start3A_42 = arith.constant 2 : i32
    %dma_start3A_43 = arith.constant 0 : i32
    %dma_start3A_44 = arith.constant 0 : i32
    %dma_start3A_45 = tpu.memref_slice %arg3[%add3A, %dma_start3A_42, %dma_start3A_43, %dma_start3A_44] : memref<32x126x2x80xi32, #tpu.memory_space<hbm>> -> memref<1x1x2x80xi32, #tpu.memory_space<hbm>>
    %dma_start3A_46 = tpu.memref_squeeze %dma_start3A_45 : memref<1x1x2x80xi32, #tpu.memory_space<hbm>> -> memref<2x80xi32, #tpu.memory_space<hbm>>
    %dma_start3A_47 = arith.constant 0 : i32
    %dma_start3A_48 = arith.constant 0 : i32
    %dma_start3A_49 = tpu.memref_slice %arg3[%add3A, %dma_start3A_42, %dma_start3A_47, %dma_start3A_48] : memref<32x126x2x80xi32, #tpu.memory_space<hbm>> -> memref<1x1x2x80xi32, #tpu.memory_space<hbm>>
    %dma_start3A_50 = tpu.memref_squeeze %dma_start3A_49 : memref<1x1x2x80xi32, #tpu.memory_space<hbm>> -> memref<2x80xi32, #tpu.memory_space<hbm>>
    tpu.enqueue_dma source(%dma_start3A_50 : memref<2x80xi32, #tpu.memory_space<hbm>>) target(%arg7 : memref<2x80xi32, #tpu.memory_space<vmem>>) target_semaphore(%arg17 : memref<!tpu.dma_semaphore, #tpu.memory_space<semaphore_mem>>)
    %dma_start3A_51 = arith.constant 3 : i32
    %dma_start3A_52 = arith.constant 0 : i32
    %dma_start3A_53 = arith.constant 0 : i32
    %dma_start3A_54 = tpu.memref_slice %arg3[%add3A, %dma_start3A_51, %dma_start3A_52, %dma_start3A_53] : memref<32x126x2x80xi32, #tpu.memory_space<hbm>> -> memref<1x1x2x80xi32, #tpu.memory_space<hbm>>
    %dma_start3A_55 = tpu.memref_squeeze %dma_start3A_54 : memref<1x1x2x80xi32, #tpu.memory_space<hbm>> -> memref<2x80xi32, #tpu.memory_space<hbm>>
    %dma_start3A_56 = arith.constant 0 : i32
    %dma_start3A_57 = arith.constant 0 : i32
    %dma_start3A_58 = tpu.memref_slice %arg3[%add3A, %dma_start3A_51, %dma_start3A_56, %dma_start3A_57] : memref<32x126x2x80xi32, #tpu.memory_space<hbm>> -> memref<1x1x2x80xi32, #tpu.memory_space<hbm>>
    %dma_start3A_59 = tpu.memref_squeeze %dma_start3A_58 : memref<1x1x2x80xi32, #tpu.memory_space<hbm>> -> memref<2x80xi32, #tpu.memory_space<hbm>>
    tpu.enqueue_dma source(%dma_start3A_59 : memref<2x80xi32, #tpu.memory_space<hbm>>) target(%arg8 : memref<2x80xi32, #tpu.memory_space<vmem>>) target_semaphore(%arg18 : memref<!tpu.dma_semaphore, #tpu.memory_space<semaphore_mem>>)
    %dma_start3A_60 = arith.constant 4 : i32
    %dma_start3A_61 = arith.constant 0 : i32
    %dma_start3A_62 = arith.constant 0 : i32
    %dma_start3A_63 = tpu.memref_slice %arg3[%add3A, %dma_start3A_60, %dma_start3A_61, %dma_start3A_62] : memref<32x126x2x80xi32, #tpu.memory_space<hbm>> -> memref<1x1x2x80xi32, #tpu.memory_space<hbm>>
    %dma_start3A_64 = tpu.memref_squeeze %dma_start3A_63 : memref<1x1x2x80xi32, #tpu.memory_space<hbm>> -> memref<2x80xi32, #tpu.memory_space<hbm>>
    %dma_start3A_65 = arith.constant 0 : i32
    %dma_start3A_66 = arith.constant 0 : i32
    %dma_start3A_67 = tpu.memref_slice %arg3[%add3A, %dma_start3A_60, %dma_start3A_65, %dma_start3A_66] : memref<32x126x2x80xi32, #tpu.memory_space<hbm>> -> memref<1x1x2x80xi32, #tpu.memory_space<hbm>>
    %dma_start3A_68 = tpu.memref_squeeze %dma_start3A_67 : memref<1x1x2x80xi32, #tpu.memory_space<hbm>> -> memref<2x80xi32, #tpu.memory_space<hbm>>
    tpu.enqueue_dma source(%dma_start3A_68 : memref<2x80xi32, #tpu.memory_space<hbm>>) target(%arg9 : memref<2x80xi32, #tpu.memory_space<vmem>>) target_semaphore(%arg19 : memref<!tpu.dma_semaphore, #tpu.memory_space<semaphore_mem>>)
    %dma_start3A_69 = arith.constant 5 : i32
    %dma_start3A_70 = arith.constant 0 : i32
    %dma_start3A_71 = arith.constant 0 : i32
    %dma_start3A_72 = tpu.memref_slice %arg3[%add3A, %dma_start3A_69, %dma_start3A_70, %dma_start3A_71] : memref<32x126x2x80xi32, #tpu.memory_space<hbm>> -> memref<1x1x2x80xi32, #tpu.memory_space<hbm>>
    %dma_start3A_73 = tpu.memref_squeeze %dma_start3A_72 : memref<1x1x2x80xi32, #tpu.memory_space<hbm>> -> memref<2x80xi32, #tpu.memory_space<hbm>>
    %dma_start3A_74 = arith.constant 0 : i32
    %dma_start3A_75 = arith.constant 0 : i32
    %dma_start3A_76 = tpu.memref_slice %arg3[%add3A, %dma_start3A_69, %dma_start3A_74, %dma_start3A_75] : memref<32x126x2x80xi32, #tpu.memory_space<hbm>> -> memref<1x1x2x80xi32, #tpu.memory_space<hbm>>
    %dma_start3A_77 = tpu.memref_squeeze %dma_start3A_76 : memref<1x1x2x80xi32, #tpu.memory_space<hbm>> -> memref<2x80xi32, #tpu.memory_space<hbm>>
    tpu.enqueue_dma source(%dma_start3A_77 : memref<2x80xi32, #tpu.memory_space<hbm>>) target(%arg10 : memref<2x80xi32, #tpu.memory_space<vmem>>) target_semaphore(%arg20 : memref<!tpu.dma_semaphore, #tpu.memory_space<semaphore_mem>>)
    %dma_wait3A = arith.constant 0 : i32
    %dma_wait3A_78 = arith.constant 0 : i32
    %dma_wait3A_79 = arith.constant 0 : i32
    %dma_wait3A_80 = tpu.memref_slice %arg3[%add3A, %dma_wait3A, %dma_wait3A_78, %dma_wait3A_79] : memref<32x126x2x80xi32, #tpu.memory_space<hbm>> -> memref<1x1x2x80xi32, #tpu.memory_space<hbm>>
    %dma_wait3A_81 = tpu.memref_squeeze %dma_wait3A_80 : memref<1x1x2x80xi32, #tpu.memory_space<hbm>> -> memref<2x80xi32, #tpu.memory_space<hbm>>
    %dma_wait3A_82 = arith.constant 0 : i32
    %dma_wait3A_83 = arith.constant 0 : i32
    %dma_wait3A_84 = tpu.memref_slice %arg3[%add3A, %dma_wait3A, %dma_wait3A_82, %dma_wait3A_83] : memref<32x126x2x80xi32, #tpu.memory_space<hbm>> -> memref<1x1x2x80xi32, #tpu.memory_space<hbm>>
    %dma_wait3A_85 = tpu.memref_squeeze %dma_wait3A_84 : memref<1x1x2x80xi32, #tpu.memory_space<hbm>> -> memref<2x80xi32, #tpu.memory_space<hbm>>
    tpu.wait_dma2 semaphore(%arg15 : memref<!tpu.dma_semaphore, #tpu.memory_space<semaphore_mem>>) src(%dma_wait3A_85 : memref<2x80xi32, #tpu.memory_space<hbm>>) dst(%arg5 : memref<2x80xi32, #tpu.memory_space<vmem>>)
    %dma_start3A_86 = arith.constant 0 : i32
    %dma_start3A_87 = arith.constant 0 : i32
    %dma_start3A_88 = tpu.memref_slice %arg5[%dma_start3A_86, %dma_start3A_87] : memref<2x80xi32, #tpu.memory_space<vmem>> -> memref<1x80xi32, #tpu.memory_space<vmem>>
    %dma_start3A_89 = tpu.memref_squeeze %dma_start3A_88 : memref<1x80xi32, #tpu.memory_space<vmem>> -> memref<80xi32, #tpu.memory_space<vmem>>
    %dma_start3A_90 = arith.constant 0 : i32
    %dma_start3A_91 = arith.constant 0 : i32
    %dma_start3A_92 = tpu.memref_slice %arg2[%dma_start3A_90, %dma_start3A_91] : memref<10000x128xf32, #tpu.memory_space<hbm>> -> memref<10000x128xf32, #tpu.memory_space<hbm>>
    tpu.enqueue_indirect_dma source(%dma_start3A_92 : memref<10000x128xf32, #tpu.memory_space<hbm>>) target(%arg11 : memref<80x128xf32, #tpu.memory_space<vmem>>) offsets(%dma_start3A_89 : memref<80xi32, #tpu.memory_space<vmem>>) semaphore(%arg21 : memref<!tpu.dma_semaphore, #tpu.memory_space<semaphore_mem>>)
    %dma_wait3A_93 = arith.constant 1 : i32
    %dma_wait3A_94 = arith.constant 0 : i32
    %dma_wait3A_95 = arith.constant 0 : i32
    %dma_wait3A_96 = tpu.memref_slice %arg3[%add3A, %dma_wait3A_93, %dma_wait3A_94, %dma_wait3A_95] : memref<32x126x2x80xi32, #tpu.memory_space<hbm>> -> memref<1x1x2x80xi32, #tpu.memory_space<hbm>>
    %dma_wait3A_97 = tpu.memref_squeeze %dma_wait3A_96 : memref<1x1x2x80xi32, #tpu.memory_space<hbm>> -> memref<2x80xi32, #tpu.memory_space<hbm>>
    %dma_wait3A_98 = arith.constant 0 : i32
    %dma_wait3A_99 = arith.constant 0 : i32
    %dma_wait3A_100 = tpu.memref_slice %arg3[%add3A, %dma_wait3A_93, %dma_wait3A_98, %dma_wait3A_99] : memref<32x126x2x80xi32, #tpu.memory_space<hbm>> -> memref<1x1x2x80xi32, #tpu.memory_space<hbm>>
    %dma_wait3A_101 = tpu.memref_squeeze %dma_wait3A_100 : memref<1x1x2x80xi32, #tpu.memory_space<hbm>> -> memref<2x80xi32, #tpu.memory_space<hbm>>
    tpu.wait_dma2 semaphore(%arg16 : memref<!tpu.dma_semaphore, #tpu.memory_space<semaphore_mem>>) src(%dma_wait3A_101 : memref<2x80xi32, #tpu.memory_space<hbm>>) dst(%arg6 : memref<2x80xi32, #tpu.memory_space<vmem>>)
    %dma_start3A_102 = arith.constant 0 : i32
    %dma_start3A_103 = arith.constant 0 : i32
    %dma_start3A_104 = tpu.memref_slice %arg6[%dma_start3A_102, %dma_start3A_103] : memref<2x80xi32, #tpu.memory_space<vmem>> -> memref<1x80xi32, #tpu.memory_space<vmem>>
    %dma_start3A_105 = tpu.memref_squeeze %dma_start3A_104 : memref<1x80xi32, #tpu.memory_space<vmem>> -> memref<80xi32, #tpu.memory_space<vmem>>
    %dma_start3A_106 = arith.constant 0 : i32
    %dma_start3A_107 = arith.constant 0 : i32
    %dma_start3A_108 = tpu.memref_slice %arg2[%dma_start3A_106, %dma_start3A_107] : memref<10000x128xf32, #tpu.memory_space<hbm>> -> memref<10000x128xf32, #tpu.memory_space<hbm>>
    tpu.enqueue_indirect_dma source(%dma_start3A_108 : memref<10000x128xf32, #tpu.memory_space<hbm>>) target(%arg12 : memref<80x128xf32, #tpu.memory_space<vmem>>) offsets(%dma_start3A_105 : memref<80xi32, #tpu.memory_space<vmem>>) semaphore(%arg22 : memref<!tpu.dma_semaphore, #tpu.memory_space<semaphore_mem>>)
    %dma_wait3A_109 = arith.constant 2 : i32
    %dma_wait3A_110 = arith.constant 0 : i32
    %dma_wait3A_111 = arith.constant 0 : i32
    %dma_wait3A_112 = tpu.memref_slice %arg3[%add3A, %dma_wait3A_109, %dma_wait3A_110, %dma_wait3A_111] : memref<32x126x2x80xi32, #tpu.memory_space<hbm>> -> memref<1x1x2x80xi32, #tpu.memory_space<hbm>>
    %dma_wait3A_113 = tpu.memref_squeeze %dma_wait3A_112 : memref<1x1x2x80xi32, #tpu.memory_space<hbm>> -> memref<2x80xi32, #tpu.memory_space<hbm>>
    %dma_wait3A_114 = arith.constant 0 : i32
    %dma_wait3A_115 = arith.constant 0 : i32
    %dma_wait3A_116 = tpu.memref_slice %arg3[%add3A, %dma_wait3A_109, %dma_wait3A_114, %dma_wait3A_115] : memref<32x126x2x80xi32, #tpu.memory_space<hbm>> -> memref<1x1x2x80xi32, #tpu.memory_space<hbm>>
    %dma_wait3A_117 = tpu.memref_squeeze %dma_wait3A_116 : memref<1x1x2x80xi32, #tpu.memory_space<hbm>> -> memref<2x80xi32, #tpu.memory_space<hbm>>
    tpu.wait_dma2 semaphore(%arg17 : memref<!tpu.dma_semaphore, #tpu.memory_space<semaphore_mem>>) src(%dma_wait3A_117 : memref<2x80xi32, #tpu.memory_space<hbm>>) dst(%arg7 : memref<2x80xi32, #tpu.memory_space<vmem>>)
    %dma_start3A_118 = arith.constant 0 : i32
    %dma_start3A_119 = arith.constant 0 : i32
    %dma_start3A_120 = tpu.memref_slice %arg7[%dma_start3A_118, %dma_start3A_119] : memref<2x80xi32, #tpu.memory_space<vmem>> -> memref<1x80xi32, #tpu.memory_space<vmem>>
    %dma_start3A_121 = tpu.memref_squeeze %dma_start3A_120 : memref<1x80xi32, #tpu.memory_space<vmem>> -> memref<80xi32, #tpu.memory_space<vmem>>
    %dma_start3A_122 = arith.constant 0 : i32
    %dma_start3A_123 = arith.constant 0 : i32
    %dma_start3A_124 = tpu.memref_slice %arg2[%dma_start3A_122, %dma_start3A_123] : memref<10000x128xf32, #tpu.memory_space<hbm>> -> memref<10000x128xf32, #tpu.memory_space<hbm>>
    tpu.enqueue_indirect_dma source(%dma_start3A_124 : memref<10000x128xf32, #tpu.memory_space<hbm>>) target(%arg13 : memref<80x128xf32, #tpu.memory_space<vmem>>) offsets(%dma_start3A_121 : memref<80xi32, #tpu.memory_space<vmem>>) semaphore(%arg23 : memref<!tpu.dma_semaphore, #tpu.memory_space<semaphore_mem>>)
    %scan3A_125 = arith.constant 0 : i32
    %scan3A_126 = arith.constant 0 : i32
    %scan3A_127 = arith.constant 20 : i32
    %scan3A_128 = arith.addi %scan3A_126, %scan3A_127 : i32
    %scan3A_129 = arith.constant 1 : i32
    scf.for %scan3A_308 = %scan3A_126 to %scan3A_128 step %scan3A_129  : i32 {
      %mul3A_309 = arith.constant 2 : i32
      %mul3A_310 = arith.muli %mul3A_309, %scan3A_308 : i32
      %add3A_311 = arith.constant 0 : i32
      %add3A_312 = arith.addi %mul3A_310, %add3A_311 : i32
      %dma_wait3A_313 = arith.constant 0 : i32
      %dma_wait3A_314 = arith.constant 0 : i32
      %dma_wait3A_315 = tpu.memref_slice %arg5[%dma_wait3A_313, %dma_wait3A_314] : memref<2x80xi32, #tpu.memory_space<vmem>> -> memref<1x80xi32, #tpu.memory_space<vmem>>
      %dma_wait3A_316 = tpu.memref_squeeze %dma_wait3A_315 : memref<1x80xi32, #tpu.memory_space<vmem>> -> memref<80xi32, #tpu.memory_space<vmem>>
      %dma_wait3A_317 = arith.constant 0 : i32
      %dma_wait3A_318 = arith.constant 0 : i32
      %dma_wait3A_319 = tpu.memref_slice %arg2[%dma_wait3A_317, %dma_wait3A_318] : memref<10000x128xf32, #tpu.memory_space<hbm>> -> memref<10000x128xf32, #tpu.memory_space<hbm>>
      tpu.wait_indirect_dma semaphore(%arg21 : memref<!tpu.dma_semaphore, #tpu.memory_space<semaphore_mem>>) src(%dma_wait3A_319 : memref<10000x128xf32, #tpu.memory_space<hbm>>) dst(%arg11 : memref<80x128xf32, #tpu.memory_space<vmem>>)
      %dma_start3A_320 = arith.constant 1 : i32
      %dma_start3A_321 = arith.constant 0 : i32
      %dma_start3A_322 = tpu.memref_slice %arg5[%dma_start3A_320, %dma_start3A_321] : memref<2x80xi32, #tpu.memory_space<vmem>> -> memref<1x80xi32, #tpu.memory_space<vmem>>
      %dma_start3A_323 = tpu.memref_squeeze %dma_start3A_322 : memref<1x80xi32, #tpu.memory_space<vmem>> -> memref<80xi32, #tpu.memory_space<vmem>>
      %dma_start3A_324 = arith.constant 0 : i32
      %dma_start3A_325 = arith.constant 0 : i32
      %dma_start3A_326 = tpu.memref_slice %arg14[%dma_start3A_324, %dma_start3A_325] : memref<10240x128xf32, #tpu.memory_space<vmem_shared>> -> memref<10240x128xf32, #tpu.memory_space<vmem_shared>>
      tpu.enqueue_indirect_dma source(%arg11 : memref<80x128xf32, #tpu.memory_space<vmem>>) target(%dma_start3A_326 : memref<10240x128xf32, #tpu.memory_space<vmem_shared>>) offsets(%dma_start3A_323 : memref<80xi32, #tpu.memory_space<vmem>>) semaphore(%arg24 : memref<!tpu.dma_semaphore, #tpu.memory_space<semaphore_mem>>) {add = true}
      %dma_wait3A_327 = arith.constant 0 : i32
      %dma_wait3A_328 = arith.constant 0 : i32
      %dma_wait3A_329 = tpu.memref_slice %arg6[%dma_wait3A_327, %dma_wait3A_328] : memref<2x80xi32, #tpu.memory_space<vmem>> -> memref<1x80xi32, #tpu.memory_space<vmem>>
      %dma_wait3A_330 = tpu.memref_squeeze %dma_wait3A_329 : memref<1x80xi32, #tpu.memory_space<vmem>> -> memref<80xi32, #tpu.memory_space<vmem>>
      %dma_wait3A_331 = arith.constant 0 : i32
      %dma_wait3A_332 = arith.constant 0 : i32
      %dma_wait3A_333 = tpu.memref_slice %arg2[%dma_wait3A_331, %dma_wait3A_332] : memref<10000x128xf32, #tpu.memory_space<hbm>> -> memref<10000x128xf32, #tpu.memory_space<hbm>>
      tpu.wait_indirect_dma semaphore(%arg22 : memref<!tpu.dma_semaphore, #tpu.memory_space<semaphore_mem>>) src(%dma_wait3A_333 : memref<10000x128xf32, #tpu.memory_space<hbm>>) dst(%arg12 : memref<80x128xf32, #tpu.memory_space<vmem>>)
      %dma_start3A_334 = arith.constant 1 : i32
      %dma_start3A_335 = arith.constant 0 : i32
      %dma_start3A_336 = tpu.memref_slice %arg6[%dma_start3A_334, %dma_start3A_335] : memref<2x80xi32, #tpu.memory_space<vmem>> -> memref<1x80xi32, #tpu.memory_space<vmem>>
      %dma_start3A_337 = tpu.memref_squeeze %dma_start3A_336 : memref<1x80xi32, #tpu.memory_space<vmem>> -> memref<80xi32, #tpu.memory_space<vmem>>
      %dma_start3A_338 = arith.constant 0 : i32
      %dma_start3A_339 = arith.constant 0 : i32
      %dma_start3A_340 = tpu.memref_slice %arg14[%dma_start3A_338, %dma_start3A_339] : memref<10240x128xf32, #tpu.memory_space<vmem_shared>> -> memref<10240x128xf32, #tpu.memory_space<vmem_shared>>
      tpu.enqueue_indirect_dma source(%arg12 : memref<80x128xf32, #tpu.memory_space<vmem>>) target(%dma_start3A_340 : memref<10240x128xf32, #tpu.memory_space<vmem_shared>>) offsets(%dma_start3A_337 : memref<80xi32, #tpu.memory_space<vmem>>) semaphore(%arg25 : memref<!tpu.dma_semaphore, #tpu.memory_space<semaphore_mem>>) {add = true}
      %dma_wait3A_341 = arith.constant 0 : i32
      %dma_wait3A_342 = arith.constant 0 : i32
      %dma_wait3A_343 = tpu.memref_slice %arg7[%dma_wait3A_341, %dma_wait3A_342] : memref<2x80xi32, #tpu.memory_space<vmem>> -> memref<1x80xi32, #tpu.memory_space<vmem>>
      %dma_wait3A_344 = tpu.memref_squeeze %dma_wait3A_343 : memref<1x80xi32, #tpu.memory_space<vmem>> -> memref<80xi32, #tpu.memory_space<vmem>>
      %dma_wait3A_345 = arith.constant 0 : i32
      %dma_wait3A_346 = arith.constant 0 : i32
      %dma_wait3A_347 = tpu.memref_slice %arg2[%dma_wait3A_345, %dma_wait3A_346] : memref<10000x128xf32, #tpu.memory_space<hbm>> -> memref<10000x128xf32, #tpu.memory_space<hbm>>
      tpu.wait_indirect_dma semaphore(%arg23 : memref<!tpu.dma_semaphore, #tpu.memory_space<semaphore_mem>>) src(%dma_wait3A_347 : memref<10000x128xf32, #tpu.memory_space<hbm>>) dst(%arg13 : memref<80x128xf32, #tpu.memory_space<vmem>>)
      %dma_start3A_348 = arith.constant 1 : i32
      %dma_start3A_349 = arith.constant 0 : i32
      %dma_start3A_350 = tpu.memref_slice %arg7[%dma_start3A_348, %dma_start3A_349] : memref<2x80xi32, #tpu.memory_space<vmem>> -> memref<1x80xi32, #tpu.memory_space<vmem>>
      %dma_start3A_351 = tpu.memref_squeeze %dma_start3A_350 : memref<1x80xi32, #tpu.memory_space<vmem>> -> memref<80xi32, #tpu.memory_space<vmem>>
      %dma_start3A_352 = arith.constant 0 : i32
      %dma_start3A_353 = arith.constant 0 : i32
      %dma_start3A_354 = tpu.memref_slice %arg14[%dma_start3A_352, %dma_start3A_353] : memref<10240x128xf32, #tpu.memory_space<vmem_shared>> -> memref<10240x128xf32, #tpu.memory_space<vmem_shared>>
      tpu.enqueue_indirect_dma source(%arg13 : memref<80x128xf32, #tpu.memory_space<vmem>>) target(%dma_start3A_354 : memref<10240x128xf32, #tpu.memory_space<vmem_shared>>) offsets(%dma_start3A_351 : memref<80xi32, #tpu.memory_space<vmem>>) semaphore(%arg26 : memref<!tpu.dma_semaphore, #tpu.memory_space<semaphore_mem>>) {add = true}
      %dma_wait3A_355 = arith.constant 1 : i32
      %dma_wait3A_356 = arith.constant 0 : i32
      %dma_wait3A_357 = tpu.memref_slice %arg5[%dma_wait3A_355, %dma_wait3A_356] : memref<2x80xi32, #tpu.memory_space<vmem>> -> memref<1x80xi32, #tpu.memory_space<vmem>>
      %dma_wait3A_358 = tpu.memref_squeeze %dma_wait3A_357 : memref<1x80xi32, #tpu.memory_space<vmem>> -> memref<80xi32, #tpu.memory_space<vmem>>
      %dma_wait3A_359 = arith.constant 0 : i32
      %dma_wait3A_360 = arith.constant 0 : i32
      %dma_wait3A_361 = tpu.memref_slice %arg14[%dma_wait3A_359, %dma_wait3A_360] : memref<10240x128xf32, #tpu.memory_space<vmem_shared>> -> memref<10240x128xf32, #tpu.memory_space<vmem_shared>>
      tpu.wait_indirect_dma semaphore(%arg24 : memref<!tpu.dma_semaphore, #tpu.memory_space<semaphore_mem>>) src(%arg11 : memref<80x128xf32, #tpu.memory_space<vmem>>) dst(%dma_wait3A_361 : memref<10240x128xf32, #tpu.memory_space<vmem_shared>>)
      %add3A_362 = arith.constant 2 : i32
      %add3A_363 = arith.addi %add3A_312, %add3A_362 : i32
      %mul3A_364 = arith.constant 3 : i32
      %mul3A_365 = arith.muli %add3A_363, %mul3A_364 : i32
      %add3A_366 = arith.constant 0 : i32
      %add3A_367 = arith.addi %mul3A_365, %add3A_366 : i32
      %dma_start3A_368 = arith.constant 0 : i32
      %dma_start3A_369 = arith.constant 0 : i32
      %dma_start3A_370 = tpu.memref_slice %arg3[%add3A, %add3A_367, %dma_start3A_368, %dma_start3A_369] : memref<32x126x2x80xi32, #tpu.memory_space<hbm>> -> memref<1x1x2x80xi32, #tpu.memory_space<hbm>>
      %dma_start3A_371 = tpu.memref_squeeze %dma_start3A_370 : memref<1x1x2x80xi32, #tpu.memory_space<hbm>> -> memref<2x80xi32, #tpu.memory_space<hbm>>
      %dma_start3A_372 = arith.constant 0 : i32
      %dma_start3A_373 = arith.constant 0 : i32
      %dma_start3A_374 = tpu.memref_slice %arg3[%add3A, %add3A_367, %dma_start3A_372, %dma_start3A_373] : memref<32x126x2x80xi32, #tpu.memory_space<hbm>> -> memref<1x1x2x80xi32, #tpu.memory_space<hbm>>
      %dma_start3A_375 = tpu.memref_squeeze %dma_start3A_374 : memref<1x1x2x80xi32, #tpu.memory_space<hbm>> -> memref<2x80xi32, #tpu.memory_space<hbm>>
      tpu.enqueue_dma source(%dma_start3A_375 : memref<2x80xi32, #tpu.memory_space<hbm>>) target(%arg5 : memref<2x80xi32, #tpu.memory_space<vmem>>) target_semaphore(%arg15 : memref<!tpu.dma_semaphore, #tpu.memory_space<semaphore_mem>>)
      %add3A_376 = arith.constant 1 : i32
      %add3A_377 = arith.addi %add3A_312, %add3A_376 : i32
      %mul3A_378 = arith.constant 3 : i32
      %mul3A_379 = arith.muli %add3A_377, %mul3A_378 : i32
      %add3A_380 = arith.constant 0 : i32
      %add3A_381 = arith.addi %mul3A_379, %add3A_380 : i32
      %dma_wait3A_382 = arith.constant 0 : i32
      %dma_wait3A_383 = arith.constant 0 : i32
      %dma_wait3A_384 = tpu.memref_slice %arg3[%add3A, %add3A_381, %dma_wait3A_382, %dma_wait3A_383] : memref<32x126x2x80xi32, #tpu.memory_space<hbm>> -> memref<1x1x2x80xi32, #tpu.memory_space<hbm>>
      %dma_wait3A_385 = tpu.memref_squeeze %dma_wait3A_384 : memref<1x1x2x80xi32, #tpu.memory_space<hbm>> -> memref<2x80xi32, #tpu.memory_space<hbm>>
      %dma_wait3A_386 = arith.constant 0 : i32
      %dma_wait3A_387 = arith.constant 0 : i32
      %dma_wait3A_388 = tpu.memref_slice %arg3[%add3A, %add3A_381, %dma_wait3A_386, %dma_wait3A_387] : memref<32x126x2x80xi32, #tpu.memory_space<hbm>> -> memref<1x1x2x80xi32, #tpu.memory_space<hbm>>
      %dma_wait3A_389 = tpu.memref_squeeze %dma_wait3A_388 : memref<1x1x2x80xi32, #tpu.memory_space<hbm>> -> memref<2x80xi32, #tpu.memory_space<hbm>>
      tpu.wait_dma2 semaphore(%arg18 : memref<!tpu.dma_semaphore, #tpu.memory_space<semaphore_mem>>) src(%dma_wait3A_389 : memref<2x80xi32, #tpu.memory_space<hbm>>) dst(%arg8 : memref<2x80xi32, #tpu.memory_space<vmem>>)
      %dma_start3A_390 = arith.constant 0 : i32
      %dma_start3A_391 = arith.constant 0 : i32
      %dma_start3A_392 = tpu.memref_slice %arg8[%dma_start3A_390, %dma_start3A_391] : memref<2x80xi32, #tpu.memory_space<vmem>> -> memref<1x80xi32, #tpu.memory_space<vmem>>
      %dma_start3A_393 = tpu.memref_squeeze %dma_start3A_392 : memref<1x80xi32, #tpu.memory_space<vmem>> -> memref<80xi32, #tpu.memory_space<vmem>>
      %dma_start3A_394 = arith.constant 0 : i32
      %dma_start3A_395 = arith.constant 0 : i32
      %dma_start3A_396 = tpu.memref_slice %arg2[%dma_start3A_394, %dma_start3A_395] : memref<10000x128xf32, #tpu.memory_space<hbm>> -> memref<10000x128xf32, #tpu.memory_space<hbm>>
      tpu.enqueue_indirect_dma source(%dma_start3A_396 : memref<10000x128xf32, #tpu.memory_space<hbm>>) target(%arg11 : memref<80x128xf32, #tpu.memory_space<vmem>>) offsets(%dma_start3A_393 : memref<80xi32, #tpu.memory_space<vmem>>) semaphore(%arg21 : memref<!tpu.dma_semaphore, #tpu.memory_space<semaphore_mem>>)
      %dma_wait3A_397 = arith.constant 1 : i32
      %dma_wait3A_398 = arith.constant 0 : i32
      %dma_wait3A_399 = tpu.memref_slice %arg6[%dma_wait3A_397, %dma_wait3A_398] : memref<2x80xi32, #tpu.memory_space<vmem>> -> memref<1x80xi32, #tpu.memory_space<vmem>>
      %dma_wait3A_400 = tpu.memref_squeeze %dma_wait3A_399 : memref<1x80xi32, #tpu.memory_space<vmem>> -> memref<80xi32, #tpu.memory_space<vmem>>
      %dma_wait3A_401 = arith.constant 0 : i32
      %dma_wait3A_402 = arith.constant 0 : i32
      %dma_wait3A_403 = tpu.memref_slice %arg14[%dma_wait3A_401, %dma_wait3A_402] : memref<10240x128xf32, #tpu.memory_space<vmem_shared>> -> memref<10240x128xf32, #tpu.memory_space<vmem_shared>>
      tpu.wait_indirect_dma semaphore(%arg25 : memref<!tpu.dma_semaphore, #tpu.memory_space<semaphore_mem>>) src(%arg12 : memref<80x128xf32, #tpu.memory_space<vmem>>) dst(%dma_wait3A_403 : memref<10240x128xf32, #tpu.memory_space<vmem_shared>>)
      %add3A_404 = arith.constant 2 : i32
      %add3A_405 = arith.addi %add3A_312, %add3A_404 : i32
      %mul3A_406 = arith.constant 3 : i32
      %mul3A_407 = arith.muli %add3A_405, %mul3A_406 : i32
      %add3A_408 = arith.constant 1 : i32
      %add3A_409 = arith.addi %mul3A_407, %add3A_408 : i32
      %dma_start3A_410 = arith.constant 0 : i32
      %dma_start3A_411 = arith.constant 0 : i32
      %dma_start3A_412 = tpu.memref_slice %arg3[%add3A, %add3A_409, %dma_start3A_410, %dma_start3A_411] : memref<32x126x2x80xi32, #tpu.memory_space<hbm>> -> memref<1x1x2x80xi32, #tpu.memory_space<hbm>>
      %dma_start3A_413 = tpu.memref_squeeze %dma_start3A_412 : memref<1x1x2x80xi32, #tpu.memory_space<hbm>> -> memref<2x80xi32, #tpu.memory_space<hbm>>
      %dma_start3A_414 = arith.constant 0 : i32
      %dma_start3A_415 = arith.constant 0 : i32
      %dma_start3A_416 = tpu.memref_slice %arg3[%add3A, %add3A_409, %dma_start3A_414, %dma_start3A_415] : memref<32x126x2x80xi32, #tpu.memory_space<hbm>> -> memref<1x1x2x80xi32, #tpu.memory_space<hbm>>
      %dma_start3A_417 = tpu.memref_squeeze %dma_start3A_416 : memref<1x1x2x80xi32, #tpu.memory_space<hbm>> -> memref<2x80xi32, #tpu.memory_space<hbm>>
      tpu.enqueue_dma source(%dma_start3A_417 : memref<2x80xi32, #tpu.memory_space<hbm>>) target(%arg6 : memref<2x80xi32, #tpu.memory_space<vmem>>) target_semaphore(%arg16 : memref<!tpu.dma_semaphore, #tpu.memory_space<semaphore_mem>>)
      %add3A_418 = arith.constant 1 : i32
      %add3A_419 = arith.addi %add3A_312, %add3A_418 : i32
      %mul3A_420 = arith.constant 3 : i32
      %mul3A_421 = arith.muli %add3A_419, %mul3A_420 : i32
      %add3A_422 = arith.constant 1 : i32
      %add3A_423 = arith.addi %mul3A_421, %add3A_422 : i32
      %dma_wait3A_424 = arith.constant 0 : i32
      %dma_wait3A_425 = arith.constant 0 : i32
      %dma_wait3A_426 = tpu.memref_slice %arg3[%add3A, %add3A_423, %dma_wait3A_424, %dma_wait3A_425] : memref<32x126x2x80xi32, #tpu.memory_space<hbm>> -> memref<1x1x2x80xi32, #tpu.memory_space<hbm>>
      %dma_wait3A_427 = tpu.memref_squeeze %dma_wait3A_426 : memref<1x1x2x80xi32, #tpu.memory_space<hbm>> -> memref<2x80xi32, #tpu.memory_space<hbm>>
      %dma_wait3A_428 = arith.constant 0 : i32
      %dma_wait3A_429 = arith.constant 0 : i32
      %dma_wait3A_430 = tpu.memref_slice %arg3[%add3A, %add3A_423, %dma_wait3A_428, %dma_wait3A_429] : memref<32x126x2x80xi32, #tpu.memory_space<hbm>> -> memref<1x1x2x80xi32, #tpu.memory_space<hbm>>
      %dma_wait3A_431 = tpu.memref_squeeze %dma_wait3A_430 : memref<1x1x2x80xi32, #tpu.memory_space<hbm>> -> memref<2x80xi32, #tpu.memory_space<hbm>>
      tpu.wait_dma2 semaphore(%arg19 : memref<!tpu.dma_semaphore, #tpu.memory_space<semaphore_mem>>) src(%dma_wait3A_431 : memref<2x80xi32, #tpu.memory_space<hbm>>) dst(%arg9 : memref<2x80xi32, #tpu.memory_space<vmem>>)
      %dma_start3A_432 = arith.constant 0 : i32
      %dma_start3A_433 = arith.constant 0 : i32
      %dma_start3A_434 = tpu.memref_slice %arg9[%dma_start3A_432, %dma_start3A_433] : memref<2x80xi32, #tpu.memory_space<vmem>> -> memref<1x80xi32, #tpu.memory_space<vmem>>
      %dma_start3A_435 = tpu.memref_squeeze %dma_start3A_434 : memref<1x80xi32, #tpu.memory_space<vmem>> -> memref<80xi32, #tpu.memory_space<vmem>>
      %dma_start3A_436 = arith.constant 0 : i32
      %dma_start3A_437 = arith.constant 0 : i32
      %dma_start3A_438 = tpu.memref_slice %arg2[%dma_start3A_436, %dma_start3A_437] : memref<10000x128xf32, #tpu.memory_space<hbm>> -> memref<10000x128xf32, #tpu.memory_space<hbm>>
      tpu.enqueue_indirect_dma source(%dma_start3A_438 : memref<10000x128xf32, #tpu.memory_space<hbm>>) target(%arg12 : memref<80x128xf32, #tpu.memory_space<vmem>>) offsets(%dma_start3A_435 : memref<80xi32, #tpu.memory_space<vmem>>) semaphore(%arg22 : memref<!tpu.dma_semaphore, #tpu.memory_space<semaphore_mem>>)
      %dma_wait3A_439 = arith.constant 1 : i32
      %dma_wait3A_440 = arith.constant 0 : i32
      %dma_wait3A_441 = tpu.memref_slice %arg7[%dma_wait3A_439, %dma_wait3A_440] : memref<2x80xi32, #tpu.memory_space<vmem>> -> memref<1x80xi32, #tpu.memory_space<vmem>>
      %dma_wait3A_442 = tpu.memref_squeeze %dma_wait3A_441 : memref<1x80xi32, #tpu.memory_space<vmem>> -> memref<80xi32, #tpu.memory_space<vmem>>
      %dma_wait3A_443 = arith.constant 0 : i32
      %dma_wait3A_444 = arith.constant 0 : i32
      %dma_wait3A_445 = tpu.memref_slice %arg14[%dma_wait3A_443, %dma_wait3A_444] : memref<10240x128xf32, #tpu.memory_space<vmem_shared>> -> memref<10240x128xf32, #tpu.memory_space<vmem_shared>>
      tpu.wait_indirect_dma semaphore(%arg26 : memref<!tpu.dma_semaphore, #tpu.memory_space<semaphore_mem>>) src(%arg13 : memref<80x128xf32, #tpu.memory_space<vmem>>) dst(%dma_wait3A_445 : memref<10240x128xf32, #tpu.memory_space<vmem_shared>>)
      %add3A_446 = arith.constant 2 : i32
      %add3A_447 = arith.addi %add3A_312, %add3A_446 : i32
      %mul3A_448 = arith.constant 3 : i32
      %mul3A_449 = arith.muli %add3A_447, %mul3A_448 : i32
      %add3A_450 = arith.constant 2 : i32
      %add3A_451 = arith.addi %mul3A_449, %add3A_450 : i32
      %dma_start3A_452 = arith.constant 0 : i32
      %dma_start3A_453 = arith.constant 0 : i32
      %dma_start3A_454 = tpu.memref_slice %arg3[%add3A, %add3A_451, %dma_start3A_452, %dma_start3A_453] : memref<32x126x2x80xi32, #tpu.memory_space<hbm>> -> memref<1x1x2x80xi32, #tpu.memory_space<hbm>>
      %dma_start3A_455 = tpu.memref_squeeze %dma_start3A_454 : memref<1x1x2x80xi32, #tpu.memory_space<hbm>> -> memref<2x80xi32, #tpu.memory_space<hbm>>
      %dma_start3A_456 = arith.constant 0 : i32
      %dma_start3A_457 = arith.constant 0 : i32
      %dma_start3A_458 = tpu.memref_slice %arg3[%add3A, %add3A_451, %dma_start3A_456, %dma_start3A_457] : memref<32x126x2x80xi32, #tpu.memory_space<hbm>> -> memref<1x1x2x80xi32, #tpu.memory_space<hbm>>
      %dma_start3A_459 = tpu.memref_squeeze %dma_start3A_458 : memref<1x1x2x80xi32, #tpu.memory_space<hbm>> -> memref<2x80xi32, #tpu.memory_space<hbm>>
      tpu.enqueue_dma source(%dma_start3A_459 : memref<2x80xi32, #tpu.memory_space<hbm>>) target(%arg7 : memref<2x80xi32, #tpu.memory_space<vmem>>) target_semaphore(%arg17 : memref<!tpu.dma_semaphore, #tpu.memory_space<semaphore_mem>>)
      %add3A_460 = arith.constant 1 : i32
      %add3A_461 = arith.addi %add3A_312, %add3A_460 : i32
      %mul3A_462 = arith.constant 3 : i32
      %mul3A_463 = arith.muli %add3A_461, %mul3A_462 : i32
      %add3A_464 = arith.constant 2 : i32
      %add3A_465 = arith.addi %mul3A_463, %add3A_464 : i32
      %dma_wait3A_466 = arith.constant 0 : i32
      %dma_wait3A_467 = arith.constant 0 : i32
      %dma_wait3A_468 = tpu.memref_slice %arg3[%add3A, %add3A_465, %dma_wait3A_466, %dma_wait3A_467] : memref<32x126x2x80xi32, #tpu.memory_space<hbm>> -> memref<1x1x2x80xi32, #tpu.memory_space<hbm>>
      %dma_wait3A_469 = tpu.memref_squeeze %dma_wait3A_468 : memref<1x1x2x80xi32, #tpu.memory_space<hbm>> -> memref<2x80xi32, #tpu.memory_space<hbm>>
      %dma_wait3A_470 = arith.constant 0 : i32
      %dma_wait3A_471 = arith.constant 0 : i32
      %dma_wait3A_472 = tpu.memref_slice %arg3[%add3A, %add3A_465, %dma_wait3A_470, %dma_wait3A_471] : memref<32x126x2x80xi32, #tpu.memory_space<hbm>> -> memref<1x1x2x80xi32, #tpu.memory_space<hbm>>
      %dma_wait3A_473 = tpu.memref_squeeze %dma_wait3A_472 : memref<1x1x2x80xi32, #tpu.memory_space<hbm>> -> memref<2x80xi32, #tpu.memory_space<hbm>>
      tpu.wait_dma2 semaphore(%arg20 : memref<!tpu.dma_semaphore, #tpu.memory_space<semaphore_mem>>) src(%dma_wait3A_473 : memref<2x80xi32, #tpu.memory_space<hbm>>) dst(%arg10 : memref<2x80xi32, #tpu.memory_space<vmem>>)
      %dma_start3A_474 = arith.constant 0 : i32
      %dma_start3A_475 = arith.constant 0 : i32
      %dma_start3A_476 = tpu.memref_slice %arg10[%dma_start3A_474, %dma_start3A_475] : memref<2x80xi32, #tpu.memory_space<vmem>> -> memref<1x80xi32, #tpu.memory_space<vmem>>
      %dma_start3A_477 = tpu.memref_squeeze %dma_start3A_476 : memref<1x80xi32, #tpu.memory_space<vmem>> -> memref<80xi32, #tpu.memory_space<vmem>>
      %dma_start3A_478 = arith.constant 0 : i32
      %dma_start3A_479 = arith.constant 0 : i32
      %dma_start3A_480 = tpu.memref_slice %arg2[%dma_start3A_478, %dma_start3A_479] : memref<10000x128xf32, #tpu.memory_space<hbm>> -> memref<10000x128xf32, #tpu.memory_space<hbm>>
      tpu.enqueue_indirect_dma source(%dma_start3A_480 : memref<10000x128xf32, #tpu.memory_space<hbm>>) target(%arg13 : memref<80x128xf32, #tpu.memory_space<vmem>>) offsets(%dma_start3A_477 : memref<80xi32, #tpu.memory_space<vmem>>) semaphore(%arg23 : memref<!tpu.dma_semaphore, #tpu.memory_space<semaphore_mem>>)
      %mul3A_481 = arith.constant 2 : i32
      %mul3A_482 = arith.muli %mul3A_481, %scan3A_308 : i32
      %add3A_483 = arith.constant 1 : i32
      %add3A_484 = arith.addi %mul3A_482, %add3A_483 : i32
      %dma_wait3A_485 = arith.constant 0 : i32
      %dma_wait3A_486 = arith.constant 0 : i32
      %dma_wait3A_487 = tpu.memref_slice %arg8[%dma_wait3A_485, %dma_wait3A_486] : memref<2x80xi32, #tpu.memory_space<vmem>> -> memref<1x80xi32, #tpu.memory_space<vmem>>
      %dma_wait3A_488 = tpu.memref_squeeze %dma_wait3A_487 : memref<1x80xi32, #tpu.memory_space<vmem>> -> memref<80xi32, #tpu.memory_space<vmem>>
      %dma_wait3A_489 = arith.constant 0 : i32
      %dma_wait3A_490 = arith.constant 0 : i32
      %dma_wait3A_491 = tpu.memref_slice %arg2[%dma_wait3A_489, %dma_wait3A_490] : memref<10000x128xf32, #tpu.memory_space<hbm>> -> memref<10000x128xf32, #tpu.memory_space<hbm>>
      tpu.wait_indirect_dma semaphore(%arg21 : memref<!tpu.dma_semaphore, #tpu.memory_space<semaphore_mem>>) src(%dma_wait3A_491 : memref<10000x128xf32, #tpu.memory_space<hbm>>) dst(%arg11 : memref<80x128xf32, #tpu.memory_space<vmem>>)
      %dma_start3A_492 = arith.constant 1 : i32
      %dma_start3A_493 = arith.constant 0 : i32
      %dma_start3A_494 = tpu.memref_slice %arg8[%dma_start3A_492, %dma_start3A_493] : memref<2x80xi32, #tpu.memory_space<vmem>> -> memref<1x80xi32, #tpu.memory_space<vmem>>
      %dma_start3A_495 = tpu.memref_squeeze %dma_start3A_494 : memref<1x80xi32, #tpu.memory_space<vmem>> -> memref<80xi32, #tpu.memory_space<vmem>>
      %dma_start3A_496 = arith.constant 0 : i32
      %dma_start3A_497 = arith.constant 0 : i32
      %dma_start3A_498 = tpu.memref_slice %arg14[%dma_start3A_496, %dma_start3A_497] : memref<10240x128xf32, #tpu.memory_space<vmem_shared>> -> memref<10240x128xf32, #tpu.memory_space<vmem_shared>>
      tpu.enqueue_indirect_dma source(%arg11 : memref<80x128xf32, #tpu.memory_space<vmem>>) target(%dma_start3A_498 : memref<10240x128xf32, #tpu.memory_space<vmem_shared>>) offsets(%dma_start3A_495 : memref<80xi32, #tpu.memory_space<vmem>>) semaphore(%arg24 : memref<!tpu.dma_semaphore, #tpu.memory_space<semaphore_mem>>) {add = true}
      %dma_wait3A_499 = arith.constant 0 : i32
      %dma_wait3A_500 = arith.constant 0 : i32
      %dma_wait3A_501 = tpu.memref_slice %arg9[%dma_wait3A_499, %dma_wait3A_500] : memref<2x80xi32, #tpu.memory_space<vmem>> -> memref<1x80xi32, #tpu.memory_space<vmem>>
      %dma_wait3A_502 = tpu.memref_squeeze %dma_wait3A_501 : memref<1x80xi32, #tpu.memory_space<vmem>> -> memref<80xi32, #tpu.memory_space<vmem>>
      %dma_wait3A_503 = arith.constant 0 : i32
      %dma_wait3A_504 = arith.constant 0 : i32
      %dma_wait3A_505 = tpu.memref_slice %arg2[%dma_wait3A_503, %dma_wait3A_504] : memref<10000x128xf32, #tpu.memory_space<hbm>> -> memref<10000x128xf32, #tpu.memory_space<hbm>>
      tpu.wait_indirect_dma semaphore(%arg22 : memref<!tpu.dma_semaphore, #tpu.memory_space<semaphore_mem>>) src(%dma_wait3A_505 : memref<10000x128xf32, #tpu.memory_space<hbm>>) dst(%arg12 : memref<80x128xf32, #tpu.memory_space<vmem>>)
      %dma_start3A_506 = arith.constant 1 : i32
      %dma_start3A_507 = arith.constant 0 : i32
      %dma_start3A_508 = tpu.memref_slice %arg9[%dma_start3A_506, %dma_start3A_507] : memref<2x80xi32, #tpu.memory_space<vmem>> -> memref<1x80xi32, #tpu.memory_space<vmem>>
      %dma_start3A_509 = tpu.memref_squeeze %dma_start3A_508 : memref<1x80xi32, #tpu.memory_space<vmem>> -> memref<80xi32, #tpu.memory_space<vmem>>
      %dma_start3A_510 = arith.constant 0 : i32
      %dma_start3A_511 = arith.constant 0 : i32
      %dma_start3A_512 = tpu.memref_slice %arg14[%dma_start3A_510, %dma_start3A_511] : memref<10240x128xf32, #tpu.memory_space<vmem_shared>> -> memref<10240x128xf32, #tpu.memory_space<vmem_shared>>
      tpu.enqueue_indirect_dma source(%arg12 : memref<80x128xf32, #tpu.memory_space<vmem>>) target(%dma_start3A_512 : memref<10240x128xf32, #tpu.memory_space<vmem_shared>>) offsets(%dma_start3A_509 : memref<80xi32, #tpu.memory_space<vmem>>) semaphore(%arg25 : memref<!tpu.dma_semaphore, #tpu.memory_space<semaphore_mem>>) {add = true}
      %dma_wait3A_513 = arith.constant 0 : i32
      %dma_wait3A_514 = arith.constant 0 : i32
      %dma_wait3A_515 = tpu.memref_slice %arg10[%dma_wait3A_513, %dma_wait3A_514] : memref<2x80xi32, #tpu.memory_space<vmem>> -> memref<1x80xi32, #tpu.memory_space<vmem>>
      %dma_wait3A_516 = tpu.memref_squeeze %dma_wait3A_515 : memref<1x80xi32, #tpu.memory_space<vmem>> -> memref<80xi32, #tpu.memory_space<vmem>>
      %dma_wait3A_517 = arith.constant 0 : i32
      %dma_wait3A_518 = arith.constant 0 : i32
      %dma_wait3A_519 = tpu.memref_slice %arg2[%dma_wait3A_517, %dma_wait3A_518] : memref<10000x128xf32, #tpu.memory_space<hbm>> -> memref<10000x128xf32, #tpu.memory_space<hbm>>
      tpu.wait_indirect_dma semaphore(%arg23 : memref<!tpu.dma_semaphore, #tpu.memory_space<semaphore_mem>>) src(%dma_wait3A_519 : memref<10000x128xf32, #tpu.memory_space<hbm>>) dst(%arg13 : memref<80x128xf32, #tpu.memory_space<vmem>>)
      %dma_start3A_520 = arith.constant 1 : i32
      %dma_start3A_521 = arith.constant 0 : i32
      %dma_start3A_522 = tpu.memref_slice %arg10[%dma_start3A_520, %dma_start3A_521] : memref<2x80xi32, #tpu.memory_space<vmem>> -> memref<1x80xi32, #tpu.memory_space<vmem>>
      %dma_start3A_523 = tpu.memref_squeeze %dma_start3A_522 : memref<1x80xi32, #tpu.memory_space<vmem>> -> memref<80xi32, #tpu.memory_space<vmem>>
      %dma_start3A_524 = arith.constant 0 : i32
      %dma_start3A_525 = arith.constant 0 : i32
      %dma_start3A_526 = tpu.memref_slice %arg14[%dma_start3A_524, %dma_start3A_525] : memref<10240x128xf32, #tpu.memory_space<vmem_shared>> -> memref<10240x128xf32, #tpu.memory_space<vmem_shared>>
      tpu.enqueue_indirect_dma source(%arg13 : memref<80x128xf32, #tpu.memory_space<vmem>>) target(%dma_start3A_526 : memref<10240x128xf32, #tpu.memory_space<vmem_shared>>) offsets(%dma_start3A_523 : memref<80xi32, #tpu.memory_space<vmem>>) semaphore(%arg26 : memref<!tpu.dma_semaphore, #tpu.memory_space<semaphore_mem>>) {add = true}
      %dma_wait3A_527 = arith.constant 1 : i32
      %dma_wait3A_528 = arith.constant 0 : i32
      %dma_wait3A_529 = tpu.memref_slice %arg8[%dma_wait3A_527, %dma_wait3A_528] : memref<2x80xi32, #tpu.memory_space<vmem>> -> memref<1x80xi32, #tpu.memory_space<vmem>>
      %dma_wait3A_530 = tpu.memref_squeeze %dma_wait3A_529 : memref<1x80xi32, #tpu.memory_space<vmem>> -> memref<80xi32, #tpu.memory_space<vmem>>
      %dma_wait3A_531 = arith.constant 0 : i32
      %dma_wait3A_532 = arith.constant 0 : i32
      %dma_wait3A_533 = tpu.memref_slice %arg14[%dma_wait3A_531, %dma_wait3A_532] : memref<10240x128xf32, #tpu.memory_space<vmem_shared>> -> memref<10240x128xf32, #tpu.memory_space<vmem_shared>>
      tpu.wait_indirect_dma semaphore(%arg24 : memref<!tpu.dma_semaphore, #tpu.memory_space<semaphore_mem>>) src(%arg11 : memref<80x128xf32, #tpu.memory_space<vmem>>) dst(%dma_wait3A_533 : memref<10240x128xf32, #tpu.memory_space<vmem_shared>>)
      %add3A_534 = arith.constant 2 : i32
      %add3A_535 = arith.addi %add3A_484, %add3A_534 : i32
      %mul3A_536 = arith.constant 3 : i32
      %mul3A_537 = arith.muli %add3A_535, %mul3A_536 : i32
      %add3A_538 = arith.constant 0 : i32
      %add3A_539 = arith.addi %mul3A_537, %add3A_538 : i32
      %dma_start3A_540 = arith.constant 0 : i32
      %dma_start3A_541 = arith.constant 0 : i32
      %dma_start3A_542 = tpu.memref_slice %arg3[%add3A, %add3A_539, %dma_start3A_540, %dma_start3A_541] : memref<32x126x2x80xi32, #tpu.memory_space<hbm>> -> memref<1x1x2x80xi32, #tpu.memory_space<hbm>>
      %dma_start3A_543 = tpu.memref_squeeze %dma_start3A_542 : memref<1x1x2x80xi32, #tpu.memory_space<hbm>> -> memref<2x80xi32, #tpu.memory_space<hbm>>
      %dma_start3A_544 = arith.constant 0 : i32
      %dma_start3A_545 = arith.constant 0 : i32
      %dma_start3A_546 = tpu.memref_slice %arg3[%add3A, %add3A_539, %dma_start3A_544, %dma_start3A_545] : memref<32x126x2x80xi32, #tpu.memory_space<hbm>> -> memref<1x1x2x80xi32, #tpu.memory_space<hbm>>
      %dma_start3A_547 = tpu.memref_squeeze %dma_start3A_546 : memref<1x1x2x80xi32, #tpu.memory_space<hbm>> -> memref<2x80xi32, #tpu.memory_space<hbm>>
      tpu.enqueue_dma source(%dma_start3A_547 : memref<2x80xi32, #tpu.memory_space<hbm>>) target(%arg8 : memref<2x80xi32, #tpu.memory_space<vmem>>) target_semaphore(%arg18 : memref<!tpu.dma_semaphore, #tpu.memory_space<semaphore_mem>>)
      %add3A_548 = arith.constant 1 : i32
      %add3A_549 = arith.addi %add3A_484, %add3A_548 : i32
      %mul3A_550 = arith.constant 3 : i32
      %mul3A_551 = arith.muli %add3A_549, %mul3A_550 : i32
      %add3A_552 = arith.constant 0 : i32
      %add3A_553 = arith.addi %mul3A_551, %add3A_552 : i32
      %dma_wait3A_554 = arith.constant 0 : i32
      %dma_wait3A_555 = arith.constant 0 : i32
      %dma_wait3A_556 = tpu.memref_slice %arg3[%add3A, %add3A_553, %dma_wait3A_554, %dma_wait3A_555] : memref<32x126x2x80xi32, #tpu.memory_space<hbm>> -> memref<1x1x2x80xi32, #tpu.memory_space<hbm>>
      %dma_wait3A_557 = tpu.memref_squeeze %dma_wait3A_556 : memref<1x1x2x80xi32, #tpu.memory_space<hbm>> -> memref<2x80xi32, #tpu.memory_space<hbm>>
      %dma_wait3A_558 = arith.constant 0 : i32
      %dma_wait3A_559 = arith.constant 0 : i32
      %dma_wait3A_560 = tpu.memref_slice %arg3[%add3A, %add3A_553, %dma_wait3A_558, %dma_wait3A_559] : memref<32x126x2x80xi32, #tpu.memory_space<hbm>> -> memref<1x1x2x80xi32, #tpu.memory_space<hbm>>
      %dma_wait3A_561 = tpu.memref_squeeze %dma_wait3A_560 : memref<1x1x2x80xi32, #tpu.memory_space<hbm>> -> memref<2x80xi32, #tpu.memory_space<hbm>>
      tpu.wait_dma2 semaphore(%arg15 : memref<!tpu.dma_semaphore, #tpu.memory_space<semaphore_mem>>) src(%dma_wait3A_561 : memref<2x80xi32, #tpu.memory_space<hbm>>) dst(%arg5 : memref<2x80xi32, #tpu.memory_space<vmem>>)
      %dma_start3A_562 = arith.constant 0 : i32
      %dma_start3A_563 = arith.constant 0 : i32
      %dma_start3A_564 = tpu.memref_slice %arg5[%dma_start3A_562, %dma_start3A_563] : memref<2x80xi32, #tpu.memory_space<vmem>> -> memref<1x80xi32, #tpu.memory_space<vmem>>
      %dma_start3A_565 = tpu.memref_squeeze %dma_start3A_564 : memref<1x80xi32, #tpu.memory_space<vmem>> -> memref<80xi32, #tpu.memory_space<vmem>>
      %dma_start3A_566 = arith.constant 0 : i32
      %dma_start3A_567 = arith.constant 0 : i32
      %dma_start3A_568 = tpu.memref_slice %arg2[%dma_start3A_566, %dma_start3A_567] : memref<10000x128xf32, #tpu.memory_space<hbm>> -> memref<10000x128xf32, #tpu.memory_space<hbm>>
      tpu.enqueue_indirect_dma source(%dma_start3A_568 : memref<10000x128xf32, #tpu.memory_space<hbm>>) target(%arg11 : memref<80x128xf32, #tpu.memory_space<vmem>>) offsets(%dma_start3A_565 : memref<80xi32, #tpu.memory_space<vmem>>) semaphore(%arg21 : memref<!tpu.dma_semaphore, #tpu.memory_space<semaphore_mem>>)
      %dma_wait3A_569 = arith.constant 1 : i32
      %dma_wait3A_570 = arith.constant 0 : i32
      %dma_wait3A_571 = tpu.memref_slice %arg9[%dma_wait3A_569, %dma_wait3A_570] : memref<2x80xi32, #tpu.memory_space<vmem>> -> memref<1x80xi32, #tpu.memory_space<vmem>>
      %dma_wait3A_572 = tpu.memref_squeeze %dma_wait3A_571 : memref<1x80xi32, #tpu.memory_space<vmem>> -> memref<80xi32, #tpu.memory_space<vmem>>
      %dma_wait3A_573 = arith.constant 0 : i32
      %dma_wait3A_574 = arith.constant 0 : i32
      %dma_wait3A_575 = tpu.memref_slice %arg14[%dma_wait3A_573, %dma_wait3A_574] : memref<10240x128xf32, #tpu.memory_space<vmem_shared>> -> memref<10240x128xf32, #tpu.memory_space<vmem_shared>>
      tpu.wait_indirect_dma semaphore(%arg25 : memref<!tpu.dma_semaphore, #tpu.memory_space<semaphore_mem>>) src(%arg12 : memref<80x128xf32, #tpu.memory_space<vmem>>) dst(%dma_wait3A_575 : memref<10240x128xf32, #tpu.memory_space<vmem_shared>>)
      %add3A_576 = arith.constant 2 : i32
      %add3A_577 = arith.addi %add3A_484, %add3A_576 : i32
      %mul3A_578 = arith.constant 3 : i32
      %mul3A_579 = arith.muli %add3A_577, %mul3A_578 : i32
      %add3A_580 = arith.constant 1 : i32
      %add3A_581 = arith.addi %mul3A_579, %add3A_580 : i32
      %dma_start3A_582 = arith.constant 0 : i32
      %dma_start3A_583 = arith.constant 0 : i32
      %dma_start3A_584 = tpu.memref_slice %arg3[%add3A, %add3A_581, %dma_start3A_582, %dma_start3A_583] : memref<32x126x2x80xi32, #tpu.memory_space<hbm>> -> memref<1x1x2x80xi32, #tpu.memory_space<hbm>>
      %dma_start3A_585 = tpu.memref_squeeze %dma_start3A_584 : memref<1x1x2x80xi32, #tpu.memory_space<hbm>> -> memref<2x80xi32, #tpu.memory_space<hbm>>
      %dma_start3A_586 = arith.constant 0 : i32
      %dma_start3A_587 = arith.constant 0 : i32
      %dma_start3A_588 = tpu.memref_slice %arg3[%add3A, %add3A_581, %dma_start3A_586, %dma_start3A_587] : memref<32x126x2x80xi32, #tpu.memory_space<hbm>> -> memref<1x1x2x80xi32, #tpu.memory_space<hbm>>
      %dma_start3A_589 = tpu.memref_squeeze %dma_start3A_588 : memref<1x1x2x80xi32, #tpu.memory_space<hbm>> -> memref<2x80xi32, #tpu.memory_space<hbm>>
      tpu.enqueue_dma source(%dma_start3A_589 : memref<2x80xi32, #tpu.memory_space<hbm>>) target(%arg9 : memref<2x80xi32, #tpu.memory_space<vmem>>) target_semaphore(%arg19 : memref<!tpu.dma_semaphore, #tpu.memory_space<semaphore_mem>>)
      %add3A_590 = arith.constant 1 : i32
      %add3A_591 = arith.addi %add3A_484, %add3A_590 : i32
      %mul3A_592 = arith.constant 3 : i32
      %mul3A_593 = arith.muli %add3A_591, %mul3A_592 : i32
      %add3A_594 = arith.constant 1 : i32
      %add3A_595 = arith.addi %mul3A_593, %add3A_594 : i32
      %dma_wait3A_596 = arith.constant 0 : i32
      %dma_wait3A_597 = arith.constant 0 : i32
      %dma_wait3A_598 = tpu.memref_slice %arg3[%add3A, %add3A_595, %dma_wait3A_596, %dma_wait3A_597] : memref<32x126x2x80xi32, #tpu.memory_space<hbm>> -> memref<1x1x2x80xi32, #tpu.memory_space<hbm>>
      %dma_wait3A_599 = tpu.memref_squeeze %dma_wait3A_598 : memref<1x1x2x80xi32, #tpu.memory_space<hbm>> -> memref<2x80xi32, #tpu.memory_space<hbm>>
      %dma_wait3A_600 = arith.constant 0 : i32
      %dma_wait3A_601 = arith.constant 0 : i32
      %dma_wait3A_602 = tpu.memref_slice %arg3[%add3A, %add3A_595, %dma_wait3A_600, %dma_wait3A_601] : memref<32x126x2x80xi32, #tpu.memory_space<hbm>> -> memref<1x1x2x80xi32, #tpu.memory_space<hbm>>
      %dma_wait3A_603 = tpu.memref_squeeze %dma_wait3A_602 : memref<1x1x2x80xi32, #tpu.memory_space<hbm>> -> memref<2x80xi32, #tpu.memory_space<hbm>>
      tpu.wait_dma2 semaphore(%arg16 : memref<!tpu.dma_semaphore, #tpu.memory_space<semaphore_mem>>) src(%dma_wait3A_603 : memref<2x80xi32, #tpu.memory_space<hbm>>) dst(%arg6 : memref<2x80xi32, #tpu.memory_space<vmem>>)
      %dma_start3A_604 = arith.constant 0 : i32
      %dma_start3A_605 = arith.constant 0 : i32
      %dma_start3A_606 = tpu.memref_slice %arg6[%dma_start3A_604, %dma_start3A_605] : memref<2x80xi32, #tpu.memory_space<vmem>> -> memref<1x80xi32, #tpu.memory_space<vmem>>
      %dma_start3A_607 = tpu.memref_squeeze %dma_start3A_606 : memref<1x80xi32, #tpu.memory_space<vmem>> -> memref<80xi32, #tpu.memory_space<vmem>>
      %dma_start3A_608 = arith.constant 0 : i32
      %dma_start3A_609 = arith.constant 0 : i32
      %dma_start3A_610 = tpu.memref_slice %arg2[%dma_start3A_608, %dma_start3A_609] : memref<10000x128xf32, #tpu.memory_space<hbm>> -> memref<10000x128xf32, #tpu.memory_space<hbm>>
      tpu.enqueue_indirect_dma source(%dma_start3A_610 : memref<10000x128xf32, #tpu.memory_space<hbm>>) target(%arg12 : memref<80x128xf32, #tpu.memory_space<vmem>>) offsets(%dma_start3A_607 : memref<80xi32, #tpu.memory_space<vmem>>) semaphore(%arg22 : memref<!tpu.dma_semaphore, #tpu.memory_space<semaphore_mem>>)
      %dma_wait3A_611 = arith.constant 1 : i32
      %dma_wait3A_612 = arith.constant 0 : i32
      %dma_wait3A_613 = tpu.memref_slice %arg10[%dma_wait3A_611, %dma_wait3A_612] : memref<2x80xi32, #tpu.memory_space<vmem>> -> memref<1x80xi32, #tpu.memory_space<vmem>>
      %dma_wait3A_614 = tpu.memref_squeeze %dma_wait3A_613 : memref<1x80xi32, #tpu.memory_space<vmem>> -> memref<80xi32, #tpu.memory_space<vmem>>
      %dma_wait3A_615 = arith.constant 0 : i32
      %dma_wait3A_616 = arith.constant 0 : i32
      %dma_wait3A_617 = tpu.memref_slice %arg14[%dma_wait3A_615, %dma_wait3A_616] : memref<10240x128xf32, #tpu.memory_space<vmem_shared>> -> memref<10240x128xf32, #tpu.memory_space<vmem_shared>>
      tpu.wait_indirect_dma semaphore(%arg26 : memref<!tpu.dma_semaphore, #tpu.memory_space<semaphore_mem>>) src(%arg13 : memref<80x128xf32, #tpu.memory_space<vmem>>) dst(%dma_wait3A_617 : memref<10240x128xf32, #tpu.memory_space<vmem_shared>>)
      %add3A_618 = arith.constant 2 : i32
      %add3A_619 = arith.addi %add3A_484, %add3A_618 : i32
      %mul3A_620 = arith.constant 3 : i32
      %mul3A_621 = arith.muli %add3A_619, %mul3A_620 : i32
      %add3A_622 = arith.constant 2 : i32
      %add3A_623 = arith.addi %mul3A_621, %add3A_622 : i32
      %dma_start3A_624 = arith.constant 0 : i32
      %dma_start3A_625 = arith.constant 0 : i32
      %dma_start3A_626 = tpu.memref_slice %arg3[%add3A, %add3A_623, %dma_start3A_624, %dma_start3A_625] : memref<32x126x2x80xi32, #tpu.memory_space<hbm>> -> memref<1x1x2x80xi32, #tpu.memory_space<hbm>>
      %dma_start3A_627 = tpu.memref_squeeze %dma_start3A_626 : memref<1x1x2x80xi32, #tpu.memory_space<hbm>> -> memref<2x80xi32, #tpu.memory_space<hbm>>
      %dma_start3A_628 = arith.constant 0 : i32
      %dma_start3A_629 = arith.constant 0 : i32
      %dma_start3A_630 = tpu.memref_slice %arg3[%add3A, %add3A_623, %dma_start3A_628, %dma_start3A_629] : memref<32x126x2x80xi32, #tpu.memory_space<hbm>> -> memref<1x1x2x80xi32, #tpu.memory_space<hbm>>
      %dma_start3A_631 = tpu.memref_squeeze %dma_start3A_630 : memref<1x1x2x80xi32, #tpu.memory_space<hbm>> -> memref<2x80xi32, #tpu.memory_space<hbm>>
      tpu.enqueue_dma source(%dma_start3A_631 : memref<2x80xi32, #tpu.memory_space<hbm>>) target(%arg10 : memref<2x80xi32, #tpu.memory_space<vmem>>) target_semaphore(%arg20 : memref<!tpu.dma_semaphore, #tpu.memory_space<semaphore_mem>>)
      %add3A_632 = arith.constant 1 : i32
      %add3A_633 = arith.addi %add3A_484, %add3A_632 : i32
      %mul3A_634 = arith.constant 3 : i32
      %mul3A_635 = arith.muli %add3A_633, %mul3A_634 : i32
      %add3A_636 = arith.constant 2 : i32
      %add3A_637 = arith.addi %mul3A_635, %add3A_636 : i32
      %dma_wait3A_638 = arith.constant 0 : i32
      %dma_wait3A_639 = arith.constant 0 : i32
      %dma_wait3A_640 = tpu.memref_slice %arg3[%add3A, %add3A_637, %dma_wait3A_638, %dma_wait3A_639] : memref<32x126x2x80xi32, #tpu.memory_space<hbm>> -> memref<1x1x2x80xi32, #tpu.memory_space<hbm>>
      %dma_wait3A_641 = tpu.memref_squeeze %dma_wait3A_640 : memref<1x1x2x80xi32, #tpu.memory_space<hbm>> -> memref<2x80xi32, #tpu.memory_space<hbm>>
      %dma_wait3A_642 = arith.constant 0 : i32
      %dma_wait3A_643 = arith.constant 0 : i32
      %dma_wait3A_644 = tpu.memref_slice %arg3[%add3A, %add3A_637, %dma_wait3A_642, %dma_wait3A_643] : memref<32x126x2x80xi32, #tpu.memory_space<hbm>> -> memref<1x1x2x80xi32, #tpu.memory_space<hbm>>
      %dma_wait3A_645 = tpu.memref_squeeze %dma_wait3A_644 : memref<1x1x2x80xi32, #tpu.memory_space<hbm>> -> memref<2x80xi32, #tpu.memory_space<hbm>>
      tpu.wait_dma2 semaphore(%arg17 : memref<!tpu.dma_semaphore, #tpu.memory_space<semaphore_mem>>) src(%dma_wait3A_645 : memref<2x80xi32, #tpu.memory_space<hbm>>) dst(%arg7 : memref<2x80xi32, #tpu.memory_space<vmem>>)
      %dma_start3A_646 = arith.constant 0 : i32
      %dma_start3A_647 = arith.constant 0 : i32
      %dma_start3A_648 = tpu.memref_slice %arg7[%dma_start3A_646, %dma_start3A_647] : memref<2x80xi32, #tpu.memory_space<vmem>> -> memref<1x80xi32, #tpu.memory_space<vmem>>
      %dma_start3A_649 = tpu.memref_squeeze %dma_start3A_648 : memref<1x80xi32, #tpu.memory_space<vmem>> -> memref<80xi32, #tpu.memory_space<vmem>>
      %dma_start3A_650 = arith.constant 0 : i32
      %dma_start3A_651 = arith.constant 0 : i32
      %dma_start3A_652 = tpu.memref_slice %arg2[%dma_start3A_650, %dma_start3A_651] : memref<10000x128xf32, #tpu.memory_space<hbm>> -> memref<10000x128xf32, #tpu.memory_space<hbm>>
      tpu.enqueue_indirect_dma source(%dma_start3A_652 : memref<10000x128xf32, #tpu.memory_space<hbm>>) target(%arg13 : memref<80x128xf32, #tpu.memory_space<vmem>>) offsets(%dma_start3A_649 : memref<80xi32, #tpu.memory_space<vmem>>) semaphore(%arg23 : memref<!tpu.dma_semaphore, #tpu.memory_space<semaphore_mem>>)
    }
    %scan3A_130 = arith.constant 20 : i32
    %dma_wait3A_131 = arith.constant 0 : i32
    %dma_wait3A_132 = arith.constant 0 : i32
    %dma_wait3A_133 = tpu.memref_slice %arg5[%dma_wait3A_131, %dma_wait3A_132] : memref<2x80xi32, #tpu.memory_space<vmem>> -> memref<1x80xi32, #tpu.memory_space<vmem>>
    %dma_wait3A_134 = tpu.memref_squeeze %dma_wait3A_133 : memref<1x80xi32, #tpu.memory_space<vmem>> -> memref<80xi32, #tpu.memory_space<vmem>>
    %dma_wait3A_135 = arith.constant 0 : i32
    %dma_wait3A_136 = arith.constant 0 : i32
    %dma_wait3A_137 = tpu.memref_slice %arg2[%dma_wait3A_135, %dma_wait3A_136] : memref<10000x128xf32, #tpu.memory_space<hbm>> -> memref<10000x128xf32, #tpu.memory_space<hbm>>
    tpu.wait_indirect_dma semaphore(%arg21 : memref<!tpu.dma_semaphore, #tpu.memory_space<semaphore_mem>>) src(%dma_wait3A_137 : memref<10000x128xf32, #tpu.memory_space<hbm>>) dst(%arg11 : memref<80x128xf32, #tpu.memory_space<vmem>>)
    %dma_start3A_138 = arith.constant 1 : i32
    %dma_start3A_139 = arith.constant 0 : i32
    %dma_start3A_140 = tpu.memref_slice %arg5[%dma_start3A_138, %dma_start3A_139] : memref<2x80xi32, #tpu.memory_space<vmem>> -> memref<1x80xi32, #tpu.memory_space<vmem>>
    %dma_start3A_141 = tpu.memref_squeeze %dma_start3A_140 : memref<1x80xi32, #tpu.memory_space<vmem>> -> memref<80xi32, #tpu.memory_space<vmem>>
    %dma_start3A_142 = arith.constant 0 : i32
    %dma_start3A_143 = arith.constant 0 : i32
    %dma_start3A_144 = tpu.memref_slice %arg14[%dma_start3A_142, %dma_start3A_143] : memref<10240x128xf32, #tpu.memory_space<vmem_shared>> -> memref<10240x128xf32, #tpu.memory_space<vmem_shared>>
    tpu.enqueue_indirect_dma source(%arg11 : memref<80x128xf32, #tpu.memory_space<vmem>>) target(%dma_start3A_144 : memref<10240x128xf32, #tpu.memory_space<vmem_shared>>) offsets(%dma_start3A_141 : memref<80xi32, #tpu.memory_space<vmem>>) semaphore(%arg24 : memref<!tpu.dma_semaphore, #tpu.memory_space<semaphore_mem>>) {add = true}
    %dma_wait3A_145 = arith.constant 0 : i32
    %dma_wait3A_146 = arith.constant 0 : i32
    %dma_wait3A_147 = tpu.memref_slice %arg6[%dma_wait3A_145, %dma_wait3A_146] : memref<2x80xi32, #tpu.memory_space<vmem>> -> memref<1x80xi32, #tpu.memory_space<vmem>>
    %dma_wait3A_148 = tpu.memref_squeeze %dma_wait3A_147 : memref<1x80xi32, #tpu.memory_space<vmem>> -> memref<80xi32, #tpu.memory_space<vmem>>
    %dma_wait3A_149 = arith.constant 0 : i32
    %dma_wait3A_150 = arith.constant 0 : i32
    %dma_wait3A_151 = tpu.memref_slice %arg2[%dma_wait3A_149, %dma_wait3A_150] : memref<10000x128xf32, #tpu.memory_space<hbm>> -> memref<10000x128xf32, #tpu.memory_space<hbm>>
    tpu.wait_indirect_dma semaphore(%arg22 : memref<!tpu.dma_semaphore, #tpu.memory_space<semaphore_mem>>) src(%dma_wait3A_151 : memref<10000x128xf32, #tpu.memory_space<hbm>>) dst(%arg12 : memref<80x128xf32, #tpu.memory_space<vmem>>)
    %dma_start3A_152 = arith.constant 1 : i32
    %dma_start3A_153 = arith.constant 0 : i32
    %dma_start3A_154 = tpu.memref_slice %arg6[%dma_start3A_152, %dma_start3A_153] : memref<2x80xi32, #tpu.memory_space<vmem>> -> memref<1x80xi32, #tpu.memory_space<vmem>>
    %dma_start3A_155 = tpu.memref_squeeze %dma_start3A_154 : memref<1x80xi32, #tpu.memory_space<vmem>> -> memref<80xi32, #tpu.memory_space<vmem>>
    %dma_start3A_156 = arith.constant 0 : i32
    %dma_start3A_157 = arith.constant 0 : i32
    %dma_start3A_158 = tpu.memref_slice %arg14[%dma_start3A_156, %dma_start3A_157] : memref<10240x128xf32, #tpu.memory_space<vmem_shared>> -> memref<10240x128xf32, #tpu.memory_space<vmem_shared>>
    tpu.enqueue_indirect_dma source(%arg12 : memref<80x128xf32, #tpu.memory_space<vmem>>) target(%dma_start3A_158 : memref<10240x128xf32, #tpu.memory_space<vmem_shared>>) offsets(%dma_start3A_155 : memref<80xi32, #tpu.memory_space<vmem>>) semaphore(%arg25 : memref<!tpu.dma_semaphore, #tpu.memory_space<semaphore_mem>>) {add = true}
    %dma_wait3A_159 = arith.constant 0 : i32
    %dma_wait3A_160 = arith.constant 0 : i32
    %dma_wait3A_161 = tpu.memref_slice %arg7[%dma_wait3A_159, %dma_wait3A_160] : memref<2x80xi32, #tpu.memory_space<vmem>> -> memref<1x80xi32, #tpu.memory_space<vmem>>
    %dma_wait3A_162 = tpu.memref_squeeze %dma_wait3A_161 : memref<1x80xi32, #tpu.memory_space<vmem>> -> memref<80xi32, #tpu.memory_space<vmem>>
    %dma_wait3A_163 = arith.constant 0 : i32
    %dma_wait3A_164 = arith.constant 0 : i32
    %dma_wait3A_165 = tpu.memref_slice %arg2[%dma_wait3A_163, %dma_wait3A_164] : memref<10000x128xf32, #tpu.memory_space<hbm>> -> memref<10000x128xf32, #tpu.memory_space<hbm>>
    tpu.wait_indirect_dma semaphore(%arg23 : memref<!tpu.dma_semaphore, #tpu.memory_space<semaphore_mem>>) src(%dma_wait3A_165 : memref<10000x128xf32, #tpu.memory_space<hbm>>) dst(%arg13 : memref<80x128xf32, #tpu.memory_space<vmem>>)
    %dma_start3A_166 = arith.constant 1 : i32
    %dma_start3A_167 = arith.constant 0 : i32
    %dma_start3A_168 = tpu.memref_slice %arg7[%dma_start3A_166, %dma_start3A_167] : memref<2x80xi32, #tpu.memory_space<vmem>> -> memref<1x80xi32, #tpu.memory_space<vmem>>
    %dma_start3A_169 = tpu.memref_squeeze %dma_start3A_168 : memref<1x80xi32, #tpu.memory_space<vmem>> -> memref<80xi32, #tpu.memory_space<vmem>>
    %dma_start3A_170 = arith.constant 0 : i32
    %dma_start3A_171 = arith.constant 0 : i32
    %dma_start3A_172 = tpu.memref_slice %arg14[%dma_start3A_170, %dma_start3A_171] : memref<10240x128xf32, #tpu.memory_space<vmem_shared>> -> memref<10240x128xf32, #tpu.memory_space<vmem_shared>>
    tpu.enqueue_indirect_dma source(%arg13 : memref<80x128xf32, #tpu.memory_space<vmem>>) target(%dma_start3A_172 : memref<10240x128xf32, #tpu.memory_space<vmem_shared>>) offsets(%dma_start3A_169 : memref<80xi32, #tpu.memory_space<vmem>>) semaphore(%arg26 : memref<!tpu.dma_semaphore, #tpu.memory_space<semaphore_mem>>) {add = true}
    %dma_wait3A_173 = arith.constant 1 : i32
    %dma_wait3A_174 = arith.constant 0 : i32
    %dma_wait3A_175 = tpu.memref_slice %arg5[%dma_wait3A_173, %dma_wait3A_174] : memref<2x80xi32, #tpu.memory_space<vmem>> -> memref<1x80xi32, #tpu.memory_space<vmem>>
    %dma_wait3A_176 = tpu.memref_squeeze %dma_wait3A_175 : memref<1x80xi32, #tpu.memory_space<vmem>> -> memref<80xi32, #tpu.memory_space<vmem>>
    %dma_wait3A_177 = arith.constant 0 : i32
    %dma_wait3A_178 = arith.constant 0 : i32
    %dma_wait3A_179 = tpu.memref_slice %arg14[%dma_wait3A_177, %dma_wait3A_178] : memref<10240x128xf32, #tpu.memory_space<vmem_shared>> -> memref<10240x128xf32, #tpu.memory_space<vmem_shared>>
    tpu.wait_indirect_dma semaphore(%arg24 : memref<!tpu.dma_semaphore, #tpu.memory_space<semaphore_mem>>) src(%arg11 : memref<80x128xf32, #tpu.memory_space<vmem>>) dst(%dma_wait3A_179 : memref<10240x128xf32, #tpu.memory_space<vmem_shared>>)
    %dma_wait3A_180 = arith.constant 123 : i32
    %dma_wait3A_181 = arith.constant 0 : i32
    %dma_wait3A_182 = arith.constant 0 : i32
    %dma_wait3A_183 = tpu.memref_slice %arg3[%add3A, %dma_wait3A_180, %dma_wait3A_181, %dma_wait3A_182] : memref<32x126x2x80xi32, #tpu.memory_space<hbm>> -> memref<1x1x2x80xi32, #tpu.memory_space<hbm>>
    %dma_wait3A_184 = tpu.memref_squeeze %dma_wait3A_183 : memref<1x1x2x80xi32, #tpu.memory_space<hbm>> -> memref<2x80xi32, #tpu.memory_space<hbm>>
    %dma_wait3A_185 = arith.constant 0 : i32
    %dma_wait3A_186 = arith.constant 0 : i32
    %dma_wait3A_187 = tpu.memref_slice %arg3[%add3A, %dma_wait3A_180, %dma_wait3A_185, %dma_wait3A_186] : memref<32x126x2x80xi32, #tpu.memory_space<hbm>> -> memref<1x1x2x80xi32, #tpu.memory_space<hbm>>
    %dma_wait3A_188 = tpu.memref_squeeze %dma_wait3A_187 : memref<1x1x2x80xi32, #tpu.memory_space<hbm>> -> memref<2x80xi32, #tpu.memory_space<hbm>>
    tpu.wait_dma2 semaphore(%arg18 : memref<!tpu.dma_semaphore, #tpu.memory_space<semaphore_mem>>) src(%dma_wait3A_188 : memref<2x80xi32, #tpu.memory_space<hbm>>) dst(%arg8 : memref<2x80xi32, #tpu.memory_space<vmem>>)
    %dma_start3A_189 = arith.constant 0 : i32
    %dma_start3A_190 = arith.constant 0 : i32
    %dma_start3A_191 = tpu.memref_slice %arg8[%dma_start3A_189, %dma_start3A_190] : memref<2x80xi32, #tpu.memory_space<vmem>> -> memref<1x80xi32, #tpu.memory_space<vmem>>
    %dma_start3A_192 = tpu.memref_squeeze %dma_start3A_191 : memref<1x80xi32, #tpu.memory_space<vmem>> -> memref<80xi32, #tpu.memory_space<vmem>>
    %dma_start3A_193 = arith.constant 0 : i32
    %dma_start3A_194 = arith.constant 0 : i32
    %dma_start3A_195 = tpu.memref_slice %arg2[%dma_start3A_193, %dma_start3A_194] : memref<10000x128xf32, #tpu.memory_space<hbm>> -> memref<10000x128xf32, #tpu.memory_space<hbm>>
    tpu.enqueue_indirect_dma source(%dma_start3A_195 : memref<10000x128xf32, #tpu.memory_space<hbm>>) target(%arg11 : memref<80x128xf32, #tpu.memory_space<vmem>>) offsets(%dma_start3A_192 : memref<80xi32, #tpu.memory_space<vmem>>) semaphore(%arg21 : memref<!tpu.dma_semaphore, #tpu.memory_space<semaphore_mem>>)
    %dma_wait3A_196 = arith.constant 1 : i32
    %dma_wait3A_197 = arith.constant 0 : i32
    %dma_wait3A_198 = tpu.memref_slice %arg6[%dma_wait3A_196, %dma_wait3A_197] : memref<2x80xi32, #tpu.memory_space<vmem>> -> memref<1x80xi32, #tpu.memory_space<vmem>>
    %dma_wait3A_199 = tpu.memref_squeeze %dma_wait3A_198 : memref<1x80xi32, #tpu.memory_space<vmem>> -> memref<80xi32, #tpu.memory_space<vmem>>
    %dma_wait3A_200 = arith.constant 0 : i32
    %dma_wait3A_201 = arith.constant 0 : i32
    %dma_wait3A_202 = tpu.memref_slice %arg14[%dma_wait3A_200, %dma_wait3A_201] : memref<10240x128xf32, #tpu.memory_space<vmem_shared>> -> memref<10240x128xf32, #tpu.memory_space<vmem_shared>>
    tpu.wait_indirect_dma semaphore(%arg25 : memref<!tpu.dma_semaphore, #tpu.memory_space<semaphore_mem>>) src(%arg12 : memref<80x128xf32, #tpu.memory_space<vmem>>) dst(%dma_wait3A_202 : memref<10240x128xf32, #tpu.memory_space<vmem_shared>>)
    %dma_wait3A_203 = arith.constant 124 : i32
    %dma_wait3A_204 = arith.constant 0 : i32
    %dma_wait3A_205 = arith.constant 0 : i32
    %dma_wait3A_206 = tpu.memref_slice %arg3[%add3A, %dma_wait3A_203, %dma_wait3A_204, %dma_wait3A_205] : memref<32x126x2x80xi32, #tpu.memory_space<hbm>> -> memref<1x1x2x80xi32, #tpu.memory_space<hbm>>
    %dma_wait3A_207 = tpu.memref_squeeze %dma_wait3A_206 : memref<1x1x2x80xi32, #tpu.memory_space<hbm>> -> memref<2x80xi32, #tpu.memory_space<hbm>>
    %dma_wait3A_208 = arith.constant 0 : i32
    %dma_wait3A_209 = arith.constant 0 : i32
    %dma_wait3A_210 = tpu.memref_slice %arg3[%add3A, %dma_wait3A_203, %dma_wait3A_208, %dma_wait3A_209] : memref<32x126x2x80xi32, #tpu.memory_space<hbm>> -> memref<1x1x2x80xi32, #tpu.memory_space<hbm>>
    %dma_wait3A_211 = tpu.memref_squeeze %dma_wait3A_210 : memref<1x1x2x80xi32, #tpu.memory_space<hbm>> -> memref<2x80xi32, #tpu.memory_space<hbm>>
    tpu.wait_dma2 semaphore(%arg19 : memref<!tpu.dma_semaphore, #tpu.memory_space<semaphore_mem>>) src(%dma_wait3A_211 : memref<2x80xi32, #tpu.memory_space<hbm>>) dst(%arg9 : memref<2x80xi32, #tpu.memory_space<vmem>>)
    %dma_start3A_212 = arith.constant 0 : i32
    %dma_start3A_213 = arith.constant 0 : i32
    %dma_start3A_214 = tpu.memref_slice %arg9[%dma_start3A_212, %dma_start3A_213] : memref<2x80xi32, #tpu.memory_space<vmem>> -> memref<1x80xi32, #tpu.memory_space<vmem>>
    %dma_start3A_215 = tpu.memref_squeeze %dma_start3A_214 : memref<1x80xi32, #tpu.memory_space<vmem>> -> memref<80xi32, #tpu.memory_space<vmem>>
    %dma_start3A_216 = arith.constant 0 : i32
    %dma_start3A_217 = arith.constant 0 : i32
    %dma_start3A_218 = tpu.memref_slice %arg2[%dma_start3A_216, %dma_start3A_217] : memref<10000x128xf32, #tpu.memory_space<hbm>> -> memref<10000x128xf32, #tpu.memory_space<hbm>>
    tpu.enqueue_indirect_dma source(%dma_start3A_218 : memref<10000x128xf32, #tpu.memory_space<hbm>>) target(%arg12 : memref<80x128xf32, #tpu.memory_space<vmem>>) offsets(%dma_start3A_215 : memref<80xi32, #tpu.memory_space<vmem>>) semaphore(%arg22 : memref<!tpu.dma_semaphore, #tpu.memory_space<semaphore_mem>>)
    %dma_wait3A_219 = arith.constant 1 : i32
    %dma_wait3A_220 = arith.constant 0 : i32
    %dma_wait3A_221 = tpu.memref_slice %arg7[%dma_wait3A_219, %dma_wait3A_220] : memref<2x80xi32, #tpu.memory_space<vmem>> -> memref<1x80xi32, #tpu.memory_space<vmem>>
    %dma_wait3A_222 = tpu.memref_squeeze %dma_wait3A_221 : memref<1x80xi32, #tpu.memory_space<vmem>> -> memref<80xi32, #tpu.memory_space<vmem>>
    %dma_wait3A_223 = arith.constant 0 : i32
    %dma_wait3A_224 = arith.constant 0 : i32
    %dma_wait3A_225 = tpu.memref_slice %arg14[%dma_wait3A_223, %dma_wait3A_224] : memref<10240x128xf32, #tpu.memory_space<vmem_shared>> -> memref<10240x128xf32, #tpu.memory_space<vmem_shared>>
    tpu.wait_indirect_dma semaphore(%arg26 : memref<!tpu.dma_semaphore, #tpu.memory_space<semaphore_mem>>) src(%arg13 : memref<80x128xf32, #tpu.memory_space<vmem>>) dst(%dma_wait3A_225 : memref<10240x128xf32, #tpu.memory_space<vmem_shared>>)
    %dma_wait3A_226 = arith.constant 125 : i32
    %dma_wait3A_227 = arith.constant 0 : i32
    %dma_wait3A_228 = arith.constant 0 : i32
    %dma_wait3A_229 = tpu.memref_slice %arg3[%add3A, %dma_wait3A_226, %dma_wait3A_227, %dma_wait3A_228] : memref<32x126x2x80xi32, #tpu.memory_space<hbm>> -> memref<1x1x2x80xi32, #tpu.memory_space<hbm>>
    %dma_wait3A_230 = tpu.memref_squeeze %dma_wait3A_229 : memref<1x1x2x80xi32, #tpu.memory_space<hbm>> -> memref<2x80xi32, #tpu.memory_space<hbm>>
    %dma_wait3A_231 = arith.constant 0 : i32
    %dma_wait3A_232 = arith.constant 0 : i32
    %dma_wait3A_233 = tpu.memref_slice %arg3[%add3A, %dma_wait3A_226, %dma_wait3A_231, %dma_wait3A_232] : memref<32x126x2x80xi32, #tpu.memory_space<hbm>> -> memref<1x1x2x80xi32, #tpu.memory_space<hbm>>
    %dma_wait3A_234 = tpu.memref_squeeze %dma_wait3A_233 : memref<1x1x2x80xi32, #tpu.memory_space<hbm>> -> memref<2x80xi32, #tpu.memory_space<hbm>>
    tpu.wait_dma2 semaphore(%arg20 : memref<!tpu.dma_semaphore, #tpu.memory_space<semaphore_mem>>) src(%dma_wait3A_234 : memref<2x80xi32, #tpu.memory_space<hbm>>) dst(%arg10 : memref<2x80xi32, #tpu.memory_space<vmem>>)
    %dma_start3A_235 = arith.constant 0 : i32
    %dma_start3A_236 = arith.constant 0 : i32
    %dma_start3A_237 = tpu.memref_slice %arg10[%dma_start3A_235, %dma_start3A_236] : memref<2x80xi32, #tpu.memory_space<vmem>> -> memref<1x80xi32, #tpu.memory_space<vmem>>
    %dma_start3A_238 = tpu.memref_squeeze %dma_start3A_237 : memref<1x80xi32, #tpu.memory_space<vmem>> -> memref<80xi32, #tpu.memory_space<vmem>>
    %dma_start3A_239 = arith.constant 0 : i32
    %dma_start3A_240 = arith.constant 0 : i32
    %dma_start3A_241 = tpu.memref_slice %arg2[%dma_start3A_239, %dma_start3A_240] : memref<10000x128xf32, #tpu.memory_space<hbm>> -> memref<10000x128xf32, #tpu.memory_space<hbm>>
    tpu.enqueue_indirect_dma source(%dma_start3A_241 : memref<10000x128xf32, #tpu.memory_space<hbm>>) target(%arg13 : memref<80x128xf32, #tpu.memory_space<vmem>>) offsets(%dma_start3A_238 : memref<80xi32, #tpu.memory_space<vmem>>) semaphore(%arg23 : memref<!tpu.dma_semaphore, #tpu.memory_space<semaphore_mem>>)
    %dma_wait3A_242 = arith.constant 0 : i32
    %dma_wait3A_243 = arith.constant 0 : i32
    %dma_wait3A_244 = tpu.memref_slice %arg8[%dma_wait3A_242, %dma_wait3A_243] : memref<2x80xi32, #tpu.memory_space<vmem>> -> memref<1x80xi32, #tpu.memory_space<vmem>>
    %dma_wait3A_245 = tpu.memref_squeeze %dma_wait3A_244 : memref<1x80xi32, #tpu.memory_space<vmem>> -> memref<80xi32, #tpu.memory_space<vmem>>
    %dma_wait3A_246 = arith.constant 0 : i32
    %dma_wait3A_247 = arith.constant 0 : i32
    %dma_wait3A_248 = tpu.memref_slice %arg2[%dma_wait3A_246, %dma_wait3A_247] : memref<10000x128xf32, #tpu.memory_space<hbm>> -> memref<10000x128xf32, #tpu.memory_space<hbm>>
    tpu.wait_indirect_dma semaphore(%arg21 : memref<!tpu.dma_semaphore, #tpu.memory_space<semaphore_mem>>) src(%dma_wait3A_248 : memref<10000x128xf32, #tpu.memory_space<hbm>>) dst(%arg11 : memref<80x128xf32, #tpu.memory_space<vmem>>)
    %dma_start3A_249 = arith.constant 1 : i32
    %dma_start3A_250 = arith.constant 0 : i32
    %dma_start3A_251 = tpu.memref_slice %arg8[%dma_start3A_249, %dma_start3A_250] : memref<2x80xi32, #tpu.memory_space<vmem>> -> memref<1x80xi32, #tpu.memory_space<vmem>>
    %dma_start3A_252 = tpu.memref_squeeze %dma_start3A_251 : memref<1x80xi32, #tpu.memory_space<vmem>> -> memref<80xi32, #tpu.memory_space<vmem>>
    %dma_start3A_253 = arith.constant 0 : i32
    %dma_start3A_254 = arith.constant 0 : i32
    %dma_start3A_255 = tpu.memref_slice %arg14[%dma_start3A_253, %dma_start3A_254] : memref<10240x128xf32, #tpu.memory_space<vmem_shared>> -> memref<10240x128xf32, #tpu.memory_space<vmem_shared>>
    tpu.enqueue_indirect_dma source(%arg11 : memref<80x128xf32, #tpu.memory_space<vmem>>) target(%dma_start3A_255 : memref<10240x128xf32, #tpu.memory_space<vmem_shared>>) offsets(%dma_start3A_252 : memref<80xi32, #tpu.memory_space<vmem>>) semaphore(%arg24 : memref<!tpu.dma_semaphore, #tpu.memory_space<semaphore_mem>>) {add = true}
    %dma_wait3A_256 = arith.constant 0 : i32
    %dma_wait3A_257 = arith.constant 0 : i32
    %dma_wait3A_258 = tpu.memref_slice %arg9[%dma_wait3A_256, %dma_wait3A_257] : memref<2x80xi32, #tpu.memory_space<vmem>> -> memref<1x80xi32, #tpu.memory_space<vmem>>
    %dma_wait3A_259 = tpu.memref_squeeze %dma_wait3A_258 : memref<1x80xi32, #tpu.memory_space<vmem>> -> memref<80xi32, #tpu.memory_space<vmem>>
    %dma_wait3A_260 = arith.constant 0 : i32
    %dma_wait3A_261 = arith.constant 0 : i32
    %dma_wait3A_262 = tpu.memref_slice %arg2[%dma_wait3A_260, %dma_wait3A_261] : memref<10000x128xf32, #tpu.memory_space<hbm>> -> memref<10000x128xf32, #tpu.memory_space<hbm>>
    tpu.wait_indirect_dma semaphore(%arg22 : memref<!tpu.dma_semaphore, #tpu.memory_space<semaphore_mem>>) src(%dma_wait3A_262 : memref<10000x128xf32, #tpu.memory_space<hbm>>) dst(%arg12 : memref<80x128xf32, #tpu.memory_space<vmem>>)
    %dma_start3A_263 = arith.constant 1 : i32
    %dma_start3A_264 = arith.constant 0 : i32
    %dma_start3A_265 = tpu.memref_slice %arg9[%dma_start3A_263, %dma_start3A_264] : memref<2x80xi32, #tpu.memory_space<vmem>> -> memref<1x80xi32, #tpu.memory_space<vmem>>
    %dma_start3A_266 = tpu.memref_squeeze %dma_start3A_265 : memref<1x80xi32, #tpu.memory_space<vmem>> -> memref<80xi32, #tpu.memory_space<vmem>>
    %dma_start3A_267 = arith.constant 0 : i32
    %dma_start3A_268 = arith.constant 0 : i32
    %dma_start3A_269 = tpu.memref_slice %arg14[%dma_start3A_267, %dma_start3A_268] : memref<10240x128xf32, #tpu.memory_space<vmem_shared>> -> memref<10240x128xf32, #tpu.memory_space<vmem_shared>>
    tpu.enqueue_indirect_dma source(%arg12 : memref<80x128xf32, #tpu.memory_space<vmem>>) target(%dma_start3A_269 : memref<10240x128xf32, #tpu.memory_space<vmem_shared>>) offsets(%dma_start3A_266 : memref<80xi32, #tpu.memory_space<vmem>>) semaphore(%arg25 : memref<!tpu.dma_semaphore, #tpu.memory_space<semaphore_mem>>) {add = true}
    %dma_wait3A_270 = arith.constant 0 : i32
    %dma_wait3A_271 = arith.constant 0 : i32
    %dma_wait3A_272 = tpu.memref_slice %arg10[%dma_wait3A_270, %dma_wait3A_271] : memref<2x80xi32, #tpu.memory_space<vmem>> -> memref<1x80xi32, #tpu.memory_space<vmem>>
    %dma_wait3A_273 = tpu.memref_squeeze %dma_wait3A_272 : memref<1x80xi32, #tpu.memory_space<vmem>> -> memref<80xi32, #tpu.memory_space<vmem>>
    %dma_wait3A_274 = arith.constant 0 : i32
    %dma_wait3A_275 = arith.constant 0 : i32
    %dma_wait3A_276 = tpu.memref_slice %arg2[%dma_wait3A_274, %dma_wait3A_275] : memref<10000x128xf32, #tpu.memory_space<hbm>> -> memref<10000x128xf32, #tpu.memory_space<hbm>>
    tpu.wait_indirect_dma semaphore(%arg23 : memref<!tpu.dma_semaphore, #tpu.memory_space<semaphore_mem>>) src(%dma_wait3A_276 : memref<10000x128xf32, #tpu.memory_space<hbm>>) dst(%arg13 : memref<80x128xf32, #tpu.memory_space<vmem>>)
    %dma_start3A_277 = arith.constant 1 : i32
    %dma_start3A_278 = arith.constant 0 : i32
    %dma_start3A_279 = tpu.memref_slice %arg10[%dma_start3A_277, %dma_start3A_278] : memref<2x80xi32, #tpu.memory_space<vmem>> -> memref<1x80xi32, #tpu.memory_space<vmem>>
    %dma_start3A_280 = tpu.memref_squeeze %dma_start3A_279 : memref<1x80xi32, #tpu.memory_space<vmem>> -> memref<80xi32, #tpu.memory_space<vmem>>
    %dma_start3A_281 = arith.constant 0 : i32
    %dma_start3A_282 = arith.constant 0 : i32
    %dma_start3A_283 = tpu.memref_slice %arg14[%dma_start3A_281, %dma_start3A_282] : memref<10240x128xf32, #tpu.memory_space<vmem_shared>> -> memref<10240x128xf32, #tpu.memory_space<vmem_shared>>
    tpu.enqueue_indirect_dma source(%arg13 : memref<80x128xf32, #tpu.memory_space<vmem>>) target(%dma_start3A_283 : memref<10240x128xf32, #tpu.memory_space<vmem_shared>>) offsets(%dma_start3A_280 : memref<80xi32, #tpu.memory_space<vmem>>) semaphore(%arg26 : memref<!tpu.dma_semaphore, #tpu.memory_space<semaphore_mem>>) {add = true}
    %dma_wait3A_284 = arith.constant 1 : i32
    %dma_wait3A_285 = arith.constant 0 : i32
    %dma_wait3A_286 = tpu.memref_slice %arg8[%dma_wait3A_284, %dma_wait3A_285] : memref<2x80xi32, #tpu.memory_space<vmem>> -> memref<1x80xi32, #tpu.memory_space<vmem>>
    %dma_wait3A_287 = tpu.memref_squeeze %dma_wait3A_286 : memref<1x80xi32, #tpu.memory_space<vmem>> -> memref<80xi32, #tpu.memory_space<vmem>>
    %dma_wait3A_288 = arith.constant 0 : i32
    %dma_wait3A_289 = arith.constant 0 : i32
    %dma_wait3A_290 = tpu.memref_slice %arg14[%dma_wait3A_288, %dma_wait3A_289] : memref<10240x128xf32, #tpu.memory_space<vmem_shared>> -> memref<10240x128xf32, #tpu.memory_space<vmem_shared>>
    tpu.wait_indirect_dma semaphore(%arg24 : memref<!tpu.dma_semaphore, #tpu.memory_space<semaphore_mem>>) src(%arg11 : memref<80x128xf32, #tpu.memory_space<vmem>>) dst(%dma_wait3A_290 : memref<10240x128xf32, #tpu.memory_space<vmem_shared>>)
    %dma_wait3A_291 = arith.constant 1 : i32
    %dma_wait3A_292 = arith.constant 0 : i32
    %dma_wait3A_293 = tpu.memref_slice %arg9[%dma_wait3A_291, %dma_wait3A_292] : memref<2x80xi32, #tpu.memory_space<vmem>> -> memref<1x80xi32, #tpu.memory_space<vmem>>
    %dma_wait3A_294 = tpu.memref_squeeze %dma_wait3A_293 : memref<1x80xi32, #tpu.memory_space<vmem>> -> memref<80xi32, #tpu.memory_space<vmem>>
    %dma_wait3A_295 = arith.constant 0 : i32
    %dma_wait3A_296 = arith.constant 0 : i32
    %dma_wait3A_297 = tpu.memref_slice %arg14[%dma_wait3A_295, %dma_wait3A_296] : memref<10240x128xf32, #tpu.memory_space<vmem_shared>> -> memref<10240x128xf32, #tpu.memory_space<vmem_shared>>
    tpu.wait_indirect_dma semaphore(%arg25 : memref<!tpu.dma_semaphore, #tpu.memory_space<semaphore_mem>>) src(%arg12 : memref<80x128xf32, #tpu.memory_space<vmem>>) dst(%dma_wait3A_297 : memref<10240x128xf32, #tpu.memory_space<vmem_shared>>)
    %dma_wait3A_298 = arith.constant 1 : i32
    %dma_wait3A_299 = arith.constant 0 : i32
    %dma_wait3A_300 = tpu.memref_slice %arg10[%dma_wait3A_298, %dma_wait3A_299] : memref<2x80xi32, #tpu.memory_space<vmem>> -> memref<1x80xi32, #tpu.memory_space<vmem>>
    %dma_wait3A_301 = tpu.memref_squeeze %dma_wait3A_300 : memref<1x80xi32, #tpu.memory_space<vmem>> -> memref<80xi32, #tpu.memory_space<vmem>>
    %dma_wait3A_302 = arith.constant 0 : i32
    %dma_wait3A_303 = arith.constant 0 : i32
    %dma_wait3A_304 = tpu.memref_slice %arg14[%dma_wait3A_302, %dma_wait3A_303] : memref<10240x128xf32, #tpu.memory_space<vmem_shared>> -> memref<10240x128xf32, #tpu.memory_space<vmem_shared>>
    tpu.wait_indirect_dma semaphore(%arg26 : memref<!tpu.dma_semaphore, #tpu.memory_space<semaphore_mem>>) src(%arg13 : memref<80x128xf32, #tpu.memory_space<vmem>>) dst(%dma_wait3A_304 : memref<10240x128xf32, #tpu.memory_space<vmem_shared>>)
    %barrier3A_305 = arith.constant 0 : index
    tpu.barrier barrier_id(%barrier3A_305)
    %mul3A_306 = arith.constant 640 : i32
    %mul3A_307 = arith.muli %arg1, %mul3A_306 : i32
    "tpu.region"() ({
      %run_scoped3A = tpu.sem_alloc : memref<!tpu.dma_semaphore, #tpu.memory_space<semaphore_mem>>
      %dma_start3A_308 = arith.constant 0 : i32
      %dma_start3A_309 = tpu.memref_slice %arg4[%arg0, %mul3A_307, %dma_start3A_308] : memref<2x10240x128xf32, #tpu.memory_space<hbm>> -> memref<1x640x128xf32, #tpu.memory_space<hbm>>
      %dma_start3A_310 = tpu.memref_squeeze %dma_start3A_309 : memref<1x640x128xf32, #tpu.memory_space<hbm>> -> memref<640x128xf32, #tpu.memory_space<hbm>>
      %dma_start3A_311 = arith.constant 0 : i32
      %dma_start3A_312 = tpu.memref_slice %arg14[%mul3A_307, %dma_start3A_311] : memref<10240x128xf32, #tpu.memory_space<vmem_shared>> -> memref<640x128xf32, #tpu.memory_space<vmem_shared>>
      tpu.enqueue_dma source(%dma_start3A_312 : memref<640x128xf32, #tpu.memory_space<vmem_shared>>) target(%dma_start3A_310 : memref<640x128xf32, #tpu.memory_space<hbm>>) target_semaphore(%run_scoped3A : memref<!tpu.dma_semaphore, #tpu.memory_space<semaphore_mem>>)
      %dma_wait3A_313 = arith.constant 0 : i32
      %dma_wait3A_314 = tpu.memref_slice %arg4[%arg0, %mul3A_307, %dma_wait3A_313] : memref<2x10240x128xf32, #tpu.memory_space<hbm>> -> memref<1x640x128xf32, #tpu.memory_space<hbm>>
      %dma_wait3A_315 = tpu.memref_squeeze %dma_wait3A_314 : memref<1x640x128xf32, #tpu.memory_space<hbm>> -> memref<640x128xf32, #tpu.memory_space<hbm>>
      %dma_wait3A_316 = arith.constant 0 : i32
      %dma_wait3A_317 = tpu.memref_slice %arg14[%mul3A_307, %dma_wait3A_316] : memref<10240x128xf32, #tpu.memory_space<vmem_shared>> -> memref<640x128xf32, #tpu.memory_space<vmem_shared>>
      tpu.wait_dma2 semaphore(%run_scoped3A : memref<!tpu.dma_semaphore, #tpu.memory_space<semaphore_mem>>) src(%dma_wait3A_317 : memref<640x128xf32, #tpu.memory_space<vmem_shared>>) dst(%dma_wait3A_315 : memref<640x128xf32, #tpu.memory_space<hbm>>)
      tpu.yield
    }) : () -> ()
    return
  }
}

#map = affine_map<(d0, d1) -> (0, 0)>
#map1 = affine_map<(d0, d1) -> (0, 0, 0, 0)>
#map2 = affine_map<(d0, d1) -> (0, 0, 0)>
module attributes {stable_mosaic.version = 14 : i64} {
  func.func @_sc_segment_sum(%arg0: i32, %arg1: i32, %arg2: memref<10000x128xf32, #tpu.memory_space<hbm>>, %arg3: memref<32x126x2x80xi32, #tpu.memory_space<hbm>>, %arg4: memref<2x10240x128xf32, #tpu.memory_space<hbm>>, %arg5: memref<2x80xi32, #tpu.memory_space<vmem>>, %arg6: memref<2x80xi32, #tpu.memory_space<vmem>>, %arg7: memref<2x80xi32, #tpu.memory_space<vmem>>, %arg8: memref<2x80xi32, #tpu.memory_space<vmem>>, %arg9: memref<2x80xi32, #tpu.memory_space<vmem>>, %arg10: memref<2x80xi32, #tpu.memory_space<vmem>>, %arg11: memref<80x128xf32, #tpu.memory_space<vmem>>, %arg12: memref<80x128xf32, #tpu.memory_space<vmem>>, %arg13: memref<80x128xf32, #tpu.memory_space<vmem>>, %arg14: memref<10240x128xf32, #tpu.memory_space<vmem_shared>>, %arg15: memref<!tpu.dma_semaphore, #tpu.memory_space<semaphore_mem>>, %arg16: memref<!tpu.dma_semaphore, #tpu.memory_space<semaphore_mem>>, %arg17: memref<!tpu.dma_semaphore, #tpu.memory_space<semaphore_mem>>, %arg18: memref<!tpu.dma_semaphore, #tpu.memory_space<semaphore_mem>>, %arg19: memref<!tpu.dma_semaphore, #tpu.memory_space<semaphore_mem>>, %arg20: memref<!tpu.dma_semaphore, #tpu.memory_space<semaphore_mem>>, %arg21: memref<!tpu.dma_semaphore, #tpu.memory_space<semaphore_mem>>, %arg22: memref<!tpu.dma_semaphore, #tpu.memory_space<semaphore_mem>>, %arg23: memref<!tpu.dma_semaphore, #tpu.memory_space<semaphore_mem>>, %arg24: memref<!tpu.dma_semaphore, #tpu.memory_space<semaphore_mem>>, %arg25: memref<!tpu.dma_semaphore, #tpu.memory_space<semaphore_mem>>, %arg26: memref<!tpu.dma_semaphore, #tpu.memory_space<semaphore_mem>>) attributes {dimension_semantics = [#tpu.dimension_semantics<core_parallel>, #tpu.dimension_semantics<subcore_parallel>], iteration_bounds = array<i64: 2, 16>, scalar_prefetch = 0 : i64, scratch_operands = 22 : i64, tpu.core_type = #tpu.core_type<sc_vector_subcore>, window_params = [{transform_indices = #map}, {transform_indices = #map1}, {transform_indices = #map2}]} {
    %mul3A = arith.constant 2 : i32
    %mul3A_0 = arith.muli %arg1, %mul3A : i32
    %add3A = arith.addi %mul3A_0, %arg0 : i32
    %broadcast_in_dim3A = arith.constant 0.000000e+00 : f32
    %broadcast_in_dim3A_1 = vector.broadcast %broadcast_in_dim3A : f32 to vector<16xf32>
    %scan3A = arith.constant 0 : i32
    %scan3A_2 = arith.constant 0 : i32
    %scan3A_3 = arith.constant 80 : i32
    %scan3A_4 = arith.addi %scan3A_2, %scan3A_3 : i32
    %scan3A_5 = arith.constant 1 : i32
    scf.for %scan3A_308 = %scan3A_2 to %scan3A_4 step %scan3A_5  : i32 {
      %swap3A = arith.index_cast %scan3A_308 : i32 to index
      %swap3A_309 = arith.constant 0 : index
      %swap3A_310 = tpu.vector_load %arg11[%swap3A, %swap3A_309] {strides = array<i32>} : memref<80x128xf32, #tpu.memory_space<vmem>>, vector<1x16xf32>,
      %swap3A_311 = vector.shape_cast %swap3A_310 : vector<1x16xf32> to vector<16xf32>
      %swap3A_312 = vector.shape_cast %broadcast_in_dim3A_1 : vector<16xf32> to vector<1x16xf32>
      tpu.vector_store %arg11[%swap3A, %swap3A_309], %swap3A_312 {strides = array<i32>} : memref<80x128xf32, #tpu.memory_space<vmem>>, vector<1x16xf32>,
      %swap3A_313 = arith.index_cast %scan3A_308 : i32 to index
      %swap3A_314 = arith.constant 16 : index
      %swap3A_315 = tpu.vector_load %arg11[%swap3A_313, %swap3A_314] {strides = array<i32>} : memref<80x128xf32, #tpu.memory_space<vmem>>, vector<1x16xf32>,
      %swap3A_316 = vector.shape_cast %swap3A_315 : vector<1x16xf32> to vector<16xf32>
      %swap3A_317 = vector.shape_cast %broadcast_in_dim3A_1 : vector<16xf32> to vector<1x16xf32>
      tpu.vector_store %arg11[%swap3A_313, %swap3A_314], %swap3A_317 {strides = array<i32>} : memref<80x128xf32, #tpu.memory_space<vmem>>, vector<1x16xf32>,
      %swap3A_318 = arith.index_cast %scan3A_308 : i32 to index
      %swap3A_319 = arith.constant 32 : index
      %swap3A_320 = tpu.vector_load %arg11[%swap3A_318, %swap3A_319] {strides = array<i32>} : memref<80x128xf32, #tpu.memory_space<vmem>>, vector<1x16xf32>,
      %swap3A_321 = vector.shape_cast %swap3A_320 : vector<1x16xf32> to vector<16xf32>
      %swap3A_322 = vector.shape_cast %broadcast_in_dim3A_1 : vector<16xf32> to vector<1x16xf32>
      tpu.vector_store %arg11[%swap3A_318, %swap3A_319], %swap3A_322 {strides = array<i32>} : memref<80x128xf32, #tpu.memory_space<vmem>>, vector<1x16xf32>,
      %swap3A_323 = arith.index_cast %scan3A_308 : i32 to index
      %swap3A_324 = arith.constant 48 : index
      %swap3A_325 = tpu.vector_load %arg11[%swap3A_323, %swap3A_324] {strides = array<i32>} : memref<80x128xf32, #tpu.memory_space<vmem>>, vector<1x16xf32>,
      %swap3A_326 = vector.shape_cast %swap3A_325 : vector<1x16xf32> to vector<16xf32>
      %swap3A_327 = vector.shape_cast %broadcast_in_dim3A_1 : vector<16xf32> to vector<1x16xf32>
      tpu.vector_store %arg11[%swap3A_323, %swap3A_324], %swap3A_327 {strides = array<i32>} : memref<80x128xf32, #tpu.memory_space<vmem>>, vector<1x16xf32>,
      %swap3A_328 = arith.index_cast %scan3A_308 : i32 to index
      %swap3A_329 = arith.constant 64 : index
      %swap3A_330 = tpu.vector_load %arg11[%swap3A_328, %swap3A_329] {strides = array<i32>} : memref<80x128xf32, #tpu.memory_space<vmem>>, vector<1x16xf32>,
      %swap3A_331 = vector.shape_cast %swap3A_330 : vector<1x16xf32> to vector<16xf32>
      %swap3A_332 = vector.shape_cast %broadcast_in_dim3A_1 : vector<16xf32> to vector<1x16xf32>
      tpu.vector_store %arg11[%swap3A_328, %swap3A_329], %swap3A_332 {strides = array<i32>} : memref<80x128xf32, #tpu.memory_space<vmem>>, vector<1x16xf32>,
      %swap3A_333 = arith.index_cast %scan3A_308 : i32 to index
      %swap3A_334 = arith.constant 80 : index
      %swap3A_335 = tpu.vector_load %arg11[%swap3A_333, %swap3A_334] {strides = array<i32>} : memref<80x128xf32, #tpu.memory_space<vmem>>, vector<1x16xf32>,
      %swap3A_336 = vector.shape_cast %swap3A_335 : vector<1x16xf32> to vector<16xf32>
      %swap3A_337 = vector.shape_cast %broadcast_in_dim3A_1 : vector<16xf32> to vector<1x16xf32>
      tpu.vector_store %arg11[%swap3A_333, %swap3A_334], %swap3A_337 {strides = array<i32>} : memref<80x128xf32, #tpu.memory_space<vmem>>, vector<1x16xf32>,
      %swap3A_338 = arith.index_cast %scan3A_308 : i32 to index
      %swap3A_339 = arith.constant 96 : index
      %swap3A_340 = tpu.vector_load %arg11[%swap3A_338, %swap3A_339] {strides = array<i32>} : memref<80x128xf32, #tpu.memory_space<vmem>>, vector<1x16xf32>,
      %swap3A_341 = vector.shape_cast %swap3A_340 : vector<1x16xf32> to vector<16xf32>
      %swap3A_342 = vector.shape_cast %broadcast_in_dim3A_1 : vector<16xf32> to vector<1x16xf32>
      tpu.vector_store %arg11[%swap3A_338, %swap3A_339], %swap3A_342 {strides = array<i32>} : memref<80x128xf32, #tpu.memory_space<vmem>>, vector<1x16xf32>,
      %swap3A_343 = arith.index_cast %scan3A_308 : i32 to index
      %swap3A_344 = arith.constant 112 : index
      %swap3A_345 = tpu.vector_load %arg11[%swap3A_343, %swap3A_344] {strides = array<i32>} : memref<80x128xf32, #tpu.memory_space<vmem>>, vector<1x16xf32>,
      %swap3A_346 = vector.shape_cast %swap3A_345 : vector<1x16xf32> to vector<16xf32>
      %swap3A_347 = vector.shape_cast %broadcast_in_dim3A_1 : vector<16xf32> to vector<1x16xf32>
      tpu.vector_store %arg11[%swap3A_343, %swap3A_344], %swap3A_347 {strides = array<i32>} : memref<80x128xf32, #tpu.memory_space<vmem>>, vector<1x16xf32>,
    }
    %scan3A_6 = arith.constant 80 : i32
    %mul3A_7 = arith.constant 640 : i32
    %mul3A_8 = arith.muli %arg1, %mul3A_7 : i32
    %add3A_9 = arith.constant 0 : i32
    %add3A_10 = arith.addi %mul3A_8, %add3A_9 : i32
    "tpu.region"() ({
      %run_scoped3A = tpu.sem_alloc : memref<!tpu.dma_semaphore, #tpu.memory_space<semaphore_mem>>
      %dma_start3A_308 = arith.constant 0 : i32
      %dma_start3A_309 = tpu.memref_slice %arg14[%add3A_10, %dma_start3A_308] : memref<10240x128xf32, #tpu.memory_space<vmem_shared>> -> memref<80x128xf32, #tpu.memory_space<vmem_shared>>
      %dma_start3A_310 = arith.constant 0 : i32
      %dma_start3A_311 = tpu.memref_slice %arg14[%add3A_10, %dma_start3A_310] : memref<10240x128xf32, #tpu.memory_space<vmem_shared>> -> memref<80x128xf32, #tpu.memory_space<vmem_shared>>
      tpu.enqueue_dma source(%arg11 : memref<80x128xf32, #tpu.memory_space<vmem>>) target(%dma_start3A_311 : memref<80x128xf32, #tpu.memory_space<vmem_shared>>) target_semaphore(%run_scoped3A : memref<!tpu.dma_semaphore, #tpu.memory_space<semaphore_mem>>)
      %dma_wait3A_312 = arith.constant 0 : i32
      %dma_wait3A_313 = tpu.memref_slice %arg14[%add3A_10, %dma_wait3A_312] : memref<10240x128xf32, #tpu.memory_space<vmem_shared>> -> memref<80x128xf32, #tpu.memory_space<vmem_shared>>
      %dma_wait3A_314 = arith.constant 0 : i32
      %dma_wait3A_315 = tpu.memref_slice %arg14[%add3A_10, %dma_wait3A_314] : memref<10240x128xf32, #tpu.memory_space<vmem_shared>> -> memref<80x128xf32, #tpu.memory_space<vmem_shared>>
      tpu.wait_dma2 semaphore(%run_scoped3A : memref<!tpu.dma_semaphore, #tpu.memory_space<semaphore_mem>>) src(%arg11 : memref<80x128xf32, #tpu.memory_space<vmem>>) dst(%dma_wait3A_315 : memref<80x128xf32, #tpu.memory_space<vmem_shared>>)
      tpu.yield
    }) : () -> ()
    %add3A_11 = arith.constant 80 : i32
    %add3A_12 = arith.addi %mul3A_8, %add3A_11 : i32
    "tpu.region"() ({
      %run_scoped3A = tpu.sem_alloc : memref<!tpu.dma_semaphore, #tpu.memory_space<semaphore_mem>>
      %dma_start3A_308 = arith.constant 0 : i32
      %dma_start3A_309 = tpu.memref_slice %arg14[%add3A_12, %dma_start3A_308] : memref<10240x128xf32, #tpu.memory_space<vmem_shared>> -> memref<80x128xf32, #tpu.memory_space<vmem_shared>>
      %dma_start3A_310 = arith.constant 0 : i32
      %dma_start3A_311 = tpu.memref_slice %arg14[%add3A_12, %dma_start3A_310] : memref<10240x128xf32, #tpu.memory_space<vmem_shared>> -> memref<80x128xf32, #tpu.memory_space<vmem_shared>>
      tpu.enqueue_dma source(%arg11 : memref<80x128xf32, #tpu.memory_space<vmem>>) target(%dma_start3A_311 : memref<80x128xf32, #tpu.memory_space<vmem_shared>>) target_semaphore(%run_scoped3A : memref<!tpu.dma_semaphore, #tpu.memory_space<semaphore_mem>>)
      %dma_wait3A_312 = arith.constant 0 : i32
      %dma_wait3A_313 = tpu.memref_slice %arg14[%add3A_12, %dma_wait3A_312] : memref<10240x128xf32, #tpu.memory_space<vmem_shared>> -> memref<80x128xf32, #tpu.memory_space<vmem_shared>>
      %dma_wait3A_314 = arith.constant 0 : i32
      %dma_wait3A_315 = tpu.memref_slice %arg14[%add3A_12, %dma_wait3A_314] : memref<10240x128xf32, #tpu.memory_space<vmem_shared>> -> memref<80x128xf32, #tpu.memory_space<vmem_shared>>
      tpu.wait_dma2 semaphore(%run_scoped3A : memref<!tpu.dma_semaphore, #tpu.memory_space<semaphore_mem>>) src(%arg11 : memref<80x128xf32, #tpu.memory_space<vmem>>) dst(%dma_wait3A_315 : memref<80x128xf32, #tpu.memory_space<vmem_shared>>)
      tpu.yield
    }) : () -> ()
    %add3A_13 = arith.constant 160 : i32
    %add3A_14 = arith.addi %mul3A_8, %add3A_13 : i32
    "tpu.region"() ({
      %run_scoped3A = tpu.sem_alloc : memref<!tpu.dma_semaphore, #tpu.memory_space<semaphore_mem>>
      %dma_start3A_308 = arith.constant 0 : i32
      %dma_start3A_309 = tpu.memref_slice %arg14[%add3A_14, %dma_start3A_308] : memref<10240x128xf32, #tpu.memory_space<vmem_shared>> -> memref<80x128xf32, #tpu.memory_space<vmem_shared>>
      %dma_start3A_310 = arith.constant 0 : i32
      %dma_start3A_311 = tpu.memref_slice %arg14[%add3A_14, %dma_start3A_310] : memref<10240x128xf32, #tpu.memory_space<vmem_shared>> -> memref<80x128xf32, #tpu.memory_space<vmem_shared>>
      tpu.enqueue_dma source(%arg11 : memref<80x128xf32, #tpu.memory_space<vmem>>) target(%dma_start3A_311 : memref<80x128xf32, #tpu.memory_space<vmem_shared>>) target_semaphore(%run_scoped3A : memref<!tpu.dma_semaphore, #tpu.memory_space<semaphore_mem>>)
      %dma_wait3A_312 = arith.constant 0 : i32
      %dma_wait3A_313 = tpu.memref_slice %arg14[%add3A_14, %dma_wait3A_312] : memref<10240x128xf32, #tpu.memory_space<vmem_shared>> -> memref<80x128xf32, #tpu.memory_space<vmem_shared>>
      %dma_wait3A_314 = arith.constant 0 : i32
      %dma_wait3A_315 = tpu.memref_slice %arg14[%add3A_14, %dma_wait3A_314] : memref<10240x128xf32, #tpu.memory_space<vmem_shared>> -> memref<80x128xf32, #tpu.memory_space<vmem_shared>>
      tpu.wait_dma2 semaphore(%run_scoped3A : memref<!tpu.dma_semaphore, #tpu.memory_space<semaphore_mem>>) src(%arg11 : memref<80x128xf32, #tpu.memory_space<vmem>>) dst(%dma_wait3A_315 : memref<80x128xf32, #tpu.memory_space<vmem_shared>>)
      tpu.yield
    }) : () -> ()
    %add3A_15 = arith.constant 240 : i32
    %add3A_16 = arith.addi %mul3A_8, %add3A_15 : i32
    "tpu.region"() ({
      %run_scoped3A = tpu.sem_alloc : memref<!tpu.dma_semaphore, #tpu.memory_space<semaphore_mem>>
      %dma_start3A_308 = arith.constant 0 : i32
      %dma_start3A_309 = tpu.memref_slice %arg14[%add3A_16, %dma_start3A_308] : memref<10240x128xf32, #tpu.memory_space<vmem_shared>> -> memref<80x128xf32, #tpu.memory_space<vmem_shared>>
      %dma_start3A_310 = arith.constant 0 : i32
      %dma_start3A_311 = tpu.memref_slice %arg14[%add3A_16, %dma_start3A_310] : memref<10240x128xf32, #tpu.memory_space<vmem_shared>> -> memref<80x128xf32, #tpu.memory_space<vmem_shared>>
      tpu.enqueue_dma source(%arg11 : memref<80x128xf32, #tpu.memory_space<vmem>>) target(%dma_start3A_311 : memref<80x128xf32, #tpu.memory_space<vmem_shared>>) target_semaphore(%run_scoped3A : memref<!tpu.dma_semaphore, #tpu.memory_space<semaphore_mem>>)
      %dma_wait3A_312 = arith.constant 0 : i32
      %dma_wait3A_313 = tpu.memref_slice %arg14[%add3A_16, %dma_wait3A_312] : memref<10240x128xf32, #tpu.memory_space<vmem_shared>> -> memref<80x128xf32, #tpu.memory_space<vmem_shared>>
      %dma_wait3A_314 = arith.constant 0 : i32
      %dma_wait3A_315 = tpu.memref_slice %arg14[%add3A_16, %dma_wait3A_314] : memref<10240x128xf32, #tpu.memory_space<vmem_shared>> -> memref<80x128xf32, #tpu.memory_space<vmem_shared>>
      tpu.wait_dma2 semaphore(%run_scoped3A : memref<!tpu.dma_semaphore, #tpu.memory_space<semaphore_mem>>) src(%arg11 : memref<80x128xf32, #tpu.memory_space<vmem>>) dst(%dma_wait3A_315 : memref<80x128xf32, #tpu.memory_space<vmem_shared>>)
      tpu.yield
    }) : () -> ()
    %add3A_17 = arith.constant 320 : i32
    %add3A_18 = arith.addi %mul3A_8, %add3A_17 : i32
    "tpu.region"() ({
      %run_scoped3A = tpu.sem_alloc : memref<!tpu.dma_semaphore, #tpu.memory_space<semaphore_mem>>
      %dma_start3A_308 = arith.constant 0 : i32
      %dma_start3A_309 = tpu.memref_slice %arg14[%add3A_18, %dma_start3A_308] : memref<10240x128xf32, #tpu.memory_space<vmem_shared>> -> memref<80x128xf32, #tpu.memory_space<vmem_shared>>
      %dma_start3A_310 = arith.constant 0 : i32
      %dma_start3A_311 = tpu.memref_slice %arg14[%add3A_18, %dma_start3A_310] : memref<10240x128xf32, #tpu.memory_space<vmem_shared>> -> memref<80x128xf32, #tpu.memory_space<vmem_shared>>
      tpu.enqueue_dma source(%arg11 : memref<80x128xf32, #tpu.memory_space<vmem>>) target(%dma_start3A_311 : memref<80x128xf32, #tpu.memory_space<vmem_shared>>) target_semaphore(%run_scoped3A : memref<!tpu.dma_semaphore, #tpu.memory_space<semaphore_mem>>)
      %dma_wait3A_312 = arith.constant 0 : i32
      %dma_wait3A_313 = tpu.memref_slice %arg14[%add3A_18, %dma_wait3A_312] : memref<10240x128xf32, #tpu.memory_space<vmem_shared>> -> memref<80x128xf32, #tpu.memory_space<vmem_shared>>
      %dma_wait3A_314 = arith.constant 0 : i32
      %dma_wait3A_315 = tpu.memref_slice %arg14[%add3A_18, %dma_wait3A_314] : memref<10240x128xf32, #tpu.memory_space<vmem_shared>> -> memref<80x128xf32, #tpu.memory_space<vmem_shared>>
      tpu.wait_dma2 semaphore(%run_scoped3A : memref<!tpu.dma_semaphore, #tpu.memory_space<semaphore_mem>>) src(%arg11 : memref<80x128xf32, #tpu.memory_space<vmem>>) dst(%dma_wait3A_315 : memref<80x128xf32, #tpu.memory_space<vmem_shared>>)
      tpu.yield
    }) : () -> ()
    %add3A_19 = arith.constant 400 : i32
    %add3A_20 = arith.addi %mul3A_8, %add3A_19 : i32
    "tpu.region"() ({
      %run_scoped3A = tpu.sem_alloc : memref<!tpu.dma_semaphore, #tpu.memory_space<semaphore_mem>>
      %dma_start3A_308 = arith.constant 0 : i32
      %dma_start3A_309 = tpu.memref_slice %arg14[%add3A_20, %dma_start3A_308] : memref<10240x128xf32, #tpu.memory_space<vmem_shared>> -> memref<80x128xf32, #tpu.memory_space<vmem_shared>>
      %dma_start3A_310 = arith.constant 0 : i32
      %dma_start3A_311 = tpu.memref_slice %arg14[%add3A_20, %dma_start3A_310] : memref<10240x128xf32, #tpu.memory_space<vmem_shared>> -> memref<80x128xf32, #tpu.memory_space<vmem_shared>>
      tpu.enqueue_dma source(%arg11 : memref<80x128xf32, #tpu.memory_space<vmem>>) target(%dma_start3A_311 : memref<80x128xf32, #tpu.memory_space<vmem_shared>>) target_semaphore(%run_scoped3A : memref<!tpu.dma_semaphore, #tpu.memory_space<semaphore_mem>>)
      %dma_wait3A_312 = arith.constant 0 : i32
      %dma_wait3A_313 = tpu.memref_slice %arg14[%add3A_20, %dma_wait3A_312] : memref<10240x128xf32, #tpu.memory_space<vmem_shared>> -> memref<80x128xf32, #tpu.memory_space<vmem_shared>>
      %dma_wait3A_314 = arith.constant 0 : i32
      %dma_wait3A_315 = tpu.memref_slice %arg14[%add3A_20, %dma_wait3A_314] : memref<10240x128xf32, #tpu.memory_space<vmem_shared>> -> memref<80x128xf32, #tpu.memory_space<vmem_shared>>
      tpu.wait_dma2 semaphore(%run_scoped3A : memref<!tpu.dma_semaphore, #tpu.memory_space<semaphore_mem>>) src(%arg11 : memref<80x128xf32, #tpu.memory_space<vmem>>) dst(%dma_wait3A_315 : memref<80x128xf32, #tpu.memory_space<vmem_shared>>)
      tpu.yield
    }) : () -> ()
    %add3A_21 = arith.constant 480 : i32
    %add3A_22 = arith.addi %mul3A_8, %add3A_21 : i32
    "tpu.region"() ({
      %run_scoped3A = tpu.sem_alloc : memref<!tpu.dma_semaphore, #tpu.memory_space<semaphore_mem>>
      %dma_start3A_308 = arith.constant 0 : i32
      %dma_start3A_309 = tpu.memref_slice %arg14[%add3A_22, %dma_start3A_308] : memref<10240x128xf32, #tpu.memory_space<vmem_shared>> -> memref<80x128xf32, #tpu.memory_space<vmem_shared>>
      %dma_start3A_310 = arith.constant 0 : i32
      %dma_start3A_311 = tpu.memref_slice %arg14[%add3A_22, %dma_start3A_310] : memref<10240x128xf32, #tpu.memory_space<vmem_shared>> -> memref<80x128xf32, #tpu.memory_space<vmem_shared>>
      tpu.enqueue_dma source(%arg11 : memref<80x128xf32, #tpu.memory_space<vmem>>) target(%dma_start3A_311 : memref<80x128xf32, #tpu.memory_space<vmem_shared>>) target_semaphore(%run_scoped3A : memref<!tpu.dma_semaphore, #tpu.memory_space<semaphore_mem>>)
      %dma_wait3A_312 = arith.constant 0 : i32
      %dma_wait3A_313 = tpu.memref_slice %arg14[%add3A_22, %dma_wait3A_312] : memref<10240x128xf32, #tpu.memory_space<vmem_shared>> -> memref<80x128xf32, #tpu.memory_space<vmem_shared>>
      %dma_wait3A_314 = arith.constant 0 : i32
      %dma_wait3A_315 = tpu.memref_slice %arg14[%add3A_22, %dma_wait3A_314] : memref<10240x128xf32, #tpu.memory_space<vmem_shared>> -> memref<80x128xf32, #tpu.memory_space<vmem_shared>>
      tpu.wait_dma2 semaphore(%run_scoped3A : memref<!tpu.dma_semaphore, #tpu.memory_space<semaphore_mem>>) src(%arg11 : memref<80x128xf32, #tpu.memory_space<vmem>>) dst(%dma_wait3A_315 : memref<80x128xf32, #tpu.memory_space<vmem_shared>>)
      tpu.yield
    }) : () -> ()
    %add3A_23 = arith.constant 560 : i32
    %add3A_24 = arith.addi %mul3A_8, %add3A_23 : i32
    "tpu.region"() ({
      %run_scoped3A = tpu.sem_alloc : memref<!tpu.dma_semaphore, #tpu.memory_space<semaphore_mem>>
      %dma_start3A_308 = arith.constant 0 : i32
      %dma_start3A_309 = tpu.memref_slice %arg14[%add3A_24, %dma_start3A_308] : memref<10240x128xf32, #tpu.memory_space<vmem_shared>> -> memref<80x128xf32, #tpu.memory_space<vmem_shared>>
      %dma_start3A_310 = arith.constant 0 : i32
      %dma_start3A_311 = tpu.memref_slice %arg14[%add3A_24, %dma_start3A_310] : memref<10240x128xf32, #tpu.memory_space<vmem_shared>> -> memref<80x128xf32, #tpu.memory_space<vmem_shared>>
      tpu.enqueue_dma source(%arg11 : memref<80x128xf32, #tpu.memory_space<vmem>>) target(%dma_start3A_311 : memref<80x128xf32, #tpu.memory_space<vmem_shared>>) target_semaphore(%run_scoped3A : memref<!tpu.dma_semaphore, #tpu.memory_space<semaphore_mem>>)
      %dma_wait3A_312 = arith.constant 0 : i32
      %dma_wait3A_313 = tpu.memref_slice %arg14[%add3A_24, %dma_wait3A_312] : memref<10240x128xf32, #tpu.memory_space<vmem_shared>> -> memref<80x128xf32, #tpu.memory_space<vmem_shared>>
      %dma_wait3A_314 = arith.constant 0 : i32
      %dma_wait3A_315 = tpu.memref_slice %arg14[%add3A_24, %dma_wait3A_314] : memref<10240x128xf32, #tpu.memory_space<vmem_shared>> -> memref<80x128xf32, #tpu.memory_space<vmem_shared>>
      tpu.wait_dma2 semaphore(%run_scoped3A : memref<!tpu.dma_semaphore, #tpu.memory_space<semaphore_mem>>) src(%arg11 : memref<80x128xf32, #tpu.memory_space<vmem>>) dst(%dma_wait3A_315 : memref<80x128xf32, #tpu.memory_space<vmem_shared>>)
      tpu.yield
    }) : () -> ()
    %barrier3A = arith.constant 0 : index
    tpu.barrier barrier_id(%barrier3A)
    %dma_start3A = arith.constant 0 : i32
    %dma_start3A_25 = arith.constant 0 : i32
    %dma_start3A_26 = arith.constant 0 : i32
    %dma_start3A_27 = tpu.memref_slice %arg3[%add3A, %dma_start3A, %dma_start3A_25, %dma_start3A_26] : memref<32x126x2x80xi32, #tpu.memory_space<hbm>> -> memref<1x1x2x80xi32, #tpu.memory_space<hbm>>
    %dma_start3A_28 = tpu.memref_squeeze %dma_start3A_27 : memref<1x1x2x80xi32, #tpu.memory_space<hbm>> -> memref<2x80xi32, #tpu.memory_space<hbm>>
    %dma_start3A_29 = arith.constant 0 : i32
    %dma_start3A_30 = arith.constant 0 : i32
    %dma_start3A_31 = tpu.memref_slice %arg3[%add3A, %dma_start3A, %dma_start3A_29, %dma_start3A_30] : memref<32x126x2x80xi32, #tpu.memory_space<hbm>> -> memref<1x1x2x80xi32, #tpu.memory_space<hbm>>
    %dma_start3A_32 = tpu.memref_squeeze %dma_start3A_31 : memref<1x1x2x80xi32, #tpu.memory_space<hbm>> -> memref<2x80xi32, #tpu.memory_space<hbm>>
    tpu.enqueue_dma source(%dma_start3A_32 : memref<2x80xi32, #tpu.memory_space<hbm>>) target(%arg5 : memref<2x80xi32, #tpu.memory_space<vmem>>) target_semaphore(%arg15 : memref<!tpu.dma_semaphore, #tpu.memory_space<semaphore_mem>>)
    %dma_start3A_33 = arith.constant 1 : i32
    %dma_start3A_34 = arith.constant 0 : i32
    %dma_start3A_35 = arith.constant 0 : i32
    %dma_start3A_36 = tpu.memref_slice %arg3[%add3A, %dma_start3A_33, %dma_start3A_34, %dma_start3A_35] : memref<32x126x2x80xi32, #tpu.memory_space<hbm>> -> memref<1x1x2x80xi32, #tpu.memory_space<hbm>>
    %dma_start3A_37 = tpu.memref_squeeze %dma_start3A_36 : memref<1x1x2x80xi32, #tpu.memory_space<hbm>> -> memref<2x80xi32, #tpu.memory_space<hbm>>
    %dma_start3A_38 = arith.constant 0 : i32
    %dma_start3A_39 = arith.constant 0 : i32
    %dma_start3A_40 = tpu.memref_slice %arg3[%add3A, %dma_start3A_33, %dma_start3A_38, %dma_start3A_39] : memref<32x126x2x80xi32, #tpu.memory_space<hbm>> -> memref<1x1x2x80xi32, #tpu.memory_space<hbm>>
    %dma_start3A_41 = tpu.memref_squeeze %dma_start3A_40 : memref<1x1x2x80xi32, #tpu.memory_space<hbm>> -> memref<2x80xi32, #tpu.memory_space<hbm>>
    tpu.enqueue_dma source(%dma_start3A_41 : memref<2x80xi32, #tpu.memory_space<hbm>>) target(%arg6 : memref<2x80xi32, #tpu.memory_space<vmem>>) target_semaphore(%arg16 : memref<!tpu.dma_semaphore, #tpu.memory_space<semaphore_mem>>)
    %dma_start3A_42 = arith.constant 2 : i32
    %dma_start3A_43 = arith.constant 0 : i32
    %dma_start3A_44 = arith.constant 0 : i32
    %dma_start3A_45 = tpu.memref_slice %arg3[%add3A, %dma_start3A_42, %dma_start3A_43, %dma_start3A_44] : memref<32x126x2x80xi32, #tpu.memory_space<hbm>> -> memref<1x1x2x80xi32, #tpu.memory_space<hbm>>
    %dma_start3A_46 = tpu.memref_squeeze %dma_start3A_45 : memref<1x1x2x80xi32, #tpu.memory_space<hbm>> -> memref<2x80xi32, #tpu.memory_space<hbm>>
    %dma_start3A_47 = arith.constant 0 : i32
    %dma_start3A_48 = arith.constant 0 : i32
    %dma_start3A_49 = tpu.memref_slice %arg3[%add3A, %dma_start3A_42, %dma_start3A_47, %dma_start3A_48] : memref<32x126x2x80xi32, #tpu.memory_space<hbm>> -> memref<1x1x2x80xi32, #tpu.memory_space<hbm>>
    %dma_start3A_50 = tpu.memref_squeeze %dma_start3A_49 : memref<1x1x2x80xi32, #tpu.memory_space<hbm>> -> memref<2x80xi32, #tpu.memory_space<hbm>>
    tpu.enqueue_dma source(%dma_start3A_50 : memref<2x80xi32, #tpu.memory_space<hbm>>) target(%arg7 : memref<2x80xi32, #tpu.memory_space<vmem>>) target_semaphore(%arg17 : memref<!tpu.dma_semaphore, #tpu.memory_space<semaphore_mem>>)
    %dma_start3A_51 = arith.constant 3 : i32
    %dma_start3A_52 = arith.constant 0 : i32
    %dma_start3A_53 = arith.constant 0 : i32
    %dma_start3A_54 = tpu.memref_slice %arg3[%add3A, %dma_start3A_51, %dma_start3A_52, %dma_start3A_53] : memref<32x126x2x80xi32, #tpu.memory_space<hbm>> -> memref<1x1x2x80xi32, #tpu.memory_space<hbm>>
    %dma_start3A_55 = tpu.memref_squeeze %dma_start3A_54 : memref<1x1x2x80xi32, #tpu.memory_space<hbm>> -> memref<2x80xi32, #tpu.memory_space<hbm>>
    %dma_start3A_56 = arith.constant 0 : i32
    %dma_start3A_57 = arith.constant 0 : i32
    %dma_start3A_58 = tpu.memref_slice %arg3[%add3A, %dma_start3A_51, %dma_start3A_56, %dma_start3A_57] : memref<32x126x2x80xi32, #tpu.memory_space<hbm>> -> memref<1x1x2x80xi32, #tpu.memory_space<hbm>>
    %dma_start3A_59 = tpu.memref_squeeze %dma_start3A_58 : memref<1x1x2x80xi32, #tpu.memory_space<hbm>> -> memref<2x80xi32, #tpu.memory_space<hbm>>
    tpu.enqueue_dma source(%dma_start3A_59 : memref<2x80xi32, #tpu.memory_space<hbm>>) target(%arg8 : memref<2x80xi32, #tpu.memory_space<vmem>>) target_semaphore(%arg18 : memref<!tpu.dma_semaphore, #tpu.memory_space<semaphore_mem>>)
    %dma_start3A_60 = arith.constant 4 : i32
    %dma_start3A_61 = arith.constant 0 : i32
    %dma_start3A_62 = arith.constant 0 : i32
    %dma_start3A_63 = tpu.memref_slice %arg3[%add3A, %dma_start3A_60, %dma_start3A_61, %dma_start3A_62] : memref<32x126x2x80xi32, #tpu.memory_space<hbm>> -> memref<1x1x2x80xi32, #tpu.memory_space<hbm>>
    %dma_start3A_64 = tpu.memref_squeeze %dma_start3A_63 : memref<1x1x2x80xi32, #tpu.memory_space<hbm>> -> memref<2x80xi32, #tpu.memory_space<hbm>>
    %dma_start3A_65 = arith.constant 0 : i32
    %dma_start3A_66 = arith.constant 0 : i32
    %dma_start3A_67 = tpu.memref_slice %arg3[%add3A, %dma_start3A_60, %dma_start3A_65, %dma_start3A_66] : memref<32x126x2x80xi32, #tpu.memory_space<hbm>> -> memref<1x1x2x80xi32, #tpu.memory_space<hbm>>
    %dma_start3A_68 = tpu.memref_squeeze %dma_start3A_67 : memref<1x1x2x80xi32, #tpu.memory_space<hbm>> -> memref<2x80xi32, #tpu.memory_space<hbm>>
    tpu.enqueue_dma source(%dma_start3A_68 : memref<2x80xi32, #tpu.memory_space<hbm>>) target(%arg9 : memref<2x80xi32, #tpu.memory_space<vmem>>) target_semaphore(%arg19 : memref<!tpu.dma_semaphore, #tpu.memory_space<semaphore_mem>>)
    %dma_start3A_69 = arith.constant 5 : i32
    %dma_start3A_70 = arith.constant 0 : i32
    %dma_start3A_71 = arith.constant 0 : i32
    %dma_start3A_72 = tpu.memref_slice %arg3[%add3A, %dma_start3A_69, %dma_start3A_70, %dma_start3A_71] : memref<32x126x2x80xi32, #tpu.memory_space<hbm>> -> memref<1x1x2x80xi32, #tpu.memory_space<hbm>>
    %dma_start3A_73 = tpu.memref_squeeze %dma_start3A_72 : memref<1x1x2x80xi32, #tpu.memory_space<hbm>> -> memref<2x80xi32, #tpu.memory_space<hbm>>
    %dma_start3A_74 = arith.constant 0 : i32
    %dma_start3A_75 = arith.constant 0 : i32
    %dma_start3A_76 = tpu.memref_slice %arg3[%add3A, %dma_start3A_69, %dma_start3A_74, %dma_start3A_75] : memref<32x126x2x80xi32, #tpu.memory_space<hbm>> -> memref<1x1x2x80xi32, #tpu.memory_space<hbm>>
    %dma_start3A_77 = tpu.memref_squeeze %dma_start3A_76 : memref<1x1x2x80xi32, #tpu.memory_space<hbm>> -> memref<2x80xi32, #tpu.memory_space<hbm>>
    tpu.enqueue_dma source(%dma_start3A_77 : memref<2x80xi32, #tpu.memory_space<hbm>>) target(%arg10 : memref<2x80xi32, #tpu.memory_space<vmem>>) target_semaphore(%arg20 : memref<!tpu.dma_semaphore, #tpu.memory_space<semaphore_mem>>)
    %dma_wait3A = arith.constant 0 : i32
    %dma_wait3A_78 = arith.constant 0 : i32
    %dma_wait3A_79 = arith.constant 0 : i32
    %dma_wait3A_80 = tpu.memref_slice %arg3[%add3A, %dma_wait3A, %dma_wait3A_78, %dma_wait3A_79] : memref<32x126x2x80xi32, #tpu.memory_space<hbm>> -> memref<1x1x2x80xi32, #tpu.memory_space<hbm>>
    %dma_wait3A_81 = tpu.memref_squeeze %dma_wait3A_80 : memref<1x1x2x80xi32, #tpu.memory_space<hbm>> -> memref<2x80xi32, #tpu.memory_space<hbm>>
    %dma_wait3A_82 = arith.constant 0 : i32
    %dma_wait3A_83 = arith.constant 0 : i32
    %dma_wait3A_84 = tpu.memref_slice %arg3[%add3A, %dma_wait3A, %dma_wait3A_82, %dma_wait3A_83] : memref<32x126x2x80xi32, #tpu.memory_space<hbm>> -> memref<1x1x2x80xi32, #tpu.memory_space<hbm>>
    %dma_wait3A_85 = tpu.memref_squeeze %dma_wait3A_84 : memref<1x1x2x80xi32, #tpu.memory_space<hbm>> -> memref<2x80xi32, #tpu.memory_space<hbm>>
    tpu.wait_dma2 semaphore(%arg15 : memref<!tpu.dma_semaphore, #tpu.memory_space<semaphore_mem>>) src(%dma_wait3A_85 : memref<2x80xi32, #tpu.memory_space<hbm>>) dst(%arg5 : memref<2x80xi32, #tpu.memory_space<vmem>>)
    %dma_start3A_86 = arith.constant 0 : i32
    %dma_start3A_87 = arith.constant 0 : i32
    %dma_start3A_88 = tpu.memref_slice %arg5[%dma_start3A_86, %dma_start3A_87] : memref<2x80xi32, #tpu.memory_space<vmem>> -> memref<1x80xi32, #tpu.memory_space<vmem>>
    %dma_start3A_89 = tpu.memref_squeeze %dma_start3A_88 : memref<1x80xi32, #tpu.memory_space<vmem>> -> memref<80xi32, #tpu.memory_space<vmem>>
    %dma_start3A_90 = arith.constant 0 : i32
    %dma_start3A_91 = arith.constant 0 : i32
    %dma_start3A_92 = tpu.memref_slice %arg2[%dma_start3A_90, %dma_start3A_91] : memref<10000x128xf32, #tpu.memory_space<hbm>> -> memref<10000x128xf32, #tpu.memory_space<hbm>>
    tpu.enqueue_indirect_dma source(%dma_start3A_92 : memref<10000x128xf32, #tpu.memory_space<hbm>>) target(%arg11 : memref<80x128xf32, #tpu.memory_space<vmem>>) offsets(%dma_start3A_89 : memref<80xi32, #tpu.memory_space<vmem>>) semaphore(%arg21 : memref<!tpu.dma_semaphore, #tpu.memory_space<semaphore_mem>>)
    %dma_wait3A_93 = arith.constant 1 : i32
    %dma_wait3A_94 = arith.constant 0 : i32
    %dma_wait3A_95 = arith.constant 0 : i32
    %dma_wait3A_96 = tpu.memref_slice %arg3[%add3A, %dma_wait3A_93, %dma_wait3A_94, %dma_wait3A_95] : memref<32x126x2x80xi32, #tpu.memory_space<hbm>> -> memref<1x1x2x80xi32, #tpu.memory_space<hbm>>
    %dma_wait3A_97 = tpu.memref_squeeze %dma_wait3A_96 : memref<1x1x2x80xi32, #tpu.memory_space<hbm>> -> memref<2x80xi32, #tpu.memory_space<hbm>>
    %dma_wait3A_98 = arith.constant 0 : i32
    %dma_wait3A_99 = arith.constant 0 : i32
    %dma_wait3A_100 = tpu.memref_slice %arg3[%add3A, %dma_wait3A_93, %dma_wait3A_98, %dma_wait3A_99] : memref<32x126x2x80xi32, #tpu.memory_space<hbm>> -> memref<1x1x2x80xi32, #tpu.memory_space<hbm>>
    %dma_wait3A_101 = tpu.memref_squeeze %dma_wait3A_100 : memref<1x1x2x80xi32, #tpu.memory_space<hbm>> -> memref<2x80xi32, #tpu.memory_space<hbm>>
    tpu.wait_dma2 semaphore(%arg16 : memref<!tpu.dma_semaphore, #tpu.memory_space<semaphore_mem>>) src(%dma_wait3A_101 : memref<2x80xi32, #tpu.memory_space<hbm>>) dst(%arg6 : memref<2x80xi32, #tpu.memory_space<vmem>>)
    %dma_start3A_102 = arith.constant 0 : i32
    %dma_start3A_103 = arith.constant 0 : i32
    %dma_start3A_104 = tpu.memref_slice %arg6[%dma_start3A_102, %dma_start3A_103] : memref<2x80xi32, #tpu.memory_space<vmem>> -> memref<1x80xi32, #tpu.memory_space<vmem>>
    %dma_start3A_105 = tpu.memref_squeeze %dma_start3A_104 : memref<1x80xi32, #tpu.memory_space<vmem>> -> memref<80xi32, #tpu.memory_space<vmem>>
    %dma_start3A_106 = arith.constant 0 : i32
    %dma_start3A_107 = arith.constant 0 : i32
    %dma_start3A_108 = tpu.memref_slice %arg2[%dma_start3A_106, %dma_start3A_107] : memref<10000x128xf32, #tpu.memory_space<hbm>> -> memref<10000x128xf32, #tpu.memory_space<hbm>>
    tpu.enqueue_indirect_dma source(%dma_start3A_108 : memref<10000x128xf32, #tpu.memory_space<hbm>>) target(%arg12 : memref<80x128xf32, #tpu.memory_space<vmem>>) offsets(%dma_start3A_105 : memref<80xi32, #tpu.memory_space<vmem>>) semaphore(%arg22 : memref<!tpu.dma_semaphore, #tpu.memory_space<semaphore_mem>>)
    %dma_wait3A_109 = arith.constant 2 : i32
    %dma_wait3A_110 = arith.constant 0 : i32
    %dma_wait3A_111 = arith.constant 0 : i32
    %dma_wait3A_112 = tpu.memref_slice %arg3[%add3A, %dma_wait3A_109, %dma_wait3A_110, %dma_wait3A_111] : memref<32x126x2x80xi32, #tpu.memory_space<hbm>> -> memref<1x1x2x80xi32, #tpu.memory_space<hbm>>
    %dma_wait3A_113 = tpu.memref_squeeze %dma_wait3A_112 : memref<1x1x2x80xi32, #tpu.memory_space<hbm>> -> memref<2x80xi32, #tpu.memory_space<hbm>>
    %dma_wait3A_114 = arith.constant 0 : i32
    %dma_wait3A_115 = arith.constant 0 : i32
    %dma_wait3A_116 = tpu.memref_slice %arg3[%add3A, %dma_wait3A_109, %dma_wait3A_114, %dma_wait3A_115] : memref<32x126x2x80xi32, #tpu.memory_space<hbm>> -> memref<1x1x2x80xi32, #tpu.memory_space<hbm>>
    %dma_wait3A_117 = tpu.memref_squeeze %dma_wait3A_116 : memref<1x1x2x80xi32, #tpu.memory_space<hbm>> -> memref<2x80xi32, #tpu.memory_space<hbm>>
    tpu.wait_dma2 semaphore(%arg17 : memref<!tpu.dma_semaphore, #tpu.memory_space<semaphore_mem>>) src(%dma_wait3A_117 : memref<2x80xi32, #tpu.memory_space<hbm>>) dst(%arg7 : memref<2x80xi32, #tpu.memory_space<vmem>>)
    %dma_start3A_118 = arith.constant 0 : i32
    %dma_start3A_119 = arith.constant 0 : i32
    %dma_start3A_120 = tpu.memref_slice %arg7[%dma_start3A_118, %dma_start3A_119] : memref<2x80xi32, #tpu.memory_space<vmem>> -> memref<1x80xi32, #tpu.memory_space<vmem>>
    %dma_start3A_121 = tpu.memref_squeeze %dma_start3A_120 : memref<1x80xi32, #tpu.memory_space<vmem>> -> memref<80xi32, #tpu.memory_space<vmem>>
    %dma_start3A_122 = arith.constant 0 : i32
    %dma_start3A_123 = arith.constant 0 : i32
    %dma_start3A_124 = tpu.memref_slice %arg2[%dma_start3A_122, %dma_start3A_123] : memref<10000x128xf32, #tpu.memory_space<hbm>> -> memref<10000x128xf32, #tpu.memory_space<hbm>>
    tpu.enqueue_indirect_dma source(%dma_start3A_124 : memref<10000x128xf32, #tpu.memory_space<hbm>>) target(%arg13 : memref<80x128xf32, #tpu.memory_space<vmem>>) offsets(%dma_start3A_121 : memref<80xi32, #tpu.memory_space<vmem>>) semaphore(%arg23 : memref<!tpu.dma_semaphore, #tpu.memory_space<semaphore_mem>>)
    %scan3A_125 = arith.constant 0 : i32
    %scan3A_126 = arith.constant 0 : i32
    %scan3A_127 = arith.constant 20 : i32
    %scan3A_128 = arith.addi %scan3A_126, %scan3A_127 : i32
    %scan3A_129 = arith.constant 1 : i32
    scf.for %scan3A_308 = %scan3A_126 to %scan3A_128 step %scan3A_129  : i32 {
      %mul3A_309 = arith.constant 2 : i32
      %mul3A_310 = arith.muli %mul3A_309, %scan3A_308 : i32
      %add3A_311 = arith.constant 0 : i32
      %add3A_312 = arith.addi %mul3A_310, %add3A_311 : i32
      %dma_wait3A_313 = arith.constant 0 : i32
      %dma_wait3A_314 = arith.constant 0 : i32
      %dma_wait3A_315 = tpu.memref_slice %arg5[%dma_wait3A_313, %dma_wait3A_314] : memref<2x80xi32, #tpu.memory_space<vmem>> -> memref<1x80xi32, #tpu.memory_space<vmem>>
      %dma_wait3A_316 = tpu.memref_squeeze %dma_wait3A_315 : memref<1x80xi32, #tpu.memory_space<vmem>> -> memref<80xi32, #tpu.memory_space<vmem>>
      %dma_wait3A_317 = arith.constant 0 : i32
      %dma_wait3A_318 = arith.constant 0 : i32
      %dma_wait3A_319 = tpu.memref_slice %arg2[%dma_wait3A_317, %dma_wait3A_318] : memref<10000x128xf32, #tpu.memory_space<hbm>> -> memref<10000x128xf32, #tpu.memory_space<hbm>>
      tpu.wait_indirect_dma semaphore(%arg21 : memref<!tpu.dma_semaphore, #tpu.memory_space<semaphore_mem>>) src(%dma_wait3A_319 : memref<10000x128xf32, #tpu.memory_space<hbm>>) dst(%arg11 : memref<80x128xf32, #tpu.memory_space<vmem>>)
      %dma_start3A_320 = arith.constant 1 : i32
      %dma_start3A_321 = arith.constant 0 : i32
      %dma_start3A_322 = tpu.memref_slice %arg5[%dma_start3A_320, %dma_start3A_321] : memref<2x80xi32, #tpu.memory_space<vmem>> -> memref<1x80xi32, #tpu.memory_space<vmem>>
      %dma_start3A_323 = tpu.memref_squeeze %dma_start3A_322 : memref<1x80xi32, #tpu.memory_space<vmem>> -> memref<80xi32, #tpu.memory_space<vmem>>
      %dma_start3A_324 = arith.constant 0 : i32
      %dma_start3A_325 = arith.constant 0 : i32
      %dma_start3A_326 = tpu.memref_slice %arg14[%dma_start3A_324, %dma_start3A_325] : memref<10240x128xf32, #tpu.memory_space<vmem_shared>> -> memref<10240x128xf32, #tpu.memory_space<vmem_shared>>
      tpu.enqueue_indirect_dma source(%arg11 : memref<80x128xf32, #tpu.memory_space<vmem>>) target(%dma_start3A_326 : memref<10240x128xf32, #tpu.memory_space<vmem_shared>>) offsets(%dma_start3A_323 : memref<80xi32, #tpu.memory_space<vmem>>) semaphore(%arg24 : memref<!tpu.dma_semaphore, #tpu.memory_space<semaphore_mem>>) {add = true}
      %dma_wait3A_327 = arith.constant 0 : i32
      %dma_wait3A_328 = arith.constant 0 : i32
      %dma_wait3A_329 = tpu.memref_slice %arg6[%dma_wait3A_327, %dma_wait3A_328] : memref<2x80xi32, #tpu.memory_space<vmem>> -> memref<1x80xi32, #tpu.memory_space<vmem>>
      %dma_wait3A_330 = tpu.memref_squeeze %dma_wait3A_329 : memref<1x80xi32, #tpu.memory_space<vmem>> -> memref<80xi32, #tpu.memory_space<vmem>>
      %dma_wait3A_331 = arith.constant 0 : i32
      %dma_wait3A_332 = arith.constant 0 : i32
      %dma_wait3A_333 = tpu.memref_slice %arg2[%dma_wait3A_331, %dma_wait3A_332] : memref<10000x128xf32, #tpu.memory_space<hbm>> -> memref<10000x128xf32, #tpu.memory_space<hbm>>
      tpu.wait_indirect_dma semaphore(%arg22 : memref<!tpu.dma_semaphore, #tpu.memory_space<semaphore_mem>>) src(%dma_wait3A_333 : memref<10000x128xf32, #tpu.memory_space<hbm>>) dst(%arg12 : memref<80x128xf32, #tpu.memory_space<vmem>>)
      %dma_start3A_334 = arith.constant 1 : i32
      %dma_start3A_335 = arith.constant 0 : i32
      %dma_start3A_336 = tpu.memref_slice %arg6[%dma_start3A_334, %dma_start3A_335] : memref<2x80xi32, #tpu.memory_space<vmem>> -> memref<1x80xi32, #tpu.memory_space<vmem>>
      %dma_start3A_337 = tpu.memref_squeeze %dma_start3A_336 : memref<1x80xi32, #tpu.memory_space<vmem>> -> memref<80xi32, #tpu.memory_space<vmem>>
      %dma_start3A_338 = arith.constant 0 : i32
      %dma_start3A_339 = arith.constant 0 : i32
      %dma_start3A_340 = tpu.memref_slice %arg14[%dma_start3A_338, %dma_start3A_339] : memref<10240x128xf32, #tpu.memory_space<vmem_shared>> -> memref<10240x128xf32, #tpu.memory_space<vmem_shared>>
      tpu.enqueue_indirect_dma source(%arg12 : memref<80x128xf32, #tpu.memory_space<vmem>>) target(%dma_start3A_340 : memref<10240x128xf32, #tpu.memory_space<vmem_shared>>) offsets(%dma_start3A_337 : memref<80xi32, #tpu.memory_space<vmem>>) semaphore(%arg25 : memref<!tpu.dma_semaphore, #tpu.memory_space<semaphore_mem>>) {add = true}
      %dma_wait3A_341 = arith.constant 0 : i32
      %dma_wait3A_342 = arith.constant 0 : i32
      %dma_wait3A_343 = tpu.memref_slice %arg7[%dma_wait3A_341, %dma_wait3A_342] : memref<2x80xi32, #tpu.memory_space<vmem>> -> memref<1x80xi32, #tpu.memory_space<vmem>>
      %dma_wait3A_344 = tpu.memref_squeeze %dma_wait3A_343 : memref<1x80xi32, #tpu.memory_space<vmem>> -> memref<80xi32, #tpu.memory_space<vmem>>
      %dma_wait3A_345 = arith.constant 0 : i32
      %dma_wait3A_346 = arith.constant 0 : i32
      %dma_wait3A_347 = tpu.memref_slice %arg2[%dma_wait3A_345, %dma_wait3A_346] : memref<10000x128xf32, #tpu.memory_space<hbm>> -> memref<10000x128xf32, #tpu.memory_space<hbm>>
      tpu.wait_indirect_dma semaphore(%arg23 : memref<!tpu.dma_semaphore, #tpu.memory_space<semaphore_mem>>) src(%dma_wait3A_347 : memref<10000x128xf32, #tpu.memory_space<hbm>>) dst(%arg13 : memref<80x128xf32, #tpu.memory_space<vmem>>)
      %dma_start3A_348 = arith.constant 1 : i32
      %dma_start3A_349 = arith.constant 0 : i32
      %dma_start3A_350 = tpu.memref_slice %arg7[%dma_start3A_348, %dma_start3A_349] : memref<2x80xi32, #tpu.memory_space<vmem>> -> memref<1x80xi32, #tpu.memory_space<vmem>>
      %dma_start3A_351 = tpu.memref_squeeze %dma_start3A_350 : memref<1x80xi32, #tpu.memory_space<vmem>> -> memref<80xi32, #tpu.memory_space<vmem>>
      %dma_start3A_352 = arith.constant 0 : i32
      %dma_start3A_353 = arith.constant 0 : i32
      %dma_start3A_354 = tpu.memref_slice %arg14[%dma_start3A_352, %dma_start3A_353] : memref<10240x128xf32, #tpu.memory_space<vmem_shared>> -> memref<10240x128xf32, #tpu.memory_space<vmem_shared>>
      tpu.enqueue_indirect_dma source(%arg13 : memref<80x128xf32, #tpu.memory_space<vmem>>) target(%dma_start3A_354 : memref<10240x128xf32, #tpu.memory_space<vmem_shared>>) offsets(%dma_start3A_351 : memref<80xi32, #tpu.memory_space<vmem>>) semaphore(%arg26 : memref<!tpu.dma_semaphore, #tpu.memory_space<semaphore_mem>>) {add = true}
      %dma_wait3A_355 = arith.constant 1 : i32
      %dma_wait3A_356 = arith.constant 0 : i32
      %dma_wait3A_357 = tpu.memref_slice %arg5[%dma_wait3A_355, %dma_wait3A_356] : memref<2x80xi32, #tpu.memory_space<vmem>> -> memref<1x80xi32, #tpu.memory_space<vmem>>
      %dma_wait3A_358 = tpu.memref_squeeze %dma_wait3A_357 : memref<1x80xi32, #tpu.memory_space<vmem>> -> memref<80xi32, #tpu.memory_space<vmem>>
      %dma_wait3A_359 = arith.constant 0 : i32
      %dma_wait3A_360 = arith.constant 0 : i32
      %dma_wait3A_361 = tpu.memref_slice %arg14[%dma_wait3A_359, %dma_wait3A_360] : memref<10240x128xf32, #tpu.memory_space<vmem_shared>> -> memref<10240x128xf32, #tpu.memory_space<vmem_shared>>
      tpu.wait_indirect_dma semaphore(%arg24 : memref<!tpu.dma_semaphore, #tpu.memory_space<semaphore_mem>>) src(%arg11 : memref<80x128xf32, #tpu.memory_space<vmem>>) dst(%dma_wait3A_361 : memref<10240x128xf32, #tpu.memory_space<vmem_shared>>)
      %add3A_362 = arith.constant 2 : i32
      %add3A_363 = arith.addi %add3A_312, %add3A_362 : i32
      %mul3A_364 = arith.constant 3 : i32
      %mul3A_365 = arith.muli %add3A_363, %mul3A_364 : i32
      %add3A_366 = arith.constant 0 : i32
      %add3A_367 = arith.addi %mul3A_365, %add3A_366 : i32
      %dma_start3A_368 = arith.constant 0 : i32
      %dma_start3A_369 = arith.constant 0 : i32
      %dma_start3A_370 = tpu.memref_slice %arg3[%add3A, %add3A_367, %dma_start3A_368, %dma_start3A_369] : memref<32x126x2x80xi32, #tpu.memory_space<hbm>> -> memref<1x1x2x80xi32, #tpu.memory_space<hbm>>
      %dma_start3A_371 = tpu.memref_squeeze %dma_start3A_370 : memref<1x1x2x80xi32, #tpu.memory_space<hbm>> -> memref<2x80xi32, #tpu.memory_space<hbm>>
      %dma_start3A_372 = arith.constant 0 : i32
      %dma_start3A_373 = arith.constant 0 : i32
      %dma_start3A_374 = tpu.memref_slice %arg3[%add3A, %add3A_367, %dma_start3A_372, %dma_start3A_373] : memref<32x126x2x80xi32, #tpu.memory_space<hbm>> -> memref<1x1x2x80xi32, #tpu.memory_space<hbm>>
      %dma_start3A_375 = tpu.memref_squeeze %dma_start3A_374 : memref<1x1x2x80xi32, #tpu.memory_space<hbm>> -> memref<2x80xi32, #tpu.memory_space<hbm>>
      tpu.enqueue_dma source(%dma_start3A_375 : memref<2x80xi32, #tpu.memory_space<hbm>>) target(%arg5 : memref<2x80xi32, #tpu.memory_space<vmem>>) target_semaphore(%arg15 : memref<!tpu.dma_semaphore, #tpu.memory_space<semaphore_mem>>)
      %add3A_376 = arith.constant 1 : i32
      %add3A_377 = arith.addi %add3A_312, %add3A_376 : i32
      %mul3A_378 = arith.constant 3 : i32
      %mul3A_379 = arith.muli %add3A_377, %mul3A_378 : i32
      %add3A_380 = arith.constant 0 : i32
      %add3A_381 = arith.addi %mul3A_379, %add3A_380 : i32
      %dma_wait3A_382 = arith.constant 0 : i32
      %dma_wait3A_383 = arith.constant 0 : i32
      %dma_wait3A_384 = tpu.memref_slice %arg3[%add3A, %add3A_381, %dma_wait3A_382, %dma_wait3A_383] : memref<32x126x2x80xi32, #tpu.memory_space<hbm>> -> memref<1x1x2x80xi32, #tpu.memory_space<hbm>>
      %dma_wait3A_385 = tpu.memref_squeeze %dma_wait3A_384 : memref<1x1x2x80xi32, #tpu.memory_space<hbm>> -> memref<2x80xi32, #tpu.memory_space<hbm>>
      %dma_wait3A_386 = arith.constant 0 : i32
      %dma_wait3A_387 = arith.constant 0 : i32
      %dma_wait3A_388 = tpu.memref_slice %arg3[%add3A, %add3A_381, %dma_wait3A_386, %dma_wait3A_387] : memref<32x126x2x80xi32, #tpu.memory_space<hbm>> -> memref<1x1x2x80xi32, #tpu.memory_space<hbm>>
      %dma_wait3A_389 = tpu.memref_squeeze %dma_wait3A_388 : memref<1x1x2x80xi32, #tpu.memory_space<hbm>> -> memref<2x80xi32, #tpu.memory_space<hbm>>
      tpu.wait_dma2 semaphore(%arg18 : memref<!tpu.dma_semaphore, #tpu.memory_space<semaphore_mem>>) src(%dma_wait3A_389 : memref<2x80xi32, #tpu.memory_space<hbm>>) dst(%arg8 : memref<2x80xi32, #tpu.memory_space<vmem>>)
      %dma_start3A_390 = arith.constant 0 : i32
      %dma_start3A_391 = arith.constant 0 : i32
      %dma_start3A_392 = tpu.memref_slice %arg8[%dma_start3A_390, %dma_start3A_391] : memref<2x80xi32, #tpu.memory_space<vmem>> -> memref<1x80xi32, #tpu.memory_space<vmem>>
      %dma_start3A_393 = tpu.memref_squeeze %dma_start3A_392 : memref<1x80xi32, #tpu.memory_space<vmem>> -> memref<80xi32, #tpu.memory_space<vmem>>
      %dma_start3A_394 = arith.constant 0 : i32
      %dma_start3A_395 = arith.constant 0 : i32
      %dma_start3A_396 = tpu.memref_slice %arg2[%dma_start3A_394, %dma_start3A_395] : memref<10000x128xf32, #tpu.memory_space<hbm>> -> memref<10000x128xf32, #tpu.memory_space<hbm>>
      tpu.enqueue_indirect_dma source(%dma_start3A_396 : memref<10000x128xf32, #tpu.memory_space<hbm>>) target(%arg11 : memref<80x128xf32, #tpu.memory_space<vmem>>) offsets(%dma_start3A_393 : memref<80xi32, #tpu.memory_space<vmem>>) semaphore(%arg21 : memref<!tpu.dma_semaphore, #tpu.memory_space<semaphore_mem>>)
      %dma_wait3A_397 = arith.constant 1 : i32
      %dma_wait3A_398 = arith.constant 0 : i32
      %dma_wait3A_399 = tpu.memref_slice %arg6[%dma_wait3A_397, %dma_wait3A_398] : memref<2x80xi32, #tpu.memory_space<vmem>> -> memref<1x80xi32, #tpu.memory_space<vmem>>
      %dma_wait3A_400 = tpu.memref_squeeze %dma_wait3A_399 : memref<1x80xi32, #tpu.memory_space<vmem>> -> memref<80xi32, #tpu.memory_space<vmem>>
      %dma_wait3A_401 = arith.constant 0 : i32
      %dma_wait3A_402 = arith.constant 0 : i32
      %dma_wait3A_403 = tpu.memref_slice %arg14[%dma_wait3A_401, %dma_wait3A_402] : memref<10240x128xf32, #tpu.memory_space<vmem_shared>> -> memref<10240x128xf32, #tpu.memory_space<vmem_shared>>
      tpu.wait_indirect_dma semaphore(%arg25 : memref<!tpu.dma_semaphore, #tpu.memory_space<semaphore_mem>>) src(%arg12 : memref<80x128xf32, #tpu.memory_space<vmem>>) dst(%dma_wait3A_403 : memref<10240x128xf32, #tpu.memory_space<vmem_shared>>)
      %add3A_404 = arith.constant 2 : i32
      %add3A_405 = arith.addi %add3A_312, %add3A_404 : i32
      %mul3A_406 = arith.constant 3 : i32
      %mul3A_407 = arith.muli %add3A_405, %mul3A_406 : i32
      %add3A_408 = arith.constant 1 : i32
      %add3A_409 = arith.addi %mul3A_407, %add3A_408 : i32
      %dma_start3A_410 = arith.constant 0 : i32
      %dma_start3A_411 = arith.constant 0 : i32
      %dma_start3A_412 = tpu.memref_slice %arg3[%add3A, %add3A_409, %dma_start3A_410, %dma_start3A_411] : memref<32x126x2x80xi32, #tpu.memory_space<hbm>> -> memref<1x1x2x80xi32, #tpu.memory_space<hbm>>
      %dma_start3A_413 = tpu.memref_squeeze %dma_start3A_412 : memref<1x1x2x80xi32, #tpu.memory_space<hbm>> -> memref<2x80xi32, #tpu.memory_space<hbm>>
      %dma_start3A_414 = arith.constant 0 : i32
      %dma_start3A_415 = arith.constant 0 : i32
      %dma_start3A_416 = tpu.memref_slice %arg3[%add3A, %add3A_409, %dma_start3A_414, %dma_start3A_415] : memref<32x126x2x80xi32, #tpu.memory_space<hbm>> -> memref<1x1x2x80xi32, #tpu.memory_space<hbm>>
      %dma_start3A_417 = tpu.memref_squeeze %dma_start3A_416 : memref<1x1x2x80xi32, #tpu.memory_space<hbm>> -> memref<2x80xi32, #tpu.memory_space<hbm>>
      tpu.enqueue_dma source(%dma_start3A_417 : memref<2x80xi32, #tpu.memory_space<hbm>>) target(%arg6 : memref<2x80xi32, #tpu.memory_space<vmem>>) target_semaphore(%arg16 : memref<!tpu.dma_semaphore, #tpu.memory_space<semaphore_mem>>)
      %add3A_418 = arith.constant 1 : i32
      %add3A_419 = arith.addi %add3A_312, %add3A_418 : i32
      %mul3A_420 = arith.constant 3 : i32
      %mul3A_421 = arith.muli %add3A_419, %mul3A_420 : i32
      %add3A_422 = arith.constant 1 : i32
      %add3A_423 = arith.addi %mul3A_421, %add3A_422 : i32
      %dma_wait3A_424 = arith.constant 0 : i32
      %dma_wait3A_425 = arith.constant 0 : i32
      %dma_wait3A_426 = tpu.memref_slice %arg3[%add3A, %add3A_423, %dma_wait3A_424, %dma_wait3A_425] : memref<32x126x2x80xi32, #tpu.memory_space<hbm>> -> memref<1x1x2x80xi32, #tpu.memory_space<hbm>>
      %dma_wait3A_427 = tpu.memref_squeeze %dma_wait3A_426 : memref<1x1x2x80xi32, #tpu.memory_space<hbm>> -> memref<2x80xi32, #tpu.memory_space<hbm>>
      %dma_wait3A_428 = arith.constant 0 : i32
      %dma_wait3A_429 = arith.constant 0 : i32
      %dma_wait3A_430 = tpu.memref_slice %arg3[%add3A, %add3A_423, %dma_wait3A_428, %dma_wait3A_429] : memref<32x126x2x80xi32, #tpu.memory_space<hbm>> -> memref<1x1x2x80xi32, #tpu.memory_space<hbm>>
      %dma_wait3A_431 = tpu.memref_squeeze %dma_wait3A_430 : memref<1x1x2x80xi32, #tpu.memory_space<hbm>> -> memref<2x80xi32, #tpu.memory_space<hbm>>
      tpu.wait_dma2 semaphore(%arg19 : memref<!tpu.dma_semaphore, #tpu.memory_space<semaphore_mem>>) src(%dma_wait3A_431 : memref<2x80xi32, #tpu.memory_space<hbm>>) dst(%arg9 : memref<2x80xi32, #tpu.memory_space<vmem>>)
      %dma_start3A_432 = arith.constant 0 : i32
      %dma_start3A_433 = arith.constant 0 : i32
      %dma_start3A_434 = tpu.memref_slice %arg9[%dma_start3A_432, %dma_start3A_433] : memref<2x80xi32, #tpu.memory_space<vmem>> -> memref<1x80xi32, #tpu.memory_space<vmem>>
      %dma_start3A_435 = tpu.memref_squeeze %dma_start3A_434 : memref<1x80xi32, #tpu.memory_space<vmem>> -> memref<80xi32, #tpu.memory_space<vmem>>
      %dma_start3A_436 = arith.constant 0 : i32
      %dma_start3A_437 = arith.constant 0 : i32
      %dma_start3A_438 = tpu.memref_slice %arg2[%dma_start3A_436, %dma_start3A_437] : memref<10000x128xf32, #tpu.memory_space<hbm>> -> memref<10000x128xf32, #tpu.memory_space<hbm>>
      tpu.enqueue_indirect_dma source(%dma_start3A_438 : memref<10000x128xf32, #tpu.memory_space<hbm>>) target(%arg12 : memref<80x128xf32, #tpu.memory_space<vmem>>) offsets(%dma_start3A_435 : memref<80xi32, #tpu.memory_space<vmem>>) semaphore(%arg22 : memref<!tpu.dma_semaphore, #tpu.memory_space<semaphore_mem>>)
      %dma_wait3A_439 = arith.constant 1 : i32
      %dma_wait3A_440 = arith.constant 0 : i32
      %dma_wait3A_441 = tpu.memref_slice %arg7[%dma_wait3A_439, %dma_wait3A_440] : memref<2x80xi32, #tpu.memory_space<vmem>> -> memref<1x80xi32, #tpu.memory_space<vmem>>
      %dma_wait3A_442 = tpu.memref_squeeze %dma_wait3A_441 : memref<1x80xi32, #tpu.memory_space<vmem>> -> memref<80xi32, #tpu.memory_space<vmem>>
      %dma_wait3A_443 = arith.constant 0 : i32
      %dma_wait3A_444 = arith.constant 0 : i32
      %dma_wait3A_445 = tpu.memref_slice %arg14[%dma_wait3A_443, %dma_wait3A_444] : memref<10240x128xf32, #tpu.memory_space<vmem_shared>> -> memref<10240x128xf32, #tpu.memory_space<vmem_shared>>
      tpu.wait_indirect_dma semaphore(%arg26 : memref<!tpu.dma_semaphore, #tpu.memory_space<semaphore_mem>>) src(%arg13 : memref<80x128xf32, #tpu.memory_space<vmem>>) dst(%dma_wait3A_445 : memref<10240x128xf32, #tpu.memory_space<vmem_shared>>)
      %add3A_446 = arith.constant 2 : i32
      %add3A_447 = arith.addi %add3A_312, %add3A_446 : i32
      %mul3A_448 = arith.constant 3 : i32
      %mul3A_449 = arith.muli %add3A_447, %mul3A_448 : i32
      %add3A_450 = arith.constant 2 : i32
      %add3A_451 = arith.addi %mul3A_449, %add3A_450 : i32
      %dma_start3A_452 = arith.constant 0 : i32
      %dma_start3A_453 = arith.constant 0 : i32
      %dma_start3A_454 = tpu.memref_slice %arg3[%add3A, %add3A_451, %dma_start3A_452, %dma_start3A_453] : memref<32x126x2x80xi32, #tpu.memory_space<hbm>> -> memref<1x1x2x80xi32, #tpu.memory_space<hbm>>
      %dma_start3A_455 = tpu.memref_squeeze %dma_start3A_454 : memref<1x1x2x80xi32, #tpu.memory_space<hbm>> -> memref<2x80xi32, #tpu.memory_space<hbm>>
      %dma_start3A_456 = arith.constant 0 : i32
      %dma_start3A_457 = arith.constant 0 : i32
      %dma_start3A_458 = tpu.memref_slice %arg3[%add3A, %add3A_451, %dma_start3A_456, %dma_start3A_457] : memref<32x126x2x80xi32, #tpu.memory_space<hbm>> -> memref<1x1x2x80xi32, #tpu.memory_space<hbm>>
      %dma_start3A_459 = tpu.memref_squeeze %dma_start3A_458 : memref<1x1x2x80xi32, #tpu.memory_space<hbm>> -> memref<2x80xi32, #tpu.memory_space<hbm>>
      tpu.enqueue_dma source(%dma_start3A_459 : memref<2x80xi32, #tpu.memory_space<hbm>>) target(%arg7 : memref<2x80xi32, #tpu.memory_space<vmem>>) target_semaphore(%arg17 : memref<!tpu.dma_semaphore, #tpu.memory_space<semaphore_mem>>)
      %add3A_460 = arith.constant 1 : i32
      %add3A_461 = arith.addi %add3A_312, %add3A_460 : i32
      %mul3A_462 = arith.constant 3 : i32
      %mul3A_463 = arith.muli %add3A_461, %mul3A_462 : i32
      %add3A_464 = arith.constant 2 : i32
      %add3A_465 = arith.addi %mul3A_463, %add3A_464 : i32
      %dma_wait3A_466 = arith.constant 0 : i32
      %dma_wait3A_467 = arith.constant 0 : i32
      %dma_wait3A_468 = tpu.memref_slice %arg3[%add3A, %add3A_465, %dma_wait3A_466, %dma_wait3A_467] : memref<32x126x2x80xi32, #tpu.memory_space<hbm>> -> memref<1x1x2x80xi32, #tpu.memory_space<hbm>>
      %dma_wait3A_469 = tpu.memref_squeeze %dma_wait3A_468 : memref<1x1x2x80xi32, #tpu.memory_space<hbm>> -> memref<2x80xi32, #tpu.memory_space<hbm>>
      %dma_wait3A_470 = arith.constant 0 : i32
      %dma_wait3A_471 = arith.constant 0 : i32
      %dma_wait3A_472 = tpu.memref_slice %arg3[%add3A, %add3A_465, %dma_wait3A_470, %dma_wait3A_471] : memref<32x126x2x80xi32, #tpu.memory_space<hbm>> -> memref<1x1x2x80xi32, #tpu.memory_space<hbm>>
      %dma_wait3A_473 = tpu.memref_squeeze %dma_wait3A_472 : memref<1x1x2x80xi32, #tpu.memory_space<hbm>> -> memref<2x80xi32, #tpu.memory_space<hbm>>
      tpu.wait_dma2 semaphore(%arg20 : memref<!tpu.dma_semaphore, #tpu.memory_space<semaphore_mem>>) src(%dma_wait3A_473 : memref<2x80xi32, #tpu.memory_space<hbm>>) dst(%arg10 : memref<2x80xi32, #tpu.memory_space<vmem>>)
      %dma_start3A_474 = arith.constant 0 : i32
      %dma_start3A_475 = arith.constant 0 : i32
      %dma_start3A_476 = tpu.memref_slice %arg10[%dma_start3A_474, %dma_start3A_475] : memref<2x80xi32, #tpu.memory_space<vmem>> -> memref<1x80xi32, #tpu.memory_space<vmem>>
      %dma_start3A_477 = tpu.memref_squeeze %dma_start3A_476 : memref<1x80xi32, #tpu.memory_space<vmem>> -> memref<80xi32, #tpu.memory_space<vmem>>
      %dma_start3A_478 = arith.constant 0 : i32
      %dma_start3A_479 = arith.constant 0 : i32
      %dma_start3A_480 = tpu.memref_slice %arg2[%dma_start3A_478, %dma_start3A_479] : memref<10000x128xf32, #tpu.memory_space<hbm>> -> memref<10000x128xf32, #tpu.memory_space<hbm>>
      tpu.enqueue_indirect_dma source(%dma_start3A_480 : memref<10000x128xf32, #tpu.memory_space<hbm>>) target(%arg13 : memref<80x128xf32, #tpu.memory_space<vmem>>) offsets(%dma_start3A_477 : memref<80xi32, #tpu.memory_space<vmem>>) semaphore(%arg23 : memref<!tpu.dma_semaphore, #tpu.memory_space<semaphore_mem>>)
      %mul3A_481 = arith.constant 2 : i32
      %mul3A_482 = arith.muli %mul3A_481, %scan3A_308 : i32
      %add3A_483 = arith.constant 1 : i32
      %add3A_484 = arith.addi %mul3A_482, %add3A_483 : i32
      %dma_wait3A_485 = arith.constant 0 : i32
      %dma_wait3A_486 = arith.constant 0 : i32
      %dma_wait3A_487 = tpu.memref_slice %arg8[%dma_wait3A_485, %dma_wait3A_486] : memref<2x80xi32, #tpu.memory_space<vmem>> -> memref<1x80xi32, #tpu.memory_space<vmem>>
      %dma_wait3A_488 = tpu.memref_squeeze %dma_wait3A_487 : memref<1x80xi32, #tpu.memory_space<vmem>> -> memref<80xi32, #tpu.memory_space<vmem>>
      %dma_wait3A_489 = arith.constant 0 : i32
      %dma_wait3A_490 = arith.constant 0 : i32
      %dma_wait3A_491 = tpu.memref_slice %arg2[%dma_wait3A_489, %dma_wait3A_490] : memref<10000x128xf32, #tpu.memory_space<hbm>> -> memref<10000x128xf32, #tpu.memory_space<hbm>>
      tpu.wait_indirect_dma semaphore(%arg21 : memref<!tpu.dma_semaphore, #tpu.memory_space<semaphore_mem>>) src(%dma_wait3A_491 : memref<10000x128xf32, #tpu.memory_space<hbm>>) dst(%arg11 : memref<80x128xf32, #tpu.memory_space<vmem>>)
      %dma_start3A_492 = arith.constant 1 : i32
      %dma_start3A_493 = arith.constant 0 : i32
      %dma_start3A_494 = tpu.memref_slice %arg8[%dma_start3A_492, %dma_start3A_493] : memref<2x80xi32, #tpu.memory_space<vmem>> -> memref<1x80xi32, #tpu.memory_space<vmem>>
      %dma_start3A_495 = tpu.memref_squeeze %dma_start3A_494 : memref<1x80xi32, #tpu.memory_space<vmem>> -> memref<80xi32, #tpu.memory_space<vmem>>
      %dma_start3A_496 = arith.constant 0 : i32
      %dma_start3A_497 = arith.constant 0 : i32
      %dma_start3A_498 = tpu.memref_slice %arg14[%dma_start3A_496, %dma_start3A_497] : memref<10240x128xf32, #tpu.memory_space<vmem_shared>> -> memref<10240x128xf32, #tpu.memory_space<vmem_shared>>
      tpu.enqueue_indirect_dma source(%arg11 : memref<80x128xf32, #tpu.memory_space<vmem>>) target(%dma_start3A_498 : memref<10240x128xf32, #tpu.memory_space<vmem_shared>>) offsets(%dma_start3A_495 : memref<80xi32, #tpu.memory_space<vmem>>) semaphore(%arg24 : memref<!tpu.dma_semaphore, #tpu.memory_space<semaphore_mem>>) {add = true}
      %dma_wait3A_499 = arith.constant 0 : i32
      %dma_wait3A_500 = arith.constant 0 : i32
      %dma_wait3A_501 = tpu.memref_slice %arg9[%dma_wait3A_499, %dma_wait3A_500] : memref<2x80xi32, #tpu.memory_space<vmem>> -> memref<1x80xi32, #tpu.memory_space<vmem>>
      %dma_wait3A_502 = tpu.memref_squeeze %dma_wait3A_501 : memref<1x80xi32, #tpu.memory_space<vmem>> -> memref<80xi32, #tpu.memory_space<vmem>>
      %dma_wait3A_503 = arith.constant 0 : i32
      %dma_wait3A_504 = arith.constant 0 : i32
      %dma_wait3A_505 = tpu.memref_slice %arg2[%dma_wait3A_503, %dma_wait3A_504] : memref<10000x128xf32, #tpu.memory_space<hbm>> -> memref<10000x128xf32, #tpu.memory_space<hbm>>
      tpu.wait_indirect_dma semaphore(%arg22 : memref<!tpu.dma_semaphore, #tpu.memory_space<semaphore_mem>>) src(%dma_wait3A_505 : memref<10000x128xf32, #tpu.memory_space<hbm>>) dst(%arg12 : memref<80x128xf32, #tpu.memory_space<vmem>>)
      %dma_start3A_506 = arith.constant 1 : i32
      %dma_start3A_507 = arith.constant 0 : i32
      %dma_start3A_508 = tpu.memref_slice %arg9[%dma_start3A_506, %dma_start3A_507] : memref<2x80xi32, #tpu.memory_space<vmem>> -> memref<1x80xi32, #tpu.memory_space<vmem>>
      %dma_start3A_509 = tpu.memref_squeeze %dma_start3A_508 : memref<1x80xi32, #tpu.memory_space<vmem>> -> memref<80xi32, #tpu.memory_space<vmem>>
      %dma_start3A_510 = arith.constant 0 : i32
      %dma_start3A_511 = arith.constant 0 : i32
      %dma_start3A_512 = tpu.memref_slice %arg14[%dma_start3A_510, %dma_start3A_511] : memref<10240x128xf32, #tpu.memory_space<vmem_shared>> -> memref<10240x128xf32, #tpu.memory_space<vmem_shared>>
      tpu.enqueue_indirect_dma source(%arg12 : memref<80x128xf32, #tpu.memory_space<vmem>>) target(%dma_start3A_512 : memref<10240x128xf32, #tpu.memory_space<vmem_shared>>) offsets(%dma_start3A_509 : memref<80xi32, #tpu.memory_space<vmem>>) semaphore(%arg25 : memref<!tpu.dma_semaphore, #tpu.memory_space<semaphore_mem>>) {add = true}
      %dma_wait3A_513 = arith.constant 0 : i32
      %dma_wait3A_514 = arith.constant 0 : i32
      %dma_wait3A_515 = tpu.memref_slice %arg10[%dma_wait3A_513, %dma_wait3A_514] : memref<2x80xi32, #tpu.memory_space<vmem>> -> memref<1x80xi32, #tpu.memory_space<vmem>>
      %dma_wait3A_516 = tpu.memref_squeeze %dma_wait3A_515 : memref<1x80xi32, #tpu.memory_space<vmem>> -> memref<80xi32, #tpu.memory_space<vmem>>
      %dma_wait3A_517 = arith.constant 0 : i32
      %dma_wait3A_518 = arith.constant 0 : i32
      %dma_wait3A_519 = tpu.memref_slice %arg2[%dma_wait3A_517, %dma_wait3A_518] : memref<10000x128xf32, #tpu.memory_space<hbm>> -> memref<10000x128xf32, #tpu.memory_space<hbm>>
      tpu.wait_indirect_dma semaphore(%arg23 : memref<!tpu.dma_semaphore, #tpu.memory_space<semaphore_mem>>) src(%dma_wait3A_519 : memref<10000x128xf32, #tpu.memory_space<hbm>>) dst(%arg13 : memref<80x128xf32, #tpu.memory_space<vmem>>)
      %dma_start3A_520 = arith.constant 1 : i32
      %dma_start3A_521 = arith.constant 0 : i32
      %dma_start3A_522 = tpu.memref_slice %arg10[%dma_start3A_520, %dma_start3A_521] : memref<2x80xi32, #tpu.memory_space<vmem>> -> memref<1x80xi32, #tpu.memory_space<vmem>>
      %dma_start3A_523 = tpu.memref_squeeze %dma_start3A_522 : memref<1x80xi32, #tpu.memory_space<vmem>> -> memref<80xi32, #tpu.memory_space<vmem>>
      %dma_start3A_524 = arith.constant 0 : i32
      %dma_start3A_525 = arith.constant 0 : i32
      %dma_start3A_526 = tpu.memref_slice %arg14[%dma_start3A_524, %dma_start3A_525] : memref<10240x128xf32, #tpu.memory_space<vmem_shared>> -> memref<10240x128xf32, #tpu.memory_space<vmem_shared>>
      tpu.enqueue_indirect_dma source(%arg13 : memref<80x128xf32, #tpu.memory_space<vmem>>) target(%dma_start3A_526 : memref<10240x128xf32, #tpu.memory_space<vmem_shared>>) offsets(%dma_start3A_523 : memref<80xi32, #tpu.memory_space<vmem>>) semaphore(%arg26 : memref<!tpu.dma_semaphore, #tpu.memory_space<semaphore_mem>>) {add = true}
      %dma_wait3A_527 = arith.constant 1 : i32
      %dma_wait3A_528 = arith.constant 0 : i32
      %dma_wait3A_529 = tpu.memref_slice %arg8[%dma_wait3A_527, %dma_wait3A_528] : memref<2x80xi32, #tpu.memory_space<vmem>> -> memref<1x80xi32, #tpu.memory_space<vmem>>
      %dma_wait3A_530 = tpu.memref_squeeze %dma_wait3A_529 : memref<1x80xi32, #tpu.memory_space<vmem>> -> memref<80xi32, #tpu.memory_space<vmem>>
      %dma_wait3A_531 = arith.constant 0 : i32
      %dma_wait3A_532 = arith.constant 0 : i32
      %dma_wait3A_533 = tpu.memref_slice %arg14[%dma_wait3A_531, %dma_wait3A_532] : memref<10240x128xf32, #tpu.memory_space<vmem_shared>> -> memref<10240x128xf32, #tpu.memory_space<vmem_shared>>
      tpu.wait_indirect_dma semaphore(%arg24 : memref<!tpu.dma_semaphore, #tpu.memory_space<semaphore_mem>>) src(%arg11 : memref<80x128xf32, #tpu.memory_space<vmem>>) dst(%dma_wait3A_533 : memref<10240x128xf32, #tpu.memory_space<vmem_shared>>)
      %add3A_534 = arith.constant 2 : i32
      %add3A_535 = arith.addi %add3A_484, %add3A_534 : i32
      %mul3A_536 = arith.constant 3 : i32
      %mul3A_537 = arith.muli %add3A_535, %mul3A_536 : i32
      %add3A_538 = arith.constant 0 : i32
      %add3A_539 = arith.addi %mul3A_537, %add3A_538 : i32
      %dma_start3A_540 = arith.constant 0 : i32
      %dma_start3A_541 = arith.constant 0 : i32
      %dma_start3A_542 = tpu.memref_slice %arg3[%add3A, %add3A_539, %dma_start3A_540, %dma_start3A_541] : memref<32x126x2x80xi32, #tpu.memory_space<hbm>> -> memref<1x1x2x80xi32, #tpu.memory_space<hbm>>
      %dma_start3A_543 = tpu.memref_squeeze %dma_start3A_542 : memref<1x1x2x80xi32, #tpu.memory_space<hbm>> -> memref<2x80xi32, #tpu.memory_space<hbm>>
      %dma_start3A_544 = arith.constant 0 : i32
      %dma_start3A_545 = arith.constant 0 : i32
      %dma_start3A_546 = tpu.memref_slice %arg3[%add3A, %add3A_539, %dma_start3A_544, %dma_start3A_545] : memref<32x126x2x80xi32, #tpu.memory_space<hbm>> -> memref<1x1x2x80xi32, #tpu.memory_space<hbm>>
      %dma_start3A_547 = tpu.memref_squeeze %dma_start3A_546 : memref<1x1x2x80xi32, #tpu.memory_space<hbm>> -> memref<2x80xi32, #tpu.memory_space<hbm>>
      tpu.enqueue_dma source(%dma_start3A_547 : memref<2x80xi32, #tpu.memory_space<hbm>>) target(%arg8 : memref<2x80xi32, #tpu.memory_space<vmem>>) target_semaphore(%arg18 : memref<!tpu.dma_semaphore, #tpu.memory_space<semaphore_mem>>)
      %add3A_548 = arith.constant 1 : i32
      %add3A_549 = arith.addi %add3A_484, %add3A_548 : i32
      %mul3A_550 = arith.constant 3 : i32
      %mul3A_551 = arith.muli %add3A_549, %mul3A_550 : i32
      %add3A_552 = arith.constant 0 : i32
      %add3A_553 = arith.addi %mul3A_551, %add3A_552 : i32
      %dma_wait3A_554 = arith.constant 0 : i32
      %dma_wait3A_555 = arith.constant 0 : i32
      %dma_wait3A_556 = tpu.memref_slice %arg3[%add3A, %add3A_553, %dma_wait3A_554, %dma_wait3A_555] : memref<32x126x2x80xi32, #tpu.memory_space<hbm>> -> memref<1x1x2x80xi32, #tpu.memory_space<hbm>>
      %dma_wait3A_557 = tpu.memref_squeeze %dma_wait3A_556 : memref<1x1x2x80xi32, #tpu.memory_space<hbm>> -> memref<2x80xi32, #tpu.memory_space<hbm>>
      %dma_wait3A_558 = arith.constant 0 : i32
      %dma_wait3A_559 = arith.constant 0 : i32
      %dma_wait3A_560 = tpu.memref_slice %arg3[%add3A, %add3A_553, %dma_wait3A_558, %dma_wait3A_559] : memref<32x126x2x80xi32, #tpu.memory_space<hbm>> -> memref<1x1x2x80xi32, #tpu.memory_space<hbm>>
      %dma_wait3A_561 = tpu.memref_squeeze %dma_wait3A_560 : memref<1x1x2x80xi32, #tpu.memory_space<hbm>> -> memref<2x80xi32, #tpu.memory_space<hbm>>
      tpu.wait_dma2 semaphore(%arg15 : memref<!tpu.dma_semaphore, #tpu.memory_space<semaphore_mem>>) src(%dma_wait3A_561 : memref<2x80xi32, #tpu.memory_space<hbm>>) dst(%arg5 : memref<2x80xi32, #tpu.memory_space<vmem>>)
      %dma_start3A_562 = arith.constant 0 : i32
      %dma_start3A_563 = arith.constant 0 : i32
      %dma_start3A_564 = tpu.memref_slice %arg5[%dma_start3A_562, %dma_start3A_563] : memref<2x80xi32, #tpu.memory_space<vmem>> -> memref<1x80xi32, #tpu.memory_space<vmem>>
      %dma_start3A_565 = tpu.memref_squeeze %dma_start3A_564 : memref<1x80xi32, #tpu.memory_space<vmem>> -> memref<80xi32, #tpu.memory_space<vmem>>
      %dma_start3A_566 = arith.constant 0 : i32
      %dma_start3A_567 = arith.constant 0 : i32
      %dma_start3A_568 = tpu.memref_slice %arg2[%dma_start3A_566, %dma_start3A_567] : memref<10000x128xf32, #tpu.memory_space<hbm>> -> memref<10000x128xf32, #tpu.memory_space<hbm>>
      tpu.enqueue_indirect_dma source(%dma_start3A_568 : memref<10000x128xf32, #tpu.memory_space<hbm>>) target(%arg11 : memref<80x128xf32, #tpu.memory_space<vmem>>) offsets(%dma_start3A_565 : memref<80xi32, #tpu.memory_space<vmem>>) semaphore(%arg21 : memref<!tpu.dma_semaphore, #tpu.memory_space<semaphore_mem>>)
      %dma_wait3A_569 = arith.constant 1 : i32
      %dma_wait3A_570 = arith.constant 0 : i32
      %dma_wait3A_571 = tpu.memref_slice %arg9[%dma_wait3A_569, %dma_wait3A_570] : memref<2x80xi32, #tpu.memory_space<vmem>> -> memref<1x80xi32, #tpu.memory_space<vmem>>
      %dma_wait3A_572 = tpu.memref_squeeze %dma_wait3A_571 : memref<1x80xi32, #tpu.memory_space<vmem>> -> memref<80xi32, #tpu.memory_space<vmem>>
      %dma_wait3A_573 = arith.constant 0 : i32
      %dma_wait3A_574 = arith.constant 0 : i32
      %dma_wait3A_575 = tpu.memref_slice %arg14[%dma_wait3A_573, %dma_wait3A_574] : memref<10240x128xf32, #tpu.memory_space<vmem_shared>> -> memref<10240x128xf32, #tpu.memory_space<vmem_shared>>
      tpu.wait_indirect_dma semaphore(%arg25 : memref<!tpu.dma_semaphore, #tpu.memory_space<semaphore_mem>>) src(%arg12 : memref<80x128xf32, #tpu.memory_space<vmem>>) dst(%dma_wait3A_575 : memref<10240x128xf32, #tpu.memory_space<vmem_shared>>)
      %add3A_576 = arith.constant 2 : i32
      %add3A_577 = arith.addi %add3A_484, %add3A_576 : i32
      %mul3A_578 = arith.constant 3 : i32
      %mul3A_579 = arith.muli %add3A_577, %mul3A_578 : i32
      %add3A_580 = arith.constant 1 : i32
      %add3A_581 = arith.addi %mul3A_579, %add3A_580 : i32
      %dma_start3A_582 = arith.constant 0 : i32
      %dma_start3A_583 = arith.constant 0 : i32
      %dma_start3A_584 = tpu.memref_slice %arg3[%add3A, %add3A_581, %dma_start3A_582, %dma_start3A_583] : memref<32x126x2x80xi32, #tpu.memory_space<hbm>> -> memref<1x1x2x80xi32, #tpu.memory_space<hbm>>
      %dma_start3A_585 = tpu.memref_squeeze %dma_start3A_584 : memref<1x1x2x80xi32, #tpu.memory_space<hbm>> -> memref<2x80xi32, #tpu.memory_space<hbm>>
      %dma_start3A_586 = arith.constant 0 : i32
      %dma_start3A_587 = arith.constant 0 : i32
      %dma_start3A_588 = tpu.memref_slice %arg3[%add3A, %add3A_581, %dma_start3A_586, %dma_start3A_587] : memref<32x126x2x80xi32, #tpu.memory_space<hbm>> -> memref<1x1x2x80xi32, #tpu.memory_space<hbm>>
      %dma_start3A_589 = tpu.memref_squeeze %dma_start3A_588 : memref<1x1x2x80xi32, #tpu.memory_space<hbm>> -> memref<2x80xi32, #tpu.memory_space<hbm>>
      tpu.enqueue_dma source(%dma_start3A_589 : memref<2x80xi32, #tpu.memory_space<hbm>>) target(%arg9 : memref<2x80xi32, #tpu.memory_space<vmem>>) target_semaphore(%arg19 : memref<!tpu.dma_semaphore, #tpu.memory_space<semaphore_mem>>)
      %add3A_590 = arith.constant 1 : i32
      %add3A_591 = arith.addi %add3A_484, %add3A_590 : i32
      %mul3A_592 = arith.constant 3 : i32
      %mul3A_593 = arith.muli %add3A_591, %mul3A_592 : i32
      %add3A_594 = arith.constant 1 : i32
      %add3A_595 = arith.addi %mul3A_593, %add3A_594 : i32
      %dma_wait3A_596 = arith.constant 0 : i32
      %dma_wait3A_597 = arith.constant 0 : i32
      %dma_wait3A_598 = tpu.memref_slice %arg3[%add3A, %add3A_595, %dma_wait3A_596, %dma_wait3A_597] : memref<32x126x2x80xi32, #tpu.memory_space<hbm>> -> memref<1x1x2x80xi32, #tpu.memory_space<hbm>>
      %dma_wait3A_599 = tpu.memref_squeeze %dma_wait3A_598 : memref<1x1x2x80xi32, #tpu.memory_space<hbm>> -> memref<2x80xi32, #tpu.memory_space<hbm>>
      %dma_wait3A_600 = arith.constant 0 : i32
      %dma_wait3A_601 = arith.constant 0 : i32
      %dma_wait3A_602 = tpu.memref_slice %arg3[%add3A, %add3A_595, %dma_wait3A_600, %dma_wait3A_601] : memref<32x126x2x80xi32, #tpu.memory_space<hbm>> -> memref<1x1x2x80xi32, #tpu.memory_space<hbm>>
      %dma_wait3A_603 = tpu.memref_squeeze %dma_wait3A_602 : memref<1x1x2x80xi32, #tpu.memory_space<hbm>> -> memref<2x80xi32, #tpu.memory_space<hbm>>
      tpu.wait_dma2 semaphore(%arg16 : memref<!tpu.dma_semaphore, #tpu.memory_space<semaphore_mem>>) src(%dma_wait3A_603 : memref<2x80xi32, #tpu.memory_space<hbm>>) dst(%arg6 : memref<2x80xi32, #tpu.memory_space<vmem>>)
      %dma_start3A_604 = arith.constant 0 : i32
      %dma_start3A_605 = arith.constant 0 : i32
      %dma_start3A_606 = tpu.memref_slice %arg6[%dma_start3A_604, %dma_start3A_605] : memref<2x80xi32, #tpu.memory_space<vmem>> -> memref<1x80xi32, #tpu.memory_space<vmem>>
      %dma_start3A_607 = tpu.memref_squeeze %dma_start3A_606 : memref<1x80xi32, #tpu.memory_space<vmem>> -> memref<80xi32, #tpu.memory_space<vmem>>
      %dma_start3A_608 = arith.constant 0 : i32
      %dma_start3A_609 = arith.constant 0 : i32
      %dma_start3A_610 = tpu.memref_slice %arg2[%dma_start3A_608, %dma_start3A_609] : memref<10000x128xf32, #tpu.memory_space<hbm>> -> memref<10000x128xf32, #tpu.memory_space<hbm>>
      tpu.enqueue_indirect_dma source(%dma_start3A_610 : memref<10000x128xf32, #tpu.memory_space<hbm>>) target(%arg12 : memref<80x128xf32, #tpu.memory_space<vmem>>) offsets(%dma_start3A_607 : memref<80xi32, #tpu.memory_space<vmem>>) semaphore(%arg22 : memref<!tpu.dma_semaphore, #tpu.memory_space<semaphore_mem>>)
      %dma_wait3A_611 = arith.constant 1 : i32
      %dma_wait3A_612 = arith.constant 0 : i32
      %dma_wait3A_613 = tpu.memref_slice %arg10[%dma_wait3A_611, %dma_wait3A_612] : memref<2x80xi32, #tpu.memory_space<vmem>> -> memref<1x80xi32, #tpu.memory_space<vmem>>
      %dma_wait3A_614 = tpu.memref_squeeze %dma_wait3A_613 : memref<1x80xi32, #tpu.memory_space<vmem>> -> memref<80xi32, #tpu.memory_space<vmem>>
      %dma_wait3A_615 = arith.constant 0 : i32
      %dma_wait3A_616 = arith.constant 0 : i32
      %dma_wait3A_617 = tpu.memref_slice %arg14[%dma_wait3A_615, %dma_wait3A_616] : memref<10240x128xf32, #tpu.memory_space<vmem_shared>> -> memref<10240x128xf32, #tpu.memory_space<vmem_shared>>
      tpu.wait_indirect_dma semaphore(%arg26 : memref<!tpu.dma_semaphore, #tpu.memory_space<semaphore_mem>>) src(%arg13 : memref<80x128xf32, #tpu.memory_space<vmem>>) dst(%dma_wait3A_617 : memref<10240x128xf32, #tpu.memory_space<vmem_shared>>)
      %add3A_618 = arith.constant 2 : i32
      %add3A_619 = arith.addi %add3A_484, %add3A_618 : i32
      %mul3A_620 = arith.constant 3 : i32
      %mul3A_621 = arith.muli %add3A_619, %mul3A_620 : i32
      %add3A_622 = arith.constant 2 : i32
      %add3A_623 = arith.addi %mul3A_621, %add3A_622 : i32
      %dma_start3A_624 = arith.constant 0 : i32
      %dma_start3A_625 = arith.constant 0 : i32
      %dma_start3A_626 = tpu.memref_slice %arg3[%add3A, %add3A_623, %dma_start3A_624, %dma_start3A_625] : memref<32x126x2x80xi32, #tpu.memory_space<hbm>> -> memref<1x1x2x80xi32, #tpu.memory_space<hbm>>
      %dma_start3A_627 = tpu.memref_squeeze %dma_start3A_626 : memref<1x1x2x80xi32, #tpu.memory_space<hbm>> -> memref<2x80xi32, #tpu.memory_space<hbm>>
      %dma_start3A_628 = arith.constant 0 : i32
      %dma_start3A_629 = arith.constant 0 : i32
      %dma_start3A_630 = tpu.memref_slice %arg3[%add3A, %add3A_623, %dma_start3A_628, %dma_start3A_629] : memref<32x126x2x80xi32, #tpu.memory_space<hbm>> -> memref<1x1x2x80xi32, #tpu.memory_space<hbm>>
      %dma_start3A_631 = tpu.memref_squeeze %dma_start3A_630 : memref<1x1x2x80xi32, #tpu.memory_space<hbm>> -> memref<2x80xi32, #tpu.memory_space<hbm>>
      tpu.enqueue_dma source(%dma_start3A_631 : memref<2x80xi32, #tpu.memory_space<hbm>>) target(%arg10 : memref<2x80xi32, #tpu.memory_space<vmem>>) target_semaphore(%arg20 : memref<!tpu.dma_semaphore, #tpu.memory_space<semaphore_mem>>)
      %add3A_632 = arith.constant 1 : i32
      %add3A_633 = arith.addi %add3A_484, %add3A_632 : i32
      %mul3A_634 = arith.constant 3 : i32
      %mul3A_635 = arith.muli %add3A_633, %mul3A_634 : i32
      %add3A_636 = arith.constant 2 : i32
      %add3A_637 = arith.addi %mul3A_635, %add3A_636 : i32
      %dma_wait3A_638 = arith.constant 0 : i32
      %dma_wait3A_639 = arith.constant 0 : i32
      %dma_wait3A_640 = tpu.memref_slice %arg3[%add3A, %add3A_637, %dma_wait3A_638, %dma_wait3A_639] : memref<32x126x2x80xi32, #tpu.memory_space<hbm>> -> memref<1x1x2x80xi32, #tpu.memory_space<hbm>>
      %dma_wait3A_641 = tpu.memref_squeeze %dma_wait3A_640 : memref<1x1x2x80xi32, #tpu.memory_space<hbm>> -> memref<2x80xi32, #tpu.memory_space<hbm>>
      %dma_wait3A_642 = arith.constant 0 : i32
      %dma_wait3A_643 = arith.constant 0 : i32
      %dma_wait3A_644 = tpu.memref_slice %arg3[%add3A, %add3A_637, %dma_wait3A_642, %dma_wait3A_643] : memref<32x126x2x80xi32, #tpu.memory_space<hbm>> -> memref<1x1x2x80xi32, #tpu.memory_space<hbm>>
      %dma_wait3A_645 = tpu.memref_squeeze %dma_wait3A_644 : memref<1x1x2x80xi32, #tpu.memory_space<hbm>> -> memref<2x80xi32, #tpu.memory_space<hbm>>
      tpu.wait_dma2 semaphore(%arg17 : memref<!tpu.dma_semaphore, #tpu.memory_space<semaphore_mem>>) src(%dma_wait3A_645 : memref<2x80xi32, #tpu.memory_space<hbm>>) dst(%arg7 : memref<2x80xi32, #tpu.memory_space<vmem>>)
      %dma_start3A_646 = arith.constant 0 : i32
      %dma_start3A_647 = arith.constant 0 : i32
      %dma_start3A_648 = tpu.memref_slice %arg7[%dma_start3A_646, %dma_start3A_647] : memref<2x80xi32, #tpu.memory_space<vmem>> -> memref<1x80xi32, #tpu.memory_space<vmem>>
      %dma_start3A_649 = tpu.memref_squeeze %dma_start3A_648 : memref<1x80xi32, #tpu.memory_space<vmem>> -> memref<80xi32, #tpu.memory_space<vmem>>
      %dma_start3A_650 = arith.constant 0 : i32
      %dma_start3A_651 = arith.constant 0 : i32
      %dma_start3A_652 = tpu.memref_slice %arg2[%dma_start3A_650, %dma_start3A_651] : memref<10000x128xf32, #tpu.memory_space<hbm>> -> memref<10000x128xf32, #tpu.memory_space<hbm>>
      tpu.enqueue_indirect_dma source(%dma_start3A_652 : memref<10000x128xf32, #tpu.memory_space<hbm>>) target(%arg13 : memref<80x128xf32, #tpu.memory_space<vmem>>) offsets(%dma_start3A_649 : memref<80xi32, #tpu.memory_space<vmem>>) semaphore(%arg23 : memref<!tpu.dma_semaphore, #tpu.memory_space<semaphore_mem>>)
    }
    %scan3A_130 = arith.constant 20 : i32
    %dma_wait3A_131 = arith.constant 0 : i32
    %dma_wait3A_132 = arith.constant 0 : i32
    %dma_wait3A_133 = tpu.memref_slice %arg5[%dma_wait3A_131, %dma_wait3A_132] : memref<2x80xi32, #tpu.memory_space<vmem>> -> memref<1x80xi32, #tpu.memory_space<vmem>>
    %dma_wait3A_134 = tpu.memref_squeeze %dma_wait3A_133 : memref<1x80xi32, #tpu.memory_space<vmem>> -> memref<80xi32, #tpu.memory_space<vmem>>
    %dma_wait3A_135 = arith.constant 0 : i32
    %dma_wait3A_136 = arith.constant 0 : i32
    %dma_wait3A_137 = tpu.memref_slice %arg2[%dma_wait3A_135, %dma_wait3A_136] : memref<10000x128xf32, #tpu.memory_space<hbm>> -> memref<10000x128xf32, #tpu.memory_space<hbm>>
    tpu.wait_indirect_dma semaphore(%arg21 : memref<!tpu.dma_semaphore, #tpu.memory_space<semaphore_mem>>) src(%dma_wait3A_137 : memref<10000x128xf32, #tpu.memory_space<hbm>>) dst(%arg11 : memref<80x128xf32, #tpu.memory_space<vmem>>)
    %dma_start3A_138 = arith.constant 1 : i32
    %dma_start3A_139 = arith.constant 0 : i32
    %dma_start3A_140 = tpu.memref_slice %arg5[%dma_start3A_138, %dma_start3A_139] : memref<2x80xi32, #tpu.memory_space<vmem>> -> memref<1x80xi32, #tpu.memory_space<vmem>>
    %dma_start3A_141 = tpu.memref_squeeze %dma_start3A_140 : memref<1x80xi32, #tpu.memory_space<vmem>> -> memref<80xi32, #tpu.memory_space<vmem>>
    %dma_start3A_142 = arith.constant 0 : i32
    %dma_start3A_143 = arith.constant 0 : i32
    %dma_start3A_144 = tpu.memref_slice %arg14[%dma_start3A_142, %dma_start3A_143] : memref<10240x128xf32, #tpu.memory_space<vmem_shared>> -> memref<10240x128xf32, #tpu.memory_space<vmem_shared>>
    tpu.enqueue_indirect_dma source(%arg11 : memref<80x128xf32, #tpu.memory_space<vmem>>) target(%dma_start3A_144 : memref<10240x128xf32, #tpu.memory_space<vmem_shared>>) offsets(%dma_start3A_141 : memref<80xi32, #tpu.memory_space<vmem>>) semaphore(%arg24 : memref<!tpu.dma_semaphore, #tpu.memory_space<semaphore_mem>>) {add = true}
    %dma_wait3A_145 = arith.constant 0 : i32
    %dma_wait3A_146 = arith.constant 0 : i32
    %dma_wait3A_147 = tpu.memref_slice %arg6[%dma_wait3A_145, %dma_wait3A_146] : memref<2x80xi32, #tpu.memory_space<vmem>> -> memref<1x80xi32, #tpu.memory_space<vmem>>
    %dma_wait3A_148 = tpu.memref_squeeze %dma_wait3A_147 : memref<1x80xi32, #tpu.memory_space<vmem>> -> memref<80xi32, #tpu.memory_space<vmem>>
    %dma_wait3A_149 = arith.constant 0 : i32
    %dma_wait3A_150 = arith.constant 0 : i32
    %dma_wait3A_151 = tpu.memref_slice %arg2[%dma_wait3A_149, %dma_wait3A_150] : memref<10000x128xf32, #tpu.memory_space<hbm>> -> memref<10000x128xf32, #tpu.memory_space<hbm>>
    tpu.wait_indirect_dma semaphore(%arg22 : memref<!tpu.dma_semaphore, #tpu.memory_space<semaphore_mem>>) src(%dma_wait3A_151 : memref<10000x128xf32, #tpu.memory_space<hbm>>) dst(%arg12 : memref<80x128xf32, #tpu.memory_space<vmem>>)
    %dma_start3A_152 = arith.constant 1 : i32
    %dma_start3A_153 = arith.constant 0 : i32
    %dma_start3A_154 = tpu.memref_slice %arg6[%dma_start3A_152, %dma_start3A_153] : memref<2x80xi32, #tpu.memory_space<vmem>> -> memref<1x80xi32, #tpu.memory_space<vmem>>
    %dma_start3A_155 = tpu.memref_squeeze %dma_start3A_154 : memref<1x80xi32, #tpu.memory_space<vmem>> -> memref<80xi32, #tpu.memory_space<vmem>>
    %dma_start3A_156 = arith.constant 0 : i32
    %dma_start3A_157 = arith.constant 0 : i32
    %dma_start3A_158 = tpu.memref_slice %arg14[%dma_start3A_156, %dma_start3A_157] : memref<10240x128xf32, #tpu.memory_space<vmem_shared>> -> memref<10240x128xf32, #tpu.memory_space<vmem_shared>>
    tpu.enqueue_indirect_dma source(%arg12 : memref<80x128xf32, #tpu.memory_space<vmem>>) target(%dma_start3A_158 : memref<10240x128xf32, #tpu.memory_space<vmem_shared>>) offsets(%dma_start3A_155 : memref<80xi32, #tpu.memory_space<vmem>>) semaphore(%arg25 : memref<!tpu.dma_semaphore, #tpu.memory_space<semaphore_mem>>) {add = true}
    %dma_wait3A_159 = arith.constant 0 : i32
    %dma_wait3A_160 = arith.constant 0 : i32
    %dma_wait3A_161 = tpu.memref_slice %arg7[%dma_wait3A_159, %dma_wait3A_160] : memref<2x80xi32, #tpu.memory_space<vmem>> -> memref<1x80xi32, #tpu.memory_space<vmem>>
    %dma_wait3A_162 = tpu.memref_squeeze %dma_wait3A_161 : memref<1x80xi32, #tpu.memory_space<vmem>> -> memref<80xi32, #tpu.memory_space<vmem>>
    %dma_wait3A_163 = arith.constant 0 : i32
    %dma_wait3A_164 = arith.constant 0 : i32
    %dma_wait3A_165 = tpu.memref_slice %arg2[%dma_wait3A_163, %dma_wait3A_164] : memref<10000x128xf32, #tpu.memory_space<hbm>> -> memref<10000x128xf32, #tpu.memory_space<hbm>>
    tpu.wait_indirect_dma semaphore(%arg23 : memref<!tpu.dma_semaphore, #tpu.memory_space<semaphore_mem>>) src(%dma_wait3A_165 : memref<10000x128xf32, #tpu.memory_space<hbm>>) dst(%arg13 : memref<80x128xf32, #tpu.memory_space<vmem>>)
    %dma_start3A_166 = arith.constant 1 : i32
    %dma_start3A_167 = arith.constant 0 : i32
    %dma_start3A_168 = tpu.memref_slice %arg7[%dma_start3A_166, %dma_start3A_167] : memref<2x80xi32, #tpu.memory_space<vmem>> -> memref<1x80xi32, #tpu.memory_space<vmem>>
    %dma_start3A_169 = tpu.memref_squeeze %dma_start3A_168 : memref<1x80xi32, #tpu.memory_space<vmem>> -> memref<80xi32, #tpu.memory_space<vmem>>
    %dma_start3A_170 = arith.constant 0 : i32
    %dma_start3A_171 = arith.constant 0 : i32
    %dma_start3A_172 = tpu.memref_slice %arg14[%dma_start3A_170, %dma_start3A_171] : memref<10240x128xf32, #tpu.memory_space<vmem_shared>> -> memref<10240x128xf32, #tpu.memory_space<vmem_shared>>
    tpu.enqueue_indirect_dma source(%arg13 : memref<80x128xf32, #tpu.memory_space<vmem>>) target(%dma_start3A_172 : memref<10240x128xf32, #tpu.memory_space<vmem_shared>>) offsets(%dma_start3A_169 : memref<80xi32, #tpu.memory_space<vmem>>) semaphore(%arg26 : memref<!tpu.dma_semaphore, #tpu.memory_space<semaphore_mem>>) {add = true}
    %dma_wait3A_173 = arith.constant 1 : i32
    %dma_wait3A_174 = arith.constant 0 : i32
    %dma_wait3A_175 = tpu.memref_slice %arg5[%dma_wait3A_173, %dma_wait3A_174] : memref<2x80xi32, #tpu.memory_space<vmem>> -> memref<1x80xi32, #tpu.memory_space<vmem>>
    %dma_wait3A_176 = tpu.memref_squeeze %dma_wait3A_175 : memref<1x80xi32, #tpu.memory_space<vmem>> -> memref<80xi32, #tpu.memory_space<vmem>>
    %dma_wait3A_177 = arith.constant 0 : i32
    %dma_wait3A_178 = arith.constant 0 : i32
    %dma_wait3A_179 = tpu.memref_slice %arg14[%dma_wait3A_177, %dma_wait3A_178] : memref<10240x128xf32, #tpu.memory_space<vmem_shared>> -> memref<10240x128xf32, #tpu.memory_space<vmem_shared>>
    tpu.wait_indirect_dma semaphore(%arg24 : memref<!tpu.dma_semaphore, #tpu.memory_space<semaphore_mem>>) src(%arg11 : memref<80x128xf32, #tpu.memory_space<vmem>>) dst(%dma_wait3A_179 : memref<10240x128xf32, #tpu.memory_space<vmem_shared>>)
    %dma_wait3A_180 = arith.constant 123 : i32
    %dma_wait3A_181 = arith.constant 0 : i32
    %dma_wait3A_182 = arith.constant 0 : i32
    %dma_wait3A_183 = tpu.memref_slice %arg3[%add3A, %dma_wait3A_180, %dma_wait3A_181, %dma_wait3A_182] : memref<32x126x2x80xi32, #tpu.memory_space<hbm>> -> memref<1x1x2x80xi32, #tpu.memory_space<hbm>>
    %dma_wait3A_184 = tpu.memref_squeeze %dma_wait3A_183 : memref<1x1x2x80xi32, #tpu.memory_space<hbm>> -> memref<2x80xi32, #tpu.memory_space<hbm>>
    %dma_wait3A_185 = arith.constant 0 : i32
    %dma_wait3A_186 = arith.constant 0 : i32
    %dma_wait3A_187 = tpu.memref_slice %arg3[%add3A, %dma_wait3A_180, %dma_wait3A_185, %dma_wait3A_186] : memref<32x126x2x80xi32, #tpu.memory_space<hbm>> -> memref<1x1x2x80xi32, #tpu.memory_space<hbm>>
    %dma_wait3A_188 = tpu.memref_squeeze %dma_wait3A_187 : memref<1x1x2x80xi32, #tpu.memory_space<hbm>> -> memref<2x80xi32, #tpu.memory_space<hbm>>
    tpu.wait_dma2 semaphore(%arg18 : memref<!tpu.dma_semaphore, #tpu.memory_space<semaphore_mem>>) src(%dma_wait3A_188 : memref<2x80xi32, #tpu.memory_space<hbm>>) dst(%arg8 : memref<2x80xi32, #tpu.memory_space<vmem>>)
    %dma_start3A_189 = arith.constant 0 : i32
    %dma_start3A_190 = arith.constant 0 : i32
    %dma_start3A_191 = tpu.memref_slice %arg8[%dma_start3A_189, %dma_start3A_190] : memref<2x80xi32, #tpu.memory_space<vmem>> -> memref<1x80xi32, #tpu.memory_space<vmem>>
    %dma_start3A_192 = tpu.memref_squeeze %dma_start3A_191 : memref<1x80xi32, #tpu.memory_space<vmem>> -> memref<80xi32, #tpu.memory_space<vmem>>
    %dma_start3A_193 = arith.constant 0 : i32
    %dma_start3A_194 = arith.constant 0 : i32
    %dma_start3A_195 = tpu.memref_slice %arg2[%dma_start3A_193, %dma_start3A_194] : memref<10000x128xf32, #tpu.memory_space<hbm>> -> memref<10000x128xf32, #tpu.memory_space<hbm>>
    tpu.enqueue_indirect_dma source(%dma_start3A_195 : memref<10000x128xf32, #tpu.memory_space<hbm>>) target(%arg11 : memref<80x128xf32, #tpu.memory_space<vmem>>) offsets(%dma_start3A_192 : memref<80xi32, #tpu.memory_space<vmem>>) semaphore(%arg21 : memref<!tpu.dma_semaphore, #tpu.memory_space<semaphore_mem>>)
    %dma_wait3A_196 = arith.constant 1 : i32
    %dma_wait3A_197 = arith.constant 0 : i32
    %dma_wait3A_198 = tpu.memref_slice %arg6[%dma_wait3A_196, %dma_wait3A_197] : memref<2x80xi32, #tpu.memory_space<vmem>> -> memref<1x80xi32, #tpu.memory_space<vmem>>
    %dma_wait3A_199 = tpu.memref_squeeze %dma_wait3A_198 : memref<1x80xi32, #tpu.memory_space<vmem>> -> memref<80xi32, #tpu.memory_space<vmem>>
    %dma_wait3A_200 = arith.constant 0 : i32
    %dma_wait3A_201 = arith.constant 0 : i32
    %dma_wait3A_202 = tpu.memref_slice %arg14[%dma_wait3A_200, %dma_wait3A_201] : memref<10240x128xf32, #tpu.memory_space<vmem_shared>> -> memref<10240x128xf32, #tpu.memory_space<vmem_shared>>
    tpu.wait_indirect_dma semaphore(%arg25 : memref<!tpu.dma_semaphore, #tpu.memory_space<semaphore_mem>>) src(%arg12 : memref<80x128xf32, #tpu.memory_space<vmem>>) dst(%dma_wait3A_202 : memref<10240x128xf32, #tpu.memory_space<vmem_shared>>)
    %dma_wait3A_203 = arith.constant 124 : i32
    %dma_wait3A_204 = arith.constant 0 : i32
    %dma_wait3A_205 = arith.constant 0 : i32
    %dma_wait3A_206 = tpu.memref_slice %arg3[%add3A, %dma_wait3A_203, %dma_wait3A_204, %dma_wait3A_205] : memref<32x126x2x80xi32, #tpu.memory_space<hbm>> -> memref<1x1x2x80xi32, #tpu.memory_space<hbm>>
    %dma_wait3A_207 = tpu.memref_squeeze %dma_wait3A_206 : memref<1x1x2x80xi32, #tpu.memory_space<hbm>> -> memref<2x80xi32, #tpu.memory_space<hbm>>
    %dma_wait3A_208 = arith.constant 0 : i32
    %dma_wait3A_209 = arith.constant 0 : i32
    %dma_wait3A_210 = tpu.memref_slice %arg3[%add3A, %dma_wait3A_203, %dma_wait3A_208, %dma_wait3A_209] : memref<32x126x2x80xi32, #tpu.memory_space<hbm>> -> memref<1x1x2x80xi32, #tpu.memory_space<hbm>>
    %dma_wait3A_211 = tpu.memref_squeeze %dma_wait3A_210 : memref<1x1x2x80xi32, #tpu.memory_space<hbm>> -> memref<2x80xi32, #tpu.memory_space<hbm>>
    tpu.wait_dma2 semaphore(%arg19 : memref<!tpu.dma_semaphore, #tpu.memory_space<semaphore_mem>>) src(%dma_wait3A_211 : memref<2x80xi32, #tpu.memory_space<hbm>>) dst(%arg9 : memref<2x80xi32, #tpu.memory_space<vmem>>)
    %dma_start3A_212 = arith.constant 0 : i32
    %dma_start3A_213 = arith.constant 0 : i32
    %dma_start3A_214 = tpu.memref_slice %arg9[%dma_start3A_212, %dma_start3A_213] : memref<2x80xi32, #tpu.memory_space<vmem>> -> memref<1x80xi32, #tpu.memory_space<vmem>>
    %dma_start3A_215 = tpu.memref_squeeze %dma_start3A_214 : memref<1x80xi32, #tpu.memory_space<vmem>> -> memref<80xi32, #tpu.memory_space<vmem>>
    %dma_start3A_216 = arith.constant 0 : i32
    %dma_start3A_217 = arith.constant 0 : i32
    %dma_start3A_218 = tpu.memref_slice %arg2[%dma_start3A_216, %dma_start3A_217] : memref<10000x128xf32, #tpu.memory_space<hbm>> -> memref<10000x128xf32, #tpu.memory_space<hbm>>
    tpu.enqueue_indirect_dma source(%dma_start3A_218 : memref<10000x128xf32, #tpu.memory_space<hbm>>) target(%arg12 : memref<80x128xf32, #tpu.memory_space<vmem>>) offsets(%dma_start3A_215 : memref<80xi32, #tpu.memory_space<vmem>>) semaphore(%arg22 : memref<!tpu.dma_semaphore, #tpu.memory_space<semaphore_mem>>)
    %dma_wait3A_219 = arith.constant 1 : i32
    %dma_wait3A_220 = arith.constant 0 : i32
    %dma_wait3A_221 = tpu.memref_slice %arg7[%dma_wait3A_219, %dma_wait3A_220] : memref<2x80xi32, #tpu.memory_space<vmem>> -> memref<1x80xi32, #tpu.memory_space<vmem>>
    %dma_wait3A_222 = tpu.memref_squeeze %dma_wait3A_221 : memref<1x80xi32, #tpu.memory_space<vmem>> -> memref<80xi32, #tpu.memory_space<vmem>>
    %dma_wait3A_223 = arith.constant 0 : i32
    %dma_wait3A_224 = arith.constant 0 : i32
    %dma_wait3A_225 = tpu.memref_slice %arg14[%dma_wait3A_223, %dma_wait3A_224] : memref<10240x128xf32, #tpu.memory_space<vmem_shared>> -> memref<10240x128xf32, #tpu.memory_space<vmem_shared>>
    tpu.wait_indirect_dma semaphore(%arg26 : memref<!tpu.dma_semaphore, #tpu.memory_space<semaphore_mem>>) src(%arg13 : memref<80x128xf32, #tpu.memory_space<vmem>>) dst(%dma_wait3A_225 : memref<10240x128xf32, #tpu.memory_space<vmem_shared>>)
    %dma_wait3A_226 = arith.constant 125 : i32
    %dma_wait3A_227 = arith.constant 0 : i32
    %dma_wait3A_228 = arith.constant 0 : i32
    %dma_wait3A_229 = tpu.memref_slice %arg3[%add3A, %dma_wait3A_226, %dma_wait3A_227, %dma_wait3A_228] : memref<32x126x2x80xi32, #tpu.memory_space<hbm>> -> memref<1x1x2x80xi32, #tpu.memory_space<hbm>>
    %dma_wait3A_230 = tpu.memref_squeeze %dma_wait3A_229 : memref<1x1x2x80xi32, #tpu.memory_space<hbm>> -> memref<2x80xi32, #tpu.memory_space<hbm>>
    %dma_wait3A_231 = arith.constant 0 : i32
    %dma_wait3A_232 = arith.constant 0 : i32
    %dma_wait3A_233 = tpu.memref_slice %arg3[%add3A, %dma_wait3A_226, %dma_wait3A_231, %dma_wait3A_232] : memref<32x126x2x80xi32, #tpu.memory_space<hbm>> -> memref<1x1x2x80xi32, #tpu.memory_space<hbm>>
    %dma_wait3A_234 = tpu.memref_squeeze %dma_wait3A_233 : memref<1x1x2x80xi32, #tpu.memory_space<hbm>> -> memref<2x80xi32, #tpu.memory_space<hbm>>
    tpu.wait_dma2 semaphore(%arg20 : memref<!tpu.dma_semaphore, #tpu.memory_space<semaphore_mem>>) src(%dma_wait3A_234 : memref<2x80xi32, #tpu.memory_space<hbm>>) dst(%arg10 : memref<2x80xi32, #tpu.memory_space<vmem>>)
    %dma_start3A_235 = arith.constant 0 : i32
    %dma_start3A_236 = arith.constant 0 : i32
    %dma_start3A_237 = tpu.memref_slice %arg10[%dma_start3A_235, %dma_start3A_236] : memref<2x80xi32, #tpu.memory_space<vmem>> -> memref<1x80xi32, #tpu.memory_space<vmem>>
    %dma_start3A_238 = tpu.memref_squeeze %dma_start3A_237 : memref<1x80xi32, #tpu.memory_space<vmem>> -> memref<80xi32, #tpu.memory_space<vmem>>
    %dma_start3A_239 = arith.constant 0 : i32
    %dma_start3A_240 = arith.constant 0 : i32
    %dma_start3A_241 = tpu.memref_slice %arg2[%dma_start3A_239, %dma_start3A_240] : memref<10000x128xf32, #tpu.memory_space<hbm>> -> memref<10000x128xf32, #tpu.memory_space<hbm>>
    tpu.enqueue_indirect_dma source(%dma_start3A_241 : memref<10000x128xf32, #tpu.memory_space<hbm>>) target(%arg13 : memref<80x128xf32, #tpu.memory_space<vmem>>) offsets(%dma_start3A_238 : memref<80xi32, #tpu.memory_space<vmem>>) semaphore(%arg23 : memref<!tpu.dma_semaphore, #tpu.memory_space<semaphore_mem>>)
    %dma_wait3A_242 = arith.constant 0 : i32
    %dma_wait3A_243 = arith.constant 0 : i32
    %dma_wait3A_244 = tpu.memref_slice %arg8[%dma_wait3A_242, %dma_wait3A_243] : memref<2x80xi32, #tpu.memory_space<vmem>> -> memref<1x80xi32, #tpu.memory_space<vmem>>
    %dma_wait3A_245 = tpu.memref_squeeze %dma_wait3A_244 : memref<1x80xi32, #tpu.memory_space<vmem>> -> memref<80xi32, #tpu.memory_space<vmem>>
    %dma_wait3A_246 = arith.constant 0 : i32
    %dma_wait3A_247 = arith.constant 0 : i32
    %dma_wait3A_248 = tpu.memref_slice %arg2[%dma_wait3A_246, %dma_wait3A_247] : memref<10000x128xf32, #tpu.memory_space<hbm>> -> memref<10000x128xf32, #tpu.memory_space<hbm>>
    tpu.wait_indirect_dma semaphore(%arg21 : memref<!tpu.dma_semaphore, #tpu.memory_space<semaphore_mem>>) src(%dma_wait3A_248 : memref<10000x128xf32, #tpu.memory_space<hbm>>) dst(%arg11 : memref<80x128xf32, #tpu.memory_space<vmem>>)
    %dma_start3A_249 = arith.constant 1 : i32
    %dma_start3A_250 = arith.constant 0 : i32
    %dma_start3A_251 = tpu.memref_slice %arg8[%dma_start3A_249, %dma_start3A_250] : memref<2x80xi32, #tpu.memory_space<vmem>> -> memref<1x80xi32, #tpu.memory_space<vmem>>
    %dma_start3A_252 = tpu.memref_squeeze %dma_start3A_251 : memref<1x80xi32, #tpu.memory_space<vmem>> -> memref<80xi32, #tpu.memory_space<vmem>>
    %dma_start3A_253 = arith.constant 0 : i32
    %dma_start3A_254 = arith.constant 0 : i32
    %dma_start3A_255 = tpu.memref_slice %arg14[%dma_start3A_253, %dma_start3A_254] : memref<10240x128xf32, #tpu.memory_space<vmem_shared>> -> memref<10240x128xf32, #tpu.memory_space<vmem_shared>>
    tpu.enqueue_indirect_dma source(%arg11 : memref<80x128xf32, #tpu.memory_space<vmem>>) target(%dma_start3A_255 : memref<10240x128xf32, #tpu.memory_space<vmem_shared>>) offsets(%dma_start3A_252 : memref<80xi32, #tpu.memory_space<vmem>>) semaphore(%arg24 : memref<!tpu.dma_semaphore, #tpu.memory_space<semaphore_mem>>) {add = true}
    %dma_wait3A_256 = arith.constant 0 : i32
    %dma_wait3A_257 = arith.constant 0 : i32
    %dma_wait3A_258 = tpu.memref_slice %arg9[%dma_wait3A_256, %dma_wait3A_257] : memref<2x80xi32, #tpu.memory_space<vmem>> -> memref<1x80xi32, #tpu.memory_space<vmem>>
    %dma_wait3A_259 = tpu.memref_squeeze %dma_wait3A_258 : memref<1x80xi32, #tpu.memory_space<vmem>> -> memref<80xi32, #tpu.memory_space<vmem>>
    %dma_wait3A_260 = arith.constant 0 : i32
    %dma_wait3A_261 = arith.constant 0 : i32
    %dma_wait3A_262 = tpu.memref_slice %arg2[%dma_wait3A_260, %dma_wait3A_261] : memref<10000x128xf32, #tpu.memory_space<hbm>> -> memref<10000x128xf32, #tpu.memory_space<hbm>>
    tpu.wait_indirect_dma semaphore(%arg22 : memref<!tpu.dma_semaphore, #tpu.memory_space<semaphore_mem>>) src(%dma_wait3A_262 : memref<10000x128xf32, #tpu.memory_space<hbm>>) dst(%arg12 : memref<80x128xf32, #tpu.memory_space<vmem>>)
    %dma_start3A_263 = arith.constant 1 : i32
    %dma_start3A_264 = arith.constant 0 : i32
    %dma_start3A_265 = tpu.memref_slice %arg9[%dma_start3A_263, %dma_start3A_264] : memref<2x80xi32, #tpu.memory_space<vmem>> -> memref<1x80xi32, #tpu.memory_space<vmem>>
    %dma_start3A_266 = tpu.memref_squeeze %dma_start3A_265 : memref<1x80xi32, #tpu.memory_space<vmem>> -> memref<80xi32, #tpu.memory_space<vmem>>
    %dma_start3A_267 = arith.constant 0 : i32
    %dma_start3A_268 = arith.constant 0 : i32
    %dma_start3A_269 = tpu.memref_slice %arg14[%dma_start3A_267, %dma_start3A_268] : memref<10240x128xf32, #tpu.memory_space<vmem_shared>> -> memref<10240x128xf32, #tpu.memory_space<vmem_shared>>
    tpu.enqueue_indirect_dma source(%arg12 : memref<80x128xf32, #tpu.memory_space<vmem>>) target(%dma_start3A_269 : memref<10240x128xf32, #tpu.memory_space<vmem_shared>>) offsets(%dma_start3A_266 : memref<80xi32, #tpu.memory_space<vmem>>) semaphore(%arg25 : memref<!tpu.dma_semaphore, #tpu.memory_space<semaphore_mem>>) {add = true}
    %dma_wait3A_270 = arith.constant 0 : i32
    %dma_wait3A_271 = arith.constant 0 : i32
    %dma_wait3A_272 = tpu.memref_slice %arg10[%dma_wait3A_270, %dma_wait3A_271] : memref<2x80xi32, #tpu.memory_space<vmem>> -> memref<1x80xi32, #tpu.memory_space<vmem>>
    %dma_wait3A_273 = tpu.memref_squeeze %dma_wait3A_272 : memref<1x80xi32, #tpu.memory_space<vmem>> -> memref<80xi32, #tpu.memory_space<vmem>>
    %dma_wait3A_274 = arith.constant 0 : i32
    %dma_wait3A_275 = arith.constant 0 : i32
    %dma_wait3A_276 = tpu.memref_slice %arg2[%dma_wait3A_274, %dma_wait3A_275] : memref<10000x128xf32, #tpu.memory_space<hbm>> -> memref<10000x128xf32, #tpu.memory_space<hbm>>
    tpu.wait_indirect_dma semaphore(%arg23 : memref<!tpu.dma_semaphore, #tpu.memory_space<semaphore_mem>>) src(%dma_wait3A_276 : memref<10000x128xf32, #tpu.memory_space<hbm>>) dst(%arg13 : memref<80x128xf32, #tpu.memory_space<vmem>>)
    %dma_start3A_277 = arith.constant 1 : i32
    %dma_start3A_278 = arith.constant 0 : i32
    %dma_start3A_279 = tpu.memref_slice %arg10[%dma_start3A_277, %dma_start3A_278] : memref<2x80xi32, #tpu.memory_space<vmem>> -> memref<1x80xi32, #tpu.memory_space<vmem>>
    %dma_start3A_280 = tpu.memref_squeeze %dma_start3A_279 : memref<1x80xi32, #tpu.memory_space<vmem>> -> memref<80xi32, #tpu.memory_space<vmem>>
    %dma_start3A_281 = arith.constant 0 : i32
    %dma_start3A_282 = arith.constant 0 : i32
    %dma_start3A_283 = tpu.memref_slice %arg14[%dma_start3A_281, %dma_start3A_282] : memref<10240x128xf32, #tpu.memory_space<vmem_shared>> -> memref<10240x128xf32, #tpu.memory_space<vmem_shared>>
    tpu.enqueue_indirect_dma source(%arg13 : memref<80x128xf32, #tpu.memory_space<vmem>>) target(%dma_start3A_283 : memref<10240x128xf32, #tpu.memory_space<vmem_shared>>) offsets(%dma_start3A_280 : memref<80xi32, #tpu.memory_space<vmem>>) semaphore(%arg26 : memref<!tpu.dma_semaphore, #tpu.memory_space<semaphore_mem>>) {add = true}
    %dma_wait3A_284 = arith.constant 1 : i32
    %dma_wait3A_285 = arith.constant 0 : i32
    %dma_wait3A_286 = tpu.memref_slice %arg8[%dma_wait3A_284, %dma_wait3A_285] : memref<2x80xi32, #tpu.memory_space<vmem>> -> memref<1x80xi32, #tpu.memory_space<vmem>>
    %dma_wait3A_287 = tpu.memref_squeeze %dma_wait3A_286 : memref<1x80xi32, #tpu.memory_space<vmem>> -> memref<80xi32, #tpu.memory_space<vmem>>
    %dma_wait3A_288 = arith.constant 0 : i32
    %dma_wait3A_289 = arith.constant 0 : i32
    %dma_wait3A_290 = tpu.memref_slice %arg14[%dma_wait3A_288, %dma_wait3A_289] : memref<10240x128xf32, #tpu.memory_space<vmem_shared>> -> memref<10240x128xf32, #tpu.memory_space<vmem_shared>>
    tpu.wait_indirect_dma semaphore(%arg24 : memref<!tpu.dma_semaphore, #tpu.memory_space<semaphore_mem>>) src(%arg11 : memref<80x128xf32, #tpu.memory_space<vmem>>) dst(%dma_wait3A_290 : memref<10240x128xf32, #tpu.memory_space<vmem_shared>>)
    %dma_wait3A_291 = arith.constant 1 : i32
    %dma_wait3A_292 = arith.constant 0 : i32
    %dma_wait3A_293 = tpu.memref_slice %arg9[%dma_wait3A_291, %dma_wait3A_292] : memref<2x80xi32, #tpu.memory_space<vmem>> -> memref<1x80xi32, #tpu.memory_space<vmem>>
    %dma_wait3A_294 = tpu.memref_squeeze %dma_wait3A_293 : memref<1x80xi32, #tpu.memory_space<vmem>> -> memref<80xi32, #tpu.memory_space<vmem>>
    %dma_wait3A_295 = arith.constant 0 : i32
    %dma_wait3A_296 = arith.constant 0 : i32
    %dma_wait3A_297 = tpu.memref_slice %arg14[%dma_wait3A_295, %dma_wait3A_296] : memref<10240x128xf32, #tpu.memory_space<vmem_shared>> -> memref<10240x128xf32, #tpu.memory_space<vmem_shared>>
    tpu.wait_indirect_dma semaphore(%arg25 : memref<!tpu.dma_semaphore, #tpu.memory_space<semaphore_mem>>) src(%arg12 : memref<80x128xf32, #tpu.memory_space<vmem>>) dst(%dma_wait3A_297 : memref<10240x128xf32, #tpu.memory_space<vmem_shared>>)
    %dma_wait3A_298 = arith.constant 1 : i32
    %dma_wait3A_299 = arith.constant 0 : i32
    %dma_wait3A_300 = tpu.memref_slice %arg10[%dma_wait3A_298, %dma_wait3A_299] : memref<2x80xi32, #tpu.memory_space<vmem>> -> memref<1x80xi32, #tpu.memory_space<vmem>>
    %dma_wait3A_301 = tpu.memref_squeeze %dma_wait3A_300 : memref<1x80xi32, #tpu.memory_space<vmem>> -> memref<80xi32, #tpu.memory_space<vmem>>
    %dma_wait3A_302 = arith.constant 0 : i32
    %dma_wait3A_303 = arith.constant 0 : i32
    %dma_wait3A_304 = tpu.memref_slice %arg14[%dma_wait3A_302, %dma_wait3A_303] : memref<10240x128xf32, #tpu.memory_space<vmem_shared>> -> memref<10240x128xf32, #tpu.memory_space<vmem_shared>>
    tpu.wait_indirect_dma semaphore(%arg26 : memref<!tpu.dma_semaphore, #tpu.memory_space<semaphore_mem>>) src(%arg13 : memref<80x128xf32, #tpu.memory_space<vmem>>) dst(%dma_wait3A_304 : memref<10240x128xf32, #tpu.memory_space<vmem_shared>>)
    %barrier3A_305 = arith.constant 0 : index
    tpu.barrier barrier_id(%barrier3A_305)
    %mul3A_306 = arith.constant 640 : i32
    %mul3A_307 = arith.muli %arg1, %mul3A_306 : i32
    "tpu.region"() ({
      %run_scoped3A = tpu.sem_alloc : memref<!tpu.dma_semaphore, #tpu.memory_space<semaphore_mem>>
      %dma_start3A_308 = arith.constant 0 : i32
      %dma_start3A_309 = tpu.memref_slice %arg4[%arg0, %mul3A_307, %dma_start3A_308] : memref<2x10240x128xf32, #tpu.memory_space<hbm>> -> memref<1x640x128xf32, #tpu.memory_space<hbm>>
      %dma_start3A_310 = tpu.memref_squeeze %dma_start3A_309 : memref<1x640x128xf32, #tpu.memory_space<hbm>> -> memref<640x128xf32, #tpu.memory_space<hbm>>
      %dma_start3A_311 = arith.constant 0 : i32
      %dma_start3A_312 = tpu.memref_slice %arg14[%mul3A_307, %dma_start3A_311] : memref<10240x128xf32, #tpu.memory_space<vmem_shared>> -> memref<640x128xf32, #tpu.memory_space<vmem_shared>>
      tpu.enqueue_dma source(%dma_start3A_312 : memref<640x128xf32, #tpu.memory_space<vmem_shared>>) target(%dma_start3A_310 : memref<640x128xf32, #tpu.memory_space<hbm>>) target_semaphore(%run_scoped3A : memref<!tpu.dma_semaphore, #tpu.memory_space<semaphore_mem>>)
      %dma_wait3A_313 = arith.constant 0 : i32
      %dma_wait3A_314 = tpu.memref_slice %arg4[%arg0, %mul3A_307, %dma_wait3A_313] : memref<2x10240x128xf32, #tpu.memory_space<hbm>> -> memref<1x640x128xf32, #tpu.memory_space<hbm>>
      %dma_wait3A_315 = tpu.memref_squeeze %dma_wait3A_314 : memref<1x640x128xf32, #tpu.memory_space<hbm>> -> memref<640x128xf32, #tpu.memory_space<hbm>>
      %dma_wait3A_316 = arith.constant 0 : i32
      %dma_wait3A_317 = tpu.memref_slice %arg14[%mul3A_307, %dma_wait3A_316] : memref<10240x128xf32, #tpu.memory_space<vmem_shared>> -> memref<640x128xf32, #tpu.memory_space<vmem_shared>>
      tpu.wait_dma2 semaphore(%run_scoped3A : memref<!tpu.dma_semaphore, #tpu.memory_space<semaphore_mem>>) src(%dma_wait3A_317 : memref<640x128xf32, #tpu.memory_space<vmem_shared>>) dst(%dma_wait3A_315 : memref<640x128xf32, #tpu.memory_space<hbm>>)
      tpu.yield
    }) : () -> ()
    return
  }
}

module attributes {stable_mosaic.version = 14 : i64} {
  func.func @_init_body(%arg0: i32, %arg1: memref<2000x128xf32, #tpu.memory_space<vmem>>, %arg2: memref<128x128xf32, #tpu.memory_space<vmem>>, %arg3: memref<1x128xf32, #tpu.memory_space<vmem>>, %arg4: memref<128x128xf32, #tpu.memory_space<vmem>>, %arg5: memref<1x128xf32, #tpu.memory_space<vmem>>, %arg6: memref<2000x128xf32, #tpu.memory_space<vmem>>, %arg7: memref<2000x128xf32, #tpu.memory_space<vmem>>) attributes {dimension_semantics = [#tpu.dimension_semantics<arbitrary>], iteration_bounds = array<i64: 5>, scalar_prefetch = 0 : i64, scratch_operands = 0 : i64, tpu.core_type = #tpu.core_type<tc>, window_params = [{transform_indices = @transform_0, window_bounds = array<i64: 2000, 128>}, {pipeline_mode = #tpu.pipeline_mode<synchronous>, transform_indices = @transform_1, window_bounds = array<i64: 128, 128>}, {pipeline_mode = #tpu.pipeline_mode<synchronous>, transform_indices = @transform_2, window_bounds = array<i64: 1, 128>}, {pipeline_mode = #tpu.pipeline_mode<synchronous>, transform_indices = @transform_3, window_bounds = array<i64: 128, 128>}, {pipeline_mode = #tpu.pipeline_mode<synchronous>, transform_indices = @transform_4, window_bounds = array<i64: 1, 128>}, {transform_indices = @transform_5, window_bounds = array<i64: 2000, 128>}, {transform_indices = @transform_6, window_bounds = array<i64: 2000, 128>}]} {
    %get3A = arith.constant 0 : index
    %get3A_0 = arith.constant 0 : index
    %get3A_1 = vector.load %arg1[%get3A, %get3A_0] : memref<2000x128xf32, #tpu.memory_space<vmem>>, vector<2000x128xf32>
    %get3A_2 = arith.constant 0 : index
    %get3A_3 = arith.constant 0 : index
    %get3A_4 = vector.load %arg2[%get3A_2, %get3A_3] : memref<128x128xf32, #tpu.memory_space<vmem>>, vector<128x128xf32>
    %dot_general3A = arith.constant dense<0.000000e+00> : vector<2000x128xf32>
    %dot_general3A_5 = tpu.matmul %get3A_1, %get3A_4, %dot_general3A {dimension_numbers = #tpu.dot_dimension_numbers<[1], [0], [0], [1], [0, 0, 1, 1], [], []>, transpose_lhs_hint = false} : vector<2000x128xf32>, vector<128x128xf32>, vector<2000x128xf32> -> vector<2000x128xf32>
    %get3A_6 = arith.constant 0 : index
    %get3A_7 = arith.constant 0 : index
    %get3A_8 = vector.load %arg3[%get3A_6, %get3A_7] : memref<1x128xf32, #tpu.memory_space<vmem>>, vector<1x128xf32>
    %add3A = vector.broadcast %get3A_8 : vector<1x128xf32> to vector<2000x128xf32>
    %add3A_9 = arith.addf %dot_general3A_5, %add3A : vector<2000x128xf32>
    %max3A = arith.constant 0.000000e+00 : f32
    %max3A_10 = vector.broadcast %max3A : f32 to vector<2000x128xf32>
    %max3A_11 = arith.maximumf %add3A_9, %max3A_10 : vector<2000x128xf32>
    %swap3A = arith.constant 0 : index
    %swap3A_12 = arith.constant 0 : index
    %swap3A_13 = vector.load %arg6[%swap3A, %swap3A_12] : memref<2000x128xf32, #tpu.memory_space<vmem>>, vector<2000x128xf32>
    tpu.vector_store %arg6[%swap3A, %swap3A_12], %max3A_11 {strides = array<i32>} : memref<2000x128xf32, #tpu.memory_space<vmem>>, vector<2000x128xf32>,
    %get3A_14 = arith.constant 0 : index
    %get3A_15 = arith.constant 0 : index
    %get3A_16 = vector.load %arg4[%get3A_14, %get3A_15] : memref<128x128xf32, #tpu.memory_space<vmem>>, vector<128x128xf32>
    %dot_general3A_17 = arith.constant dense<0.000000e+00> : vector<2000x128xf32>
    %dot_general3A_18 = tpu.matmul %max3A_11, %get3A_16, %dot_general3A_17 {dimension_numbers = #tpu.dot_dimension_numbers<[1], [0], [0], [1], [0, 0, 1, 1], [], []>, transpose_lhs_hint = false} : vector<2000x128xf32>, vector<128x128xf32>, vector<2000x128xf32> -> vector<2000x128xf32>
    %get3A_19 = arith.constant 0 : index
    %get3A_20 = arith.constant 0 : index
    %get3A_21 = vector.load %arg5[%get3A_19, %get3A_20] : memref<1x128xf32, #tpu.memory_space<vmem>>, vector<1x128xf32>
    %add3A_22 = vector.broadcast %get3A_21 : vector<1x128xf32> to vector<2000x128xf32>
    %add3A_23 = arith.addf %dot_general3A_18, %add3A_22 : vector<2000x128xf32>
    %swap3A_24 = arith.constant 0 : index
    %swap3A_25 = arith.constant 0 : index
    %swap3A_26 = vector.load %arg7[%swap3A_24, %swap3A_25] : memref<2000x128xf32, #tpu.memory_space<vmem>>, vector<2000x128xf32>
    tpu.vector_store %arg7[%swap3A_24, %swap3A_25], %add3A_23 {strides = array<i32>} : memref<2000x128xf32, #tpu.memory_space<vmem>>, vector<2000x128xf32>,
    return
  }
  func.func @transform_0(%arg0: i32) -> (i32, i32) {
    %c0_i32 = arith.constant 0 : i32
    %c0_i32_0 = arith.constant 0 : i32
    return %arg0, %c0_i32 : i32, i32
  }
  func.func @transform_1(%arg0: i32) -> (i32, i32) {
    %c0_i32 = arith.constant 0 : i32
    %c0_i32_0 = arith.constant 0 : i32
    %c0_i32_1 = arith.constant 0 : i32
    return %c0_i32, %c0_i32_0 : i32, i32
  }
  func.func @transform_2(%arg0: i32) -> (i32, i32) {
    %c0_i32 = arith.constant 0 : i32
    %c0_i32_0 = arith.constant 0 : i32
    %c0_i32_1 = arith.constant 0 : i32
    return %c0_i32, %c0_i32_0 : i32, i32
  }
  func.func @transform_3(%arg0: i32) -> (i32, i32) {
    %c0_i32 = arith.constant 0 : i32
    %c0_i32_0 = arith.constant 0 : i32
    %c0_i32_1 = arith.constant 0 : i32
    return %c0_i32, %c0_i32_0 : i32, i32
  }
  func.func @transform_4(%arg0: i32) -> (i32, i32) {
    %c0_i32 = arith.constant 0 : i32
    %c0_i32_0 = arith.constant 0 : i32
    %c0_i32_1 = arith.constant 0 : i32
    return %c0_i32, %c0_i32_0 : i32, i32
  }
  func.func @transform_5(%arg0: i32) -> (i32, i32) {
    %c0_i32 = arith.constant 0 : i32
    %c0_i32_0 = arith.constant 0 : i32
    return %arg0, %c0_i32 : i32, i32
  }
  func.func @transform_6(%arg0: i32) -> (i32, i32) {
    %c0_i32 = arith.constant 0 : i32
    %c0_i32_0 = arith.constant 0 : i32
    return %arg0, %c0_i32 : i32, i32
  }
}

module attributes {stable_mosaic.version = 14 : i64} {
  func.func @_step_body(%arg0: i32, %arg1: memref<2x2000x128xf32, #tpu.memory_space<vmem>>, %arg2: memref<2000x128xf32, #tpu.memory_space<vmem>>, %arg3: memref<128x384xf32, #tpu.memory_space<vmem>>, %arg4: memref<128x384xf32, #tpu.memory_space<vmem>>, %arg5: memref<1x384xf32, #tpu.memory_space<vmem>>, %arg6: memref<1x384xf32, #tpu.memory_space<vmem>>, %arg7: memref<128x128xf32, #tpu.memory_space<vmem>>, %arg8: memref<1x128xf32, #tpu.memory_space<vmem>>, %arg9: memref<2000x128xf32, #tpu.memory_space<vmem>>, %arg10: memref<2000x128xf32, #tpu.memory_space<vmem>>) attributes {dimension_semantics = [#tpu.dimension_semantics<arbitrary>], iteration_bounds = array<i64: 5>, scalar_prefetch = 0 : i64, scratch_operands = 0 : i64, tpu.core_type = #tpu.core_type<tc>, window_params = [{transform_indices = @transform_0, window_bounds = array<i64: 2, 2000, 128>}, {transform_indices = @transform_1, window_bounds = array<i64: 2000, 128>}, {pipeline_mode = #tpu.pipeline_mode<synchronous>, transform_indices = @transform_2, window_bounds = array<i64: 128, 384>}, {pipeline_mode = #tpu.pipeline_mode<synchronous>, transform_indices = @transform_3, window_bounds = array<i64: 128, 384>}, {pipeline_mode = #tpu.pipeline_mode<synchronous>, transform_indices = @transform_4, window_bounds = array<i64: 1, 384>}, {pipeline_mode = #tpu.pipeline_mode<synchronous>, transform_indices = @transform_5, window_bounds = array<i64: 1, 384>}, {pipeline_mode = #tpu.pipeline_mode<synchronous>, transform_indices = @transform_6, window_bounds = array<i64: 128, 128>}, {pipeline_mode = #tpu.pipeline_mode<synchronous>, transform_indices = @transform_7, window_bounds = array<i64: 1, 128>}, {transform_indices = @transform_8, window_bounds = array<i64: 2000, 128>}, {transform_indices = @transform_9, window_bounds = array<i64: 2000, 128>}]} {
    %get3A = arith.constant 0 : index
    %get3A_0 = arith.constant 0 : index
    %get3A_1 = arith.constant 0 : index
    %get3A_2 = vector.load %arg1[%get3A, %get3A_0, %get3A_1] : memref<2x2000x128xf32, #tpu.memory_space<vmem>>, vector<2x2000x128xf32>
    %get3A_3 = arith.constant 0 : index
    %get3A_4 = arith.constant 0 : index
    %get3A_5 = vector.load %arg2[%get3A_3, %get3A_4] : memref<2000x128xf32, #tpu.memory_space<vmem>>, vector<2000x128xf32>
    %get3A_6 = arith.constant 0 : index
    %get3A_7 = arith.constant 0 : index
    %get3A_8 = vector.load %arg3[%get3A_6, %get3A_7] : memref<128x384xf32, #tpu.memory_space<vmem>>, vector<128x384xf32>
    %get3A_9 = arith.constant 0 : index
    %get3A_10 = arith.constant 0 : index
    %get3A_11 = vector.load %arg4[%get3A_9, %get3A_10] : memref<128x384xf32, #tpu.memory_space<vmem>>, vector<128x384xf32>
    %get3A_12 = arith.constant 0 : index
    %get3A_13 = arith.constant 0 : index
    %get3A_14 = vector.load %arg5[%get3A_12, %get3A_13] : memref<1x384xf32, #tpu.memory_space<vmem>>, vector<1x384xf32>
    %get3A_15 = arith.constant 0 : index
    %get3A_16 = arith.constant 0 : index
    %get3A_17 = vector.load %arg6[%get3A_15, %get3A_16] : memref<1x384xf32, #tpu.memory_space<vmem>>, vector<1x384xf32>
    %slice3A = vector.extract_strided_slice %get3A_2 {offsets = [0, 0, 0], sizes = [1, 2000, 128], strides = [1, 1, 1]} : vector<2x2000x128xf32> to vector<1x2000x128xf32>
    %squeeze3A = vector.shape_cast %slice3A : vector<1x2000x128xf32> to vector<2000x128xf32>
    %slice3A_18 = vector.extract_strided_slice %get3A_2 {offsets = [1, 0, 0], sizes = [1, 2000, 128], strides = [1, 1, 1]} : vector<2x2000x128xf32> to vector<1x2000x128xf32>
    %squeeze3A_19 = vector.shape_cast %slice3A_18 : vector<1x2000x128xf32> to vector<2000x128xf32>
    %add3A = arith.addf %squeeze3A, %squeeze3A_19 : vector<2000x128xf32>
    %dot_general3A = arith.constant dense<0.000000e+00> : vector<2000x384xf32>
    %dot_general3A_20 = tpu.matmul %add3A, %get3A_8, %dot_general3A {dimension_numbers = #tpu.dot_dimension_numbers<[1], [0], [0], [1], [0, 0, 1, 1], [], []>, transpose_lhs_hint = false} : vector<2000x128xf32>, vector<128x384xf32>, vector<2000x384xf32> -> vector<2000x384xf32>
    %add3A_21 = vector.broadcast %get3A_14 : vector<1x384xf32> to vector<2000x384xf32>
    %add3A_22 = arith.addf %dot_general3A_20, %add3A_21 : vector<2000x384xf32>
    %dot_general3A_23 = arith.constant dense<0.000000e+00> : vector<2000x384xf32>
    %dot_general3A_24 = tpu.matmul %get3A_5, %get3A_11, %dot_general3A_23 {dimension_numbers = #tpu.dot_dimension_numbers<[1], [0], [0], [1], [0, 0, 1, 1], [], []>, transpose_lhs_hint = false} : vector<2000x128xf32>, vector<128x384xf32>, vector<2000x384xf32> -> vector<2000x384xf32>
    %add3A_25 = vector.broadcast %get3A_17 : vector<1x384xf32> to vector<2000x384xf32>
    %add3A_26 = arith.addf %dot_general3A_24, %add3A_25 : vector<2000x384xf32>
    %slice3A_27 = vector.extract_strided_slice %add3A_22 {offsets = [0, 0], sizes = [2000, 128], strides = [1, 1]} : vector<2000x384xf32> to vector<2000x128xf32>
    %slice3A_28 = vector.extract_strided_slice %add3A_26 {offsets = [0, 0], sizes = [2000, 128], strides = [1, 1]} : vector<2000x384xf32> to vector<2000x128xf32>
    %add3A_29 = arith.addf %slice3A_27, %slice3A_28 : vector<2000x128xf32>
    %logistic3A = arith.negf %add3A_29 : vector<2000x128xf32>
    %logistic3A_30 = math.exp %logistic3A : vector<2000x128xf32>
    %logistic3A_31 = arith.constant 1.000000e+00 : f32
    %logistic3A_32 = vector.broadcast %logistic3A_31 : f32 to vector<2000x128xf32>
    %logistic3A_33 = arith.addf %logistic3A_32, %logistic3A_30 : vector<2000x128xf32>
    %logistic3A_34 = arith.divf %logistic3A_32, %logistic3A_33 : vector<2000x128xf32>
    %slice3A_35 = vector.extract_strided_slice %add3A_22 {offsets = [0, 128], sizes = [2000, 128], strides = [1, 1]} : vector<2000x384xf32> to vector<2000x128xf32>
    %slice3A_36 = vector.extract_strided_slice %add3A_26 {offsets = [0, 128], sizes = [2000, 128], strides = [1, 1]} : vector<2000x384xf32> to vector<2000x128xf32>
    %add3A_37 = arith.addf %slice3A_35, %slice3A_36 : vector<2000x128xf32>
    %logistic3A_38 = arith.negf %add3A_37 : vector<2000x128xf32>
    %logistic3A_39 = math.exp %logistic3A_38 : vector<2000x128xf32>
    %logistic3A_40 = arith.constant 1.000000e+00 : f32
    %logistic3A_41 = vector.broadcast %logistic3A_40 : f32 to vector<2000x128xf32>
    %logistic3A_42 = arith.addf %logistic3A_41, %logistic3A_39 : vector<2000x128xf32>
    %logistic3A_43 = arith.divf %logistic3A_41, %logistic3A_42 : vector<2000x128xf32>
    %slice3A_44 = vector.extract_strided_slice %add3A_22 {offsets = [0, 256], sizes = [2000, 128], strides = [1, 1]} : vector<2000x384xf32> to vector<2000x128xf32>
    %slice3A_45 = vector.extract_strided_slice %add3A_26 {offsets = [0, 256], sizes = [2000, 128], strides = [1, 1]} : vector<2000x384xf32> to vector<2000x128xf32>
    %mul3A = arith.mulf %logistic3A_34, %slice3A_45 : vector<2000x128xf32>
    %add3A_46 = arith.addf %slice3A_44, %mul3A : vector<2000x128xf32>
    %tanh3A = math.tanh %add3A_46 : vector<2000x128xf32>
    %sub3A = arith.constant 1.000000e+00 : f32
    %sub3A_47 = vector.broadcast %sub3A : f32 to vector<2000x128xf32>
    %sub3A_48 = arith.subf %sub3A_47, %logistic3A_43 : vector<2000x128xf32>
    %mul3A_49 = arith.mulf %sub3A_48, %tanh3A : vector<2000x128xf32>
    %mul3A_50 = arith.mulf %logistic3A_43, %get3A_5 : vector<2000x128xf32>
    %add3A_51 = arith.addf %mul3A_49, %mul3A_50 : vector<2000x128xf32>
    %swap3A = arith.constant 0 : index
    %swap3A_52 = arith.constant 0 : index
    %swap3A_53 = vector.load %arg9[%swap3A, %swap3A_52] : memref<2000x128xf32, #tpu.memory_space<vmem>>, vector<2000x128xf32>
    tpu.vector_store %arg9[%swap3A, %swap3A_52], %add3A_51 {strides = array<i32>} : memref<2000x128xf32, #tpu.memory_space<vmem>>, vector<2000x128xf32>,
    %get3A_54 = arith.constant 0 : index
    %get3A_55 = arith.constant 0 : index
    %get3A_56 = vector.load %arg7[%get3A_54, %get3A_55] : memref<128x128xf32, #tpu.memory_space<vmem>>, vector<128x128xf32>
    %dot_general3A_57 = arith.constant dense<0.000000e+00> : vector<2000x128xf32>
    %dot_general3A_58 = tpu.matmul %add3A_51, %get3A_56, %dot_general3A_57 {dimension_numbers = #tpu.dot_dimension_numbers<[1], [0], [0], [1], [0, 0, 1, 1], [], []>, transpose_lhs_hint = false} : vector<2000x128xf32>, vector<128x128xf32>, vector<2000x128xf32> -> vector<2000x128xf32>
    %get3A_59 = arith.constant 0 : index
    %get3A_60 = arith.constant 0 : index
    %get3A_61 = vector.load %arg8[%get3A_59, %get3A_60] : memref<1x128xf32, #tpu.memory_space<vmem>>, vector<1x128xf32>
    %add3A_62 = vector.broadcast %get3A_61 : vector<1x128xf32> to vector<2000x128xf32>
    %add3A_63 = arith.addf %dot_general3A_58, %add3A_62 : vector<2000x128xf32>
    %swap3A_64 = arith.constant 0 : index
    %swap3A_65 = arith.constant 0 : index
    %swap3A_66 = vector.load %arg10[%swap3A_64, %swap3A_65] : memref<2000x128xf32, #tpu.memory_space<vmem>>, vector<2000x128xf32>
    tpu.vector_store %arg10[%swap3A_64, %swap3A_65], %add3A_63 {strides = array<i32>} : memref<2000x128xf32, #tpu.memory_space<vmem>>, vector<2000x128xf32>,
    return
  }
  func.func @transform_0(%arg0: i32) -> (i32, i32, i32) {
    %c0_i32 = arith.constant 0 : i32
    %c0_i32_0 = arith.constant 0 : i32
    %c0_i32_1 = arith.constant 0 : i32
    return %c0_i32, %arg0, %c0_i32_0 : i32, i32, i32
  }
  func.func @transform_1(%arg0: i32) -> (i32, i32) {
    %c0_i32 = arith.constant 0 : i32
    %c0_i32_0 = arith.constant 0 : i32
    return %arg0, %c0_i32 : i32, i32
  }
  func.func @transform_2(%arg0: i32) -> (i32, i32) {
    %c0_i32 = arith.constant 0 : i32
    %c0_i32_0 = arith.constant 0 : i32
    %c0_i32_1 = arith.constant 0 : i32
    return %c0_i32, %c0_i32_0 : i32, i32
  }
  func.func @transform_3(%arg0: i32) -> (i32, i32) {
    %c0_i32 = arith.constant 0 : i32
    %c0_i32_0 = arith.constant 0 : i32
    %c0_i32_1 = arith.constant 0 : i32
    return %c0_i32, %c0_i32_0 : i32, i32
  }
  func.func @transform_4(%arg0: i32) -> (i32, i32) {
    %c0_i32 = arith.constant 0 : i32
    %c0_i32_0 = arith.constant 0 : i32
    %c0_i32_1 = arith.constant 0 : i32
    return %c0_i32, %c0_i32_0 : i32, i32
  }
  func.func @transform_5(%arg0: i32) -> (i32, i32) {
    %c0_i32 = arith.constant 0 : i32
    %c0_i32_0 = arith.constant 0 : i32
    %c0_i32_1 = arith.constant 0 : i32
    return %c0_i32, %c0_i32_0 : i32, i32
  }
  func.func @transform_6(%arg0: i32) -> (i32, i32) {
    %c0_i32 = arith.constant 0 : i32
    %c0_i32_0 = arith.constant 0 : i32
    %c0_i32_1 = arith.constant 0 : i32
    return %c0_i32, %c0_i32_0 : i32, i32
  }
  func.func @transform_7(%arg0: i32) -> (i32, i32) {
    %c0_i32 = arith.constant 0 : i32
    %c0_i32_0 = arith.constant 0 : i32
    %c0_i32_1 = arith.constant 0 : i32
    return %c0_i32, %c0_i32_0 : i32, i32
  }
  func.func @transform_8(%arg0: i32) -> (i32, i32) {
    %c0_i32 = arith.constant 0 : i32
    %c0_i32_0 = arith.constant 0 : i32
    return %arg0, %c0_i32 : i32, i32
  }
  func.func @transform_9(%arg0: i32) -> (i32, i32) {
    %c0_i32 = arith.constant 0 : i32
    %c0_i32_0 = arith.constant 0 : i32
    return %arg0, %c0_i32 : i32, i32
  }
}

module attributes {stable_mosaic.version = 14 : i64} {
  func.func @_last_body(%arg0: i32, %arg1: memref<2x2000x128xf32, #tpu.memory_space<vmem>>, %arg2: memref<2000x128xf32, #tpu.memory_space<vmem>>, %arg3: memref<128x384xf32, #tpu.memory_space<vmem>>, %arg4: memref<128x384xf32, #tpu.memory_space<vmem>>, %arg5: memref<1x384xf32, #tpu.memory_space<vmem>>, %arg6: memref<1x384xf32, #tpu.memory_space<vmem>>, %arg7: memref<128x128xf32, #tpu.memory_space<vmem>>, %arg8: memref<1x128xf32, #tpu.memory_space<vmem>>, %arg9: memref<2000x128xf32, #tpu.memory_space<vmem>>) attributes {dimension_semantics = [#tpu.dimension_semantics<arbitrary>], iteration_bounds = array<i64: 5>, scalar_prefetch = 0 : i64, scratch_operands = 0 : i64, tpu.core_type = #tpu.core_type<tc>, window_params = [{transform_indices = @transform_0, window_bounds = array<i64: 2, 2000, 128>}, {transform_indices = @transform_1, window_bounds = array<i64: 2000, 128>}, {pipeline_mode = #tpu.pipeline_mode<synchronous>, transform_indices = @transform_2, window_bounds = array<i64: 128, 384>}, {pipeline_mode = #tpu.pipeline_mode<synchronous>, transform_indices = @transform_3, window_bounds = array<i64: 128, 384>}, {pipeline_mode = #tpu.pipeline_mode<synchronous>, transform_indices = @transform_4, window_bounds = array<i64: 1, 384>}, {pipeline_mode = #tpu.pipeline_mode<synchronous>, transform_indices = @transform_5, window_bounds = array<i64: 1, 384>}, {pipeline_mode = #tpu.pipeline_mode<synchronous>, transform_indices = @transform_6, window_bounds = array<i64: 128, 128>}, {pipeline_mode = #tpu.pipeline_mode<synchronous>, transform_indices = @transform_7, window_bounds = array<i64: 1, 128>}, {transform_indices = @transform_8, window_bounds = array<i64: 2000, 128>}]} {
    %get3A = arith.constant 0 : index
    %get3A_0 = arith.constant 0 : index
    %get3A_1 = arith.constant 0 : index
    %get3A_2 = vector.load %arg1[%get3A, %get3A_0, %get3A_1] : memref<2x2000x128xf32, #tpu.memory_space<vmem>>, vector<2x2000x128xf32>
    %get3A_3 = arith.constant 0 : index
    %get3A_4 = arith.constant 0 : index
    %get3A_5 = vector.load %arg2[%get3A_3, %get3A_4] : memref<2000x128xf32, #tpu.memory_space<vmem>>, vector<2000x128xf32>
    %get3A_6 = arith.constant 0 : index
    %get3A_7 = arith.constant 0 : index
    %get3A_8 = vector.load %arg3[%get3A_6, %get3A_7] : memref<128x384xf32, #tpu.memory_space<vmem>>, vector<128x384xf32>
    %get3A_9 = arith.constant 0 : index
    %get3A_10 = arith.constant 0 : index
    %get3A_11 = vector.load %arg4[%get3A_9, %get3A_10] : memref<128x384xf32, #tpu.memory_space<vmem>>, vector<128x384xf32>
    %get3A_12 = arith.constant 0 : index
    %get3A_13 = arith.constant 0 : index
    %get3A_14 = vector.load %arg5[%get3A_12, %get3A_13] : memref<1x384xf32, #tpu.memory_space<vmem>>, vector<1x384xf32>
    %get3A_15 = arith.constant 0 : index
    %get3A_16 = arith.constant 0 : index
    %get3A_17 = vector.load %arg6[%get3A_15, %get3A_16] : memref<1x384xf32, #tpu.memory_space<vmem>>, vector<1x384xf32>
    %slice3A = vector.extract_strided_slice %get3A_2 {offsets = [0, 0, 0], sizes = [1, 2000, 128], strides = [1, 1, 1]} : vector<2x2000x128xf32> to vector<1x2000x128xf32>
    %squeeze3A = vector.shape_cast %slice3A : vector<1x2000x128xf32> to vector<2000x128xf32>
    %slice3A_18 = vector.extract_strided_slice %get3A_2 {offsets = [1, 0, 0], sizes = [1, 2000, 128], strides = [1, 1, 1]} : vector<2x2000x128xf32> to vector<1x2000x128xf32>
    %squeeze3A_19 = vector.shape_cast %slice3A_18 : vector<1x2000x128xf32> to vector<2000x128xf32>
    %add3A = arith.addf %squeeze3A, %squeeze3A_19 : vector<2000x128xf32>
    %dot_general3A = arith.constant dense<0.000000e+00> : vector<2000x384xf32>
    %dot_general3A_20 = tpu.matmul %add3A, %get3A_8, %dot_general3A {dimension_numbers = #tpu.dot_dimension_numbers<[1], [0], [0], [1], [0, 0, 1, 1], [], []>, transpose_lhs_hint = false} : vector<2000x128xf32>, vector<128x384xf32>, vector<2000x384xf32> -> vector<2000x384xf32>
    %add3A_21 = vector.broadcast %get3A_14 : vector<1x384xf32> to vector<2000x384xf32>
    %add3A_22 = arith.addf %dot_general3A_20, %add3A_21 : vector<2000x384xf32>
    %dot_general3A_23 = arith.constant dense<0.000000e+00> : vector<2000x384xf32>
    %dot_general3A_24 = tpu.matmul %get3A_5, %get3A_11, %dot_general3A_23 {dimension_numbers = #tpu.dot_dimension_numbers<[1], [0], [0], [1], [0, 0, 1, 1], [], []>, transpose_lhs_hint = false} : vector<2000x128xf32>, vector<128x384xf32>, vector<2000x384xf32> -> vector<2000x384xf32>
    %add3A_25 = vector.broadcast %get3A_17 : vector<1x384xf32> to vector<2000x384xf32>
    %add3A_26 = arith.addf %dot_general3A_24, %add3A_25 : vector<2000x384xf32>
    %slice3A_27 = vector.extract_strided_slice %add3A_22 {offsets = [0, 0], sizes = [2000, 128], strides = [1, 1]} : vector<2000x384xf32> to vector<2000x128xf32>
    %slice3A_28 = vector.extract_strided_slice %add3A_26 {offsets = [0, 0], sizes = [2000, 128], strides = [1, 1]} : vector<2000x384xf32> to vector<2000x128xf32>
    %add3A_29 = arith.addf %slice3A_27, %slice3A_28 : vector<2000x128xf32>
    %logistic3A = arith.negf %add3A_29 : vector<2000x128xf32>
    %logistic3A_30 = math.exp %logistic3A : vector<2000x128xf32>
    %logistic3A_31 = arith.constant 1.000000e+00 : f32
    %logistic3A_32 = vector.broadcast %logistic3A_31 : f32 to vector<2000x128xf32>
    %logistic3A_33 = arith.addf %logistic3A_32, %logistic3A_30 : vector<2000x128xf32>
    %logistic3A_34 = arith.divf %logistic3A_32, %logistic3A_33 : vector<2000x128xf32>
    %slice3A_35 = vector.extract_strided_slice %add3A_22 {offsets = [0, 128], sizes = [2000, 128], strides = [1, 1]} : vector<2000x384xf32> to vector<2000x128xf32>
    %slice3A_36 = vector.extract_strided_slice %add3A_26 {offsets = [0, 128], sizes = [2000, 128], strides = [1, 1]} : vector<2000x384xf32> to vector<2000x128xf32>
    %add3A_37 = arith.addf %slice3A_35, %slice3A_36 : vector<2000x128xf32>
    %logistic3A_38 = arith.negf %add3A_37 : vector<2000x128xf32>
    %logistic3A_39 = math.exp %logistic3A_38 : vector<2000x128xf32>
    %logistic3A_40 = arith.constant 1.000000e+00 : f32
    %logistic3A_41 = vector.broadcast %logistic3A_40 : f32 to vector<2000x128xf32>
    %logistic3A_42 = arith.addf %logistic3A_41, %logistic3A_39 : vector<2000x128xf32>
    %logistic3A_43 = arith.divf %logistic3A_41, %logistic3A_42 : vector<2000x128xf32>
    %slice3A_44 = vector.extract_strided_slice %add3A_22 {offsets = [0, 256], sizes = [2000, 128], strides = [1, 1]} : vector<2000x384xf32> to vector<2000x128xf32>
    %slice3A_45 = vector.extract_strided_slice %add3A_26 {offsets = [0, 256], sizes = [2000, 128], strides = [1, 1]} : vector<2000x384xf32> to vector<2000x128xf32>
    %mul3A = arith.mulf %logistic3A_34, %slice3A_45 : vector<2000x128xf32>
    %add3A_46 = arith.addf %slice3A_44, %mul3A : vector<2000x128xf32>
    %tanh3A = math.tanh %add3A_46 : vector<2000x128xf32>
    %sub3A = arith.constant 1.000000e+00 : f32
    %sub3A_47 = vector.broadcast %sub3A : f32 to vector<2000x128xf32>
    %sub3A_48 = arith.subf %sub3A_47, %logistic3A_43 : vector<2000x128xf32>
    %mul3A_49 = arith.mulf %sub3A_48, %tanh3A : vector<2000x128xf32>
    %mul3A_50 = arith.mulf %logistic3A_43, %get3A_5 : vector<2000x128xf32>
    %add3A_51 = arith.addf %mul3A_49, %mul3A_50 : vector<2000x128xf32>
    %get3A_52 = arith.constant 0 : index
    %get3A_53 = arith.constant 0 : index
    %get3A_54 = vector.load %arg7[%get3A_52, %get3A_53] : memref<128x128xf32, #tpu.memory_space<vmem>>, vector<128x128xf32>
    %dot_general3A_55 = arith.constant dense<0.000000e+00> : vector<2000x128xf32>
    %dot_general3A_56 = tpu.matmul %add3A_51, %get3A_54, %dot_general3A_55 {dimension_numbers = #tpu.dot_dimension_numbers<[1], [0], [0], [1], [0, 0, 1, 1], [], []>, transpose_lhs_hint = false} : vector<2000x128xf32>, vector<128x128xf32>, vector<2000x128xf32> -> vector<2000x128xf32>
    %get3A_57 = arith.constant 0 : index
    %get3A_58 = arith.constant 0 : index
    %get3A_59 = vector.load %arg8[%get3A_57, %get3A_58] : memref<1x128xf32, #tpu.memory_space<vmem>>, vector<1x128xf32>
    %add3A_60 = vector.broadcast %get3A_59 : vector<1x128xf32> to vector<2000x128xf32>
    %add3A_61 = arith.addf %dot_general3A_56, %add3A_60 : vector<2000x128xf32>
    %swap3A = arith.constant 0 : index
    %swap3A_62 = arith.constant 0 : index
    %swap3A_63 = vector.load %arg9[%swap3A, %swap3A_62] : memref<2000x128xf32, #tpu.memory_space<vmem>>, vector<2000x128xf32>
    tpu.vector_store %arg9[%swap3A, %swap3A_62], %add3A_61 {strides = array<i32>} : memref<2000x128xf32, #tpu.memory_space<vmem>>, vector<2000x128xf32>,
    return
  }
  func.func @transform_0(%arg0: i32) -> (i32, i32, i32) {
    %c0_i32 = arith.constant 0 : i32
    %c0_i32_0 = arith.constant 0 : i32
    %c0_i32_1 = arith.constant 0 : i32
    return %c0_i32, %arg0, %c0_i32_0 : i32, i32, i32
  }
  func.func @transform_1(%arg0: i32) -> (i32, i32) {
    %c0_i32 = arith.constant 0 : i32
    %c0_i32_0 = arith.constant 0 : i32
    return %arg0, %c0_i32 : i32, i32
  }
  func.func @transform_2(%arg0: i32) -> (i32, i32) {
    %c0_i32 = arith.constant 0 : i32
    %c0_i32_0 = arith.constant 0 : i32
    %c0_i32_1 = arith.constant 0 : i32
    return %c0_i32, %c0_i32_0 : i32, i32
  }
  func.func @transform_3(%arg0: i32) -> (i32, i32) {
    %c0_i32 = arith.constant 0 : i32
    %c0_i32_0 = arith.constant 0 : i32
    %c0_i32_1 = arith.constant 0 : i32
    return %c0_i32, %c0_i32_0 : i32, i32
  }
  func.func @transform_4(%arg0: i32) -> (i32, i32) {
    %c0_i32 = arith.constant 0 : i32
    %c0_i32_0 = arith.constant 0 : i32
    %c0_i32_1 = arith.constant 0 : i32
    return %c0_i32, %c0_i32_0 : i32, i32
  }
  func.func @transform_5(%arg0: i32) -> (i32, i32) {
    %c0_i32 = arith.constant 0 : i32
    %c0_i32_0 = arith.constant 0 : i32
    %c0_i32_1 = arith.constant 0 : i32
    return %c0_i32, %c0_i32_0 : i32, i32
  }
  func.func @transform_6(%arg0: i32) -> (i32, i32) {
    %c0_i32 = arith.constant 0 : i32
    %c0_i32_0 = arith.constant 0 : i32
    %c0_i32_1 = arith.constant 0 : i32
    return %c0_i32, %c0_i32_0 : i32, i32
  }
  func.func @transform_7(%arg0: i32) -> (i32, i32) {
    %c0_i32 = arith.constant 0 : i32
    %c0_i32_0 = arith.constant 0 : i32
    %c0_i32_1 = arith.constant 0 : i32
    return %c0_i32, %c0_i32_0 : i32, i32
  }
  func.func @transform_8(%arg0: i32) -> (i32, i32) {
    %c0_i32 = arith.constant 0 : i32
    %c0_i32_0 = arith.constant 0 : i32
    return %arg0, %c0_i32 : i32, i32
  }
}

</mosaic_0001>

<sc_bundles>
// kernel: kernel.12.cloned.1.call-start
scs
__scs_entry_jumppad:
0x0: {  	(pc) =	sbr.rel $0x88, $3  }
0x1: {  	(tag) =	ssettag $0x0;
	lr =	simm.s32 $0x1  }
0x2: {  	[smem:$0x3F95] =	sst lr;
	_ =	strace $0xD0000000  }
0x3: {  	_ = 	snop  }
0x4: {  	_ = 	snop  }
0x5: {  	_ = 	snop  }
0x6: {  	_ = 	snop  }
0x7: {  	_ = 	snop  }
__scs_overlays_trampoline_lowered:
0x8: {  	[smem:$0x3FA4] =	sst s0  }
0x9: {  	[smem:$0x3FA5] =	sst s1  }
0xa: {  	[smem:$0x3FA6] =	sst s2  }
0xb: {  	[smem:$0x3FA7] =	sst s3  }
0xc: {  	[smem:$0x3FA8] =	sst s4  }
0xd: {  	[smem:$0x3FA9] =	sst s5  }
0xe: {  	[smem:$0x3FAA] =	sst s6  }
0xf: {  	[smem:$0x3FAB] =	sst s7  }
0x10: {  	[smem:$0x3FAC] =	sst s8  }
0x11: {  	[smem:$0x3FAD] =	sst s9;
	s0 =	simm.s32 @!p0 $0x0  }
0x12: {  	s1 =	sld [smem:$0x3F93];
	s0 =	simm.s32 @p0 $0x1  }
0x13: {  	[smem:$0x3FAE] =	sst s0;
	s0 =	simm.s32 @!p1 $0x0  }
0x14: {  	s2 =	sld [smem:$0x3F92];
	s0 =	simm.s32 @p1 $0x1  }
0x15: {  	[smem:$0x3FAF] =	sst s0;
	s0 =	simm.s32 @!p2 $0x0  }
0x16: {  	s3 =	sld [smem:$0x3FDB];
	s0 =	simm.s32 @p2 $0x1  }
0x17: {  	s4 =	simm.s32 $0x1BF5;
	[smem:$0x3FB1] =	sst s0  }
0x18: {  	s0 =	sld [smem:$0x3F94];
	_ =	swait.ge [sflag:s4], $0x0  }
0x19: {  	s7 =	sld [smem:$0x3F95]  }
0x1a: {  	s8 =	sadd.s32 $0xFFFFE003, lr  }
0x1b: {  	s9 =	sadd.s32 $0xFFFFFEF7, lr;
	s5 =	simm.s32 $0xFFFFFFFF;
	p2 =	slt.u32 s8, $0xFFFFF086  }
0x1c: {  	p1 =	slt.u32 s9, $0xF7A;
	s5 =	simm.s32 @!p2 $0x0  }
0x1d: {  	s5 =	simm.s32 @p1 $0x1;
	p0 =	seq.s32 s7, s2  }
0x1e: {  	s7 =	smul.u32 @!p0 $0xF7A, s2;
	p2 =	seq.s32 @!p0 s5, $0x0  }
0x1f: {  	s9 =	smul.u32 $0xF7A, s1;
	s8 =	simm.s32 @!p0 $0x1BF5;
	p2 =	por !p2, p0  }
0x20: {  	[sflag:s8] =	ssyncset.s32 @!p0 $0xFFFFF086;
	s6 =	sadd.s32 @!p0 s3, s7;
	s7 =	simm.s32 @!p0 $0x108  }
0x21: {  	s3 =	sadd.s32 s3, s9;
	s6 =	sadd.s32 @!p0 $0x88, s6;
	s7 =	simm.s32 @p2 $0x1082  }
0x22: {  	[simem:s7], [sflag:s8] =	dma.local @!p0 [hbm:s6], $0xF7A  }
0x23: {  	s9 =	sor.u32 $0xD0000000, s2;
	s6 =	simm.s32 $0x108;
	_ =	swait.ge @!p0 [sflag:s8], $0x0  }
0x24: {  	s3 =	sadd.s32 $0x88, s3;
	s6 =	simm.s32 @!p1 $0x1082;
	[sflag:s4] =	ssyncset.s32 $0xFFFFF086  }
0x25: {  	[simem:s6], [sflag:s4] =	dma.local [hbm:s3], $0xF7A  }
0x26: {  	[smem:$0x3F95] =	sst s1;
	(tag) =	ssettag s2;
	_ =	strace s9  }
0x27: {  	s1 =	sld [smem:$0x3FA5]  }
0x28: {  	s2 =	sld [smem:$0x3FA6]  }
0x29: {  	s4 =	sld [smem:$0x3FA8]  }
0x2a: {  	p0 =	seq.s32 s5, $0x0;
	s5 =	sld [smem:$0x3FA9]  }
0x2b: {  	s6 =	sld [smem:$0x3FAA]  }
0x2c: {  	s7 =	sld [smem:$0x3FAB]  }
0x2d: {  	s3 =	simm.s32 $0x108;
	s8 =	sld [smem:$0x3FAC]  }
0x2e: {  	s3 =	simm.s32 @!p0 $0x1082;
	s9 =	sld [smem:$0x3FAD]  }
0x2f: {  	lr =	sadd.s32 s0, s3;
	s0 =	sld [smem:$0x3FA4]  }
0x30: {  	s3 =	sld [smem:$0x3FA7]  }
0x31: {  	[smem:$0x3FB0] =	sst s10  }
0x32: {  	s10 =	sld [smem:$0x3FAE];
	_ =	sdelay $0x3  }
0x33: {  	p0 =	seq.s32 s10, $0x1;
	s10 =	sld [smem:$0x3FB0];
	_ =	sdelay $0x3  }
0x34: {  	[smem:$0x3FB0] =	sst s10  }
0x35: {  	s10 =	sld [smem:$0x3FAF];
	_ =	sdelay $0x3  }
0x36: {  	p1 =	seq.s32 s10, $0x1;
	s10 =	sld [smem:$0x3FB0];
	_ =	sdelay $0x3  }
0x37: {  	[smem:$0x3FB0] =	sst s10  }
0x38: {  	s10 =	sld [smem:$0x3FB1]  }
0x39: {  	_ = 	snop;
	(pc) =	sbr.ind lr, $3  }
0x3a: {  	_ = 	snop  }
0x3b: {  	_ = 	snop  }
0x3c: {  	p2 =	seq.s32 s10, $0x1;
	s10 =	sld [smem:$0x3FB0]  }
0x3d: {  	_ =	shalt  }
0x3e: {  	_ =	shalt  }
0x3f: {  	_ =	shalt  }
0x40: {  	_ =	shalt  }
0x41: {  	_ =	shalt  }
0x42: {  	_ =	shalt  }
0x43: {  	_ =	shalt  }
0x44: {  	_ =	shalt  }
0x45: {  	_ =	shalt  }
0x46: {  	_ =	shalt  }
0x47: {  	_ =	shalt  }
0x48: {  	_ =	shalt  }
0x49: {  	_ =	shalt  }
0x4a: {  	_ =	shalt  }
0x4b: {  	_ =	shalt  }
0x4c: {  	_ =	shalt  }
0x4d: {  	_ =	shalt  }
0x4e: {  	_ =	shalt  }
0x4f: {  	_ =	shalt  }
0x50: {  	_ =	shalt  }
0x51: {  	_ =	shalt  }
0x52: {  	_ =	shalt  }
0x53: {  	_ =	shalt  }
0x54: {  	_ =	shalt  }
0x55: {  	_ =	shalt  }
0x56: {  	_ =	shalt  }
0x57: {  	_ =	shalt  }
0x58: {  	_ =	shalt  }
0x59: {  	_ =	shalt  }
0x5a: {  	_ =	shalt  }
0x5b: {  	_ =	shalt  }
0x5c: {  	_ =	shalt  }
0x5d: {  	_ =	shalt  }
0x5e: {  	_ =	shalt  }
0x5f: {  	_ =	shalt  }
0x60: {  	_ =	shalt  }
0x61: {  	_ =	shalt  }
0x62: {  	_ =	shalt  }
0x63: {  	_ =	shalt  }
0x64: {  	_ =	shalt  }
0x65: {  	_ =	shalt  }
0x66: {  	_ =	shalt  }
0x67: {  	_ =	shalt  }
0x68: {  	_ =	shalt  }
0x69: {  	_ =	shalt  }
0x6a: {  	_ =	shalt  }
0x6b: {  	_ =	shalt  }
0x6c: {  	_ =	shalt  }
0x6d: {  	_ =	shalt  }
0x6e: {  	_ =	shalt  }
0x6f: {  	_ =	shalt  }
0x70: {  	_ =	shalt  }
0x71: {  	_ =	shalt  }
0x72: {  	_ =	shalt  }
0x73: {  	_ =	shalt  }
0x74: {  	_ =	shalt  }
0x75: {  	_ =	shalt  }
0x76: {  	_ =	shalt  }
0x77: {  	_ =	shalt  }
0x78: {  	_ =	shalt  }
0x79: {  	_ =	shalt  }
0x7a: {  	_ =	shalt  }
0x7b: {  	_ =	shalt  }
0x7c: {  	_ =	shalt  }
0x7d: {  	_ =	shalt  }
0x7e: {  	_ =	shalt  }
0x7f: {  	_ =	shalt  }
0x80: {  	_ =	shalt  }
0x81: {  	_ =	shalt  }
0x82: {  	_ =	shalt  }
0x83: {  	_ =	shalt  }
0x84: {  	_ =	shalt  }
0x85: {  	_ =	shalt  }
0x86: {  	_ =	shalt  }
0x87: {  	_ =	shalt  }
.Lfunc_end0:
.L_simem_size_0:
called_computation.1_lowered:
.L_overlay_start_0:
0x88: {  	s2 =	sld [smem:$0x3FD9]  }
0x89: {  	s3 =	sld [smem:$0x3FFE];
	_ =	sdelay $0x1  }
0x8a: {  	s1 =	srdreg.scid  }
0x8b: {  	s0 =	sand.u32 $0x1, s1  }
0x8c: {  	s17 =	sshll.u32 s0, $0xA;
	s2 =	sadd.s32 s3, s2  }
0x8d: {  	s2 =	sadd.s32 s2, s17  }
0x8e: {  	[smem:$0x3FBC] =	sst s2  }
0x8f: {  	_ = 	snop  }
0x90: {  	s2 =	sld [smem:$0x3FD0];
	(tm) =	ssettm $0x1  }
0x91: {  	s18 =	sld [smem:$0x3FFB];
	_ =	sdelay $0x3  }
0x92: {  	_ =	strace s18  }
0x93: {  	s3 =	sld [smem:$0x3FFC];
	_ =	sdelay $0x3  }
0x94: {  	_ =	strace s3  }
0x95: {  	s3 =	sld [smem:$0x3FFD];
	_ =	sdelay $0x3  }
0x96: {  	_ =	strace s3  }
0x97: {  	_ =	strace $0x8FFFFFFF  }
0x98: {  	s19 =	sld [smem:$0x3FDB];
	_ =	sdelay $0x1  }
0x99: {  	s4 =	simm.s32 $_scs_section_size  }
0x9a: {  	s5 =	simm.s32 $_size__tile_overlayer_lowered;
	s6 =	simm.s32 $_tile_overlayer_lowered  }
0x9b: {  	s22 =	simm.s32 $0x1BFF;
	s21 =	sshll.u32 s6, $0x1;
	s3 =	sadd.s32 s4, s19  }
0x9c: {  	s7 =	simm.s32 $0x0;
	s20 =	sshll.u32 s5, $0x1;
	s5 =	sadd.s32 s21, s3  }
0x9d: {  	[timem:s7], [sflag:s22] =	dma.local [hbm:s5], s20  }
0x9e: {  	_ =	swait.ge [sflag:s22], s20  }
0x9f: {  	s4 =	ssub.s32 $0x0, s20;
	[sflag:s22] =	ssyncset.done $0x0  }
0xa0: {  	[sflag:s22] =	ssyncadd.s32 s4;
	_ =	sdelay $0x1  }
0xa1: {  	s23 =	simm.s32 $0x1B8B  }
0xa2: {  	_ =	swait.ge [sflag:s23], $0x1  }
0xa3: {  	[sflag:s23] =	ssyncset.done $0x0  }
0xa4: {  	s25 =	simm.s32 $0x1B8E;
	s24 =	sld [smem:$0x3FFE];
	[sflag:s23] =	ssyncadd.s32 $0xFFFFFFFF  }
0xa5: {  	s26 =	simm.s32 $execute0_lowered;
	[smem:$0x3FD2] =	sst s25  }
0xa6: {  	s5 =	sshll.u32 s26, $0x1;
	_ =	strace $0x80000049;
	[dreg:$0x1] =	wrdreg $0xFFFFFFFF  }
0xa7: {  	s28 =	simm.s32 $_size_execute0_lowered;
	s3 =	sadd.s32 s3, s5;
	[dreg:$0x0] =	wrdreg $0x0  }
0xa8: {  	s5 =	sshll.u32 s28, $0x1;
	[dreg:$0x2] =	wrdreg s3  }
0xa9: {  	[dreg:$0x3] =	wrdreg s5  }
0xaa: {  	[dreg:$0x4] =	wrdreg $0xC0  }
0xab: {  	_ =	task [dreg:s7], $0x5FFFF  }
0xac: {  	[dreg:$0x1] =	wrdreg $0xFFFFFFFF  }
0xad: {  	[dreg:$0x0] =	wrdreg $0x60  }
0xae: {  	[dreg:$0x2] =	wrdreg s2  }
0xaf: {  	[dreg:$0x3] =	wrdreg s24  }
0xb0: {  	[dreg:$0x4] =	wrdreg $0x7E000  }
0xb1: {  	[dreg:$0x5] =	wrdreg $0x9  }
0xb2: {  	_ =	task.clear_ibuf [dreg:s7], $0x6FFFF;
	_ =	strace $0x90000049  }
0xb3: {  	s29 =	simm.s32 $0x9;
	_ =	strace $0x8000004B  }
0xb4: {  	_ =	swait.ge [sflag:s29], $0x1  }
0xb5: {  	[sflag:s29] =	ssyncadd.s32 $0xFFFFFFFF  }
0xb6: {  	_ =	strace $0x9000004B  }
0xb7: {  	_ =	sfence  }
0xb8: {  	s30 =	sld [smem:$0x0];
	_ =	sdelay $0x2  }
0xb9: {  	s31 =	sshll.u32 s1, $0xD;
	s1 =	sshrl.u32 s1, $0x2  }
0xba: {  	s3 =	sand.u32 $0x4000, s31;
	s1 =	sadd.s32 s1, s30  }
0xbb: {  	s0 =	sor.u32 s3, s0;
	s1 =	sshll.u32 s1, $0x11  }
0xbc: {  	s0 =	sor.u32 s1, s0  }
0xbd: {  	s0 =	sadd.s32 $0x8F2B, s0  }
0xbe: {  	[sflag:s0] =	ssyncadd.remote.s32 $0x1  }
0xbf: {  	_ =	sfence.sel $0xFFFF  }
0xc0: {  	[dreg:$0x0] =	wrdreg $0xFFFFFFFF;
	(pc) =	sbr.abs _section_cstart, $3  }
0xc1: {  	[dreg:$0x1] =	wrdreg $0xFFFFFFFF  }
0xc2: {  	_ =	task.clear_ibuf [dreg:s7], $0x2FFFF;
	_ =	strace $0x9FFFFFFF  }
0xc3: {  	(tm) =	ssettm $0x7FFFFFFF  }
tec
execute0_lowered:
.L_overlay_start_1:
0x0: {  	(tag) =	ssettag $0x1  }
0x1: {  	s0 =	rddreg [dreg:$0x0]  }
0x2: {  	s1 =	rddreg [dreg:$0x1];
	s2 =	srdreg.scid  }
0x3: {  	s3 =	rddreg [dreg:$0x2];
	s10 =	stileid.u32;
	s4 =	simm.s32 $0x0  }
0x4: {  	s28 =	simm.s32 $0x300;
	s29 =	simm.s32 $0x400;
	s6 =	smul.u32 $0x14000, s10  }
0x5: {  	s30 =	simm.s32 $0x500;
	s31 =	simm.s32 $0x1;
	s7 =	smul.u32 $0x50000, s10  }
0x6: {  	s2 =	sand.u32 $0x1, s2;
	[smem:$0x7FF] =	sst s4;
	s20 =	smul.u32 $0xFC00, s10  }
0x7: {  	s8 =	sshll.u32 s10, $0x1;
	s10 =	simm.s32 $0x7;
	s5 =	smul.u32 $0x140000, s2  }
0x8: {  	s16 =	ssub.s32 $0x2, s2;
	s8 =	sor.u32 s2, s8;
	s2 =	smul.u32 $0x7E00, s2  }
0x9: {  	_ =	strace $0x8000004A;
	s9 =	sshrl.u32 s16, $0x1;
	s7 =	sshrl.u32 s7, $0x2  }
0xa: {  	s17 =	smul.u32 $0x7E00, s8;
	s6 =	sadd.s32 s6, s5;
	s2 =	sadd.s32 s2, s20  }
0xb: {  	s5 =	sadd.s32 $0x2A00, s1;
	s6 =	sshrl.u32 s6, $0x3;
	s11 =	sadd.s32 $0xB00, s2  }
0xc: {  	s1 =	sadd.s32 s6, s1;
	s6 =	ssub.s32 s16, s9;
	s16 =	sadd.s32 s7, s3  }
0xd: {  	s13 =	sadd.s32 $0xA00, s2;
	s18 =	sadd.s32 $0x2800, s16;
	[dreg:$0x9] =	wrdreg s16  }
0xe: {  	s20 =	sadd.s32 $0x700, s2;
	s19 =	sadd.s32 $0x5000, s16;
	[dreg:$0xa] =	wrdreg s18  }
0xf: {  	s7 =	sshrl.u32 s17, $0x3;
	s21 =	sadd.s32 $0x7800, s16;
	[dreg:$0xb] =	wrdreg s19  }
0x10: {  	s8 =	sshrl.u32 s13, $0x3;
	s22 =	sadd.s32 $0xA000, s16;
	[dreg:$0xc] =	wrdreg s21  }
0x11: {  	s17 =	sadd.s32 $0x900, s2;
	s23 =	sadd.s32 $0xC800, s16;
	[dreg:$0xd] =	wrdreg s22  }
0x12: {  	s24 =	sadd.s32 $0xF000, s16;
	s25 =	sadd.s32 $0x11800, s16;
	[dreg:$0xe] =	wrdreg s23  }
0x13: {  	s26 =	sadd.s32 s5, s7;
	s15 =	sadd.s32 s8, s5;
	[dreg:$0xf] =	wrdreg s24  }
0x14: {  	s1 =	sadd.s32 $0x22200, s1;
	[dreg:$0x10] =	wrdreg s25;
	s7 =	sadd.s32 $0x20, s26  }
0x15: {  	s9 =	sadd.s32 $0x40, s26;
	s12 =	sadd.s32 $0x60, s26;
	[dreg:$0x5] =	wrdreg s15  }
0x16: {  	s14 =	sadd.s32 $0x80, s26;
	s18 =	sshrl.u32 s17, $0x3;
	[dreg:$0x11] =	wrdreg s26  }
0x17: {  	s19 =	sadd.s32 $0x800, s2;
	s22 =	sshrl.u32 s20, $0x3;
	[dreg:$0x17] =	wrdreg s1  }
0x18: {  	s23 =	sadd.s32 $0xA0, s26;
	s25 =	smax.u32 s6, $0x1;
	[dreg:$0x12] =	wrdreg s7  }
0x19: {  	s26 =	sadd.s32 $0x600, s2;
	s1 =	simm.s32 $0x50;
	[dreg:$0x13] =	wrdreg s9  }
0x1a: {  	s2 =	simm.s32 $0x2;
	s15 =	simm.s32 $0x9;
	[dreg:$0x14] =	wrdreg s12  }
0x1b: {  	s17 =	simm.s32 $0xA;
	s20 =	simm.s32 $0x5;
	[dreg:$0x15] =	wrdreg s14  }
0x1c: {  	s6 =	simm.s32 $0x0;
	s7 =	sshrl.u32 s11, $0x3;
	[dreg:$0x16] =	wrdreg s23  }
0x1d: {  	s8 =	sshrl.u32 s19, $0x3;
	s24 =	sadd.s32 s22, s5;
	[dreg:$0x18] =	wrdreg s25  }
0x1e: {  	[dreg:$0x19] =	wrdreg s26;
	s23 =	simm.s32 $0x600;
	s22 =	simm.s32 $0xD  }
0x1f: {  	s25 =	simm.s32 $0x100;
	s26 =	simm.s32 $0x200;
	s9 =	simm.s32 $0x5600  }
0x20: {  	s12 =	simm.s32 $0x8;
	s19 =	simm.s32 $0xB;
	s14 =	simm.s32 $0x6  }
0x21: {  	s7 =	sadd.s32 s7, s5;
	s21 =	sadd.s32 s8, s5;
	[dreg:$0x8] =	wrdreg s24  }
0x22: {  	s8 =	simm.s32 $0x3;
	s24 =	simm.s32 $0x480;
	[dreg:$0x4] =	wrdreg s7  }
0x23: {  	s7 =	sadd.s32 s18, s5;
	[dreg:$0x7] =	wrdreg s21;
	s18 =	simm.s32 $0x4  }
0x24: {  	v0 =	vimm.f32 $0.0e+00;
	s21 =	simm.s32 $0xC;
	[dreg:$0x6] =	wrdreg s7;
	s7 =	simm.s32 $0x2E00  }
.LBB2_1:
0x25: {  	[dreg:$0x1a] =	wrdreg s6;
	s11 =	simm.s32 $0x0;
	s13 =	simm.s32 $0x200  }
.LBB2_2:
0x26: {  	p0 =	sne.s32 s13, $0x9E00;
	[tilespmem:s11+$0x670] =	vst v0  }
0x27: {  	[tilespmem:s11+$0x600] =	vst v0  }
0x28: {  	[tilespmem:s11+$0x610] =	vst v0  }
.Ltmp0:
0x29: {  	[tilespmem:s11+$0x620] =	vst v0;
	(pc) =	sbr.rel @p0 .LBB2_2-.Ltmp0, $4  }
0x2a: {  	[tilespmem:s11+$0x630] =	vst v0  }
0x2b: {  	[tilespmem:s11+$0x640] =	vst v0  }
0x2c: {  	[tilespmem:s11+$0x650] =	vst v0  }
0x2d: {  	[tilespmem:s11+$0x660] =	vst v0;
	s11 =	sshra.s32 s13, $0x2;
	s13 =	sadd.s32 $0x200, s13  }
0x2e: {  	[tilespmem:s11+$0x670] =	vst v0  }
0x2f: {  	[tilespmem:s11+$0x600] =	vst v0  }
0x30: {  	[tilespmem:s11+$0x610] =	vst v0  }
0x31: {  	[tilespmem:s11+$0x620] =	vst v0  }
0x32: {  	[tilespmem:s11+$0x630] =	vst v0  }
0x33: {  	[tilespmem:s11+$0x640] =	vst v0  }
0x34: {  	[tilespmem:s11+$0x650] =	vst v0  }
0x35: {  	[tilespmem:s11+$0x660] =	vst v0  }
0x36: {  	[spmem:s16] =	stream.linear.scatter [tilespmem:s23], [sflag:$0xD], $0x2800, $0x38;
	[tilespmem:$0x1BE00] =	vst v63  }
0x37: {  	_ =	swait.ge [sflag:s22], $0x2800  }
0x38: {  	[sflag:s22] =	ssyncset.done $0x0  }
0x39: {  	s16 =	rddreg [dreg:$0xa];
	[sflag:s22] =	ssyncadd.s32 $0xFFFFD800  }
0x3a: {  	[spmem:s16] =	stream.linear.scatter [tilespmem:s23], [sflag:$0xD], $0x2800, $0x38;
	[tilespmem:$0x1BE00] =	vst v63  }
0x3b: {  	_ =	swait.ge [sflag:s22], $0x2800  }
0x3c: {  	[sflag:s22] =	ssyncset.done $0x0  }
0x3d: {  	s6 =	rddreg [dreg:$0xb];
	[sflag:s22] =	ssyncadd.s32 $0xFFFFD800  }
0x3e: {  	[spmem:s6] =	stream.linear.scatter [tilespmem:s23], [sflag:$0xD], $0x2800, $0x38;
	[tilespmem:$0x1BE00] =	vst v63  }
0x3f: {  	_ =	swait.ge [sflag:s22], $0x2800  }
0x40: {  	[sflag:s22] =	ssyncset.done $0x0  }
0x41: {  	s13 =	rddreg [dreg:$0xc];
	[sflag:s22] =	ssyncadd.s32 $0xFFFFD800  }
0x42: {  	[spmem:s13] =	stream.linear.scatter [tilespmem:s23], [sflag:$0xD], $0x2800, $0x38;
	[tilespmem:$0x1BE00] =	vst v63  }
0x43: {  	_ =	swait.ge [sflag:s22], $0x2800  }
0x44: {  	[sflag:s22] =	ssyncset.done $0x0  }
0x45: {  	s16 =	rddreg [dreg:$0xd];
	[sflag:s22] =	ssyncadd.s32 $0xFFFFD800  }
0x46: {  	[spmem:s16] =	stream.linear.scatter [tilespmem:s23], [sflag:$0xD], $0x2800, $0x38;
	[tilespmem:$0x1BE00] =	vst v63  }
0x47: {  	_ =	swait.ge [sflag:s22], $0x2800  }
0x48: {  	[sflag:s22] =	ssyncset.done $0x0  }
0x49: {  	s6 =	rddreg [dreg:$0xe];
	[sflag:s22] =	ssyncadd.s32 $0xFFFFD800  }
0x4a: {  	[spmem:s6] =	stream.linear.scatter [tilespmem:s23], [sflag:$0xD], $0x2800, $0x38;
	[tilespmem:$0x1BE00] =	vst v63  }
0x4b: {  	_ =	swait.ge [sflag:s22], $0x2800  }
0x4c: {  	[sflag:s22] =	ssyncset.done $0x0  }
0x4d: {  	s13 =	rddreg [dreg:$0xf];
	[sflag:s22] =	ssyncadd.s32 $0xFFFFD800  }
0x4e: {  	[spmem:s13] =	stream.linear.scatter [tilespmem:s23], [sflag:$0xD], $0x2800, $0x38;
	[tilespmem:$0x1BE00] =	vst v63  }
0x4f: {  	_ =	swait.ge [sflag:s22], $0x2800  }
0x50: {  	[sflag:s22] =	ssyncset.done $0x0  }
0x51: {  	s16 =	rddreg [dreg:$0x10];
	[sflag:s22] =	ssyncadd.s32 $0xFFFFD800  }
0x52: {  	[spmem:s16] =	stream.linear.scatter [tilespmem:s23], [sflag:$0xD], $0x2800, $0x38;
	[tilespmem:$0x1BE00] =	vst v63  }
0x53: {  	_ =	swait.ge [sflag:s22], $0x2800  }
0x54: {  	[sflag:s22] =	ssyncset.done $0x0  }
0x55: {  	[sflag:s22] =	ssyncadd.s32 $0xFFFFD800  }
0x56: {  	[bflag:$0x0] =	sbarrier.arrive $0xFFFF  }
0x57: {  	s11 =	simm.s32 $0x0;
	s13 =	rddreg [dreg:$0x11]  }
0x58: {  	[tilespmem:s11], [sflag:$0x1] =	stream.linear.gather [hbm4b:s13+s11], $0x100, $0x38;
	[tilespmem:$0x1BE00] =	vst v63  }
0x59: {  	s22 =	rddreg [dreg:$0x12]  }
0x5a: {  	[tilespmem:s25], [sflag:$0x2] =	stream.linear.gather [hbm4b:s22+s11], $0x100, $0x38;
	[tilespmem:$0x1BE00] =	vst v63  }
0x5b: {  	s6 =	rddreg [dreg:$0x13]  }
0x5c: {  	[tilespmem:s26], [sflag:$0x3] =	stream.linear.gather [hbm4b:s6+s11], $0x100, $0x38;
	[tilespmem:$0x1BE00] =	vst v63  }
0x5d: {  	s16 =	rddreg [dreg:$0x14]  }
0x5e: {  	[tilespmem:s28], [sflag:$0x4] =	stream.linear.gather [hbm4b:s16+s11], $0x100, $0x38;
	[tilespmem:$0x1BE00] =	vst v63  }
0x5f: {  	s22 =	rddreg [dreg:$0x15]  }
0x60: {  	[tilespmem:s29], [sflag:$0x5] =	stream.linear.gather [hbm4b:s22+s11], $0x100, $0x38;
	[tilespmem:$0x1BE00] =	vst v63  }
0x61: {  	s6 =	rddreg [dreg:$0x16]  }
0x62: {  	[tilespmem:s30], [sflag:$0x6] =	stream.linear.gather [hbm4b:s6+s11], $0x100, $0x38;
	[tilespmem:$0x1BE00] =	vst v63  }
0x63: {  	_ =	swait.ge [sflag:s31], $0x100  }
0x64: {  	[sflag:s31] =	ssyncset.done $0x0  }
0x65: {  	[sflag:s31] =	ssyncadd.s32 $0xFFFFFF00  }
0x66: {  	[tilespmem:s23], [sflag:$0x7] =	stream.indirect.gather [hbm4b:s0+s1], $0x80, s11, s1, $0xb8;
	[tilespmem:$0x1BE00] =	vst v63  }
0x67: {  	_ =	swait.ge [sflag:s2], $0x100  }
0x68: {  	[sflag:s2] =	ssyncset.done $0x0  }
0x69: {  	[sflag:s2] =	ssyncadd.s32 $0xFFFFFF00  }
0x6a: {  	[tilespmem:s7], [sflag:$0x8] =	stream.indirect.gather [hbm4b:s0+s1], $0x80, s25, s1, $0xb8;
	[tilespmem:$0x1BE00] =	vst v63  }
0x6b: {  	_ =	swait.ge [sflag:s8], $0x100  }
0x6c: {  	[sflag:s8] =	ssyncset.done $0x0  }
0x6d: {  	[sflag:s8] =	ssyncadd.s32 $0xFFFFFF00  }
0x6e: {  	[tilespmem:s9], [sflag:$0x9] =	stream.indirect.gather [hbm4b:s0+s1], $0x80, s26, s1, $0xb8;
	[tilespmem:$0x1BE00] =	vst v63  }
0x6f: {  	_ =	swait.ge [sflag:s10], $0x2800  }
0x70: {  	[sflag:s10] =	ssyncset.done $0x0  }
0x71: {  	s22 =	simm.s32 $0x80;
	[sflag:s10] =	ssyncadd.s32 $0xFFFFD800  }
0x72: {  	[spmem:s3] =	stream.indirect.scatter.add.f32 [tilespmem:s23], [sflag:$0xA], $0x80, s22, s1, $0xb8;
	[tilespmem:$0x1BE00] =	vst v63  }
0x73: {  	_ =	swait.ge [sflag:s12], $0x2800  }
0x74: {  	[sflag:s12] =	ssyncset.done $0x0  }
0x75: {  	s6 =	simm.s32 $0x180;
	[sflag:s12] =	ssyncadd.s32 $0xFFFFD800  }
0x76: {  	[spmem:s3] =	stream.indirect.scatter.add.f32 [tilespmem:s7], [sflag:$0xB], $0x80, s6, s1, $0xb8;
	[tilespmem:$0x1BE00] =	vst v63  }
0x77: {  	_ =	swait.ge [sflag:s15], $0x2800  }
0x78: {  	[sflag:s15] =	ssyncset.done $0x0  }
0x79: {  	s16 =	simm.s32 $0x280;
	[sflag:s15] =	ssyncadd.s32 $0xFFFFD800  }
0x7a: {  	[spmem:s3] =	stream.indirect.scatter.add.f32 [tilespmem:s9], [sflag:$0xC], $0x80, s16, s1, $0xb8;
	[tilespmem:$0x1BE00] =	vst v63  }
0x7b: {  	_ =	swait.ge [sflag:s17], $0x2800  }
0x7c: {  	s13 =	rddreg [dreg:$0x19]  }
0x7d: {  	[sflag:s17] =	ssyncset.done $0x0;
	s6 =	sshrl.u32 s13, $0x3  }
0x7e: {  	[sflag:s17] =	ssyncadd.s32 $0xFFFFD800;
	s11 =	sadd.s32 s5, s6  }
0x7f: {  	[tilespmem:s4], [sflag:$0x1] =	stream.linear.gather [hbm4b:s11+s4], $0x100, $0x38;
	[tilespmem:$0x1BE00] =	vst v63  }
0x80: {  	_ =	swait.ge [sflag:s18], $0x100  }
0x81: {  	[sflag:s18] =	ssyncset.done $0x0  }
0x82: {  	[sflag:s18] =	ssyncadd.s32 $0xFFFFFF00  }
0x83: {  	[tilespmem:s23], [sflag:$0x7] =	stream.indirect.gather [hbm4b:s0+s1], $0x80, s28, s1, $0xb8;
	[tilespmem:$0x1BE00] =	vst v63  }
0x84: {  	_ =	swait.ge [sflag:s19], $0x2800  }
0x85: {  	s16 =	rddreg [dreg:$0x8];
	[sflag:s19] =	ssyncset.done $0x0  }
0x86: {  	[sflag:s19] =	ssyncadd.s32 $0xFFFFD800;
	s11 =	sadd.s32 $0x0, s16  }
0x87: {  	[tilespmem:s25], [sflag:$0x2] =	stream.linear.gather [hbm4b:s11+s4], $0x100, $0x38;
	[tilespmem:$0x1BE00] =	vst v63  }
0x88: {  	_ =	swait.ge [sflag:s20], $0x100  }
0x89: {  	[sflag:s20] =	ssyncset.done $0x0  }
0x8a: {  	[sflag:s20] =	ssyncadd.s32 $0xFFFFFF00  }
0x8b: {  	[tilespmem:s7], [sflag:$0x8] =	stream.indirect.gather [hbm4b:s0+s1], $0x80, s29, s1, $0xb8;
	[tilespmem:$0x1BE00] =	vst v63  }
0x8c: {  	_ =	swait.ge [sflag:s21], $0x2800  }
0x8d: {  	s6 =	rddreg [dreg:$0x7];
	[sflag:s21] =	ssyncset.done $0x0  }
0x8e: {  	[sflag:s21] =	ssyncadd.s32 $0xFFFFD800;
	s11 =	sadd.s32 $0x0, s6  }
0x8f: {  	[tilespmem:s26], [sflag:$0x3] =	stream.linear.gather [hbm4b:s11+s4], $0x100, $0x38;
	[tilespmem:$0x1BE00] =	vst v63  }
0x90: {  	_ =	swait.ge [sflag:s14], $0x100  }
0x91: {  	[sflag:s14] =	ssyncset.done $0x0  }
0x92: {  	[sflag:s14] =	ssyncadd.s32 $0xFFFFFF00  }
0x93: {  	[tilespmem:s9], [sflag:$0x9] =	stream.indirect.gather [hbm4b:s0+s1], $0x80, s30, s1, $0xb8;
	[tilespmem:$0x1BE00] =	vst v63  }
0x94: {  	_ =	swait.ge [sflag:s10], $0x2800  }
0x95: {  	[sflag:s10] =	ssyncset.done $0x0  }
0x96: {  	s6 =	simm.s32 $0x380;
	[sflag:s10] =	ssyncadd.s32 $0xFFFFD800  }
0x97: {  	[spmem:s3] =	stream.indirect.scatter.add.f32 [tilespmem:s23], [sflag:$0xA], $0x80, s6, s1, $0xb8;
	[tilespmem:$0x1BE00] =	vst v63  }
0x98: {  	_ =	swait.ge [sflag:s12], $0x2800  }
0x99: {  	[sflag:s12] =	ssyncset.done $0x0  }
0x9a: {  	[sflag:s12] =	ssyncadd.s32 $0xFFFFD800  }
0x9b: {  	[spmem:s3] =	stream.indirect.scatter.add.f32 [tilespmem:s7], [sflag:$0xB], $0x80, s24, s1, $0xb8;
	[tilespmem:$0x1BE00] =	vst v63  }
0x9c: {  	_ =	swait.ge [sflag:s15], $0x2800  }
0x9d: {  	[sflag:s15] =	ssyncset.done $0x0  }
0x9e: {  	s16 =	simm.s32 $0x580;
	[sflag:s15] =	ssyncadd.s32 $0xFFFFD800  }
0x9f: {  	[spmem:s3] =	stream.indirect.scatter.add.f32 [tilespmem:s9], [sflag:$0xC], $0x80, s16, s1, $0xb8;
	[tilespmem:$0x1BE00] =	vst v63  }
0xa0: {  	_ =	swait.ge [sflag:s17], $0x2800  }
0xa1: {  	s16 =	rddreg [dreg:$0x6];
	[sflag:s17] =	ssyncset.done $0x0  }
0xa2: {  	[sflag:s17] =	ssyncadd.s32 $0xFFFFD800;
	s11 =	sadd.s32 $0x0, s16  }
0xa3: {  	[tilespmem:s28], [sflag:$0x4] =	stream.linear.gather [hbm4b:s11+s4], $0x100, $0x38;
	[tilespmem:$0x1BE00] =	vst v63  }
0xa4: {  	_ =	swait.ge [sflag:s31], $0x100  }
0xa5: {  	[sflag:s31] =	ssyncset.done $0x0  }
0xa6: {  	[sflag:s31] =	ssyncadd.s32 $0xFFFFFF00  }
0xa7: {  	[tilespmem:s23], [sflag:$0x7] =	stream.indirect.gather [hbm4b:s0+s1], $0x80, s4, s1, $0xb8;
	[tilespmem:$0x1BE00] =	vst v63  }
0xa8: {  	_ =	swait.ge [sflag:s19], $0x2800  }
0xa9: {  	s16 =	rddreg [dreg:$0x5];
	[sflag:s19] =	ssyncset.done $0x0  }
0xaa: {  	[sflag:s19] =	ssyncadd.s32 $0xFFFFD800;
	s11 =	sadd.s32 $0x0, s16  }
0xab: {  	[tilespmem:s29], [sflag:$0x5] =	stream.linear.gather [hbm4b:s11+s4], $0x100, $0x38;
	[tilespmem:$0x1BE00] =	vst v63  }
0xac: {  	_ =	swait.ge [sflag:s2], $0x100  }
0xad: {  	[sflag:s2] =	ssyncset.done $0x0  }
0xae: {  	[sflag:s2] =	ssyncadd.s32 $0xFFFFFF00  }
0xaf: {  	[tilespmem:s7], [sflag:$0x8] =	stream.indirect.gather [hbm4b:s0+s1], $0x80, s25, s1, $0xb8;
	[tilespmem:$0x1BE00] =	vst v63  }
0xb0: {  	_ =	swait.ge [sflag:s21], $0x2800  }
0xb1: {  	s16 =	rddreg [dreg:$0x4];
	[sflag:s21] =	ssyncset.done $0x0  }
0xb2: {  	[sflag:s21] =	ssyncadd.s32 $0xFFFFD800;
	s11 =	sadd.s32 $0x0, s16  }
0xb3: {  	[tilespmem:s30], [sflag:$0x6] =	stream.linear.gather [hbm4b:s11+s4], $0x100, $0x38;
	[tilespmem:$0x1BE00] =	vst v63  }
0xb4: {  	_ =	swait.ge [sflag:s8], $0x100  }
0xb5: {  	[sflag:s8] =	ssyncset.done $0x0  }
0xb6: {  	s13 =	sadd.s32 $0x600, s13;
	s11 =	simm.s32 $0xC0;
	[sflag:s8] =	ssyncadd.s32 $0xFFFFFF00  }
.LBB2_4:
0xb7: {  	[tilespmem:s9], [sflag:$0x9] =	stream.indirect.gather [hbm4b:s0+s1], $0x80, s26, s1, $0xb8;
	[tilespmem:$0x1BE00] =	vst v63  }
0xb8: {  	_ =	swait.ge [sflag:s10], $0x2800  }
0xb9: {  	[sflag:s10] =	ssyncset.done $0x0  }
0xba: {  	[sflag:s10] =	ssyncadd.s32 $0xFFFFD800  }
0xbb: {  	[spmem:s3] =	stream.indirect.scatter.add.f32 [tilespmem:s23], [sflag:$0xA], $0x80, s22, s1, $0xb8;
	[tilespmem:$0x1BE00] =	vst v63  }
0xbc: {  	_ =	swait.ge [sflag:s12], $0x2800  }
0xbd: {  	[sflag:s12] =	ssyncset.done $0x0  }
0xbe: {  	s22 =	simm.s32 $0x180;
	[sflag:s12] =	ssyncadd.s32 $0xFFFFD800  }
0xbf: {  	[spmem:s3] =	stream.indirect.scatter.add.f32 [tilespmem:s7], [sflag:$0xB], $0x80, s22, s1, $0xb8;
	[tilespmem:$0x1BE00] =	vst v63  }
0xc0: {  	_ =	swait.ge [sflag:s15], $0x2800  }
0xc1: {  	[sflag:s15] =	ssyncset.done $0x0  }
0xc2: {  	s22 =	simm.s32 $0x280;
	[sflag:s15] =	ssyncadd.s32 $0xFFFFD800  }
0xc3: {  	[spmem:s3] =	stream.indirect.scatter.add.f32 [tilespmem:s9], [sflag:$0xC], $0x80, s22, s1, $0xb8;
	[tilespmem:$0x1BE00] =	vst v63  }
0xc4: {  	_ =	swait.ge [sflag:s17], $0x2800  }
0xc5: {  	s22 =	sshrl.u32 s13, $0x3;
	[sflag:s17] =	ssyncset.done $0x0  }
0xc6: {  	s22 =	sadd.s32 s5, s22;
	[sflag:s17] =	ssyncadd.s32 $0xFFFFD800  }
0xc7: {  	[tilespmem:s4], [sflag:$0x1] =	stream.linear.gather [hbm4b:s22+s4], $0x100, $0x38;
	[tilespmem:$0x1BE00] =	vst v63  }
0xc8: {  	_ =	swait.ge [sflag:s18], $0x100  }
0xc9: {  	[sflag:s18] =	ssyncset.done $0x0  }
0xca: {  	[sflag:s18] =	ssyncadd.s32 $0xFFFFFF00  }
0xcb: {  	[tilespmem:s23], [sflag:$0x7] =	stream.indirect.gather [hbm4b:s0+s1], $0x80, s28, s1, $0xb8;
	[tilespmem:$0x1BE00] =	vst v63  }
0xcc: {  	_ =	swait.ge [sflag:s19], $0x2800  }
0xcd: {  	s16 =	smov.u32 s11;
	s22 =	rddreg [dreg:$0x8];
	[sflag:s19] =	ssyncset.done $0x0  }
0xce: {  	[sflag:s19] =	ssyncadd.s32 $0xFFFFD800;
	s22 =	sadd.s32 s16, s22  }
0xcf: {  	[tilespmem:s25], [sflag:$0x2] =	stream.linear.gather [hbm4b:s22+s4], $0x100, $0x38;
	[tilespmem:$0x1BE00] =	vst v63  }
0xd0: {  	_ =	swait.ge [sflag:s20], $0x100  }
0xd1: {  	[sflag:s20] =	ssyncset.done $0x0  }
0xd2: {  	[sflag:s20] =	ssyncadd.s32 $0xFFFFFF00  }
0xd3: {  	[tilespmem:s7], [sflag:$0x8] =	stream.indirect.gather [hbm4b:s0+s1], $0x80, s29, s1, $0xb8;
	[tilespmem:$0x1BE00] =	vst v63  }
0xd4: {  	_ =	swait.ge [sflag:s21], $0x2800  }
0xd5: {  	s22 =	rddreg [dreg:$0x7];
	[sflag:s21] =	ssyncset.done $0x0  }
0xd6: {  	[sflag:s21] =	ssyncadd.s32 $0xFFFFD800;
	s22 =	sadd.s32 s16, s22  }
0xd7: {  	[tilespmem:s26], [sflag:$0x3] =	stream.linear.gather [hbm4b:s22+s4], $0x100, $0x38;
	[tilespmem:$0x1BE00] =	vst v63  }
0xd8: {  	_ =	swait.ge [sflag:s14], $0x100  }
0xd9: {  	[sflag:s14] =	ssyncset.done $0x0  }
0xda: {  	[sflag:s14] =	ssyncadd.s32 $0xFFFFFF00  }
0xdb: {  	[tilespmem:s9], [sflag:$0x9] =	stream.indirect.gather [hbm4b:s0+s1], $0x80, s30, s1, $0xb8;
	[tilespmem:$0x1BE00] =	vst v63  }
0xdc: {  	_ =	swait.ge [sflag:s10], $0x2800  }
0xdd: {  	[sflag:s10] =	ssyncset.done $0x0  }
0xde: {  	[sflag:s10] =	ssyncadd.s32 $0xFFFFD800  }
0xdf: {  	[spmem:s3] =	stream.indirect.scatter.add.f32 [tilespmem:s23], [sflag:$0xA], $0x80, s6, s1, $0xb8;
	[tilespmem:$0x1BE00] =	vst v63  }
0xe0: {  	_ =	swait.ge [sflag:s12], $0x2800  }
0xe1: {  	[sflag:s12] =	ssyncset.done $0x0  }
0xe2: {  	[sflag:s12] =	ssyncadd.s32 $0xFFFFD800  }
0xe3: {  	[spmem:s3] =	stream.indirect.scatter.add.f32 [tilespmem:s7], [sflag:$0xB], $0x80, s24, s1, $0xb8;
	[tilespmem:$0x1BE00] =	vst v63  }
0xe4: {  	_ =	swait.ge [sflag:s15], $0x2800  }
0xe5: {  	[sflag:s15] =	ssyncset.done $0x0  }
0xe6: {  	s22 =	simm.s32 $0x580;
	[sflag:s15] =	ssyncadd.s32 $0xFFFFD800  }
0xe7: {  	[spmem:s3] =	stream.indirect.scatter.add.f32 [tilespmem:s9], [sflag:$0xC], $0x80, s22, s1, $0xb8;
	[tilespmem:$0x1BE00] =	vst v63  }
0xe8: {  	_ =	swait.ge [sflag:s17], $0x2800  }
0xe9: {  	s22 =	rddreg [dreg:$0x6];
	[sflag:s17] =	ssyncset.done $0x0  }
0xea: {  	[sflag:s17] =	ssyncadd.s32 $0xFFFFD800;
	s22 =	sadd.s32 s16, s22  }
0xeb: {  	[tilespmem:s28], [sflag:$0x4] =	stream.linear.gather [hbm4b:s22+s4], $0x100, $0x38;
	[tilespmem:$0x1BE00] =	vst v63  }
0xec: {  	_ =	swait.ge [sflag:s31], $0x100  }
0xed: {  	[sflag:s31] =	ssyncset.done $0x0  }
0xee: {  	[sflag:s31] =	ssyncadd.s32 $0xFFFFFF00  }
0xef: {  	[tilespmem:s23], [sflag:$0x7] =	stream.indirect.gather [hbm4b:s0+s1], $0x80, s4, s1, $0xb8;
	[tilespmem:$0x1BE00] =	vst v63  }
0xf0: {  	_ =	swait.ge [sflag:s19], $0x2800  }
0xf1: {  	s22 =	rddreg [dreg:$0x5];
	[sflag:s19] =	ssyncset.done $0x0  }
0xf2: {  	[sflag:s19] =	ssyncadd.s32 $0xFFFFD800;
	s22 =	sadd.s32 s16, s22  }
0xf3: {  	[tilespmem:s29], [sflag:$0x5] =	stream.linear.gather [hbm4b:s22+s4], $0x100, $0x38;
	[tilespmem:$0x1BE00] =	vst v63  }
0xf4: {  	_ =	swait.ge [sflag:s2], $0x100  }
0xf5: {  	[sflag:s2] =	ssyncset.done $0x0  }
0xf6: {  	[sflag:s2] =	ssyncadd.s32 $0xFFFFFF00  }
0xf7: {  	[tilespmem:s7], [sflag:$0x8] =	stream.indirect.gather [hbm4b:s0+s1], $0x80, s25, s1, $0xb8;
	[tilespmem:$0x1BE00] =	vst v63  }
0xf8: {  	_ =	swait.ge [sflag:s21], $0x2800  }
0xf9: {  	p0 =	sne.s32 s11, $0xE40;
	s22 =	rddreg [dreg:$0x4];
	[sflag:s21] =	ssyncset.done $0x0  }
.Ltmp1:
0xfa: {  	[sflag:s21] =	ssyncadd.s32 $0xFFFFD800;
	s16 =	sadd.s32 s16, s22;
	(pc) =	sbr.rel @p0 .LBB2_4-.Ltmp1, $4  }
0xfb: {  	[tilespmem:s30], [sflag:$0x6] =	stream.linear.gather [hbm4b:s16+s4], $0x100, $0x38;
	[tilespmem:$0x1BE00] =	vst v63  }
0xfc: {  	_ =	swait.ge [sflag:s8], $0x100  }
0xfd: {  	s11 =	sadd.s32 $0xC0, s11;
	[sflag:s8] =	ssyncset.done $0x0  }
0xfe: {  	s13 =	sadd.s32 $0x600, s13;
	s22 =	simm.s32 $0x80;
	[sflag:s8] =	ssyncadd.s32 $0xFFFFFF00  }
0xff: {  	[tilespmem:s9], [sflag:$0x9] =	stream.indirect.gather [hbm4b:s0+s1], $0x80, s26, s1, $0xb8;
	[tilespmem:$0x1BE00] =	vst v63  }
0x100: {  	_ =	swait.ge [sflag:s10], $0x2800  }
0x101: {  	[sflag:s10] =	ssyncset.done $0x0  }
0x102: {  	[sflag:s10] =	ssyncadd.s32 $0xFFFFD800  }
0x103: {  	[spmem:s3] =	stream.indirect.scatter.add.f32 [tilespmem:s23], [sflag:$0xA], $0x80, s22, s1, $0xb8;
	[tilespmem:$0x1BE00] =	vst v63  }
0x104: {  	_ =	swait.ge [sflag:s12], $0x2800  }
0x105: {  	[sflag:s12] =	ssyncset.done $0x0  }
0x106: {  	s11 =	simm.s32 $0x180;
	[sflag:s12] =	ssyncadd.s32 $0xFFFFD800  }
0x107: {  	[spmem:s3] =	stream.indirect.scatter.add.f32 [tilespmem:s7], [sflag:$0xB], $0x80, s11, s1, $0xb8;
	[tilespmem:$0x1BE00] =	vst v63  }
0x108: {  	_ =	swait.ge [sflag:s15], $0x2800  }
0x109: {  	[sflag:s15] =	ssyncset.done $0x0  }
0x10a: {  	s13 =	simm.s32 $0x280;
	[sflag:s15] =	ssyncadd.s32 $0xFFFFD800  }
0x10b: {  	[spmem:s3] =	stream.indirect.scatter.add.f32 [tilespmem:s9], [sflag:$0xC], $0x80, s13, s1, $0xb8;
	[tilespmem:$0x1BE00] =	vst v63  }
0x10c: {  	_ =	swait.ge [sflag:s17], $0x2800  }
0x10d: {  	[sflag:s17] =	ssyncset.done $0x0  }
0x10e: {  	[sflag:s17] =	ssyncadd.s32 $0xFFFFD800  }
0x10f: {  	_ =	swait.ge [sflag:s18], $0x100  }
0x110: {  	[sflag:s18] =	ssyncset.done $0x0  }
0x111: {  	[sflag:s18] =	ssyncadd.s32 $0xFFFFFF00  }
0x112: {  	[tilespmem:s23], [sflag:$0x7] =	stream.indirect.gather [hbm4b:s0+s1], $0x80, s28, s1, $0xb8;
	[tilespmem:$0x1BE00] =	vst v63  }
0x113: {  	_ =	swait.ge [sflag:s19], $0x2800  }
0x114: {  	[sflag:s19] =	ssyncset.done $0x0  }
0x115: {  	[sflag:s19] =	ssyncadd.s32 $0xFFFFD800  }
0x116: {  	_ =	swait.ge [sflag:s20], $0x100  }
0x117: {  	[sflag:s20] =	ssyncset.done $0x0  }
0x118: {  	[sflag:s20] =	ssyncadd.s32 $0xFFFFFF00  }
0x119: {  	[tilespmem:s7], [sflag:$0x8] =	stream.indirect.gather [hbm4b:s0+s1], $0x80, s29, s1, $0xb8;
	[tilespmem:$0x1BE00] =	vst v63  }
0x11a: {  	_ =	swait.ge [sflag:s21], $0x2800  }
0x11b: {  	[sflag:s21] =	ssyncset.done $0x0  }
0x11c: {  	[sflag:s21] =	ssyncadd.s32 $0xFFFFD800  }
0x11d: {  	_ =	swait.ge [sflag:s14], $0x100  }
0x11e: {  	[sflag:s14] =	ssyncset.done $0x0  }
0x11f: {  	[sflag:s14] =	ssyncadd.s32 $0xFFFFFF00  }
0x120: {  	[tilespmem:s9], [sflag:$0x9] =	stream.indirect.gather [hbm4b:s0+s1], $0x80, s30, s1, $0xb8;
	[tilespmem:$0x1BE00] =	vst v63  }
0x121: {  	_ =	swait.ge [sflag:s10], $0x2800  }
0x122: {  	[sflag:s10] =	ssyncset.done $0x0  }
0x123: {  	[sflag:s10] =	ssyncadd.s32 $0xFFFFD800  }
0x124: {  	[spmem:s3] =	stream.indirect.scatter.add.f32 [tilespmem:s23], [sflag:$0xA], $0x80, s6, s1, $0xb8;
	[tilespmem:$0x1BE00] =	vst v63  }
0x125: {  	_ =	swait.ge [sflag:s12], $0x2800  }
0x126: {  	[sflag:s12] =	ssyncset.done $0x0  }
0x127: {  	[sflag:s12] =	ssyncadd.s32 $0xFFFFD800  }
0x128: {  	[spmem:s3] =	stream.indirect.scatter.add.f32 [tilespmem:s7], [sflag:$0xB], $0x80, s24, s1, $0xb8;
	[tilespmem:$0x1BE00] =	vst v63  }
0x129: {  	_ =	swait.ge [sflag:s15], $0x2800  }
0x12a: {  	[sflag:s15] =	ssyncset.done $0x0  }
0x12b: {  	s16 =	simm.s32 $0x580;
	[sflag:s15] =	ssyncadd.s32 $0xFFFFD800  }
0x12c: {  	[spmem:s3] =	stream.indirect.scatter.add.f32 [tilespmem:s9], [sflag:$0xC], $0x80, s16, s1, $0xb8;
	[tilespmem:$0x1BE00] =	vst v63  }
0x12d: {  	_ =	swait.ge [sflag:s17], $0x2800  }
0x12e: {  	[sflag:s17] =	ssyncset.done $0x0  }
0x12f: {  	[sflag:s17] =	ssyncadd.s32 $0xFFFFD800  }
0x130: {  	_ =	swait.ge [sflag:s19], $0x2800  }
0x131: {  	[sflag:s19] =	ssyncset.done $0x0  }
0x132: {  	[sflag:s19] =	ssyncadd.s32 $0xFFFFD800  }
0x133: {  	_ =	swait.ge [sflag:s21], $0x2800  }
0x134: {  	[sflag:s21] =	ssyncset.done $0x0  }
0x135: {  	[sflag:s21] =	ssyncadd.s32 $0xFFFFD800  }
0x136: {  	s22 =	stileid.u32;
	[bflag:$0x0] =	sbarrier.arrive $0xFFFF  }
0x137: {  	s11 =	sshll.u32 s22, $0x6;
	s22 =	simm.s32 $0xD;
	s16 =	rddreg [dreg:$0x9]  }
0x138: {  	s11 =	sor.u32 $0x1C0D, s11;
	s6 =	rddreg [dreg:$0x17];
	s13 =	sshrl.u32 s16, $0x3  }
0x139: {  	[hbm:s6], [sflag:s11] =	dma.local [spmem:s13], $0x2800  }
0x13a: {  	_ =	swait.ge [sflag:s22], $0x2800  }
0x13b: {  	s11 =	rddreg [dreg:$0x1a]  }
0x13c: {  	s13 =	rddreg [dreg:$0x18];
	s6 =	sadd.s32 $0x1, s11  }
0x13d: {  	p0 =	sne.s32 s6, s13  }
.Ltmp2:
0x13e: {  	_ = 	snop;
	(pc) =	sbr.rel @p0 .LBB2_1-.Ltmp2, $3  }
0x13f: {  	_ =	sdelay $0x1  }
0x140: {  	[sflag:s22] =	ssyncset.done $0x0  }
0x141: {  	[sflag:s22] =	ssyncadd.s32 $0xFFFFD800  }
0x142: {  	_ =	sfence.sel $0x180000  }
0x143: {  	[bflag:$0x0] =	sbarrier.arrive $0xFFFF  }
0x144: {  	_ =	strace $0x9000004A  }
0x145: {  	s0 =	stileid.u32;
	[bflag:$0x2] =	sbarrier.arrive $0xFFFF  }
0x146: {  	p0 =	sne.s32 s0, $0x0;
	s0 =	rddreg [dreg:$0x3]  }
0x147: {  	s0 =	sadd.s32 @!p0 $0x100000, s0  }
0x148: {  	[sflag:s0] =	ssyncadd.tile.s32 @!p0 $0x1;
	_ =	shalt  }
.Lfunc_end2:
_tile_overlayer_lowered:
.L_overlay_start_2:
0x149: {  	(tag) =	ssettag $0x2  }
0x14a: {  	s0 =	rddreg [dreg:$0x0];
	s2 =	stileid.u32  }
0x14b: {  	s1 =	rddreg [dreg:$0x1];
	p0 =	sne.s32 s2, $0x0  }
0x14c: {  	s3 =	rddreg [dreg:$0x2];
	[bflag:$0x3] =	sbarrier.arrive $0xFFFF;
	s2 =	simm.s32 @!p0 $0x1C0D  }
0x14d: {  	[timem:s3], [sflag:s2] =	dma.local @!p0 [hbm:s0], s1  }
0x14e: {  	s0 =	simm.s32 @!p0 $0xD  }
0x14f: {  	_ =	swait.ge @!p0 [sflag:s0], s1  }
0x150: {  	s1 =	ssub.s32 @!p0 $0x0, s1;
	[sflag:s0] =	ssyncset.done @!p0 $0x0  }
0x151: {  	[sflag:s0] =	ssyncadd.s32 @!p0 s1  }
0x152: {  	[bflag:$0x3] =	sbarrier.arrive $0xFFFF  }
0x153: {  	_ =	shalt  }

// kernel: kernel.15.cloned.1.call-start
scs
__scs_entry_jumppad:
0x0: {  	(pc) =	sbr.rel $0x88, $3  }
0x1: {  	(tag) =	ssettag $0x0;
	lr =	simm.s32 $0x1  }
0x2: {  	[smem:$0x3F95] =	sst lr;
	_ =	strace $0xD0000000  }
0x3: {  	_ = 	snop  }
0x4: {  	_ = 	snop  }
0x5: {  	_ = 	snop  }
0x6: {  	_ = 	snop  }
0x7: {  	_ = 	snop  }
__scs_overlays_trampoline_lowered:
0x8: {  	[smem:$0x3FA4] =	sst s0  }
0x9: {  	[smem:$0x3FA5] =	sst s1  }
0xa: {  	[smem:$0x3FA6] =	sst s2  }
0xb: {  	[smem:$0x3FA7] =	sst s3  }
0xc: {  	[smem:$0x3FA8] =	sst s4  }
0xd: {  	[smem:$0x3FA9] =	sst s5  }
0xe: {  	[smem:$0x3FAA] =	sst s6  }
0xf: {  	[smem:$0x3FAB] =	sst s7  }
0x10: {  	[smem:$0x3FAC] =	sst s8  }
0x11: {  	[smem:$0x3FAD] =	sst s9;
	s0 =	simm.s32 @!p0 $0x0  }
0x12: {  	s1 =	sld [smem:$0x3F93];
	s0 =	simm.s32 @p0 $0x1  }
0x13: {  	[smem:$0x3FAE] =	sst s0;
	s0 =	simm.s32 @!p1 $0x0  }
0x14: {  	s2 =	sld [smem:$0x3F92];
	s0 =	simm.s32 @p1 $0x1  }
0x15: {  	[smem:$0x3FAF] =	sst s0;
	s0 =	simm.s32 @!p2 $0x0  }
0x16: {  	s3 =	sld [smem:$0x3FDB];
	s0 =	simm.s32 @p2 $0x1  }
0x17: {  	s4 =	simm.s32 $0x1BF5;
	[smem:$0x3FB1] =	sst s0  }
0x18: {  	s0 =	sld [smem:$0x3F94];
	_ =	swait.ge [sflag:s4], $0x0  }
0x19: {  	s7 =	sld [smem:$0x3F95]  }
0x1a: {  	s8 =	sadd.s32 $0xFFFFE003, lr  }
0x1b: {  	s9 =	sadd.s32 $0xFFFFFEF7, lr;
	s5 =	simm.s32 $0xFFFFFFFF;
	p2 =	slt.u32 s8, $0xFFFFF086  }
0x1c: {  	p1 =	slt.u32 s9, $0xF7A;
	s5 =	simm.s32 @!p2 $0x0  }
0x1d: {  	s5 =	simm.s32 @p1 $0x1;
	p0 =	seq.s32 s7, s2  }
0x1e: {  	s7 =	smul.u32 @!p0 $0xF7A, s2;
	p2 =	seq.s32 @!p0 s5, $0x0  }
0x1f: {  	s9 =	smul.u32 $0xF7A, s1;
	s8 =	simm.s32 @!p0 $0x1BF5;
	p2 =	por !p2, p0  }
0x20: {  	[sflag:s8] =	ssyncset.s32 @!p0 $0xFFFFF086;
	s6 =	sadd.s32 @!p0 s3, s7;
	s7 =	simm.s32 @!p0 $0x108  }
0x21: {  	s3 =	sadd.s32 s3, s9;
	s6 =	sadd.s32 @!p0 $0x88, s6;
	s7 =	simm.s32 @p2 $0x1082  }
0x22: {  	[simem:s7], [sflag:s8] =	dma.local @!p0 [hbm:s6], $0xF7A  }
0x23: {  	s9 =	sor.u32 $0xD0000000, s2;
	s6 =	simm.s32 $0x108;
	_ =	swait.ge @!p0 [sflag:s8], $0x0  }
0x24: {  	s3 =	sadd.s32 $0x88, s3;
	s6 =	simm.s32 @!p1 $0x1082;
	[sflag:s4] =	ssyncset.s32 $0xFFFFF086  }
0x25: {  	[simem:s6], [sflag:s4] =	dma.local [hbm:s3], $0xF7A  }
0x26: {  	[smem:$0x3F95] =	sst s1;
	(tag) =	ssettag s2;
	_ =	strace s9  }
0x27: {  	s1 =	sld [smem:$0x3FA5]  }
0x28: {  	s2 =	sld [smem:$0x3FA6]  }
0x29: {  	s4 =	sld [smem:$0x3FA8]  }
0x2a: {  	p0 =	seq.s32 s5, $0x0;
	s5 =	sld [smem:$0x3FA9]  }
0x2b: {  	s6 =	sld [smem:$0x3FAA]  }
0x2c: {  	s7 =	sld [smem:$0x3FAB]  }
0x2d: {  	s3 =	simm.s32 $0x108;
	s8 =	sld [smem:$0x3FAC]  }
0x2e: {  	s3 =	simm.s32 @!p0 $0x1082;
	s9 =	sld [smem:$0x3FAD]  }
0x2f: {  	lr =	sadd.s32 s0, s3;
	s0 =	sld [smem:$0x3FA4]  }
0x30: {  	s3 =	sld [smem:$0x3FA7]  }
0x31: {  	[smem:$0x3FB0] =	sst s10  }
0x32: {  	s10 =	sld [smem:$0x3FAE];
	_ =	sdelay $0x3  }
0x33: {  	p0 =	seq.s32 s10, $0x1;
	s10 =	sld [smem:$0x3FB0];
	_ =	sdelay $0x3  }
0x34: {  	[smem:$0x3FB0] =	sst s10  }
0x35: {  	s10 =	sld [smem:$0x3FAF];
	_ =	sdelay $0x3  }
0x36: {  	p1 =	seq.s32 s10, $0x1;
	s10 =	sld [smem:$0x3FB0];
	_ =	sdelay $0x3  }
0x37: {  	[smem:$0x3FB0] =	sst s10  }
0x38: {  	s10 =	sld [smem:$0x3FB1]  }
0x39: {  	_ = 	snop;
	(pc) =	sbr.ind lr, $3  }
0x3a: {  	_ = 	snop  }
0x3b: {  	_ = 	snop  }
0x3c: {  	p2 =	seq.s32 s10, $0x1;
	s10 =	sld [smem:$0x3FB0]  }
0x3d: {  	_ =	shalt  }
0x3e: {  	_ =	shalt  }
0x3f: {  	_ =	shalt  }
0x40: {  	_ =	shalt  }
0x41: {  	_ =	shalt  }
0x42: {  	_ =	shalt  }
0x43: {  	_ =	shalt  }
0x44: {  	_ =	shalt  }
0x45: {  	_ =	shalt  }
0x46: {  	_ =	shalt  }
0x47: {  	_ =	shalt  }
0x48: {  	_ =	shalt  }
0x49: {  	_ =	shalt  }
0x4a: {  	_ =	shalt  }
0x4b: {  	_ =	shalt  }
0x4c: {  	_ =	shalt  }
0x4d: {  	_ =	shalt  }
0x4e: {  	_ =	shalt  }
0x4f: {  	_ =	shalt  }
0x50: {  	_ =	shalt  }
0x51: {  	_ =	shalt  }
0x52: {  	_ =	shalt  }
0x53: {  	_ =	shalt  }
0x54: {  	_ =	shalt  }
0x55: {  	_ =	shalt  }
0x56: {  	_ =	shalt  }
0x57: {  	_ =	shalt  }
0x58: {  	_ =	shalt  }
0x59: {  	_ =	shalt  }
0x5a: {  	_ =	shalt  }
0x5b: {  	_ =	shalt  }
0x5c: {  	_ =	shalt  }
0x5d: {  	_ =	shalt  }
0x5e: {  	_ =	shalt  }
0x5f: {  	_ =	shalt  }
0x60: {  	_ =	shalt  }
0x61: {  	_ =	shalt  }
0x62: {  	_ =	shalt  }
0x63: {  	_ =	shalt  }
0x64: {  	_ =	shalt  }
0x65: {  	_ =	shalt  }
0x66: {  	_ =	shalt  }
0x67: {  	_ =	shalt  }
0x68: {  	_ =	shalt  }
0x69: {  	_ =	shalt  }
0x6a: {  	_ =	shalt  }
0x6b: {  	_ =	shalt  }
0x6c: {  	_ =	shalt  }
0x6d: {  	_ =	shalt  }
0x6e: {  	_ =	shalt  }
0x6f: {  	_ =	shalt  }
0x70: {  	_ =	shalt  }
0x71: {  	_ =	shalt  }
0x72: {  	_ =	shalt  }
0x73: {  	_ =	shalt  }
0x74: {  	_ =	shalt  }
0x75: {  	_ =	shalt  }
0x76: {  	_ =	shalt  }
0x77: {  	_ =	shalt  }
0x78: {  	_ =	shalt  }
0x79: {  	_ =	shalt  }
0x7a: {  	_ =	shalt  }
0x7b: {  	_ =	shalt  }
0x7c: {  	_ =	shalt  }
0x7d: {  	_ =	shalt  }
0x7e: {  	_ =	shalt  }
0x7f: {  	_ =	shalt  }
0x80: {  	_ =	shalt  }
0x81: {  	_ =	shalt  }
0x82: {  	_ =	shalt  }
0x83: {  	_ =	shalt  }
0x84: {  	_ =	shalt  }
0x85: {  	_ =	shalt  }
0x86: {  	_ =	shalt  }
0x87: {  	_ =	shalt  }
.Lfunc_end0:
.L_simem_size_0:
called_computation.2_lowered:
.L_overlay_start_0:
0x88: {  	s2 =	sld [smem:$0x3FD9]  }
0x89: {  	s3 =	sld [smem:$0x3FFE];
	_ =	sdelay $0x1  }
0x8a: {  	s1 =	srdreg.scid  }
0x8b: {  	s0 =	sand.u32 $0x1, s1  }
0x8c: {  	s17 =	sshll.u32 s0, $0xA;
	s2 =	sadd.s32 s3, s2  }
0x8d: {  	s2 =	sadd.s32 s2, s17  }
0x8e: {  	[smem:$0x3FBC] =	sst s2  }
0x8f: {  	_ = 	snop  }
0x90: {  	s2 =	sld [smem:$0x3FD0];
	(tm) =	ssettm $0x1  }
0x91: {  	s18 =	sld [smem:$0x3FFB];
	_ =	sdelay $0x3  }
0x92: {  	_ =	strace s18  }
0x93: {  	s3 =	sld [smem:$0x3FFC];
	_ =	sdelay $0x3  }
0x94: {  	_ =	strace s3  }
0x95: {  	s3 =	sld [smem:$0x3FFD];
	_ =	sdelay $0x3  }
0x96: {  	_ =	strace s3  }
0x97: {  	_ =	strace $0x8FFFFFFF  }
0x98: {  	s19 =	sld [smem:$0x3FDB];
	_ =	sdelay $0x1  }
0x99: {  	s4 =	simm.s32 $_scs_section_size  }
0x9a: {  	s5 =	simm.s32 $_size__tile_overlayer_lowered;
	s6 =	simm.s32 $_tile_overlayer_lowered  }
0x9b: {  	s22 =	simm.s32 $0x1BFF;
	s21 =	sshll.u32 s6, $0x1;
	s3 =	sadd.s32 s4, s19  }
0x9c: {  	s7 =	simm.s32 $0x0;
	s20 =	sshll.u32 s5, $0x1;
	s5 =	sadd.s32 s21, s3  }
0x9d: {  	[timem:s7], [sflag:s22] =	dma.local [hbm:s5], s20  }
0x9e: {  	_ =	swait.ge [sflag:s22], s20  }
0x9f: {  	s4 =	ssub.s32 $0x0, s20;
	[sflag:s22] =	ssyncset.done $0x0  }
0xa0: {  	[sflag:s22] =	ssyncadd.s32 s4;
	_ =	sdelay $0x1  }
0xa1: {  	s23 =	simm.s32 $0x1B8B  }
0xa2: {  	_ =	swait.ge [sflag:s23], $0x1  }
0xa3: {  	[sflag:s23] =	ssyncset.done $0x0  }
0xa4: {  	s25 =	simm.s32 $0x1B8E;
	s24 =	sld [smem:$0x3FFE];
	[sflag:s23] =	ssyncadd.s32 $0xFFFFFFFF  }
0xa5: {  	s26 =	simm.s32 $execute0_lowered;
	[smem:$0x3FD2] =	sst s25  }
0xa6: {  	s5 =	sshll.u32 s26, $0x1;
	_ =	strace $0x8000004C;
	[dreg:$0x1] =	wrdreg $0xFFFFFFFF  }
0xa7: {  	s28 =	simm.s32 $_size_execute0_lowered;
	s3 =	sadd.s32 s3, s5;
	[dreg:$0x0] =	wrdreg $0x0  }
0xa8: {  	s5 =	sshll.u32 s28, $0x1;
	[dreg:$0x2] =	wrdreg s3  }
0xa9: {  	[dreg:$0x3] =	wrdreg s5  }
0xaa: {  	[dreg:$0x4] =	wrdreg $0xC0  }
0xab: {  	_ =	task [dreg:s7], $0x5FFFF  }
0xac: {  	[dreg:$0x1] =	wrdreg $0xFFFFFFFF  }
0xad: {  	[dreg:$0x0] =	wrdreg $0x60  }
0xae: {  	[dreg:$0x2] =	wrdreg s2  }
0xaf: {  	[dreg:$0x3] =	wrdreg s24  }
0xb0: {  	[dreg:$0x4] =	wrdreg $0x7E000  }
0xb1: {  	[dreg:$0x5] =	wrdreg $0x9  }
0xb2: {  	_ =	task.clear_ibuf [dreg:s7], $0x6FFFF;
	_ =	strace $0x9000004C  }
0xb3: {  	s29 =	simm.s32 $0x9;
	_ =	strace $0x8000004E  }
0xb4: {  	_ =	swait.ge [sflag:s29], $0x1  }
0xb5: {  	[sflag:s29] =	ssyncadd.s32 $0xFFFFFFFF  }
0xb6: {  	_ =	strace $0x9000004E  }
0xb7: {  	_ =	sfence  }
0xb8: {  	s30 =	sld [smem:$0x0];
	_ =	sdelay $0x2  }
0xb9: {  	s31 =	sshll.u32 s1, $0xD;
	s1 =	sshrl.u32 s1, $0x2  }
0xba: {  	s3 =	sand.u32 $0x4000, s31;
	s1 =	sadd.s32 s1, s30  }
0xbb: {  	s0 =	sor.u32 s3, s0;
	s1 =	sshll.u32 s1, $0x11  }
0xbc: {  	s0 =	sor.u32 s1, s0  }
0xbd: {  	s0 =	sadd.s32 $0x8F2B, s0  }
0xbe: {  	[sflag:s0] =	ssyncadd.remote.s32 $0x1  }
0xbf: {  	_ =	sfence.sel $0xFFFF  }
0xc0: {  	[dreg:$0x0] =	wrdreg $0xFFFFFFFF;
	(pc) =	sbr.abs _section_cstart, $3  }
0xc1: {  	[dreg:$0x1] =	wrdreg $0xFFFFFFFF  }
0xc2: {  	_ =	task.clear_ibuf [dreg:s7], $0x2FFFF;
	_ =	strace $0x9FFFFFFF  }
0xc3: {  	(tm) =	ssettm $0x7FFFFFFF  }
tec
execute0_lowered:
.L_overlay_start_1:
0x0: {  	(tag) =	ssettag $0x1  }
0x1: {  	s0 =	rddreg [dreg:$0x0]  }
0x2: {  	s1 =	rddreg [dreg:$0x1];
	s2 =	srdreg.scid  }
0x3: {  	s3 =	rddreg [dreg:$0x2];
	s10 =	stileid.u32;
	s4 =	simm.s32 $0x0  }
0x4: {  	s28 =	simm.s32 $0x300;
	s29 =	simm.s32 $0x400;
	s6 =	smul.u32 $0x14000, s10  }
0x5: {  	s30 =	simm.s32 $0x500;
	s31 =	simm.s32 $0x1;
	s7 =	smul.u32 $0x50000, s10  }
0x6: {  	s2 =	sand.u32 $0x1, s2;
	[smem:$0x7FF] =	sst s4;
	s20 =	smul.u32 $0xFC00, s10  }
0x7: {  	s8 =	sshll.u32 s10, $0x1;
	s10 =	simm.s32 $0x7;
	s5 =	smul.u32 $0x140000, s2  }
0x8: {  	s16 =	ssub.s32 $0x2, s2;
	s8 =	sor.u32 s2, s8;
	s2 =	smul.u32 $0x7E00, s2  }
0x9: {  	_ =	strace $0x8000004D;
	s9 =	sshrl.u32 s16, $0x1;
	s7 =	sshrl.u32 s7, $0x2  }
0xa: {  	s17 =	smul.u32 $0x7E00, s8;
	s6 =	sadd.s32 s6, s5;
	s2 =	sadd.s32 s2, s20  }
0xb: {  	s5 =	sadd.s32 $0x2A00, s1;
	s6 =	sshrl.u32 s6, $0x3;
	s11 =	sadd.s32 $0xB00, s2  }
0xc: {  	s1 =	sadd.s32 s6, s1;
	s6 =	ssub.s32 s16, s9;
	s16 =	sadd.s32 s7, s3  }
0xd: {  	s13 =	sadd.s32 $0xA00, s2;
	s18 =	sadd.s32 $0x2800, s16;
	[dreg:$0x9] =	wrdreg s16  }
0xe: {  	s20 =	sadd.s32 $0x700, s2;
	s19 =	sadd.s32 $0x5000, s16;
	[dreg:$0xa] =	wrdreg s18  }
0xf: {  	s7 =	sshrl.u32 s17, $0x3;
	s21 =	sadd.s32 $0x7800, s16;
	[dreg:$0xb] =	wrdreg s19  }
0x10: {  	s8 =	sshrl.u32 s13, $0x3;
	s22 =	sadd.s32 $0xA000, s16;
	[dreg:$0xc] =	wrdreg s21  }
0x11: {  	s17 =	sadd.s32 $0x900, s2;
	s23 =	sadd.s32 $0xC800, s16;
	[dreg:$0xd] =	wrdreg s22  }
0x12: {  	s24 =	sadd.s32 $0xF000, s16;
	s25 =	sadd.s32 $0x11800, s16;
	[dreg:$0xe] =	wrdreg s23  }
0x13: {  	s26 =	sadd.s32 s5, s7;
	s15 =	sadd.s32 s8, s5;
	[dreg:$0xf] =	wrdreg s24  }
0x14: {  	s1 =	sadd.s32 $0x22200, s1;
	[dreg:$0x10] =	wrdreg s25;
	s7 =	sadd.s32 $0x20, s26  }
0x15: {  	s9 =	sadd.s32 $0x40, s26;
	s12 =	sadd.s32 $0x60, s26;
	[dreg:$0x5] =	wrdreg s15  }
0x16: {  	s14 =	sadd.s32 $0x80, s26;
	s18 =	sshrl.u32 s17, $0x3;
	[dreg:$0x11] =	wrdreg s26  }
0x17: {  	s19 =	sadd.s32 $0x800, s2;
	s22 =	sshrl.u32 s20, $0x3;
	[dreg:$0x17] =	wrdreg s1  }
0x18: {  	s23 =	sadd.s32 $0xA0, s26;
	s25 =	smax.u32 s6, $0x1;
	[dreg:$0x12] =	wrdreg s7  }
0x19: {  	s26 =	sadd.s32 $0x600, s2;
	s1 =	simm.s32 $0x50;
	[dreg:$0x13] =	wrdreg s9  }
0x1a: {  	s2 =	simm.s32 $0x2;
	s15 =	simm.s32 $0x9;
	[dreg:$0x14] =	wrdreg s12  }
0x1b: {  	s17 =	simm.s32 $0xA;
	s20 =	simm.s32 $0x5;
	[dreg:$0x15] =	wrdreg s14  }
0x1c: {  	s6 =	simm.s32 $0x0;
	s7 =	sshrl.u32 s11, $0x3;
	[dreg:$0x16] =	wrdreg s23  }
0x1d: {  	s8 =	sshrl.u32 s19, $0x3;
	s24 =	sadd.s32 s22, s5;
	[dreg:$0x18] =	wrdreg s25  }
0x1e: {  	[dreg:$0x19] =	wrdreg s26;
	s23 =	simm.s32 $0x600;
	s22 =	simm.s32 $0xD  }
0x1f: {  	s25 =	simm.s32 $0x100;
	s26 =	simm.s32 $0x200;
	s9 =	simm.s32 $0x5600  }
0x20: {  	s12 =	simm.s32 $0x8;
	s19 =	simm.s32 $0xB;
	s14 =	simm.s32 $0x6  }
0x21: {  	s7 =	sadd.s32 s7, s5;
	s21 =	sadd.s32 s8, s5;
	[dreg:$0x8] =	wrdreg s24  }
0x22: {  	s8 =	simm.s32 $0x3;
	s24 =	simm.s32 $0x480;
	[dreg:$0x4] =	wrdreg s7  }
0x23: {  	s7 =	sadd.s32 s18, s5;
	[dreg:$0x7] =	wrdreg s21;
	s18 =	simm.s32 $0x4  }
0x24: {  	v0 =	vimm.f32 $0.0e+00;
	s21 =	simm.s32 $0xC;
	[dreg:$0x6] =	wrdreg s7;
	s7 =	simm.s32 $0x2E00  }
.LBB2_1:
0x25: {  	[dreg:$0x1a] =	wrdreg s6;
	s11 =	simm.s32 $0x0;
	s13 =	simm.s32 $0x200  }
.LBB2_2:
0x26: {  	p0 =	sne.s32 s13, $0x9E00;
	[tilespmem:s11+$0x670] =	vst v0  }
0x27: {  	[tilespmem:s11+$0x600] =	vst v0  }
0x28: {  	[tilespmem:s11+$0x610] =	vst v0  }
.Ltmp0:
0x29: {  	[tilespmem:s11+$0x620] =	vst v0;
	(pc) =	sbr.rel @p0 .LBB2_2-.Ltmp0, $4  }
0x2a: {  	[tilespmem:s11+$0x630] =	vst v0  }
0x2b: {  	[tilespmem:s11+$0x640] =	vst v0  }
0x2c: {  	[tilespmem:s11+$0x650] =	vst v0  }
0x2d: {  	[tilespmem:s11+$0x660] =	vst v0;
	s11 =	sshra.s32 s13, $0x2;
	s13 =	sadd.s32 $0x200, s13  }
0x2e: {  	[tilespmem:s11+$0x670] =	vst v0  }
0x2f: {  	[tilespmem:s11+$0x600] =	vst v0  }
0x30: {  	[tilespmem:s11+$0x610] =	vst v0  }
0x31: {  	[tilespmem:s11+$0x620] =	vst v0  }
0x32: {  	[tilespmem:s11+$0x630] =	vst v0  }
0x33: {  	[tilespmem:s11+$0x640] =	vst v0  }
0x34: {  	[tilespmem:s11+$0x650] =	vst v0  }
0x35: {  	[tilespmem:s11+$0x660] =	vst v0  }
0x36: {  	[spmem:s16] =	stream.linear.scatter [tilespmem:s23], [sflag:$0xD], $0x2800, $0x38;
	[tilespmem:$0x1BE00] =	vst v63  }
0x37: {  	_ =	swait.ge [sflag:s22], $0x2800  }
0x38: {  	[sflag:s22] =	ssyncset.done $0x0  }
0x39: {  	s16 =	rddreg [dreg:$0xa];
	[sflag:s22] =	ssyncadd.s32 $0xFFFFD800  }
0x3a: {  	[spmem:s16] =	stream.linear.scatter [tilespmem:s23], [sflag:$0xD], $0x2800, $0x38;
	[tilespmem:$0x1BE00] =	vst v63  }
0x3b: {  	_ =	swait.ge [sflag:s22], $0x2800  }
0x3c: {  	[sflag:s22] =	ssyncset.done $0x0  }
0x3d: {  	s6 =	rddreg [dreg:$0xb];
	[sflag:s22] =	ssyncadd.s32 $0xFFFFD800  }
0x3e: {  	[spmem:s6] =	stream.linear.scatter [tilespmem:s23], [sflag:$0xD], $0x2800, $0x38;
	[tilespmem:$0x1BE00] =	vst v63  }
0x3f: {  	_ =	swait.ge [sflag:s22], $0x2800  }
0x40: {  	[sflag:s22] =	ssyncset.done $0x0  }
0x41: {  	s13 =	rddreg [dreg:$0xc];
	[sflag:s22] =	ssyncadd.s32 $0xFFFFD800  }
0x42: {  	[spmem:s13] =	stream.linear.scatter [tilespmem:s23], [sflag:$0xD], $0x2800, $0x38;
	[tilespmem:$0x1BE00] =	vst v63  }
0x43: {  	_ =	swait.ge [sflag:s22], $0x2800  }
0x44: {  	[sflag:s22] =	ssyncset.done $0x0  }
0x45: {  	s16 =	rddreg [dreg:$0xd];
	[sflag:s22] =	ssyncadd.s32 $0xFFFFD800  }
0x46: {  	[spmem:s16] =	stream.linear.scatter [tilespmem:s23], [sflag:$0xD], $0x2800, $0x38;
	[tilespmem:$0x1BE00] =	vst v63  }
0x47: {  	_ =	swait.ge [sflag:s22], $0x2800  }
0x48: {  	[sflag:s22] =	ssyncset.done $0x0  }
0x49: {  	s6 =	rddreg [dreg:$0xe];
	[sflag:s22] =	ssyncadd.s32 $0xFFFFD800  }
0x4a: {  	[spmem:s6] =	stream.linear.scatter [tilespmem:s23], [sflag:$0xD], $0x2800, $0x38;
	[tilespmem:$0x1BE00] =	vst v63  }
0x4b: {  	_ =	swait.ge [sflag:s22], $0x2800  }
0x4c: {  	[sflag:s22] =	ssyncset.done $0x0  }
0x4d: {  	s13 =	rddreg [dreg:$0xf];
	[sflag:s22] =	ssyncadd.s32 $0xFFFFD800  }
0x4e: {  	[spmem:s13] =	stream.linear.scatter [tilespmem:s23], [sflag:$0xD], $0x2800, $0x38;
	[tilespmem:$0x1BE00] =	vst v63  }
0x4f: {  	_ =	swait.ge [sflag:s22], $0x2800  }
0x50: {  	[sflag:s22] =	ssyncset.done $0x0  }
0x51: {  	s16 =	rddreg [dreg:$0x10];
	[sflag:s22] =	ssyncadd.s32 $0xFFFFD800  }
0x52: {  	[spmem:s16] =	stream.linear.scatter [tilespmem:s23], [sflag:$0xD], $0x2800, $0x38;
	[tilespmem:$0x1BE00] =	vst v63  }
0x53: {  	_ =	swait.ge [sflag:s22], $0x2800  }
0x54: {  	[sflag:s22] =	ssyncset.done $0x0  }
0x55: {  	[sflag:s22] =	ssyncadd.s32 $0xFFFFD800  }
0x56: {  	[bflag:$0x0] =	sbarrier.arrive $0xFFFF  }
0x57: {  	s11 =	simm.s32 $0x0;
	s13 =	rddreg [dreg:$0x11]  }
0x58: {  	[tilespmem:s11], [sflag:$0x1] =	stream.linear.gather [hbm4b:s13+s11], $0x100, $0x38;
	[tilespmem:$0x1BE00] =	vst v63  }
0x59: {  	s22 =	rddreg [dreg:$0x12]  }
0x5a: {  	[tilespmem:s25], [sflag:$0x2] =	stream.linear.gather [hbm4b:s22+s11], $0x100, $0x38;
	[tilespmem:$0x1BE00] =	vst v63  }
0x5b: {  	s6 =	rddreg [dreg:$0x13]  }
0x5c: {  	[tilespmem:s26], [sflag:$0x3] =	stream.linear.gather [hbm4b:s6+s11], $0x100, $0x38;
	[tilespmem:$0x1BE00] =	vst v63  }
0x5d: {  	s16 =	rddreg [dreg:$0x14]  }
0x5e: {  	[tilespmem:s28], [sflag:$0x4] =	stream.linear.gather [hbm4b:s16+s11], $0x100, $0x38;
	[tilespmem:$0x1BE00] =	vst v63  }
0x5f: {  	s22 =	rddreg [dreg:$0x15]  }
0x60: {  	[tilespmem:s29], [sflag:$0x5] =	stream.linear.gather [hbm4b:s22+s11], $0x100, $0x38;
	[tilespmem:$0x1BE00] =	vst v63  }
0x61: {  	s6 =	rddreg [dreg:$0x16]  }
0x62: {  	[tilespmem:s30], [sflag:$0x6] =	stream.linear.gather [hbm4b:s6+s11], $0x100, $0x38;
	[tilespmem:$0x1BE00] =	vst v63  }
0x63: {  	_ =	swait.ge [sflag:s31], $0x100  }
0x64: {  	[sflag:s31] =	ssyncset.done $0x0  }
0x65: {  	[sflag:s31] =	ssyncadd.s32 $0xFFFFFF00  }
0x66: {  	[tilespmem:s23], [sflag:$0x7] =	stream.indirect.gather [hbm4b:s0+s1], $0x80, s11, s1, $0xb8;
	[tilespmem:$0x1BE00] =	vst v63  }
0x67: {  	_ =	swait.ge [sflag:s2], $0x100  }
0x68: {  	[sflag:s2] =	ssyncset.done $0x0  }
0x69: {  	[sflag:s2] =	ssyncadd.s32 $0xFFFFFF00  }
0x6a: {  	[tilespmem:s7], [sflag:$0x8] =	stream.indirect.gather [hbm4b:s0+s1], $0x80, s25, s1, $0xb8;
	[tilespmem:$0x1BE00] =	vst v63  }
0x6b: {  	_ =	swait.ge [sflag:s8], $0x100  }
0x6c: {  	[sflag:s8] =	ssyncset.done $0x0  }
0x6d: {  	[sflag:s8] =	ssyncadd.s32 $0xFFFFFF00  }
0x6e: {  	[tilespmem:s9], [sflag:$0x9] =	stream.indirect.gather [hbm4b:s0+s1], $0x80, s26, s1, $0xb8;
	[tilespmem:$0x1BE00] =	vst v63  }
0x6f: {  	_ =	swait.ge [sflag:s10], $0x2800  }
0x70: {  	[sflag:s10] =	ssyncset.done $0x0  }
0x71: {  	s22 =	simm.s32 $0x80;
	[sflag:s10] =	ssyncadd.s32 $0xFFFFD800  }
0x72: {  	[spmem:s3] =	stream.indirect.scatter.add.f32 [tilespmem:s23], [sflag:$0xA], $0x80, s22, s1, $0xb8;
	[tilespmem:$0x1BE00] =	vst v63  }
0x73: {  	_ =	swait.ge [sflag:s12], $0x2800  }
0x74: {  	[sflag:s12] =	ssyncset.done $0x0  }
0x75: {  	s6 =	simm.s32 $0x180;
	[sflag:s12] =	ssyncadd.s32 $0xFFFFD800  }
0x76: {  	[spmem:s3] =	stream.indirect.scatter.add.f32 [tilespmem:s7], [sflag:$0xB], $0x80, s6, s1, $0xb8;
	[tilespmem:$0x1BE00] =	vst v63  }
0x77: {  	_ =	swait.ge [sflag:s15], $0x2800  }
0x78: {  	[sflag:s15] =	ssyncset.done $0x0  }
0x79: {  	s16 =	simm.s32 $0x280;
	[sflag:s15] =	ssyncadd.s32 $0xFFFFD800  }
0x7a: {  	[spmem:s3] =	stream.indirect.scatter.add.f32 [tilespmem:s9], [sflag:$0xC], $0x80, s16, s1, $0xb8;
	[tilespmem:$0x1BE00] =	vst v63  }
0x7b: {  	_ =	swait.ge [sflag:s17], $0x2800  }
0x7c: {  	s13 =	rddreg [dreg:$0x19]  }
0x7d: {  	[sflag:s17] =	ssyncset.done $0x0;
	s6 =	sshrl.u32 s13, $0x3  }
0x7e: {  	[sflag:s17] =	ssyncadd.s32 $0xFFFFD800;
	s11 =	sadd.s32 s5, s6  }
0x7f: {  	[tilespmem:s4], [sflag:$0x1] =	stream.linear.gather [hbm4b:s11+s4], $0x100, $0x38;
	[tilespmem:$0x1BE00] =	vst v63  }
0x80: {  	_ =	swait.ge [sflag:s18], $0x100  }
0x81: {  	[sflag:s18] =	ssyncset.done $0x0  }
0x82: {  	[sflag:s18] =	ssyncadd.s32 $0xFFFFFF00  }
0x83: {  	[tilespmem:s23], [sflag:$0x7] =	stream.indirect.gather [hbm4b:s0+s1], $0x80, s28, s1, $0xb8;
	[tilespmem:$0x1BE00] =	vst v63  }
0x84: {  	_ =	swait.ge [sflag:s19], $0x2800  }
0x85: {  	s16 =	rddreg [dreg:$0x8];
	[sflag:s19] =	ssyncset.done $0x0  }
0x86: {  	[sflag:s19] =	ssyncadd.s32 $0xFFFFD800;
	s11 =	sadd.s32 $0x0, s16  }
0x87: {  	[tilespmem:s25], [sflag:$0x2] =	stream.linear.gather [hbm4b:s11+s4], $0x100, $0x38;
	[tilespmem:$0x1BE00] =	vst v63  }
0x88: {  	_ =	swait.ge [sflag:s20], $0x100  }
0x89: {  	[sflag:s20] =	ssyncset.done $0x0  }
0x8a: {  	[sflag:s20] =	ssyncadd.s32 $0xFFFFFF00  }
0x8b: {  	[tilespmem:s7], [sflag:$0x8] =	stream.indirect.gather [hbm4b:s0+s1], $0x80, s29, s1, $0xb8;
	[tilespmem:$0x1BE00] =	vst v63  }
0x8c: {  	_ =	swait.ge [sflag:s21], $0x2800  }
0x8d: {  	s6 =	rddreg [dreg:$0x7];
	[sflag:s21] =	ssyncset.done $0x0  }
0x8e: {  	[sflag:s21] =	ssyncadd.s32 $0xFFFFD800;
	s11 =	sadd.s32 $0x0, s6  }
0x8f: {  	[tilespmem:s26], [sflag:$0x3] =	stream.linear.gather [hbm4b:s11+s4], $0x100, $0x38;
	[tilespmem:$0x1BE00] =	vst v63  }
0x90: {  	_ =	swait.ge [sflag:s14], $0x100  }
0x91: {  	[sflag:s14] =	ssyncset.done $0x0  }
0x92: {  	[sflag:s14] =	ssyncadd.s32 $0xFFFFFF00  }
0x93: {  	[tilespmem:s9], [sflag:$0x9] =	stream.indirect.gather [hbm4b:s0+s1], $0x80, s30, s1, $0xb8;
	[tilespmem:$0x1BE00] =	vst v63  }
0x94: {  	_ =	swait.ge [sflag:s10], $0x2800  }
0x95: {  	[sflag:s10] =	ssyncset.done $0x0  }
0x96: {  	s6 =	simm.s32 $0x380;
	[sflag:s10] =	ssyncadd.s32 $0xFFFFD800  }
0x97: {  	[spmem:s3] =	stream.indirect.scatter.add.f32 [tilespmem:s23], [sflag:$0xA], $0x80, s6, s1, $0xb8;
	[tilespmem:$0x1BE00] =	vst v63  }
0x98: {  	_ =	swait.ge [sflag:s12], $0x2800  }
0x99: {  	[sflag:s12] =	ssyncset.done $0x0  }
0x9a: {  	[sflag:s12] =	ssyncadd.s32 $0xFFFFD800  }
0x9b: {  	[spmem:s3] =	stream.indirect.scatter.add.f32 [tilespmem:s7], [sflag:$0xB], $0x80, s24, s1, $0xb8;
	[tilespmem:$0x1BE00] =	vst v63  }
0x9c: {  	_ =	swait.ge [sflag:s15], $0x2800  }
0x9d: {  	[sflag:s15] =	ssyncset.done $0x0  }
0x9e: {  	s16 =	simm.s32 $0x580;
	[sflag:s15] =	ssyncadd.s32 $0xFFFFD800  }
0x9f: {  	[spmem:s3] =	stream.indirect.scatter.add.f32 [tilespmem:s9], [sflag:$0xC], $0x80, s16, s1, $0xb8;
	[tilespmem:$0x1BE00] =	vst v63  }
0xa0: {  	_ =	swait.ge [sflag:s17], $0x2800  }
0xa1: {  	s16 =	rddreg [dreg:$0x6];
	[sflag:s17] =	ssyncset.done $0x0  }
0xa2: {  	[sflag:s17] =	ssyncadd.s32 $0xFFFFD800;
	s11 =	sadd.s32 $0x0, s16  }
0xa3: {  	[tilespmem:s28], [sflag:$0x4] =	stream.linear.gather [hbm4b:s11+s4], $0x100, $0x38;
	[tilespmem:$0x1BE00] =	vst v63  }
0xa4: {  	_ =	swait.ge [sflag:s31], $0x100  }
0xa5: {  	[sflag:s31] =	ssyncset.done $0x0  }
0xa6: {  	[sflag:s31] =	ssyncadd.s32 $0xFFFFFF00  }
0xa7: {  	[tilespmem:s23], [sflag:$0x7] =	stream.indirect.gather [hbm4b:s0+s1], $0x80, s4, s1, $0xb8;
	[tilespmem:$0x1BE00] =	vst v63  }
0xa8: {  	_ =	swait.ge [sflag:s19], $0x2800  }
0xa9: {  	s16 =	rddreg [dreg:$0x5];
	[sflag:s19] =	ssyncset.done $0x0  }
0xaa: {  	[sflag:s19] =	ssyncadd.s32 $0xFFFFD800;
	s11 =	sadd.s32 $0x0, s16  }
0xab: {  	[tilespmem:s29], [sflag:$0x5] =	stream.linear.gather [hbm4b:s11+s4], $0x100, $0x38;
	[tilespmem:$0x1BE00] =	vst v63  }
0xac: {  	_ =	swait.ge [sflag:s2], $0x100  }
0xad: {  	[sflag:s2] =	ssyncset.done $0x0  }
0xae: {  	[sflag:s2] =	ssyncadd.s32 $0xFFFFFF00  }
0xaf: {  	[tilespmem:s7], [sflag:$0x8] =	stream.indirect.gather [hbm4b:s0+s1], $0x80, s25, s1, $0xb8;
	[tilespmem:$0x1BE00] =	vst v63  }
0xb0: {  	_ =	swait.ge [sflag:s21], $0x2800  }
0xb1: {  	s16 =	rddreg [dreg:$0x4];
	[sflag:s21] =	ssyncset.done $0x0  }
0xb2: {  	[sflag:s21] =	ssyncadd.s32 $0xFFFFD800;
	s11 =	sadd.s32 $0x0, s16  }
0xb3: {  	[tilespmem:s30], [sflag:$0x6] =	stream.linear.gather [hbm4b:s11+s4], $0x100, $0x38;
	[tilespmem:$0x1BE00] =	vst v63  }
0xb4: {  	_ =	swait.ge [sflag:s8], $0x100  }
0xb5: {  	[sflag:s8] =	ssyncset.done $0x0  }
0xb6: {  	s13 =	sadd.s32 $0x600, s13;
	s11 =	simm.s32 $0xC0;
	[sflag:s8] =	ssyncadd.s32 $0xFFFFFF00  }
.LBB2_4:
0xb7: {  	[tilespmem:s9], [sflag:$0x9] =	stream.indirect.gather [hbm4b:s0+s1], $0x80, s26, s1, $0xb8;
	[tilespmem:$0x1BE00] =	vst v63  }
0xb8: {  	_ =	swait.ge [sflag:s10], $0x2800  }
0xb9: {  	[sflag:s10] =	ssyncset.done $0x0  }
0xba: {  	[sflag:s10] =	ssyncadd.s32 $0xFFFFD800  }
0xbb: {  	[spmem:s3] =	stream.indirect.scatter.add.f32 [tilespmem:s23], [sflag:$0xA], $0x80, s22, s1, $0xb8;
	[tilespmem:$0x1BE00] =	vst v63  }
0xbc: {  	_ =	swait.ge [sflag:s12], $0x2800  }
0xbd: {  	[sflag:s12] =	ssyncset.done $0x0  }
0xbe: {  	s22 =	simm.s32 $0x180;
	[sflag:s12] =	ssyncadd.s32 $0xFFFFD800  }
0xbf: {  	[spmem:s3] =	stream.indirect.scatter.add.f32 [tilespmem:s7], [sflag:$0xB], $0x80, s22, s1, $0xb8;
	[tilespmem:$0x1BE00] =	vst v63  }
0xc0: {  	_ =	swait.ge [sflag:s15], $0x2800  }
0xc1: {  	[sflag:s15] =	ssyncset.done $0x0  }
0xc2: {  	s22 =	simm.s32 $0x280;
	[sflag:s15] =	ssyncadd.s32 $0xFFFFD800  }
0xc3: {  	[spmem:s3] =	stream.indirect.scatter.add.f32 [tilespmem:s9], [sflag:$0xC], $0x80, s22, s1, $0xb8;
	[tilespmem:$0x1BE00] =	vst v63  }
0xc4: {  	_ =	swait.ge [sflag:s17], $0x2800  }
0xc5: {  	s22 =	sshrl.u32 s13, $0x3;
	[sflag:s17] =	ssyncset.done $0x0  }
0xc6: {  	s22 =	sadd.s32 s5, s22;
	[sflag:s17] =	ssyncadd.s32 $0xFFFFD800  }
0xc7: {  	[tilespmem:s4], [sflag:$0x1] =	stream.linear.gather [hbm4b:s22+s4], $0x100, $0x38;
	[tilespmem:$0x1BE00] =	vst v63  }
0xc8: {  	_ =	swait.ge [sflag:s18], $0x100  }
0xc9: {  	[sflag:s18] =	ssyncset.done $0x0  }
0xca: {  	[sflag:s18] =	ssyncadd.s32 $0xFFFFFF00  }
0xcb: {  	[tilespmem:s23], [sflag:$0x7] =	stream.indirect.gather [hbm4b:s0+s1], $0x80, s28, s1, $0xb8;
	[tilespmem:$0x1BE00] =	vst v63  }
0xcc: {  	_ =	swait.ge [sflag:s19], $0x2800  }
0xcd: {  	s16 =	smov.u32 s11;
	s22 =	rddreg [dreg:$0x8];
	[sflag:s19] =	ssyncset.done $0x0  }
0xce: {  	[sflag:s19] =	ssyncadd.s32 $0xFFFFD800;
	s22 =	sadd.s32 s16, s22  }
0xcf: {  	[tilespmem:s25], [sflag:$0x2] =	stream.linear.gather [hbm4b:s22+s4], $0x100, $0x38;
	[tilespmem:$0x1BE00] =	vst v63  }
0xd0: {  	_ =	swait.ge [sflag:s20], $0x100  }
0xd1: {  	[sflag:s20] =	ssyncset.done $0x0  }
0xd2: {  	[sflag:s20] =	ssyncadd.s32 $0xFFFFFF00  }
0xd3: {  	[tilespmem:s7], [sflag:$0x8] =	stream.indirect.gather [hbm4b:s0+s1], $0x80, s29, s1, $0xb8;
	[tilespmem:$0x1BE00] =	vst v63  }
0xd4: {  	_ =	swait.ge [sflag:s21], $0x2800  }
0xd5: {  	s22 =	rddreg [dreg:$0x7];
	[sflag:s21] =	ssyncset.done $0x0  }
0xd6: {  	[sflag:s21] =	ssyncadd.s32 $0xFFFFD800;
	s22 =	sadd.s32 s16, s22  }
0xd7: {  	[tilespmem:s26], [sflag:$0x3] =	stream.linear.gather [hbm4b:s22+s4], $0x100, $0x38;
	[tilespmem:$0x1BE00] =	vst v63  }
0xd8: {  	_ =	swait.ge [sflag:s14], $0x100  }
0xd9: {  	[sflag:s14] =	ssyncset.done $0x0  }
0xda: {  	[sflag:s14] =	ssyncadd.s32 $0xFFFFFF00  }
0xdb: {  	[tilespmem:s9], [sflag:$0x9] =	stream.indirect.gather [hbm4b:s0+s1], $0x80, s30, s1, $0xb8;
	[tilespmem:$0x1BE00] =	vst v63  }
0xdc: {  	_ =	swait.ge [sflag:s10], $0x2800  }
0xdd: {  	[sflag:s10] =	ssyncset.done $0x0  }
0xde: {  	[sflag:s10] =	ssyncadd.s32 $0xFFFFD800  }
0xdf: {  	[spmem:s3] =	stream.indirect.scatter.add.f32 [tilespmem:s23], [sflag:$0xA], $0x80, s6, s1, $0xb8;
	[tilespmem:$0x1BE00] =	vst v63  }
0xe0: {  	_ =	swait.ge [sflag:s12], $0x2800  }
0xe1: {  	[sflag:s12] =	ssyncset.done $0x0  }
0xe2: {  	[sflag:s12] =	ssyncadd.s32 $0xFFFFD800  }
0xe3: {  	[spmem:s3] =	stream.indirect.scatter.add.f32 [tilespmem:s7], [sflag:$0xB], $0x80, s24, s1, $0xb8;
	[tilespmem:$0x1BE00] =	vst v63  }
0xe4: {  	_ =	swait.ge [sflag:s15], $0x2800  }
0xe5: {  	[sflag:s15] =	ssyncset.done $0x0  }
0xe6: {  	s22 =	simm.s32 $0x580;
	[sflag:s15] =	ssyncadd.s32 $0xFFFFD800  }
0xe7: {  	[spmem:s3] =	stream.indirect.scatter.add.f32 [tilespmem:s9], [sflag:$0xC], $0x80, s22, s1, $0xb8;
	[tilespmem:$0x1BE00] =	vst v63  }
0xe8: {  	_ =	swait.ge [sflag:s17], $0x2800  }
0xe9: {  	s22 =	rddreg [dreg:$0x6];
	[sflag:s17] =	ssyncset.done $0x0  }
0xea: {  	[sflag:s17] =	ssyncadd.s32 $0xFFFFD800;
	s22 =	sadd.s32 s16, s22  }
0xeb: {  	[tilespmem:s28], [sflag:$0x4] =	stream.linear.gather [hbm4b:s22+s4], $0x100, $0x38;
	[tilespmem:$0x1BE00] =	vst v63  }
0xec: {  	_ =	swait.ge [sflag:s31], $0x100  }
0xed: {  	[sflag:s31] =	ssyncset.done $0x0  }
0xee: {  	[sflag:s31] =	ssyncadd.s32 $0xFFFFFF00  }
0xef: {  	[tilespmem:s23], [sflag:$0x7] =	stream.indirect.gather [hbm4b:s0+s1], $0x80, s4, s1, $0xb8;
	[tilespmem:$0x1BE00] =	vst v63  }
0xf0: {  	_ =	swait.ge [sflag:s19], $0x2800  }
0xf1: {  	s22 =	rddreg [dreg:$0x5];
	[sflag:s19] =	ssyncset.done $0x0  }
0xf2: {  	[sflag:s19] =	ssyncadd.s32 $0xFFFFD800;
	s22 =	sadd.s32 s16, s22  }
0xf3: {  	[tilespmem:s29], [sflag:$0x5] =	stream.linear.gather [hbm4b:s22+s4], $0x100, $0x38;
	[tilespmem:$0x1BE00] =	vst v63  }
0xf4: {  	_ =	swait.ge [sflag:s2], $0x100  }
0xf5: {  	[sflag:s2] =	ssyncset.done $0x0  }
0xf6: {  	[sflag:s2] =	ssyncadd.s32 $0xFFFFFF00  }
0xf7: {  	[tilespmem:s7], [sflag:$0x8] =	stream.indirect.gather [hbm4b:s0+s1], $0x80, s25, s1, $0xb8;
	[tilespmem:$0x1BE00] =	vst v63  }
0xf8: {  	_ =	swait.ge [sflag:s21], $0x2800  }
0xf9: {  	p0 =	sne.s32 s11, $0xE40;
	s22 =	rddreg [dreg:$0x4];
	[sflag:s21] =	ssyncset.done $0x0  }
.Ltmp1:
0xfa: {  	[sflag:s21] =	ssyncadd.s32 $0xFFFFD800;
	s16 =	sadd.s32 s16, s22;
	(pc) =	sbr.rel @p0 .LBB2_4-.Ltmp1, $4  }
0xfb: {  	[tilespmem:s30], [sflag:$0x6] =	stream.linear.gather [hbm4b:s16+s4], $0x100, $0x38;
	[tilespmem:$0x1BE00] =	vst v63  }
0xfc: {  	_ =	swait.ge [sflag:s8], $0x100  }
0xfd: {  	s11 =	sadd.s32 $0xC0, s11;
	[sflag:s8] =	ssyncset.done $0x0  }
0xfe: {  	s13 =	sadd.s32 $0x600, s13;
	s22 =	simm.s32 $0x80;
	[sflag:s8] =	ssyncadd.s32 $0xFFFFFF00  }
0xff: {  	[tilespmem:s9], [sflag:$0x9] =	stream.indirect.gather [hbm4b:s0+s1], $0x80, s26, s1, $0xb8;
	[tilespmem:$0x1BE00] =	vst v63  }
0x100: {  	_ =	swait.ge [sflag:s10], $0x2800  }
0x101: {  	[sflag:s10] =	ssyncset.done $0x0  }
0x102: {  	[sflag:s10] =	ssyncadd.s32 $0xFFFFD800  }
0x103: {  	[spmem:s3] =	stream.indirect.scatter.add.f32 [tilespmem:s23], [sflag:$0xA], $0x80, s22, s1, $0xb8;
	[tilespmem:$0x1BE00] =	vst v63  }
0x104: {  	_ =	swait.ge [sflag:s12], $0x2800  }
0x105: {  	[sflag:s12] =	ssyncset.done $0x0  }
0x106: {  	s11 =	simm.s32 $0x180;
	[sflag:s12] =	ssyncadd.s32 $0xFFFFD800  }
0x107: {  	[spmem:s3] =	stream.indirect.scatter.add.f32 [tilespmem:s7], [sflag:$0xB], $0x80, s11, s1, $0xb8;
	[tilespmem:$0x1BE00] =	vst v63  }
0x108: {  	_ =	swait.ge [sflag:s15], $0x2800  }
0x109: {  	[sflag:s15] =	ssyncset.done $0x0  }
0x10a: {  	s13 =	simm.s32 $0x280;
	[sflag:s15] =	ssyncadd.s32 $0xFFFFD800  }
0x10b: {  	[spmem:s3] =	stream.indirect.scatter.add.f32 [tilespmem:s9], [sflag:$0xC], $0x80, s13, s1, $0xb8;
	[tilespmem:$0x1BE00] =	vst v63  }
0x10c: {  	_ =	swait.ge [sflag:s17], $0x2800  }
0x10d: {  	[sflag:s17] =	ssyncset.done $0x0  }
0x10e: {  	[sflag:s17] =	ssyncadd.s32 $0xFFFFD800  }
0x10f: {  	_ =	swait.ge [sflag:s18], $0x100  }
0x110: {  	[sflag:s18] =	ssyncset.done $0x0  }
0x111: {  	[sflag:s18] =	ssyncadd.s32 $0xFFFFFF00  }
0x112: {  	[tilespmem:s23], [sflag:$0x7] =	stream.indirect.gather [hbm4b:s0+s1], $0x80, s28, s1, $0xb8;
	[tilespmem:$0x1BE00] =	vst v63  }
0x113: {  	_ =	swait.ge [sflag:s19], $0x2800  }
0x114: {  	[sflag:s19] =	ssyncset.done $0x0  }
0x115: {  	[sflag:s19] =	ssyncadd.s32 $0xFFFFD800  }
0x116: {  	_ =	swait.ge [sflag:s20], $0x100  }
0x117: {  	[sflag:s20] =	ssyncset.done $0x0  }
0x118: {  	[sflag:s20] =	ssyncadd.s32 $0xFFFFFF00  }
0x119: {  	[tilespmem:s7], [sflag:$0x8] =	stream.indirect.gather [hbm4b:s0+s1], $0x80, s29, s1, $0xb8;
	[tilespmem:$0x1BE00] =	vst v63  }
0x11a: {  	_ =	swait.ge [sflag:s21], $0x2800  }
0x11b: {  	[sflag:s21] =	ssyncset.done $0x0  }
0x11c: {  	[sflag:s21] =	ssyncadd.s32 $0xFFFFD800  }
0x11d: {  	_ =	swait.ge [sflag:s14], $0x100  }
0x11e: {  	[sflag:s14] =	ssyncset.done $0x0  }
0x11f: {  	[sflag:s14] =	ssyncadd.s32 $0xFFFFFF00  }
0x120: {  	[tilespmem:s9], [sflag:$0x9] =	stream.indirect.gather [hbm4b:s0+s1], $0x80, s30, s1, $0xb8;
	[tilespmem:$0x1BE00] =	vst v63  }
0x121: {  	_ =	swait.ge [sflag:s10], $0x2800  }
0x122: {  	[sflag:s10] =	ssyncset.done $0x0  }
0x123: {  	[sflag:s10] =	ssyncadd.s32 $0xFFFFD800  }
0x124: {  	[spmem:s3] =	stream.indirect.scatter.add.f32 [tilespmem:s23], [sflag:$0xA], $0x80, s6, s1, $0xb8;
	[tilespmem:$0x1BE00] =	vst v63  }
0x125: {  	_ =	swait.ge [sflag:s12], $0x2800  }
0x126: {  	[sflag:s12] =	ssyncset.done $0x0  }
0x127: {  	[sflag:s12] =	ssyncadd.s32 $0xFFFFD800  }
0x128: {  	[spmem:s3] =	stream.indirect.scatter.add.f32 [tilespmem:s7], [sflag:$0xB], $0x80, s24, s1, $0xb8;
	[tilespmem:$0x1BE00] =	vst v63  }
0x129: {  	_ =	swait.ge [sflag:s15], $0x2800  }
0x12a: {  	[sflag:s15] =	ssyncset.done $0x0  }
0x12b: {  	s16 =	simm.s32 $0x580;
	[sflag:s15] =	ssyncadd.s32 $0xFFFFD800  }
0x12c: {  	[spmem:s3] =	stream.indirect.scatter.add.f32 [tilespmem:s9], [sflag:$0xC], $0x80, s16, s1, $0xb8;
	[tilespmem:$0x1BE00] =	vst v63  }
0x12d: {  	_ =	swait.ge [sflag:s17], $0x2800  }
0x12e: {  	[sflag:s17] =	ssyncset.done $0x0  }
0x12f: {  	[sflag:s17] =	ssyncadd.s32 $0xFFFFD800  }
0x130: {  	_ =	swait.ge [sflag:s19], $0x2800  }
0x131: {  	[sflag:s19] =	ssyncset.done $0x0  }
0x132: {  	[sflag:s19] =	ssyncadd.s32 $0xFFFFD800  }
0x133: {  	_ =	swait.ge [sflag:s21], $0x2800  }
0x134: {  	[sflag:s21] =	ssyncset.done $0x0  }
0x135: {  	[sflag:s21] =	ssyncadd.s32 $0xFFFFD800  }
0x136: {  	s22 =	stileid.u32;
	[bflag:$0x0] =	sbarrier.arrive $0xFFFF  }
0x137: {  	s11 =	sshll.u32 s22, $0x6;
	s22 =	simm.s32 $0xD;
	s16 =	rddreg [dreg:$0x9]  }
0x138: {  	s11 =	sor.u32 $0x1C0D, s11;
	s6 =	rddreg [dreg:$0x17];
	s13 =	sshrl.u32 s16, $0x3  }
0x139: {  	[hbm:s6], [sflag:s11] =	dma.local [spmem:s13], $0x2800  }
0x13a: {  	_ =	swait.ge [sflag:s22], $0x2800  }
0x13b: {  	s11 =	rddreg [dreg:$0x1a]  }
0x13c: {  	s13 =	rddreg [dreg:$0x18];
	s6 =	sadd.s32 $0x1, s11  }
0x13d: {  	p0 =	sne.s32 s6, s13  }
.Ltmp2:
0x13e: {  	_ = 	snop;
	(pc) =	sbr.rel @p0 .LBB2_1-.Ltmp2, $3  }
0x13f: {  	_ =	sdelay $0x1  }
0x140: {  	[sflag:s22] =	ssyncset.done $0x0  }
0x141: {  	[sflag:s22] =	ssyncadd.s32 $0xFFFFD800  }
0x142: {  	_ =	sfence.sel $0x180000  }
0x143: {  	[bflag:$0x0] =	sbarrier.arrive $0xFFFF  }
0x144: {  	_ =	strace $0x9000004D  }
0x145: {  	s0 =	stileid.u32;
	[bflag:$0x2] =	sbarrier.arrive $0xFFFF  }
0x146: {  	p0 =	sne.s32 s0, $0x0;
	s0 =	rddreg [dreg:$0x3]  }
0x147: {  	s0 =	sadd.s32 @!p0 $0x100000, s0  }
0x148: {  	[sflag:s0] =	ssyncadd.tile.s32 @!p0 $0x1;
	_ =	shalt  }
.Lfunc_end2:
_tile_overlayer_lowered:
.L_overlay_start_2:
0x149: {  	(tag) =	ssettag $0x2  }
0x14a: {  	s0 =	rddreg [dreg:$0x0];
	s2 =	stileid.u32  }
0x14b: {  	s1 =	rddreg [dreg:$0x1];
	p0 =	sne.s32 s2, $0x0  }
0x14c: {  	s3 =	rddreg [dreg:$0x2];
	[bflag:$0x3] =	sbarrier.arrive $0xFFFF;
	s2 =	simm.s32 @!p0 $0x1C0D  }
0x14d: {  	[timem:s3], [sflag:s2] =	dma.local @!p0 [hbm:s0], s1  }
0x14e: {  	s0 =	simm.s32 @!p0 $0xD  }
0x14f: {  	_ =	swait.ge @!p0 [sflag:s0], s1  }
0x150: {  	s1 =	ssub.s32 @!p0 $0x0, s1;
	[sflag:s0] =	ssyncset.done @!p0 $0x0  }
0x151: {  	[sflag:s0] =	ssyncadd.s32 @!p0 s1  }
0x152: {  	[bflag:$0x3] =	sbarrier.arrive $0xFFFF  }
0x153: {  	_ =	shalt  }

// kernel: kernel.9.cloned.1.call-start
scs
__scs_entry_jumppad:
0x0: {  	(pc) =	sbr.rel $0x88, $3  }
0x1: {  	(tag) =	ssettag $0x0;
	lr =	simm.s32 $0x1  }
0x2: {  	[smem:$0x3F95] =	sst lr;
	_ =	strace $0xD0000000  }
0x3: {  	_ = 	snop  }
0x4: {  	_ = 	snop  }
0x5: {  	_ = 	snop  }
0x6: {  	_ = 	snop  }
0x7: {  	_ = 	snop  }
__scs_overlays_trampoline_lowered:
0x8: {  	[smem:$0x3FA4] =	sst s0  }
0x9: {  	[smem:$0x3FA5] =	sst s1  }
0xa: {  	[smem:$0x3FA6] =	sst s2  }
0xb: {  	[smem:$0x3FA7] =	sst s3  }
0xc: {  	[smem:$0x3FA8] =	sst s4  }
0xd: {  	[smem:$0x3FA9] =	sst s5  }
0xe: {  	[smem:$0x3FAA] =	sst s6  }
0xf: {  	[smem:$0x3FAB] =	sst s7  }
0x10: {  	[smem:$0x3FAC] =	sst s8  }
0x11: {  	[smem:$0x3FAD] =	sst s9;
	s0 =	simm.s32 @!p0 $0x0  }
0x12: {  	s1 =	sld [smem:$0x3F93];
	s0 =	simm.s32 @p0 $0x1  }
0x13: {  	[smem:$0x3FAE] =	sst s0;
	s0 =	simm.s32 @!p1 $0x0  }
0x14: {  	s2 =	sld [smem:$0x3F92];
	s0 =	simm.s32 @p1 $0x1  }
0x15: {  	[smem:$0x3FAF] =	sst s0;
	s0 =	simm.s32 @!p2 $0x0  }
0x16: {  	s3 =	sld [smem:$0x3FDB];
	s0 =	simm.s32 @p2 $0x1  }
0x17: {  	s4 =	simm.s32 $0x1BF5;
	[smem:$0x3FB1] =	sst s0  }
0x18: {  	s0 =	sld [smem:$0x3F94];
	_ =	swait.ge [sflag:s4], $0x0  }
0x19: {  	s7 =	sld [smem:$0x3F95]  }
0x1a: {  	s8 =	sadd.s32 $0xFFFFE003, lr  }
0x1b: {  	s9 =	sadd.s32 $0xFFFFFEF7, lr;
	s5 =	simm.s32 $0xFFFFFFFF;
	p2 =	slt.u32 s8, $0xFFFFF086  }
0x1c: {  	p1 =	slt.u32 s9, $0xF7A;
	s5 =	simm.s32 @!p2 $0x0  }
0x1d: {  	s5 =	simm.s32 @p1 $0x1;
	p0 =	seq.s32 s7, s2  }
0x1e: {  	s7 =	smul.u32 @!p0 $0xF7A, s2;
	p2 =	seq.s32 @!p0 s5, $0x0  }
0x1f: {  	s9 =	smul.u32 $0xF7A, s1;
	s8 =	simm.s32 @!p0 $0x1BF5;
	p2 =	por !p2, p0  }
0x20: {  	[sflag:s8] =	ssyncset.s32 @!p0 $0xFFFFF086;
	s6 =	sadd.s32 @!p0 s3, s7;
	s7 =	simm.s32 @!p0 $0x108  }
0x21: {  	s3 =	sadd.s32 s3, s9;
	s6 =	sadd.s32 @!p0 $0x88, s6;
	s7 =	simm.s32 @p2 $0x1082  }
0x22: {  	[simem:s7], [sflag:s8] =	dma.local @!p0 [hbm:s6], $0xF7A  }
0x23: {  	s9 =	sor.u32 $0xD0000000, s2;
	s6 =	simm.s32 $0x108;
	_ =	swait.ge @!p0 [sflag:s8], $0x0  }
0x24: {  	s3 =	sadd.s32 $0x88, s3;
	s6 =	simm.s32 @!p1 $0x1082;
	[sflag:s4] =	ssyncset.s32 $0xFFFFF086  }
0x25: {  	[simem:s6], [sflag:s4] =	dma.local [hbm:s3], $0xF7A  }
0x26: {  	[smem:$0x3F95] =	sst s1;
	(tag) =	ssettag s2;
	_ =	strace s9  }
0x27: {  	s1 =	sld [smem:$0x3FA5]  }
0x28: {  	s2 =	sld [smem:$0x3FA6]  }
0x29: {  	s4 =	sld [smem:$0x3FA8]  }
0x2a: {  	p0 =	seq.s32 s5, $0x0;
	s5 =	sld [smem:$0x3FA9]  }
0x2b: {  	s6 =	sld [smem:$0x3FAA]  }
0x2c: {  	s7 =	sld [smem:$0x3FAB]  }
0x2d: {  	s3 =	simm.s32 $0x108;
	s8 =	sld [smem:$0x3FAC]  }
0x2e: {  	s3 =	simm.s32 @!p0 $0x1082;
	s9 =	sld [smem:$0x3FAD]  }
0x2f: {  	lr =	sadd.s32 s0, s3;
	s0 =	sld [smem:$0x3FA4]  }
0x30: {  	s3 =	sld [smem:$0x3FA7]  }
0x31: {  	[smem:$0x3FB0] =	sst s10  }
0x32: {  	s10 =	sld [smem:$0x3FAE];
	_ =	sdelay $0x3  }
0x33: {  	p0 =	seq.s32 s10, $0x1;
	s10 =	sld [smem:$0x3FB0];
	_ =	sdelay $0x3  }
0x34: {  	[smem:$0x3FB0] =	sst s10  }
0x35: {  	s10 =	sld [smem:$0x3FAF];
	_ =	sdelay $0x3  }
0x36: {  	p1 =	seq.s32 s10, $0x1;
	s10 =	sld [smem:$0x3FB0];
	_ =	sdelay $0x3  }
0x37: {  	[smem:$0x3FB0] =	sst s10  }
0x38: {  	s10 =	sld [smem:$0x3FB1]  }
0x39: {  	_ = 	snop;
	(pc) =	sbr.ind lr, $3  }
0x3a: {  	_ = 	snop  }
0x3b: {  	_ = 	snop  }
0x3c: {  	p2 =	seq.s32 s10, $0x1;
	s10 =	sld [smem:$0x3FB0]  }
0x3d: {  	_ =	shalt  }
0x3e: {  	_ =	shalt  }
0x3f: {  	_ =	shalt  }
0x40: {  	_ =	shalt  }
0x41: {  	_ =	shalt  }
0x42: {  	_ =	shalt  }
0x43: {  	_ =	shalt  }
0x44: {  	_ =	shalt  }
0x45: {  	_ =	shalt  }
0x46: {  	_ =	shalt  }
0x47: {  	_ =	shalt  }
0x48: {  	_ =	shalt  }
0x49: {  	_ =	shalt  }
0x4a: {  	_ =	shalt  }
0x4b: {  	_ =	shalt  }
0x4c: {  	_ =	shalt  }
0x4d: {  	_ =	shalt  }
0x4e: {  	_ =	shalt  }
0x4f: {  	_ =	shalt  }
0x50: {  	_ =	shalt  }
0x51: {  	_ =	shalt  }
0x52: {  	_ =	shalt  }
0x53: {  	_ =	shalt  }
0x54: {  	_ =	shalt  }
0x55: {  	_ =	shalt  }
0x56: {  	_ =	shalt  }
0x57: {  	_ =	shalt  }
0x58: {  	_ =	shalt  }
0x59: {  	_ =	shalt  }
0x5a: {  	_ =	shalt  }
0x5b: {  	_ =	shalt  }
0x5c: {  	_ =	shalt  }
0x5d: {  	_ =	shalt  }
0x5e: {  	_ =	shalt  }
0x5f: {  	_ =	shalt  }
0x60: {  	_ =	shalt  }
0x61: {  	_ =	shalt  }
0x62: {  	_ =	shalt  }
0x63: {  	_ =	shalt  }
0x64: {  	_ =	shalt  }
0x65: {  	_ =	shalt  }
0x66: {  	_ =	shalt  }
0x67: {  	_ =	shalt  }
0x68: {  	_ =	shalt  }
0x69: {  	_ =	shalt  }
0x6a: {  	_ =	shalt  }
0x6b: {  	_ =	shalt  }
0x6c: {  	_ =	shalt  }
0x6d: {  	_ =	shalt  }
0x6e: {  	_ =	shalt  }
0x6f: {  	_ =	shalt  }
0x70: {  	_ =	shalt  }
0x71: {  	_ =	shalt  }
0x72: {  	_ =	shalt  }
0x73: {  	_ =	shalt  }
0x74: {  	_ =	shalt  }
0x75: {  	_ =	shalt  }
0x76: {  	_ =	shalt  }
0x77: {  	_ =	shalt  }
0x78: {  	_ =	shalt  }
0x79: {  	_ =	shalt  }
0x7a: {  	_ =	shalt  }
0x7b: {  	_ =	shalt  }
0x7c: {  	_ =	shalt  }
0x7d: {  	_ =	shalt  }
0x7e: {  	_ =	shalt  }
0x7f: {  	_ =	shalt  }
0x80: {  	_ =	shalt  }
0x81: {  	_ =	shalt  }
0x82: {  	_ =	shalt  }
0x83: {  	_ =	shalt  }
0x84: {  	_ =	shalt  }
0x85: {  	_ =	shalt  }
0x86: {  	_ =	shalt  }
0x87: {  	_ =	shalt  }
.Lfunc_end0:
.L_simem_size_0:
called_computation_lowered:
.L_overlay_start_0:
0x88: {  	s2 =	sld [smem:$0x3FD9]  }
0x89: {  	s3 =	sld [smem:$0x3FFE];
	_ =	sdelay $0x1  }
0x8a: {  	s1 =	srdreg.scid  }
0x8b: {  	s0 =	sand.u32 $0x1, s1  }
0x8c: {  	s17 =	sshll.u32 s0, $0xA;
	s2 =	sadd.s32 s3, s2  }
0x8d: {  	s2 =	sadd.s32 s2, s17  }
0x8e: {  	[smem:$0x3FBC] =	sst s2  }
0x8f: {  	_ = 	snop  }
0x90: {  	s2 =	sld [smem:$0x3FD0];
	(tm) =	ssettm $0x1  }
0x91: {  	s18 =	sld [smem:$0x3FFB];
	_ =	sdelay $0x3  }
0x92: {  	_ =	strace s18  }
0x93: {  	s3 =	sld [smem:$0x3FFC];
	_ =	sdelay $0x3  }
0x94: {  	_ =	strace s3  }
0x95: {  	s3 =	sld [smem:$0x3FFD];
	_ =	sdelay $0x3  }
0x96: {  	_ =	strace s3  }
0x97: {  	_ =	strace $0x8FFFFFFF  }
0x98: {  	s19 =	sld [smem:$0x3FDB];
	_ =	sdelay $0x1  }
0x99: {  	s4 =	simm.s32 $_scs_section_size  }
0x9a: {  	s5 =	simm.s32 $_size__tile_overlayer_lowered;
	s6 =	simm.s32 $_tile_overlayer_lowered  }
0x9b: {  	s22 =	simm.s32 $0x1BFF;
	s21 =	sshll.u32 s6, $0x1;
	s3 =	sadd.s32 s4, s19  }
0x9c: {  	s7 =	simm.s32 $0x0;
	s20 =	sshll.u32 s5, $0x1;
	s5 =	sadd.s32 s21, s3  }
0x9d: {  	[timem:s7], [sflag:s22] =	dma.local [hbm:s5], s20  }
0x9e: {  	_ =	swait.ge [sflag:s22], s20  }
0x9f: {  	s4 =	ssub.s32 $0x0, s20;
	[sflag:s22] =	ssyncset.done $0x0  }
0xa0: {  	[sflag:s22] =	ssyncadd.s32 s4;
	_ =	sdelay $0x1  }
0xa1: {  	s23 =	simm.s32 $0x1B8B  }
0xa2: {  	_ =	swait.ge [sflag:s23], $0x1  }
0xa3: {  	[sflag:s23] =	ssyncset.done $0x0  }
0xa4: {  	s25 =	simm.s32 $0x1B8E;
	s24 =	sld [smem:$0x3FFE];
	[sflag:s23] =	ssyncadd.s32 $0xFFFFFFFF  }
0xa5: {  	s26 =	simm.s32 $execute0_lowered;
	[smem:$0x3FD2] =	sst s25  }
0xa6: {  	s5 =	sshll.u32 s26, $0x1;
	_ =	strace $0x80000046;
	[dreg:$0x1] =	wrdreg $0xFFFFFFFF  }
0xa7: {  	s28 =	simm.s32 $_size_execute0_lowered;
	s3 =	sadd.s32 s3, s5;
	[dreg:$0x0] =	wrdreg $0x0  }
0xa8: {  	s5 =	sshll.u32 s28, $0x1;
	[dreg:$0x2] =	wrdreg s3  }
0xa9: {  	[dreg:$0x3] =	wrdreg s5  }
0xaa: {  	[dreg:$0x4] =	wrdreg $0xC0  }
0xab: {  	_ =	task [dreg:s7], $0x5FFFF  }
0xac: {  	[dreg:$0x1] =	wrdreg $0xFFFFFFFF  }
0xad: {  	[dreg:$0x0] =	wrdreg $0x60  }
0xae: {  	[dreg:$0x2] =	wrdreg s2  }
0xaf: {  	[dreg:$0x3] =	wrdreg s24  }
0xb0: {  	[dreg:$0x4] =	wrdreg $0x7E000  }
0xb1: {  	[dreg:$0x5] =	wrdreg $0x9  }
0xb2: {  	_ =	task.clear_ibuf [dreg:s7], $0x6FFFF;
	_ =	strace $0x90000046  }
0xb3: {  	s29 =	simm.s32 $0x9;
	_ =	strace $0x80000048  }
0xb4: {  	_ =	swait.ge [sflag:s29], $0x1  }
0xb5: {  	[sflag:s29] =	ssyncadd.s32 $0xFFFFFFFF  }
0xb6: {  	_ =	strace $0x90000048  }
0xb7: {  	_ =	sfence  }
0xb8: {  	s30 =	sld [smem:$0x0];
	_ =	sdelay $0x2  }
0xb9: {  	s31 =	sshll.u32 s1, $0xD;
	s1 =	sshrl.u32 s1, $0x2  }
0xba: {  	s3 =	sand.u32 $0x4000, s31;
	s1 =	sadd.s32 s1, s30  }
0xbb: {  	s0 =	sor.u32 s3, s0;
	s1 =	sshll.u32 s1, $0x11  }
0xbc: {  	s0 =	sor.u32 s1, s0  }
0xbd: {  	s0 =	sadd.s32 $0x8F2B, s0  }
0xbe: {  	[sflag:s0] =	ssyncadd.remote.s32 $0x1  }
0xbf: {  	_ =	sfence.sel $0xFFFF  }
0xc0: {  	[dreg:$0x0] =	wrdreg $0xFFFFFFFF;
	(pc) =	sbr.abs _section_cstart, $3  }
0xc1: {  	[dreg:$0x1] =	wrdreg $0xFFFFFFFF  }
0xc2: {  	_ =	task.clear_ibuf [dreg:s7], $0x2FFFF;
	_ =	strace $0x9FFFFFFF  }
0xc3: {  	(tm) =	ssettm $0x7FFFFFFF  }
tec
execute0_lowered:
.L_overlay_start_1:
0x0: {  	(tag) =	ssettag $0x1  }
0x1: {  	s0 =	rddreg [dreg:$0x0]  }
0x2: {  	s1 =	rddreg [dreg:$0x1];
	s2 =	srdreg.scid  }
0x3: {  	s3 =	rddreg [dreg:$0x2];
	s10 =	stileid.u32;
	s4 =	simm.s32 $0x0  }
0x4: {  	s28 =	simm.s32 $0x300;
	s29 =	simm.s32 $0x400;
	s6 =	smul.u32 $0x14000, s10  }
0x5: {  	s30 =	simm.s32 $0x500;
	s31 =	simm.s32 $0x1;
	s7 =	smul.u32 $0x50000, s10  }
0x6: {  	s2 =	sand.u32 $0x1, s2;
	[smem:$0x7FF] =	sst s4;
	s20 =	smul.u32 $0xFC00, s10  }
0x7: {  	s8 =	sshll.u32 s10, $0x1;
	s10 =	simm.s32 $0x7;
	s5 =	smul.u32 $0x140000, s2  }
0x8: {  	s16 =	ssub.s32 $0x2, s2;
	s8 =	sor.u32 s2, s8;
	s2 =	smul.u32 $0x7E00, s2  }
0x9: {  	_ =	strace $0x80000047;
	s9 =	sshrl.u32 s16, $0x1;
	s7 =	sshrl.u32 s7, $0x2  }
0xa: {  	s17 =	smul.u32 $0x7E00, s8;
	s6 =	sadd.s32 s6, s5;
	s2 =	sadd.s32 s2, s20  }
0xb: {  	s5 =	sadd.s32 $0x2A00, s1;
	s6 =	sshrl.u32 s6, $0x3;
	s11 =	sadd.s32 $0xB00, s2  }
0xc: {  	s1 =	sadd.s32 s6, s1;
	s6 =	ssub.s32 s16, s9;
	s16 =	sadd.s32 s7, s3  }
0xd: {  	s13 =	sadd.s32 $0xA00, s2;
	s18 =	sadd.s32 $0x2800, s16;
	[dreg:$0x9] =	wrdreg s16  }
0xe: {  	s20 =	sadd.s32 $0x700, s2;
	s19 =	sadd.s32 $0x5000, s16;
	[dreg:$0xa] =	wrdreg s18  }
0xf: {  	s7 =	sshrl.u32 s17, $0x3;
	s21 =	sadd.s32 $0x7800, s16;
	[dreg:$0xb] =	wrdreg s19  }
0x10: {  	s8 =	sshrl.u32 s13, $0x3;
	s22 =	sadd.s32 $0xA000, s16;
	[dreg:$0xc] =	wrdreg s21  }
0x11: {  	s17 =	sadd.s32 $0x900, s2;
	s23 =	sadd.s32 $0xC800, s16;
	[dreg:$0xd] =	wrdreg s22  }
0x12: {  	s24 =	sadd.s32 $0xF000, s16;
	s25 =	sadd.s32 $0x11800, s16;
	[dreg:$0xe] =	wrdreg s23  }
0x13: {  	s26 =	sadd.s32 s5, s7;
	s15 =	sadd.s32 s8, s5;
	[dreg:$0xf] =	wrdreg s24  }
0x14: {  	s1 =	sadd.s32 $0x22200, s1;
	[dreg:$0x10] =	wrdreg s25;
	s7 =	sadd.s32 $0x20, s26  }
0x15: {  	s9 =	sadd.s32 $0x40, s26;
	s12 =	sadd.s32 $0x60, s26;
	[dreg:$0x5] =	wrdreg s15  }
0x16: {  	s14 =	sadd.s32 $0x80, s26;
	s18 =	sshrl.u32 s17, $0x3;
	[dreg:$0x11] =	wrdreg s26  }
0x17: {  	s19 =	sadd.s32 $0x800, s2;
	s22 =	sshrl.u32 s20, $0x3;
	[dreg:$0x17] =	wrdreg s1  }
0x18: {  	s23 =	sadd.s32 $0xA0, s26;
	s25 =	smax.u32 s6, $0x1;
	[dreg:$0x12] =	wrdreg s7  }
0x19: {  	s26 =	sadd.s32 $0x600, s2;
	s1 =	simm.s32 $0x50;
	[dreg:$0x13] =	wrdreg s9  }
0x1a: {  	s2 =	simm.s32 $0x2;
	s15 =	simm.s32 $0x9;
	[dreg:$0x14] =	wrdreg s12  }
0x1b: {  	s17 =	simm.s32 $0xA;
	s20 =	simm.s32 $0x5;
	[dreg:$0x15] =	wrdreg s14  }
0x1c: {  	s6 =	simm.s32 $0x0;
	s7 =	sshrl.u32 s11, $0x3;
	[dreg:$0x16] =	wrdreg s23  }
0x1d: {  	s8 =	sshrl.u32 s19, $0x3;
	s24 =	sadd.s32 s22, s5;
	[dreg:$0x18] =	wrdreg s25  }
0x1e: {  	[dreg:$0x19] =	wrdreg s26;
	s23 =	simm.s32 $0x600;
	s22 =	simm.s32 $0xD  }
0x1f: {  	s25 =	simm.s32 $0x100;
	s26 =	simm.s32 $0x200;
	s9 =	simm.s32 $0x5600  }
0x20: {  	s12 =	simm.s32 $0x8;
	s19 =	simm.s32 $0xB;
	s14 =	simm.s32 $0x6  }
0x21: {  	s7 =	sadd.s32 s7, s5;
	s21 =	sadd.s32 s8, s5;
	[dreg:$0x8] =	wrdreg s24  }
0x22: {  	s8 =	simm.s32 $0x3;
	s24 =	simm.s32 $0x480;
	[dreg:$0x4] =	wrdreg s7  }
0x23: {  	s7 =	sadd.s32 s18, s5;
	[dreg:$0x7] =	wrdreg s21;
	s18 =	simm.s32 $0x4  }
0x24: {  	v0 =	vimm.f32 $0.0e+00;
	s21 =	simm.s32 $0xC;
	[dreg:$0x6] =	wrdreg s7;
	s7 =	simm.s32 $0x2E00  }
.LBB2_1:
0x25: {  	[dreg:$0x1a] =	wrdreg s6;
	s11 =	simm.s32 $0x0;
	s13 =	simm.s32 $0x200  }
.LBB2_2:
0x26: {  	p0 =	sne.s32 s13, $0x9E00;
	[tilespmem:s11+$0x670] =	vst v0  }
0x27: {  	[tilespmem:s11+$0x600] =	vst v0  }
0x28: {  	[tilespmem:s11+$0x610] =	vst v0  }
.Ltmp0:
0x29: {  	[tilespmem:s11+$0x620] =	vst v0;
	(pc) =	sbr.rel @p0 .LBB2_2-.Ltmp0, $4  }
0x2a: {  	[tilespmem:s11+$0x630] =	vst v0  }
0x2b: {  	[tilespmem:s11+$0x640] =	vst v0  }
0x2c: {  	[tilespmem:s11+$0x650] =	vst v0  }
0x2d: {  	[tilespmem:s11+$0x660] =	vst v0;
	s11 =	sshra.s32 s13, $0x2;
	s13 =	sadd.s32 $0x200, s13  }
0x2e: {  	[tilespmem:s11+$0x670] =	vst v0  }
0x2f: {  	[tilespmem:s11+$0x600] =	vst v0  }
0x30: {  	[tilespmem:s11+$0x610] =	vst v0  }
0x31: {  	[tilespmem:s11+$0x620] =	vst v0  }
0x32: {  	[tilespmem:s11+$0x630] =	vst v0  }
0x33: {  	[tilespmem:s11+$0x640] =	vst v0  }
0x34: {  	[tilespmem:s11+$0x650] =	vst v0  }
0x35: {  	[tilespmem:s11+$0x660] =	vst v0  }
0x36: {  	[spmem:s16] =	stream.linear.scatter [tilespmem:s23], [sflag:$0xD], $0x2800, $0x38;
	[tilespmem:$0x1BE00] =	vst v63  }
0x37: {  	_ =	swait.ge [sflag:s22], $0x2800  }
0x38: {  	[sflag:s22] =	ssyncset.done $0x0  }
0x39: {  	s16 =	rddreg [dreg:$0xa];
	[sflag:s22] =	ssyncadd.s32 $0xFFFFD800  }
0x3a: {  	[spmem:s16] =	stream.linear.scatter [tilespmem:s23], [sflag:$0xD], $0x2800, $0x38;
	[tilespmem:$0x1BE00] =	vst v63  }
0x3b: {  	_ =	swait.ge [sflag:s22], $0x2800  }
0x3c: {  	[sflag:s22] =	ssyncset.done $0x0  }
0x3d: {  	s6 =	rddreg [dreg:$0xb];
	[sflag:s22] =	ssyncadd.s32 $0xFFFFD800  }
0x3e: {  	[spmem:s6] =	stream.linear.scatter [tilespmem:s23], [sflag:$0xD], $0x2800, $0x38;
	[tilespmem:$0x1BE00] =	vst v63  }
0x3f: {  	_ =	swait.ge [sflag:s22], $0x2800  }
0x40: {  	[sflag:s22] =	ssyncset.done $0x0  }
0x41: {  	s13 =	rddreg [dreg:$0xc];
	[sflag:s22] =	ssyncadd.s32 $0xFFFFD800  }
0x42: {  	[spmem:s13] =	stream.linear.scatter [tilespmem:s23], [sflag:$0xD], $0x2800, $0x38;
	[tilespmem:$0x1BE00] =	vst v63  }
0x43: {  	_ =	swait.ge [sflag:s22], $0x2800  }
0x44: {  	[sflag:s22] =	ssyncset.done $0x0  }
0x45: {  	s16 =	rddreg [dreg:$0xd];
	[sflag:s22] =	ssyncadd.s32 $0xFFFFD800  }
0x46: {  	[spmem:s16] =	stream.linear.scatter [tilespmem:s23], [sflag:$0xD], $0x2800, $0x38;
	[tilespmem:$0x1BE00] =	vst v63  }
0x47: {  	_ =	swait.ge [sflag:s22], $0x2800  }
0x48: {  	[sflag:s22] =	ssyncset.done $0x0  }
0x49: {  	s6 =	rddreg [dreg:$0xe];
	[sflag:s22] =	ssyncadd.s32 $0xFFFFD800  }
0x4a: {  	[spmem:s6] =	stream.linear.scatter [tilespmem:s23], [sflag:$0xD], $0x2800, $0x38;
	[tilespmem:$0x1BE00] =	vst v63  }
0x4b: {  	_ =	swait.ge [sflag:s22], $0x2800  }
0x4c: {  	[sflag:s22] =	ssyncset.done $0x0  }
0x4d: {  	s13 =	rddreg [dreg:$0xf];
	[sflag:s22] =	ssyncadd.s32 $0xFFFFD800  }
0x4e: {  	[spmem:s13] =	stream.linear.scatter [tilespmem:s23], [sflag:$0xD], $0x2800, $0x38;
	[tilespmem:$0x1BE00] =	vst v63  }
0x4f: {  	_ =	swait.ge [sflag:s22], $0x2800  }
0x50: {  	[sflag:s22] =	ssyncset.done $0x0  }
0x51: {  	s16 =	rddreg [dreg:$0x10];
	[sflag:s22] =	ssyncadd.s32 $0xFFFFD800  }
0x52: {  	[spmem:s16] =	stream.linear.scatter [tilespmem:s23], [sflag:$0xD], $0x2800, $0x38;
	[tilespmem:$0x1BE00] =	vst v63  }
0x53: {  	_ =	swait.ge [sflag:s22], $0x2800  }
0x54: {  	[sflag:s22] =	ssyncset.done $0x0  }
0x55: {  	[sflag:s22] =	ssyncadd.s32 $0xFFFFD800  }
0x56: {  	[bflag:$0x0] =	sbarrier.arrive $0xFFFF  }
0x57: {  	s11 =	simm.s32 $0x0;
	s13 =	rddreg [dreg:$0x11]  }
0x58: {  	[tilespmem:s11], [sflag:$0x1] =	stream.linear.gather [hbm4b:s13+s11], $0x100, $0x38;
	[tilespmem:$0x1BE00] =	vst v63  }
0x59: {  	s22 =	rddreg [dreg:$0x12]  }
0x5a: {  	[tilespmem:s25], [sflag:$0x2] =	stream.linear.gather [hbm4b:s22+s11], $0x100, $0x38;
	[tilespmem:$0x1BE00] =	vst v63  }
0x5b: {  	s6 =	rddreg [dreg:$0x13]  }
0x5c: {  	[tilespmem:s26], [sflag:$0x3] =	stream.linear.gather [hbm4b:s6+s11], $0x100, $0x38;
	[tilespmem:$0x1BE00] =	vst v63  }
0x5d: {  	s16 =	rddreg [dreg:$0x14]  }
0x5e: {  	[tilespmem:s28], [sflag:$0x4] =	stream.linear.gather [hbm4b:s16+s11], $0x100, $0x38;
	[tilespmem:$0x1BE00] =	vst v63  }
0x5f: {  	s22 =	rddreg [dreg:$0x15]  }
0x60: {  	[tilespmem:s29], [sflag:$0x5] =	stream.linear.gather [hbm4b:s22+s11], $0x100, $0x38;
	[tilespmem:$0x1BE00] =	vst v63  }
0x61: {  	s6 =	rddreg [dreg:$0x16]  }
0x62: {  	[tilespmem:s30], [sflag:$0x6] =	stream.linear.gather [hbm4b:s6+s11], $0x100, $0x38;
	[tilespmem:$0x1BE00] =	vst v63  }
0x63: {  	_ =	swait.ge [sflag:s31], $0x100  }
0x64: {  	[sflag:s31] =	ssyncset.done $0x0  }
0x65: {  	[sflag:s31] =	ssyncadd.s32 $0xFFFFFF00  }
0x66: {  	[tilespmem:s23], [sflag:$0x7] =	stream.indirect.gather [hbm4b:s0+s1], $0x80, s11, s1, $0xb8;
	[tilespmem:$0x1BE00] =	vst v63  }
0x67: {  	_ =	swait.ge [sflag:s2], $0x100  }
0x68: {  	[sflag:s2] =	ssyncset.done $0x0  }
0x69: {  	[sflag:s2] =	ssyncadd.s32 $0xFFFFFF00  }
0x6a: {  	[tilespmem:s7], [sflag:$0x8] =	stream.indirect.gather [hbm4b:s0+s1], $0x80, s25, s1, $0xb8;
	[tilespmem:$0x1BE00] =	vst v63  }
0x6b: {  	_ =	swait.ge [sflag:s8], $0x100  }
0x6c: {  	[sflag:s8] =	ssyncset.done $0x0  }
0x6d: {  	[sflag:s8] =	ssyncadd.s32 $0xFFFFFF00  }
0x6e: {  	[tilespmem:s9], [sflag:$0x9] =	stream.indirect.gather [hbm4b:s0+s1], $0x80, s26, s1, $0xb8;
	[tilespmem:$0x1BE00] =	vst v63  }
0x6f: {  	_ =	swait.ge [sflag:s10], $0x2800  }
0x70: {  	[sflag:s10] =	ssyncset.done $0x0  }
0x71: {  	s22 =	simm.s32 $0x80;
	[sflag:s10] =	ssyncadd.s32 $0xFFFFD800  }
0x72: {  	[spmem:s3] =	stream.indirect.scatter.add.f32 [tilespmem:s23], [sflag:$0xA], $0x80, s22, s1, $0xb8;
	[tilespmem:$0x1BE00] =	vst v63  }
0x73: {  	_ =	swait.ge [sflag:s12], $0x2800  }
0x74: {  	[sflag:s12] =	ssyncset.done $0x0  }
0x75: {  	s6 =	simm.s32 $0x180;
	[sflag:s12] =	ssyncadd.s32 $0xFFFFD800  }
0x76: {  	[spmem:s3] =	stream.indirect.scatter.add.f32 [tilespmem:s7], [sflag:$0xB], $0x80, s6, s1, $0xb8;
	[tilespmem:$0x1BE00] =	vst v63  }
0x77: {  	_ =	swait.ge [sflag:s15], $0x2800  }
0x78: {  	[sflag:s15] =	ssyncset.done $0x0  }
0x79: {  	s16 =	simm.s32 $0x280;
	[sflag:s15] =	ssyncadd.s32 $0xFFFFD800  }
0x7a: {  	[spmem:s3] =	stream.indirect.scatter.add.f32 [tilespmem:s9], [sflag:$0xC], $0x80, s16, s1, $0xb8;
	[tilespmem:$0x1BE00] =	vst v63  }
0x7b: {  	_ =	swait.ge [sflag:s17], $0x2800  }
0x7c: {  	s13 =	rddreg [dreg:$0x19]  }
0x7d: {  	[sflag:s17] =	ssyncset.done $0x0;
	s6 =	sshrl.u32 s13, $0x3  }
0x7e: {  	[sflag:s17] =	ssyncadd.s32 $0xFFFFD800;
	s11 =	sadd.s32 s5, s6  }
0x7f: {  	[tilespmem:s4], [sflag:$0x1] =	stream.linear.gather [hbm4b:s11+s4], $0x100, $0x38;
	[tilespmem:$0x1BE00] =	vst v63  }
0x80: {  	_ =	swait.ge [sflag:s18], $0x100  }
0x81: {  	[sflag:s18] =	ssyncset.done $0x0  }
0x82: {  	[sflag:s18] =	ssyncadd.s32 $0xFFFFFF00  }
0x83: {  	[tilespmem:s23], [sflag:$0x7] =	stream.indirect.gather [hbm4b:s0+s1], $0x80, s28, s1, $0xb8;
	[tilespmem:$0x1BE00] =	vst v63  }
0x84: {  	_ =	swait.ge [sflag:s19], $0x2800  }
0x85: {  	s16 =	rddreg [dreg:$0x8];
	[sflag:s19] =	ssyncset.done $0x0  }
0x86: {  	[sflag:s19] =	ssyncadd.s32 $0xFFFFD800;
	s11 =	sadd.s32 $0x0, s16  }
0x87: {  	[tilespmem:s25], [sflag:$0x2] =	stream.linear.gather [hbm4b:s11+s4], $0x100, $0x38;
	[tilespmem:$0x1BE00] =	vst v63  }
0x88: {  	_ =	swait.ge [sflag:s20], $0x100  }
0x89: {  	[sflag:s20] =	ssyncset.done $0x0  }
0x8a: {  	[sflag:s20] =	ssyncadd.s32 $0xFFFFFF00  }
0x8b: {  	[tilespmem:s7], [sflag:$0x8] =	stream.indirect.gather [hbm4b:s0+s1], $0x80, s29, s1, $0xb8;
	[tilespmem:$0x1BE00] =	vst v63  }
0x8c: {  	_ =	swait.ge [sflag:s21], $0x2800  }
0x8d: {  	s6 =	rddreg [dreg:$0x7];
	[sflag:s21] =	ssyncset.done $0x0  }
0x8e: {  	[sflag:s21] =	ssyncadd.s32 $0xFFFFD800;
	s11 =	sadd.s32 $0x0, s6  }
0x8f: {  	[tilespmem:s26], [sflag:$0x3] =	stream.linear.gather [hbm4b:s11+s4], $0x100, $0x38;
	[tilespmem:$0x1BE00] =	vst v63  }
0x90: {  	_ =	swait.ge [sflag:s14], $0x100  }
0x91: {  	[sflag:s14] =	ssyncset.done $0x0  }
0x92: {  	[sflag:s14] =	ssyncadd.s32 $0xFFFFFF00  }
0x93: {  	[tilespmem:s9], [sflag:$0x9] =	stream.indirect.gather [hbm4b:s0+s1], $0x80, s30, s1, $0xb8;
	[tilespmem:$0x1BE00] =	vst v63  }
0x94: {  	_ =	swait.ge [sflag:s10], $0x2800  }
0x95: {  	[sflag:s10] =	ssyncset.done $0x0  }
0x96: {  	s6 =	simm.s32 $0x380;
	[sflag:s10] =	ssyncadd.s32 $0xFFFFD800  }
0x97: {  	[spmem:s3] =	stream.indirect.scatter.add.f32 [tilespmem:s23], [sflag:$0xA], $0x80, s6, s1, $0xb8;
	[tilespmem:$0x1BE00] =	vst v63  }
0x98: {  	_ =	swait.ge [sflag:s12], $0x2800  }
0x99: {  	[sflag:s12] =	ssyncset.done $0x0  }
0x9a: {  	[sflag:s12] =	ssyncadd.s32 $0xFFFFD800  }
0x9b: {  	[spmem:s3] =	stream.indirect.scatter.add.f32 [tilespmem:s7], [sflag:$0xB], $0x80, s24, s1, $0xb8;
	[tilespmem:$0x1BE00] =	vst v63  }
0x9c: {  	_ =	swait.ge [sflag:s15], $0x2800  }
0x9d: {  	[sflag:s15] =	ssyncset.done $0x0  }
0x9e: {  	s16 =	simm.s32 $0x580;
	[sflag:s15] =	ssyncadd.s32 $0xFFFFD800  }
0x9f: {  	[spmem:s3] =	stream.indirect.scatter.add.f32 [tilespmem:s9], [sflag:$0xC], $0x80, s16, s1, $0xb8;
	[tilespmem:$0x1BE00] =	vst v63  }
0xa0: {  	_ =	swait.ge [sflag:s17], $0x2800  }
0xa1: {  	s16 =	rddreg [dreg:$0x6];
	[sflag:s17] =	ssyncset.done $0x0  }
0xa2: {  	[sflag:s17] =	ssyncadd.s32 $0xFFFFD800;
	s11 =	sadd.s32 $0x0, s16  }
0xa3: {  	[tilespmem:s28], [sflag:$0x4] =	stream.linear.gather [hbm4b:s11+s4], $0x100, $0x38;
	[tilespmem:$0x1BE00] =	vst v63  }
0xa4: {  	_ =	swait.ge [sflag:s31], $0x100  }
0xa5: {  	[sflag:s31] =	ssyncset.done $0x0  }
0xa6: {  	[sflag:s31] =	ssyncadd.s32 $0xFFFFFF00  }
0xa7: {  	[tilespmem:s23], [sflag:$0x7] =	stream.indirect.gather [hbm4b:s0+s1], $0x80, s4, s1, $0xb8;
	[tilespmem:$0x1BE00] =	vst v63  }
0xa8: {  	_ =	swait.ge [sflag:s19], $0x2800  }
0xa9: {  	s16 =	rddreg [dreg:$0x5];
	[sflag:s19] =	ssyncset.done $0x0  }
0xaa: {  	[sflag:s19] =	ssyncadd.s32 $0xFFFFD800;
	s11 =	sadd.s32 $0x0, s16  }
0xab: {  	[tilespmem:s29], [sflag:$0x5] =	stream.linear.gather [hbm4b:s11+s4], $0x100, $0x38;
	[tilespmem:$0x1BE00] =	vst v63  }
0xac: {  	_ =	swait.ge [sflag:s2], $0x100  }
0xad: {  	[sflag:s2] =	ssyncset.done $0x0  }
0xae: {  	[sflag:s2] =	ssyncadd.s32 $0xFFFFFF00  }
0xaf: {  	[tilespmem:s7], [sflag:$0x8] =	stream.indirect.gather [hbm4b:s0+s1], $0x80, s25, s1, $0xb8;
	[tilespmem:$0x1BE00] =	vst v63  }
0xb0: {  	_ =	swait.ge [sflag:s21], $0x2800  }
0xb1: {  	s16 =	rddreg [dreg:$0x4];
	[sflag:s21] =	ssyncset.done $0x0  }
0xb2: {  	[sflag:s21] =	ssyncadd.s32 $0xFFFFD800;
	s11 =	sadd.s32 $0x0, s16  }
0xb3: {  	[tilespmem:s30], [sflag:$0x6] =	stream.linear.gather [hbm4b:s11+s4], $0x100, $0x38;
	[tilespmem:$0x1BE00] =	vst v63  }
0xb4: {  	_ =	swait.ge [sflag:s8], $0x100  }
0xb5: {  	[sflag:s8] =	ssyncset.done $0x0  }
0xb6: {  	s13 =	sadd.s32 $0x600, s13;
	s11 =	simm.s32 $0xC0;
	[sflag:s8] =	ssyncadd.s32 $0xFFFFFF00  }
.LBB2_4:
0xb7: {  	[tilespmem:s9], [sflag:$0x9] =	stream.indirect.gather [hbm4b:s0+s1], $0x80, s26, s1, $0xb8;
	[tilespmem:$0x1BE00] =	vst v63  }
0xb8: {  	_ =	swait.ge [sflag:s10], $0x2800  }
0xb9: {  	[sflag:s10] =	ssyncset.done $0x0  }
0xba: {  	[sflag:s10] =	ssyncadd.s32 $0xFFFFD800  }
0xbb: {  	[spmem:s3] =	stream.indirect.scatter.add.f32 [tilespmem:s23], [sflag:$0xA], $0x80, s22, s1, $0xb8;
	[tilespmem:$0x1BE00] =	vst v63  }
0xbc: {  	_ =	swait.ge [sflag:s12], $0x2800  }
0xbd: {  	[sflag:s12] =	ssyncset.done $0x0  }
0xbe: {  	s22 =	simm.s32 $0x180;
	[sflag:s12] =	ssyncadd.s32 $0xFFFFD800  }
0xbf: {  	[spmem:s3] =	stream.indirect.scatter.add.f32 [tilespmem:s7], [sflag:$0xB], $0x80, s22, s1, $0xb8;
	[tilespmem:$0x1BE00] =	vst v63  }
0xc0: {  	_ =	swait.ge [sflag:s15], $0x2800  }
0xc1: {  	[sflag:s15] =	ssyncset.done $0x0  }
0xc2: {  	s22 =	simm.s32 $0x280;
	[sflag:s15] =	ssyncadd.s32 $0xFFFFD800  }
0xc3: {  	[spmem:s3] =	stream.indirect.scatter.add.f32 [tilespmem:s9], [sflag:$0xC], $0x80, s22, s1, $0xb8;
	[tilespmem:$0x1BE00] =	vst v63  }
0xc4: {  	_ =	swait.ge [sflag:s17], $0x2800  }
0xc5: {  	s22 =	sshrl.u32 s13, $0x3;
	[sflag:s17] =	ssyncset.done $0x0  }
0xc6: {  	s22 =	sadd.s32 s5, s22;
	[sflag:s17] =	ssyncadd.s32 $0xFFFFD800  }
0xc7: {  	[tilespmem:s4], [sflag:$0x1] =	stream.linear.gather [hbm4b:s22+s4], $0x100, $0x38;
	[tilespmem:$0x1BE00] =	vst v63  }
0xc8: {  	_ =	swait.ge [sflag:s18], $0x100  }
0xc9: {  	[sflag:s18] =	ssyncset.done $0x0  }
0xca: {  	[sflag:s18] =	ssyncadd.s32 $0xFFFFFF00  }
0xcb: {  	[tilespmem:s23], [sflag:$0x7] =	stream.indirect.gather [hbm4b:s0+s1], $0x80, s28, s1, $0xb8;
	[tilespmem:$0x1BE00] =	vst v63  }
0xcc: {  	_ =	swait.ge [sflag:s19], $0x2800  }
0xcd: {  	s16 =	smov.u32 s11;
	s22 =	rddreg [dreg:$0x8];
	[sflag:s19] =	ssyncset.done $0x0  }
0xce: {  	[sflag:s19] =	ssyncadd.s32 $0xFFFFD800;
	s22 =	sadd.s32 s16, s22  }
0xcf: {  	[tilespmem:s25], [sflag:$0x2] =	stream.linear.gather [hbm4b:s22+s4], $0x100, $0x38;
	[tilespmem:$0x1BE00] =	vst v63  }
0xd0: {  	_ =	swait.ge [sflag:s20], $0x100  }
0xd1: {  	[sflag:s20] =	ssyncset.done $0x0  }
0xd2: {  	[sflag:s20] =	ssyncadd.s32 $0xFFFFFF00  }
0xd3: {  	[tilespmem:s7], [sflag:$0x8] =	stream.indirect.gather [hbm4b:s0+s1], $0x80, s29, s1, $0xb8;
	[tilespmem:$0x1BE00] =	vst v63  }
0xd4: {  	_ =	swait.ge [sflag:s21], $0x2800  }
0xd5: {  	s22 =	rddreg [dreg:$0x7];
	[sflag:s21] =	ssyncset.done $0x0  }
0xd6: {  	[sflag:s21] =	ssyncadd.s32 $0xFFFFD800;
	s22 =	sadd.s32 s16, s22  }
0xd7: {  	[tilespmem:s26], [sflag:$0x3] =	stream.linear.gather [hbm4b:s22+s4], $0x100, $0x38;
	[tilespmem:$0x1BE00] =	vst v63  }
0xd8: {  	_ =	swait.ge [sflag:s14], $0x100  }
0xd9: {  	[sflag:s14] =	ssyncset.done $0x0  }
0xda: {  	[sflag:s14] =	ssyncadd.s32 $0xFFFFFF00  }
0xdb: {  	[tilespmem:s9], [sflag:$0x9] =	stream.indirect.gather [hbm4b:s0+s1], $0x80, s30, s1, $0xb8;
	[tilespmem:$0x1BE00] =	vst v63  }
0xdc: {  	_ =	swait.ge [sflag:s10], $0x2800  }
0xdd: {  	[sflag:s10] =	ssyncset.done $0x0  }
0xde: {  	[sflag:s10] =	ssyncadd.s32 $0xFFFFD800  }
0xdf: {  	[spmem:s3] =	stream.indirect.scatter.add.f32 [tilespmem:s23], [sflag:$0xA], $0x80, s6, s1, $0xb8;
	[tilespmem:$0x1BE00] =	vst v63  }
0xe0: {  	_ =	swait.ge [sflag:s12], $0x2800  }
0xe1: {  	[sflag:s12] =	ssyncset.done $0x0  }
0xe2: {  	[sflag:s12] =	ssyncadd.s32 $0xFFFFD800  }
0xe3: {  	[spmem:s3] =	stream.indirect.scatter.add.f32 [tilespmem:s7], [sflag:$0xB], $0x80, s24, s1, $0xb8;
	[tilespmem:$0x1BE00] =	vst v63  }
0xe4: {  	_ =	swait.ge [sflag:s15], $0x2800  }
0xe5: {  	[sflag:s15] =	ssyncset.done $0x0  }
0xe6: {  	s22 =	simm.s32 $0x580;
	[sflag:s15] =	ssyncadd.s32 $0xFFFFD800  }
0xe7: {  	[spmem:s3] =	stream.indirect.scatter.add.f32 [tilespmem:s9], [sflag:$0xC], $0x80, s22, s1, $0xb8;
	[tilespmem:$0x1BE00] =	vst v63  }
0xe8: {  	_ =	swait.ge [sflag:s17], $0x2800  }
0xe9: {  	s22 =	rddreg [dreg:$0x6];
	[sflag:s17] =	ssyncset.done $0x0  }
0xea: {  	[sflag:s17] =	ssyncadd.s32 $0xFFFFD800;
	s22 =	sadd.s32 s16, s22  }
0xeb: {  	[tilespmem:s28], [sflag:$0x4] =	stream.linear.gather [hbm4b:s22+s4], $0x100, $0x38;
	[tilespmem:$0x1BE00] =	vst v63  }
0xec: {  	_ =	swait.ge [sflag:s31], $0x100  }
0xed: {  	[sflag:s31] =	ssyncset.done $0x0  }
0xee: {  	[sflag:s31] =	ssyncadd.s32 $0xFFFFFF00  }
0xef: {  	[tilespmem:s23], [sflag:$0x7] =	stream.indirect.gather [hbm4b:s0+s1], $0x80, s4, s1, $0xb8;
	[tilespmem:$0x1BE00] =	vst v63  }
0xf0: {  	_ =	swait.ge [sflag:s19], $0x2800  }
0xf1: {  	s22 =	rddreg [dreg:$0x5];
	[sflag:s19] =	ssyncset.done $0x0  }
0xf2: {  	[sflag:s19] =	ssyncadd.s32 $0xFFFFD800;
	s22 =	sadd.s32 s16, s22  }
0xf3: {  	[tilespmem:s29], [sflag:$0x5] =	stream.linear.gather [hbm4b:s22+s4], $0x100, $0x38;
	[tilespmem:$0x1BE00] =	vst v63  }
0xf4: {  	_ =	swait.ge [sflag:s2], $0x100  }
0xf5: {  	[sflag:s2] =	ssyncset.done $0x0  }
0xf6: {  	[sflag:s2] =	ssyncadd.s32 $0xFFFFFF00  }
0xf7: {  	[tilespmem:s7], [sflag:$0x8] =	stream.indirect.gather [hbm4b:s0+s1], $0x80, s25, s1, $0xb8;
	[tilespmem:$0x1BE00] =	vst v63  }
0xf8: {  	_ =	swait.ge [sflag:s21], $0x2800  }
0xf9: {  	p0 =	sne.s32 s11, $0xE40;
	s22 =	rddreg [dreg:$0x4];
	[sflag:s21] =	ssyncset.done $0x0  }
.Ltmp1:
0xfa: {  	[sflag:s21] =	ssyncadd.s32 $0xFFFFD800;
	s16 =	sadd.s32 s16, s22;
	(pc) =	sbr.rel @p0 .LBB2_4-.Ltmp1, $4  }
0xfb: {  	[tilespmem:s30], [sflag:$0x6] =	stream.linear.gather [hbm4b:s16+s4], $0x100, $0x38;
	[tilespmem:$0x1BE00] =	vst v63  }
0xfc: {  	_ =	swait.ge [sflag:s8], $0x100  }
0xfd: {  	s11 =	sadd.s32 $0xC0, s11;
	[sflag:s8] =	ssyncset.done $0x0  }
0xfe: {  	s13 =	sadd.s32 $0x600, s13;
	s22 =	simm.s32 $0x80;
	[sflag:s8] =	ssyncadd.s32 $0xFFFFFF00  }
0xff: {  	[tilespmem:s9], [sflag:$0x9] =	stream.indirect.gather [hbm4b:s0+s1], $0x80, s26, s1, $0xb8;
	[tilespmem:$0x1BE00] =	vst v63  }
0x100: {  	_ =	swait.ge [sflag:s10], $0x2800  }
0x101: {  	[sflag:s10] =	ssyncset.done $0x0  }
0x102: {  	[sflag:s10] =	ssyncadd.s32 $0xFFFFD800  }
0x103: {  	[spmem:s3] =	stream.indirect.scatter.add.f32 [tilespmem:s23], [sflag:$0xA], $0x80, s22, s1, $0xb8;
	[tilespmem:$0x1BE00] =	vst v63  }
0x104: {  	_ =	swait.ge [sflag:s12], $0x2800  }
0x105: {  	[sflag:s12] =	ssyncset.done $0x0  }
0x106: {  	s11 =	simm.s32 $0x180;
	[sflag:s12] =	ssyncadd.s32 $0xFFFFD800  }
0x107: {  	[spmem:s3] =	stream.indirect.scatter.add.f32 [tilespmem:s7], [sflag:$0xB], $0x80, s11, s1, $0xb8;
	[tilespmem:$0x1BE00] =	vst v63  }
0x108: {  	_ =	swait.ge [sflag:s15], $0x2800  }
0x109: {  	[sflag:s15] =	ssyncset.done $0x0  }
0x10a: {  	s13 =	simm.s32 $0x280;
	[sflag:s15] =	ssyncadd.s32 $0xFFFFD800  }
0x10b: {  	[spmem:s3] =	stream.indirect.scatter.add.f32 [tilespmem:s9], [sflag:$0xC], $0x80, s13, s1, $0xb8;
	[tilespmem:$0x1BE00] =	vst v63  }
0x10c: {  	_ =	swait.ge [sflag:s17], $0x2800  }
0x10d: {  	[sflag:s17] =	ssyncset.done $0x0  }
0x10e: {  	[sflag:s17] =	ssyncadd.s32 $0xFFFFD800  }
0x10f: {  	_ =	swait.ge [sflag:s18], $0x100  }
0x110: {  	[sflag:s18] =	ssyncset.done $0x0  }
0x111: {  	[sflag:s18] =	ssyncadd.s32 $0xFFFFFF00  }
0x112: {  	[tilespmem:s23], [sflag:$0x7] =	stream.indirect.gather [hbm4b:s0+s1], $0x80, s28, s1, $0xb8;
	[tilespmem:$0x1BE00] =	vst v63  }
0x113: {  	_ =	swait.ge [sflag:s19], $0x2800  }
0x114: {  	[sflag:s19] =	ssyncset.done $0x0  }
0x115: {  	[sflag:s19] =	ssyncadd.s32 $0xFFFFD800  }
0x116: {  	_ =	swait.ge [sflag:s20], $0x100  }
0x117: {  	[sflag:s20] =	ssyncset.done $0x0  }
0x118: {  	[sflag:s20] =	ssyncadd.s32 $0xFFFFFF00  }
0x119: {  	[tilespmem:s7], [sflag:$0x8] =	stream.indirect.gather [hbm4b:s0+s1], $0x80, s29, s1, $0xb8;
	[tilespmem:$0x1BE00] =	vst v63  }
0x11a: {  	_ =	swait.ge [sflag:s21], $0x2800  }
0x11b: {  	[sflag:s21] =	ssyncset.done $0x0  }
0x11c: {  	[sflag:s21] =	ssyncadd.s32 $0xFFFFD800  }
0x11d: {  	_ =	swait.ge [sflag:s14], $0x100  }
0x11e: {  	[sflag:s14] =	ssyncset.done $0x0  }
0x11f: {  	[sflag:s14] =	ssyncadd.s32 $0xFFFFFF00  }
0x120: {  	[tilespmem:s9], [sflag:$0x9] =	stream.indirect.gather [hbm4b:s0+s1], $0x80, s30, s1, $0xb8;
	[tilespmem:$0x1BE00] =	vst v63  }
0x121: {  	_ =	swait.ge [sflag:s10], $0x2800  }
0x122: {  	[sflag:s10] =	ssyncset.done $0x0  }
0x123: {  	[sflag:s10] =	ssyncadd.s32 $0xFFFFD800  }
0x124: {  	[spmem:s3] =	stream.indirect.scatter.add.f32 [tilespmem:s23], [sflag:$0xA], $0x80, s6, s1, $0xb8;
	[tilespmem:$0x1BE00] =	vst v63  }
0x125: {  	_ =	swait.ge [sflag:s12], $0x2800  }
0x126: {  	[sflag:s12] =	ssyncset.done $0x0  }
0x127: {  	[sflag:s12] =	ssyncadd.s32 $0xFFFFD800  }
0x128: {  	[spmem:s3] =	stream.indirect.scatter.add.f32 [tilespmem:s7], [sflag:$0xB], $0x80, s24, s1, $0xb8;
	[tilespmem:$0x1BE00] =	vst v63  }
0x129: {  	_ =	swait.ge [sflag:s15], $0x2800  }
0x12a: {  	[sflag:s15] =	ssyncset.done $0x0  }
0x12b: {  	s16 =	simm.s32 $0x580;
	[sflag:s15] =	ssyncadd.s32 $0xFFFFD800  }
0x12c: {  	[spmem:s3] =	stream.indirect.scatter.add.f32 [tilespmem:s9], [sflag:$0xC], $0x80, s16, s1, $0xb8;
	[tilespmem:$0x1BE00] =	vst v63  }
0x12d: {  	_ =	swait.ge [sflag:s17], $0x2800  }
0x12e: {  	[sflag:s17] =	ssyncset.done $0x0  }
0x12f: {  	[sflag:s17] =	ssyncadd.s32 $0xFFFFD800  }
0x130: {  	_ =	swait.ge [sflag:s19], $0x2800  }
0x131: {  	[sflag:s19] =	ssyncset.done $0x0  }
0x132: {  	[sflag:s19] =	ssyncadd.s32 $0xFFFFD800  }
0x133: {  	_ =	swait.ge [sflag:s21], $0x2800  }
0x134: {  	[sflag:s21] =	ssyncset.done $0x0  }
0x135: {  	[sflag:s21] =	ssyncadd.s32 $0xFFFFD800  }
0x136: {  	s22 =	stileid.u32;
	[bflag:$0x0] =	sbarrier.arrive $0xFFFF  }
0x137: {  	s11 =	sshll.u32 s22, $0x6;
	s22 =	simm.s32 $0xD;
	s16 =	rddreg [dreg:$0x9]  }
0x138: {  	s11 =	sor.u32 $0x1C0D, s11;
	s6 =	rddreg [dreg:$0x17];
	s13 =	sshrl.u32 s16, $0x3  }
0x139: {  	[hbm:s6], [sflag:s11] =	dma.local [spmem:s13], $0x2800  }
0x13a: {  	_ =	swait.ge [sflag:s22], $0x2800  }
0x13b: {  	s11 =	rddreg [dreg:$0x1a]  }
0x13c: {  	s13 =	rddreg [dreg:$0x18];
	s6 =	sadd.s32 $0x1, s11  }
0x13d: {  	p0 =	sne.s32 s6, s13  }
.Ltmp2:
0x13e: {  	_ = 	snop;
	(pc) =	sbr.rel @p0 .LBB2_1-.Ltmp2, $3  }
0x13f: {  	_ =	sdelay $0x1  }
0x140: {  	[sflag:s22] =	ssyncset.done $0x0  }
0x141: {  	[sflag:s22] =	ssyncadd.s32 $0xFFFFD800  }
0x142: {  	_ =	sfence.sel $0x180000  }
0x143: {  	[bflag:$0x0] =	sbarrier.arrive $0xFFFF  }
0x144: {  	_ =	strace $0x90000047  }
0x145: {  	s0 =	stileid.u32;
	[bflag:$0x2] =	sbarrier.arrive $0xFFFF  }
0x146: {  	p0 =	sne.s32 s0, $0x0;
	s0 =	rddreg [dreg:$0x3]  }
0x147: {  	s0 =	sadd.s32 @!p0 $0x100000, s0  }
0x148: {  	[sflag:s0] =	ssyncadd.tile.s32 @!p0 $0x1;
	_ =	shalt  }
.Lfunc_end2:
_tile_overlayer_lowered:
.L_overlay_start_2:
0x149: {  	(tag) =	ssettag $0x2  }
0x14a: {  	s0 =	rddreg [dreg:$0x0];
	s2 =	stileid.u32  }
0x14b: {  	s1 =	rddreg [dreg:$0x1];
	p0 =	sne.s32 s2, $0x0  }
0x14c: {  	s3 =	rddreg [dreg:$0x2];
	[bflag:$0x3] =	sbarrier.arrive $0xFFFF;
	s2 =	simm.s32 @!p0 $0x1C0D  }
0x14d: {  	[timem:s3], [sflag:s2] =	dma.local @!p0 [hbm:s0], s1  }
0x14e: {  	s0 =	simm.s32 @!p0 $0xD  }
0x14f: {  	_ =	swait.ge @!p0 [sflag:s0], s1  }
0x150: {  	s1 =	ssub.s32 @!p0 $0x0, s1;
	[sflag:s0] =	ssyncset.done @!p0 $0x0  }
0x151: {  	[sflag:s0] =	ssyncadd.s32 @!p0 s1  }
0x152: {  	[bflag:$0x3] =	sbarrier.arrive $0xFFFF  }
0x153: {  	_ =	shalt  }

</sc_bundles>
